<compile_context>
chip_gen: v7x
topology: tpu7x:2x2x1
jax: 0.10.2.dev20260603
libtpu: 0.0.44.dev20260713+nightly
codegen_flags: <defaults>
</compile_context>

<pallas_src>
import functools

import jax
import jax.numpy as jnp
from jax import lax
from jax.experimental import pallas as pl
from jax.experimental.pallas import tpu as pltpu
from jax.experimental.pallas import tpu_sc as plsc

N = 10000
E = 320000
D = 128
NEG = 0.01

NC = 2
NS = 16
NW = NC * NS
K = 32
NB = 320
PT = NB * K
EPAD = NW * PT
CH = 640
CHL = N - (NS - 1) * CH
NR = 4
NI = 8
DR = 80


def _lin_body(fs, fd, al, ar, el, er):
    el[...] = jnp.sum(fs[...] * al[...], axis=1)
    er[...] = jnp.sum(fd[...] * ar[...], axis=1)


def _linear(feat_src, feat_dst, attn_l, attn_r):
    return pl.pallas_call(
        _lin_body,
        out_shape=(
            jax.ShapeDtypeStruct((N,), jnp.float32),
            jax.ShapeDtypeStruct((N,), jnp.float32),
        ),
    )(feat_src, feat_dst, attn_l, attn_r)


def _comb_body(po, pd, out):
    acc = po[0] + po[1]
    den = pd[0] + pd[1] + 1e-16
    x = acc / den[:, None]
    out[...] = jnp.where(x > 0, x, jnp.exp(x) - 1.0)


def _combine(po, pd):
    return pl.pallas_call(
        _comb_body,
        out_shape=jax.ShapeDtypeStruct((N, D), jnp.float32),
    )(po, pd)


_sc_mesh = plsc.VectorSubcoreMesh(core_axis_name="c", subcore_axis_name="s")


@functools.partial(
    pl.kernel,
    mesh=_sc_mesh,
    compiler_params=pltpu.CompilerParams(needs_layout_passes=False),
    out_type=(
        jax.ShapeDtypeStruct((NC, N, D), jnp.float32),
        jax.ShapeDtypeStruct((NC, DR, D), jnp.float32),
    ),
    scratch_types=[
        pltpu.VMEM((N,), jnp.float32),
        pltpu.VMEM((N,), jnp.float32),
        pltpu.VMEM((DR, D), jnp.float32),
        pltpu.VMEM((2 * 8 * K,), jnp.int32),
        pltpu.VMEM((16, K), jnp.int32),
        [pltpu.VMEM((K, D), jnp.float32)] * NR,
        pltpu.VMEM((K,), jnp.float32),
        pltpu.VMEM_SHARED((N, D), jnp.float32),
        pltpu.VMEM_SHARED((DR, D), jnp.float32),
        [pltpu.SemaphoreType.DMA] * NR,
        [pltpu.SemaphoreType.DMA] * NR,
        [pltpu.SemaphoreType.DMA] * 2,
    ],
)
def _sc_edges(el_h, er_h, srcp_h, dstp_h, feat_h, out_h, den_h,
              el_v, er_v, den_v, src_c, dst_c, rows, w_v,
              out_sh, den_sh, sem_g, sem_s, sem_i):
    c = lax.axis_index("c")
    s = lax.axis_index("s")
    wid = c * NS + s
    iota = jnp.arange(16, dtype=jnp.int32)
    z16 = jnp.zeros((16,), jnp.float32)

    pltpu.sync_copy(el_h, el_v)
    pltpu.sync_copy(er_h, er_v)

    def zden(i, _):
        den_v[i // 8, pl.ds((i % 8) * 16, 16)] = z16
        return 0
    lax.fori_loop(0, DR * 8, zden, 0)

    def zrow(i, _):
        plsc.store_scatter(
            rows[0], [jnp.full((16,), i // (D // 16), jnp.int32),
                      (i % (D // 16)) * 16 + iota], z16)
        return 0
    lax.fori_loop(0, K * D // 16, zrow, 0)

    base = s * CH

    @pl.when(s < NS - 1)
    def _():
        for j in range(CH // K):
            pltpu.sync_copy(rows[0], out_sh.at[pl.ds(base + j * K, K)])

    @pl.when(s == NS - 1)
    def _():
        for j in range(CHL // K):
            pltpu.sync_copy(rows[0], out_sh.at[pl.ds(base + j * K, K)])
        rem = CHL % K
        if rem:
            pltpu.sync_copy(rows[0].at[pl.ds(0, rem)],
                            out_sh.at[pl.ds(base + (CHL // K) * K, rem)])

    @pl.when(s < DR // 8)
    def _():
        pltpu.sync_copy(den_v.at[pl.ds(0, 8)], den_sh.at[pl.ds(s * 8, 8)])

    plsc.subcore_barrier()

    valid = jnp.minimum(jnp.maximum(E - wid * PT, 0), PT)
    ebase = wid * PT

    def fetch_chunk(cc, half):
        pltpu.async_copy(srcp_h.at[pl.ds(ebase + cc * 8 * K, 8 * K)],
                         src_c.at[pl.ds(half * 8 * K, 8 * K)], sem_i[half])
        pltpu.async_copy(dstp_h.at[pl.ds(wid * NB + cc * 8, 8)],
                         dst_c.at[pl.ds(half * 8, 8)], sem_i[half])

    def drain_chunk(half):
        pltpu.make_async_copy(srcp_h.at[pl.ds(0, 8 * K)],
                              src_c.at[pl.ds(0, 8 * K)], sem_i[half]).wait()
        pltpu.make_async_copy(dstp_h.at[pl.ds(0, 8)],
                              dst_c.at[pl.ds(0, 8)], sem_i[half]).wait()

    def src_ref(pos):
        return src_c.at[pl.ds(((pos // 8) % 2) * 8 * K + (pos % 8) * K, K)]

    fetch_chunk(jnp.int32(0), 0)
    drain_chunk(0)
    pltpu.async_copy(feat_h.at[src_ref(0)], rows[0], sem_g[0])
    pltpu.async_copy(feat_h.at[src_ref(1)], rows[1], sem_g[1])

    def do_batch(b, k):
        r = k % NR
        r2 = (k + 2) % NR
        pltpu.make_async_copy(feat_h.at[src_ref(k)], rows[r],
                              sem_g[r]).wait()

        if k % 8 == 2:
            cc = (b + 6) // 8

            @pl.when(b + 6 < NB)
            def _():
                fetch_chunk(cc, (k // 8) ^ 1)

        @pl.when(b + 2 < NB)
        def _():
            if k % 8 == 6:
                drain_chunk((k // 8) ^ 1)

            @pl.when(b >= 2)
            def _():
                pltpu.make_async_copy(
                    rows[r2], out_sh.at[dst_c.at[0]], sem_s[r2]).wait()
            pltpu.async_copy(feat_h.at[src_ref(k + 2)], rows[r2],
                             sem_g[r2])

        sbase = ((k // 8) % 2) * 8 * K + (k % 8) * K

        def grp(g, _):
            sv = src_c[pl.ds(sbase + g * 16, 16)]
            dv = dst_c[k, pl.ds(g * 16, 16)]
            e = plsc.load_gather(el_v, [sv]) + plsc.load_gather(er_v, [dv])
            e = jnp.where(e > 0, e, NEG * e)
            w = jnp.exp(e)
            w = jnp.where(b * K + g * 16 + iota < valid, w, 0.0)
            plsc.store_scatter(w_v, [g * 16 + iota], w)
            plsc.addupdate_scatter(den_v, [dv >> 7, dv & 127], w)
            return 0
        lax.fori_loop(0, K // 16, grp, 0)

        def scale(rr, _):
            wv = plsc.load_gather(w_v, [jnp.full((16,), rr, jnp.int32)])
            for cc2 in range(D // 16):
                rows[r][rr, pl.ds(cc2 * 16, 16)] = (
                    rows[r][rr, pl.ds(cc2 * 16, 16)] * wv)
            return 0
        lax.fori_loop(0, K, scale, 0)

        @pl.when(b < NB - NR)
        def _():
            pltpu.async_copy(rows[r], out_sh.at[dst_c.at[k]], sem_s[r],
                             add=True)

        @pl.when(b >= NB - NR)
        def _():
            pltpu.sync_copy(rows[r], out_sh.at[dst_c.at[k]], add=True)
        return 0

    def window(t, _):
        for k in range(16):
            do_batch(t * 16 + k, k)
        return 0
    lax.fori_loop(0, NB // 16, window, 0)

    plsc.subcore_barrier()

    for j in range(DR // 16):
        pltpu.sync_copy(den_v.at[pl.ds(j * 16, 16)],
                        den_sh.at[j * 16 + iota], add=True)

    plsc.subcore_barrier()

    @pl.when(s < DR // 8)
    def _():
        pltpu.sync_copy(den_sh.at[pl.ds(s * 8, 8)],
                        den_h.at[c, pl.ds(s * 8, 8)])

    @pl.when(s < NS - 1)
    def _():
        pltpu.sync_copy(out_sh.at[pl.ds(base, CH)],
                        out_h.at[c, pl.ds(base, CH)])

    @pl.when(s == NS - 1)
    def _():
        pltpu.sync_copy(out_sh.at[pl.ds(base, CHL)],
                        out_h.at[c, pl.ds(base, CHL)])


def kernel(feat_src, feat_dst, attn_l, attn_r, edge_index):
    el, er = _linear(feat_src, feat_dst, attn_l, attn_r)
    pad = EPAD - E
    srcp = jnp.pad(edge_index[0], (0, pad))
    dstp = jnp.pad(edge_index[1], (0, pad)).reshape(NW * NB, K)
    po, pd = _sc_edges(el, er, srcp, dstp, feat_src)
    return _combine(po, pd.reshape(NC, DR * D)[:, :N])

# --- scband reference (transcript-rebuilt; emitter-appended) ---
"""Pipeline reference for scband-tahin-52458730553653 (READ-ONLY COPY).

The authoritative reference and input builder live on the scoring server;
editing this copy changes nothing except your own understanding.
"""

import jax, jax.numpy as jnp
import numpy as np

N_NODES = 10000
N_EDGES = 320000
D = 128
NEG_SLOPE = 0.01


def setup_inputs(seed: int = 0) -> dict:
    key = jax.random.key(seed)
    k1, k2, k3, k4, k5 = jax.random.split(key, 5)
    feat_src = jax.random.normal(k1, (N_NODES, D), dtype=jnp.float32)
    feat_dst = jax.random.normal(k2, (N_NODES, D), dtype=jnp.float32)
    edge_index = jax.random.randint(k3, (2, N_EDGES), 0, N_NODES, dtype=jnp.int32)
    # learned attention parameters (xavier-like scale)
    attn_l = jax.random.normal(k4, (1, D), dtype=jnp.float32) * (1.0 / np.sqrt(D))
    attn_r = jax.random.normal(k5, (1, D), dtype=jnp.float32) * (1.0 / np.sqrt(D))
    return {"feat_src": feat_src, "feat_dst": feat_dst, "attn_l": attn_l, "attn_r": attn_r, "edge_index": edge_index}


def reference(feat_src, feat_dst, attn_l, attn_r, edge_index):
    # HeCoGATConv forward (attn_drop=0 at eval): additive attention + edge softmax
    src = edge_index[0]
    dst = edge_index[1]
    el = jnp.sum(feat_src * attn_l, axis=-1)  # (N,)
    er = jnp.sum(feat_dst * attn_r, axis=-1)  # (N,)
    e = el[src] + er[dst]                      # (E,) gather u_add_v
    e = jnp.where(e > 0, e, NEG_SLOPE * e)     # LeakyReLU
    # edge softmax over incoming edges of each dst node
    emax = jax.ops.segment_max(e, dst, num_segments=N_NODES)
    emax = jnp.where(jnp.isfinite(emax), emax, 0.0)
    ee = jnp.exp(e - emax[dst])
    denom = jax.ops.segment_sum(ee, dst, num_segments=N_NODES)
    a = ee / (denom[dst] + 1e-16)
    # message passing: u_mul_e then sum-aggregate to dst
    m = feat_src[src] * a[:, None]             # (E, D) gather + scale
    out = jax.ops.segment_sum(m, dst, num_segments=N_NODES)  # scatter-add
    out = jax.nn.elu(out)                      # activation=F.elu
    return out

if __name__ == "__main__":
    import jax
    _d = setup_inputs()
    print(jax.jit(kernel)(*tuple(_d.values())))

</pallas_src>

<mosaic_0001>
#map = affine_map<(d0, d1) -> (0)>
#map1 = affine_map<(d0, d1) -> (0, 0)>
#map2 = affine_map<(d0, d1) -> (0, 0, 0)>
module attributes {stable_mosaic.version = 14 : i64} {
  func.func @_sc_edges(%arg0: i32, %arg1: i32, %arg2: memref<10000xf32, #tpu.memory_space<hbm>>, %arg3: memref<10000xf32, #tpu.memory_space<hbm>>, %arg4: memref<327680xi32, #tpu.memory_space<hbm>>, %arg5: memref<10240x32xi32, #tpu.memory_space<hbm>>, %arg6: memref<10000x128xf32, #tpu.memory_space<hbm>>, %arg7: memref<2x10000x128xf32, #tpu.memory_space<hbm>>, %arg8: memref<2x80x128xf32, #tpu.memory_space<hbm>>, %arg9: memref<10000xf32, #tpu.memory_space<vmem>>, %arg10: memref<10000xf32, #tpu.memory_space<vmem>>, %arg11: memref<80x128xf32, #tpu.memory_space<vmem>>, %arg12: memref<512xi32, #tpu.memory_space<vmem>>, %arg13: memref<16x32xi32, #tpu.memory_space<vmem>>, %arg14: memref<32x128xf32, #tpu.memory_space<vmem>>, %arg15: memref<32x128xf32, #tpu.memory_space<vmem>>, %arg16: memref<32x128xf32, #tpu.memory_space<vmem>>, %arg17: memref<32x128xf32, #tpu.memory_space<vmem>>, %arg18: memref<32xf32, #tpu.memory_space<vmem>>, %arg19: memref<10000x128xf32, #tpu.memory_space<vmem_shared>>, %arg20: memref<80x128xf32, #tpu.memory_space<vmem_shared>>, %arg21: memref<!tpu.dma_semaphore, #tpu.memory_space<semaphore_mem>>, %arg22: memref<!tpu.dma_semaphore, #tpu.memory_space<semaphore_mem>>, %arg23: memref<!tpu.dma_semaphore, #tpu.memory_space<semaphore_mem>>, %arg24: memref<!tpu.dma_semaphore, #tpu.memory_space<semaphore_mem>>, %arg25: memref<!tpu.dma_semaphore, #tpu.memory_space<semaphore_mem>>, %arg26: memref<!tpu.dma_semaphore, #tpu.memory_space<semaphore_mem>>, %arg27: memref<!tpu.dma_semaphore, #tpu.memory_space<semaphore_mem>>, %arg28: memref<!tpu.dma_semaphore, #tpu.memory_space<semaphore_mem>>, %arg29: memref<!tpu.dma_semaphore, #tpu.memory_space<semaphore_mem>>, %arg30: memref<!tpu.dma_semaphore, #tpu.memory_space<semaphore_mem>>) attributes {dimension_semantics = [#tpu.dimension_semantics<core_parallel>, #tpu.dimension_semantics<subcore_parallel>], iteration_bounds = array<i64: 2, 16>, scalar_prefetch = 0 : i64, scratch_operands = 22 : i64, tpu.core_type = #tpu.core_type<sc_vector_subcore>, window_params = [{transform_indices = #map}, {transform_indices = #map}, {transform_indices = #map}, {transform_indices = #map1}, {transform_indices = #map1}, {transform_indices = #map2}, {transform_indices = #map2}]} {
    %mul3A = arith.constant 16 : i32
    %mul3A_0 = arith.muli %arg0, %mul3A : i32
    %add3A = arith.addi %mul3A_0, %arg1 : i32
    %iota3A = tpu.iota {dimensions = array<i32: 0>} : vector<16xi32>
    %broadcast_in_dim3A = arith.constant 0.000000e+00 : f32
    %broadcast_in_dim3A_1 = vector.broadcast %broadcast_in_dim3A : f32 to vector<16xf32>
    "tpu.region"() ({
      %run_scoped3A = tpu.sem_alloc : memref<!tpu.dma_semaphore, #tpu.memory_space<semaphore_mem>>
      tpu.enqueue_dma source(%arg2 : memref<10000xf32, #tpu.memory_space<hbm>>) target(%arg9 : memref<10000xf32, #tpu.memory_space<vmem>>) target_semaphore(%run_scoped3A : memref<!tpu.dma_semaphore, #tpu.memory_space<semaphore_mem>>)
      tpu.wait_dma2 semaphore(%run_scoped3A : memref<!tpu.dma_semaphore, #tpu.memory_space<semaphore_mem>>) src(%arg2 : memref<10000xf32, #tpu.memory_space<hbm>>) dst(%arg9 : memref<10000xf32, #tpu.memory_space<vmem>>)
      tpu.yield
    }) : () -> ()
    "tpu.region"() ({
      %run_scoped3A = tpu.sem_alloc : memref<!tpu.dma_semaphore, #tpu.memory_space<semaphore_mem>>
      tpu.enqueue_dma source(%arg3 : memref<10000xf32, #tpu.memory_space<hbm>>) target(%arg10 : memref<10000xf32, #tpu.memory_space<vmem>>) target_semaphore(%run_scoped3A : memref<!tpu.dma_semaphore, #tpu.memory_space<semaphore_mem>>)
      tpu.wait_dma2 semaphore(%run_scoped3A : memref<!tpu.dma_semaphore, #tpu.memory_space<semaphore_mem>>) src(%arg3 : memref<10000xf32, #tpu.memory_space<hbm>>) dst(%arg10 : memref<10000xf32, #tpu.memory_space<vmem>>)
      tpu.yield
    }) : () -> ()
    %scan3A = arith.constant 0 : i32
    %scan3A_2 = arith.constant 0 : i32
    %scan3A_3 = arith.constant 640 : i32
    %scan3A_4 = arith.addi %scan3A_2, %scan3A_3 : i32
    %scan3A_5 = arith.constant 1 : i32
    %scan3A_6 = scf.for %scan3A_130 = %scan3A_2 to %scan3A_4 step %scan3A_5 iter_args(%scan3A_131 = %scan3A) -> (i32)  : i32 {
      %jit3A = arith.constant 8 : i32
      %div3A = arith.divsi %scan3A_130, %jit3A : i32
      %sign3A = arith.constant 0 : i32
      %sign3A_132 = arith.cmpi sgt, %scan3A_130, %sign3A : i32
      %sign3A_133 = arith.extui %sign3A_132 : i1 to i32
      %sign3A_134 = arith.constant 0 : i32
      %sign3A_135 = arith.cmpi slt, %scan3A_130, %sign3A_134 : i32
      %sign3A_136 = arith.extui %sign3A_135 : i1 to i32
      %sign3A_137 = arith.subi %sign3A_133, %sign3A_136 : i32
      %sign3A_138 = arith.constant 0 : i32
      %sign3A_139 = arith.cmpi sgt, %jit3A, %sign3A_138 : i32
      %sign3A_140 = arith.extui %sign3A_139 : i1 to i32
      %sign3A_141 = arith.constant 0 : i32
      %sign3A_142 = arith.cmpi slt, %jit3A, %sign3A_141 : i32
      %sign3A_143 = arith.extui %sign3A_142 : i1 to i32
      %sign3A_144 = arith.subi %sign3A_140, %sign3A_143 : i32
      %ne3A = arith.cmpi ne, %sign3A_137, %sign3A_144 : i32
      %rem3A = arith.remsi %scan3A_130, %jit3A : i32
      %ne3A_145 = arith.constant 0 : i32
      %ne3A_146 = arith.cmpi ne, %rem3A, %ne3A_145 : i32
      %and3A = arith.andi %ne3A, %ne3A_146 : i1
      %sub3A_147 = arith.constant 1 : i32
      %sub3A_148 = arith.subi %div3A, %sub3A_147 : i32
      %select_n3A = arith.select %and3A, %sub3A_148, %div3A : i32
      %jit3A_149 = arith.constant 8 : i32
      %eq3A_150 = arith.constant 0 : i32
      %eq3A_151 = arith.cmpi eq, %jit3A_149, %eq3A_150 : i32
      %jit3A_152 = arith.constant 1 : i32
      %select_n3A_153 = arith.select %eq3A_151, %jit3A_152, %jit3A_149 : i32
      %rem3A_154 = arith.remsi %scan3A_130, %select_n3A_153 : i32
      %ne3A_155 = arith.constant 0 : i32
      %ne3A_156 = arith.cmpi ne, %rem3A_154, %ne3A_155 : i32
      %lt3A_157 = arith.constant 0 : i32
      %lt3A_158 = arith.cmpi slt, %rem3A_154, %lt3A_157 : i32
      %lt3A_159 = arith.constant 0 : i32
      %lt3A_160 = arith.cmpi slt, %select_n3A_153, %lt3A_159 : i32
      %ne3A_161 = arith.xori %lt3A_158, %lt3A_160 : i1
      %and3A_162 = arith.andi %ne3A_161, %ne3A_156 : i1
      %add3A_163 = arith.addi %rem3A_154, %select_n3A_153 : i32
      %select_n3A_164 = arith.select %and3A_162, %add3A_163, %rem3A_154 : i32
      %mul3A_165 = arith.constant 16 : i32
      %mul3A_166 = arith.muli %select_n3A_164, %mul3A_165 : i32
      %swap3A = arith.index_cast %select_n3A : i32 to index
      %swap3A_167 = arith.index_cast %mul3A_166 : i32 to index
      %swap3A_168 = tpu.vector_load %arg11[%swap3A, %swap3A_167] {strides = array<i32>} : memref<80x128xf32, #tpu.memory_space<vmem>>, vector<16xf32>,
      tpu.vector_store %arg11[%swap3A, %swap3A_167], %broadcast_in_dim3A_1 {strides = array<i32>} : memref<80x128xf32, #tpu.memory_space<vmem>>, vector<16xf32>,
      %scan3A_169 = arith.constant 0 : i32
      scf.yield %scan3A_169 : i32
    }
    %scan3A_7 = arith.constant 640 : i32
    %scan3A_8 = arith.constant 0 : i32
    %scan3A_9 = arith.constant 0 : i32
    %scan3A_10 = arith.constant 256 : i32
    %scan3A_11 = arith.addi %scan3A_9, %scan3A_10 : i32
    %scan3A_12 = arith.constant 1 : i32
    %scan3A_13 = scf.for %scan3A_130 = %scan3A_9 to %scan3A_11 step %scan3A_12 iter_args(%scan3A_131 = %scan3A_8) -> (i32)  : i32 {
      %jit3A = arith.constant 8 : i32
      %div3A = arith.divsi %scan3A_130, %jit3A : i32
      %sign3A = arith.constant 0 : i32
      %sign3A_132 = arith.cmpi sgt, %scan3A_130, %sign3A : i32
      %sign3A_133 = arith.extui %sign3A_132 : i1 to i32
      %sign3A_134 = arith.constant 0 : i32
      %sign3A_135 = arith.cmpi slt, %scan3A_130, %sign3A_134 : i32
      %sign3A_136 = arith.extui %sign3A_135 : i1 to i32
      %sign3A_137 = arith.subi %sign3A_133, %sign3A_136 : i32
      %sign3A_138 = arith.constant 0 : i32
      %sign3A_139 = arith.cmpi sgt, %jit3A, %sign3A_138 : i32
      %sign3A_140 = arith.extui %sign3A_139 : i1 to i32
      %sign3A_141 = arith.constant 0 : i32
      %sign3A_142 = arith.cmpi slt, %jit3A, %sign3A_141 : i32
      %sign3A_143 = arith.extui %sign3A_142 : i1 to i32
      %sign3A_144 = arith.subi %sign3A_140, %sign3A_143 : i32
      %ne3A = arith.cmpi ne, %sign3A_137, %sign3A_144 : i32
      %rem3A = arith.remsi %scan3A_130, %jit3A : i32
      %ne3A_145 = arith.constant 0 : i32
      %ne3A_146 = arith.cmpi ne, %rem3A, %ne3A_145 : i32
      %and3A = arith.andi %ne3A, %ne3A_146 : i1
      %sub3A_147 = arith.constant 1 : i32
      %sub3A_148 = arith.subi %div3A, %sub3A_147 : i32
      %select_n3A = arith.select %and3A, %sub3A_148, %div3A : i32
      %broadcast_in_dim3A_149 = vector.broadcast %select_n3A : i32 to vector<16xi32>
      %jit3A_150 = arith.constant 8 : i32
      %eq3A_151 = arith.constant 0 : i32
      %eq3A_152 = arith.cmpi eq, %jit3A_150, %eq3A_151 : i32
      %jit3A_153 = arith.constant 1 : i32
      %select_n3A_154 = arith.select %eq3A_152, %jit3A_153, %jit3A_150 : i32
      %rem3A_155 = arith.remsi %scan3A_130, %select_n3A_154 : i32
      %ne3A_156 = arith.constant 0 : i32
      %ne3A_157 = arith.cmpi ne, %rem3A_155, %ne3A_156 : i32
      %lt3A_158 = arith.constant 0 : i32
      %lt3A_159 = arith.cmpi slt, %rem3A_155, %lt3A_158 : i32
      %lt3A_160 = arith.constant 0 : i32
      %lt3A_161 = arith.cmpi slt, %select_n3A_154, %lt3A_160 : i32
      %ne3A_162 = arith.xori %lt3A_159, %lt3A_161 : i1
      %and3A_163 = arith.andi %ne3A_162, %ne3A_157 : i1
      %add3A_164 = arith.addi %rem3A_155, %select_n3A_154 : i32
      %select_n3A_165 = arith.select %and3A_163, %add3A_164, %rem3A_155 : i32
      %mul3A_166 = arith.constant 16 : i32
      %mul3A_167 = arith.muli %select_n3A_165, %mul3A_166 : i32
      %add3A_168 = vector.broadcast %mul3A_167 : i32 to vector<16xi32>
      %add3A_169 = arith.addi %add3A_168, %iota3A : vector<16xi32>
      tpu.vector_store_idx %arg14[%broadcast_in_dim3A_149, %add3A_169], %broadcast_in_dim3A_1 : memref<32x128xf32, #tpu.memory_space<vmem>>[vector<16xi32>, vector<16xi32>], vector<16xf32>,
      %scan3A_170 = arith.constant 0 : i32
      scf.yield %scan3A_170 : i32
    }
    %scan3A_14 = arith.constant 256 : i32
    %mul3A_15 = arith.constant 640 : i32
    %mul3A_16 = arith.muli %arg1, %mul3A_15 : i32
    %lt3A = arith.constant 15 : i32
    %lt3A_17 = arith.cmpi slt, %arg1, %lt3A : i32
    %convert_element_type3A = arith.extui %lt3A_17 : i1 to i32
    %cond3A = arith.constant 0 : i32
    %cond3A_18 = arith.cmpi ne, %convert_element_type3A, %cond3A : i32
    scf.if %cond3A_18 {
      %add3A_130 = arith.constant 0 : i32
      %add3A_131 = arith.addi %mul3A_16, %add3A_130 : i32
      "tpu.region"() ({
        %run_scoped3A = tpu.sem_alloc : memref<!tpu.dma_semaphore, #tpu.memory_space<semaphore_mem>>
        %dma_start3A_170 = arith.constant 0 : i32
        %dma_start3A_171 = tpu.memref_slice %arg19[%add3A_131, %dma_start3A_170] : memref<10000x128xf32, #tpu.memory_space<vmem_shared>> -> memref<32x128xf32, #tpu.memory_space<vmem_shared>>
        %dma_start3A_172 = arith.constant 0 : i32
        %dma_start3A_173 = tpu.memref_slice %arg19[%add3A_131, %dma_start3A_172] : memref<10000x128xf32, #tpu.memory_space<vmem_shared>> -> memref<32x128xf32, #tpu.memory_space<vmem_shared>>
        tpu.enqueue_dma source(%arg14 : memref<32x128xf32, #tpu.memory_space<vmem>>) target(%dma_start3A_173 : memref<32x128xf32, #tpu.memory_space<vmem_shared>>) target_semaphore(%run_scoped3A : memref<!tpu.dma_semaphore, #tpu.memory_space<semaphore_mem>>)
        %dma_wait3A_174 = arith.constant 0 : i32
        %dma_wait3A_175 = tpu.memref_slice %arg19[%add3A_131, %dma_wait3A_174] : memref<10000x128xf32, #tpu.memory_space<vmem_shared>> -> memref<32x128xf32, #tpu.memory_space<vmem_shared>>
        %dma_wait3A_176 = arith.constant 0 : i32
        %dma_wait3A_177 = tpu.memref_slice %arg19[%add3A_131, %dma_wait3A_176] : memref<10000x128xf32, #tpu.memory_space<vmem_shared>> -> memref<32x128xf32, #tpu.memory_space<vmem_shared>>
        tpu.wait_dma2 semaphore(%run_scoped3A : memref<!tpu.dma_semaphore, #tpu.memory_space<semaphore_mem>>) src(%arg14 : memref<32x128xf32, #tpu.memory_space<vmem>>) dst(%dma_wait3A_177 : memref<32x128xf32, #tpu.memory_space<vmem_shared>>)
        tpu.yield
      }) : () -> ()
      %add3A_132 = arith.constant 32 : i32
      %add3A_133 = arith.addi %mul3A_16, %add3A_132 : i32
      "tpu.region"() ({
        %run_scoped3A = tpu.sem_alloc : memref<!tpu.dma_semaphore, #tpu.memory_space<semaphore_mem>>
        %dma_start3A_170 = arith.constant 0 : i32
        %dma_start3A_171 = tpu.memref_slice %arg19[%add3A_133, %dma_start3A_170] : memref<10000x128xf32, #tpu.memory_space<vmem_shared>> -> memref<32x128xf32, #tpu.memory_space<vmem_shared>>
        %dma_start3A_172 = arith.constant 0 : i32
        %dma_start3A_173 = tpu.memref_slice %arg19[%add3A_133, %dma_start3A_172] : memref<10000x128xf32, #tpu.memory_space<vmem_shared>> -> memref<32x128xf32, #tpu.memory_space<vmem_shared>>
        tpu.enqueue_dma source(%arg14 : memref<32x128xf32, #tpu.memory_space<vmem>>) target(%dma_start3A_173 : memref<32x128xf32, #tpu.memory_space<vmem_shared>>) target_semaphore(%run_scoped3A : memref<!tpu.dma_semaphore, #tpu.memory_space<semaphore_mem>>)
        %dma_wait3A_174 = arith.constant 0 : i32
        %dma_wait3A_175 = tpu.memref_slice %arg19[%add3A_133, %dma_wait3A_174] : memref<10000x128xf32, #tpu.memory_space<vmem_shared>> -> memref<32x128xf32, #tpu.memory_space<vmem_shared>>
        %dma_wait3A_176 = arith.constant 0 : i32
        %dma_wait3A_177 = tpu.memref_slice %arg19[%add3A_133, %dma_wait3A_176] : memref<10000x128xf32, #tpu.memory_space<vmem_shared>> -> memref<32x128xf32, #tpu.memory_space<vmem_shared>>
        tpu.wait_dma2 semaphore(%run_scoped3A : memref<!tpu.dma_semaphore, #tpu.memory_space<semaphore_mem>>) src(%arg14 : memref<32x128xf32, #tpu.memory_space<vmem>>) dst(%dma_wait3A_177 : memref<32x128xf32, #tpu.memory_space<vmem_shared>>)
        tpu.yield
      }) : () -> ()
      %add3A_134 = arith.constant 64 : i32
      %add3A_135 = arith.addi %mul3A_16, %add3A_134 : i32
      "tpu.region"() ({
        %run_scoped3A = tpu.sem_alloc : memref<!tpu.dma_semaphore, #tpu.memory_space<semaphore_mem>>
        %dma_start3A_170 = arith.constant 0 : i32
        %dma_start3A_171 = tpu.memref_slice %arg19[%add3A_135, %dma_start3A_170] : memref<10000x128xf32, #tpu.memory_space<vmem_shared>> -> memref<32x128xf32, #tpu.memory_space<vmem_shared>>
        %dma_start3A_172 = arith.constant 0 : i32
        %dma_start3A_173 = tpu.memref_slice %arg19[%add3A_135, %dma_start3A_172] : memref<10000x128xf32, #tpu.memory_space<vmem_shared>> -> memref<32x128xf32, #tpu.memory_space<vmem_shared>>
        tpu.enqueue_dma source(%arg14 : memref<32x128xf32, #tpu.memory_space<vmem>>) target(%dma_start3A_173 : memref<32x128xf32, #tpu.memory_space<vmem_shared>>) target_semaphore(%run_scoped3A : memref<!tpu.dma_semaphore, #tpu.memory_space<semaphore_mem>>)
        %dma_wait3A_174 = arith.constant 0 : i32
        %dma_wait3A_175 = tpu.memref_slice %arg19[%add3A_135, %dma_wait3A_174] : memref<10000x128xf32, #tpu.memory_space<vmem_shared>> -> memref<32x128xf32, #tpu.memory_space<vmem_shared>>
        %dma_wait3A_176 = arith.constant 0 : i32
        %dma_wait3A_177 = tpu.memref_slice %arg19[%add3A_135, %dma_wait3A_176] : memref<10000x128xf32, #tpu.memory_space<vmem_shared>> -> memref<32x128xf32, #tpu.memory_space<vmem_shared>>
        tpu.wait_dma2 semaphore(%run_scoped3A : memref<!tpu.dma_semaphore, #tpu.memory_space<semaphore_mem>>) src(%arg14 : memref<32x128xf32, #tpu.memory_space<vmem>>) dst(%dma_wait3A_177 : memref<32x128xf32, #tpu.memory_space<vmem_shared>>)
        tpu.yield
      }) : () -> ()
      %add3A_136 = arith.constant 96 : i32
      %add3A_137 = arith.addi %mul3A_16, %add3A_136 : i32
      "tpu.region"() ({
        %run_scoped3A = tpu.sem_alloc : memref<!tpu.dma_semaphore, #tpu.memory_space<semaphore_mem>>
        %dma_start3A_170 = arith.constant 0 : i32
        %dma_start3A_171 = tpu.memref_slice %arg19[%add3A_137, %dma_start3A_170] : memref<10000x128xf32, #tpu.memory_space<vmem_shared>> -> memref<32x128xf32, #tpu.memory_space<vmem_shared>>
        %dma_start3A_172 = arith.constant 0 : i32
        %dma_start3A_173 = tpu.memref_slice %arg19[%add3A_137, %dma_start3A_172] : memref<10000x128xf32, #tpu.memory_space<vmem_shared>> -> memref<32x128xf32, #tpu.memory_space<vmem_shared>>
        tpu.enqueue_dma source(%arg14 : memref<32x128xf32, #tpu.memory_space<vmem>>) target(%dma_start3A_173 : memref<32x128xf32, #tpu.memory_space<vmem_shared>>) target_semaphore(%run_scoped3A : memref<!tpu.dma_semaphore, #tpu.memory_space<semaphore_mem>>)
        %dma_wait3A_174 = arith.constant 0 : i32
        %dma_wait3A_175 = tpu.memref_slice %arg19[%add3A_137, %dma_wait3A_174] : memref<10000x128xf32, #tpu.memory_space<vmem_shared>> -> memref<32x128xf32, #tpu.memory_space<vmem_shared>>
        %dma_wait3A_176 = arith.constant 0 : i32
        %dma_wait3A_177 = tpu.memref_slice %arg19[%add3A_137, %dma_wait3A_176] : memref<10000x128xf32, #tpu.memory_space<vmem_shared>> -> memref<32x128xf32, #tpu.memory_space<vmem_shared>>
        tpu.wait_dma2 semaphore(%run_scoped3A : memref<!tpu.dma_semaphore, #tpu.memory_space<semaphore_mem>>) src(%arg14 : memref<32x128xf32, #tpu.memory_space<vmem>>) dst(%dma_wait3A_177 : memref<32x128xf32, #tpu.memory_space<vmem_shared>>)
        tpu.yield
      }) : () -> ()
      %add3A_138 = arith.constant 128 : i32
      %add3A_139 = arith.addi %mul3A_16, %add3A_138 : i32
      "tpu.region"() ({
        %run_scoped3A = tpu.sem_alloc : memref<!tpu.dma_semaphore, #tpu.memory_space<semaphore_mem>>
        %dma_start3A_170 = arith.constant 0 : i32
        %dma_start3A_171 = tpu.memref_slice %arg19[%add3A_139, %dma_start3A_170] : memref<10000x128xf32, #tpu.memory_space<vmem_shared>> -> memref<32x128xf32, #tpu.memory_space<vmem_shared>>
        %dma_start3A_172 = arith.constant 0 : i32
        %dma_start3A_173 = tpu.memref_slice %arg19[%add3A_139, %dma_start3A_172] : memref<10000x128xf32, #tpu.memory_space<vmem_shared>> -> memref<32x128xf32, #tpu.memory_space<vmem_shared>>
        tpu.enqueue_dma source(%arg14 : memref<32x128xf32, #tpu.memory_space<vmem>>) target(%dma_start3A_173 : memref<32x128xf32, #tpu.memory_space<vmem_shared>>) target_semaphore(%run_scoped3A : memref<!tpu.dma_semaphore, #tpu.memory_space<semaphore_mem>>)
        %dma_wait3A_174 = arith.constant 0 : i32
        %dma_wait3A_175 = tpu.memref_slice %arg19[%add3A_139, %dma_wait3A_174] : memref<10000x128xf32, #tpu.memory_space<vmem_shared>> -> memref<32x128xf32, #tpu.memory_space<vmem_shared>>
        %dma_wait3A_176 = arith.constant 0 : i32
        %dma_wait3A_177 = tpu.memref_slice %arg19[%add3A_139, %dma_wait3A_176] : memref<10000x128xf32, #tpu.memory_space<vmem_shared>> -> memref<32x128xf32, #tpu.memory_space<vmem_shared>>
        tpu.wait_dma2 semaphore(%run_scoped3A : memref<!tpu.dma_semaphore, #tpu.memory_space<semaphore_mem>>) src(%arg14 : memref<32x128xf32, #tpu.memory_space<vmem>>) dst(%dma_wait3A_177 : memref<32x128xf32, #tpu.memory_space<vmem_shared>>)
        tpu.yield
      }) : () -> ()
      %add3A_140 = arith.constant 160 : i32
      %add3A_141 = arith.addi %mul3A_16, %add3A_140 : i32
      "tpu.region"() ({
        %run_scoped3A = tpu.sem_alloc : memref<!tpu.dma_semaphore, #tpu.memory_space<semaphore_mem>>
        %dma_start3A_170 = arith.constant 0 : i32
        %dma_start3A_171 = tpu.memref_slice %arg19[%add3A_141, %dma_start3A_170] : memref<10000x128xf32, #tpu.memory_space<vmem_shared>> -> memref<32x128xf32, #tpu.memory_space<vmem_shared>>
        %dma_start3A_172 = arith.constant 0 : i32
        %dma_start3A_173 = tpu.memref_slice %arg19[%add3A_141, %dma_start3A_172] : memref<10000x128xf32, #tpu.memory_space<vmem_shared>> -> memref<32x128xf32, #tpu.memory_space<vmem_shared>>
        tpu.enqueue_dma source(%arg14 : memref<32x128xf32, #tpu.memory_space<vmem>>) target(%dma_start3A_173 : memref<32x128xf32, #tpu.memory_space<vmem_shared>>) target_semaphore(%run_scoped3A : memref<!tpu.dma_semaphore, #tpu.memory_space<semaphore_mem>>)
        %dma_wait3A_174 = arith.constant 0 : i32
        %dma_wait3A_175 = tpu.memref_slice %arg19[%add3A_141, %dma_wait3A_174] : memref<10000x128xf32, #tpu.memory_space<vmem_shared>> -> memref<32x128xf32, #tpu.memory_space<vmem_shared>>
        %dma_wait3A_176 = arith.constant 0 : i32
        %dma_wait3A_177 = tpu.memref_slice %arg19[%add3A_141, %dma_wait3A_176] : memref<10000x128xf32, #tpu.memory_space<vmem_shared>> -> memref<32x128xf32, #tpu.memory_space<vmem_shared>>
        tpu.wait_dma2 semaphore(%run_scoped3A : memref<!tpu.dma_semaphore, #tpu.memory_space<semaphore_mem>>) src(%arg14 : memref<32x128xf32, #tpu.memory_space<vmem>>) dst(%dma_wait3A_177 : memref<32x128xf32, #tpu.memory_space<vmem_shared>>)
        tpu.yield
      }) : () -> ()
      %add3A_142 = arith.constant 192 : i32
      %add3A_143 = arith.addi %mul3A_16, %add3A_142 : i32
      "tpu.region"() ({
        %run_scoped3A = tpu.sem_alloc : memref<!tpu.dma_semaphore, #tpu.memory_space<semaphore_mem>>
        %dma_start3A_170 = arith.constant 0 : i32
        %dma_start3A_171 = tpu.memref_slice %arg19[%add3A_143, %dma_start3A_170] : memref<10000x128xf32, #tpu.memory_space<vmem_shared>> -> memref<32x128xf32, #tpu.memory_space<vmem_shared>>
        %dma_start3A_172 = arith.constant 0 : i32
        %dma_start3A_173 = tpu.memref_slice %arg19[%add3A_143, %dma_start3A_172] : memref<10000x128xf32, #tpu.memory_space<vmem_shared>> -> memref<32x128xf32, #tpu.memory_space<vmem_shared>>
        tpu.enqueue_dma source(%arg14 : memref<32x128xf32, #tpu.memory_space<vmem>>) target(%dma_start3A_173 : memref<32x128xf32, #tpu.memory_space<vmem_shared>>) target_semaphore(%run_scoped3A : memref<!tpu.dma_semaphore, #tpu.memory_space<semaphore_mem>>)
        %dma_wait3A_174 = arith.constant 0 : i32
        %dma_wait3A_175 = tpu.memref_slice %arg19[%add3A_143, %dma_wait3A_174] : memref<10000x128xf32, #tpu.memory_space<vmem_shared>> -> memref<32x128xf32, #tpu.memory_space<vmem_shared>>
        %dma_wait3A_176 = arith.constant 0 : i32
        %dma_wait3A_177 = tpu.memref_slice %arg19[%add3A_143, %dma_wait3A_176] : memref<10000x128xf32, #tpu.memory_space<vmem_shared>> -> memref<32x128xf32, #tpu.memory_space<vmem_shared>>
        tpu.wait_dma2 semaphore(%run_scoped3A : memref<!tpu.dma_semaphore, #tpu.memory_space<semaphore_mem>>) src(%arg14 : memref<32x128xf32, #tpu.memory_space<vmem>>) dst(%dma_wait3A_177 : memref<32x128xf32, #tpu.memory_space<vmem_shared>>)
        tpu.yield
      }) : () -> ()
      %add3A_144 = arith.constant 224 : i32
      %add3A_145 = arith.addi %mul3A_16, %add3A_144 : i32
      "tpu.region"() ({
        %run_scoped3A = tpu.sem_alloc : memref<!tpu.dma_semaphore, #tpu.memory_space<semaphore_mem>>
        %dma_start3A_170 = arith.constant 0 : i32
        %dma_start3A_171 = tpu.memref_slice %arg19[%add3A_145, %dma_start3A_170] : memref<10000x128xf32, #tpu.memory_space<vmem_shared>> -> memref<32x128xf32, #tpu.memory_space<vmem_shared>>
        %dma_start3A_172 = arith.constant 0 : i32
        %dma_start3A_173 = tpu.memref_slice %arg19[%add3A_145, %dma_start3A_172] : memref<10000x128xf32, #tpu.memory_space<vmem_shared>> -> memref<32x128xf32, #tpu.memory_space<vmem_shared>>
        tpu.enqueue_dma source(%arg14 : memref<32x128xf32, #tpu.memory_space<vmem>>) target(%dma_start3A_173 : memref<32x128xf32, #tpu.memory_space<vmem_shared>>) target_semaphore(%run_scoped3A : memref<!tpu.dma_semaphore, #tpu.memory_space<semaphore_mem>>)
        %dma_wait3A_174 = arith.constant 0 : i32
        %dma_wait3A_175 = tpu.memref_slice %arg19[%add3A_145, %dma_wait3A_174] : memref<10000x128xf32, #tpu.memory_space<vmem_shared>> -> memref<32x128xf32, #tpu.memory_space<vmem_shared>>
        %dma_wait3A_176 = arith.constant 0 : i32
        %dma_wait3A_177 = tpu.memref_slice %arg19[%add3A_145, %dma_wait3A_176] : memref<10000x128xf32, #tpu.memory_space<vmem_shared>> -> memref<32x128xf32, #tpu.memory_space<vmem_shared>>
        tpu.wait_dma2 semaphore(%run_scoped3A : memref<!tpu.dma_semaphore, #tpu.memory_space<semaphore_mem>>) src(%arg14 : memref<32x128xf32, #tpu.memory_space<vmem>>) dst(%dma_wait3A_177 : memref<32x128xf32, #tpu.memory_space<vmem_shared>>)
        tpu.yield
      }) : () -> ()
      %add3A_146 = arith.constant 256 : i32
      %add3A_147 = arith.addi %mul3A_16, %add3A_146 : i32
      "tpu.region"() ({
        %run_scoped3A = tpu.sem_alloc : memref<!tpu.dma_semaphore, #tpu.memory_space<semaphore_mem>>
        %dma_start3A_170 = arith.constant 0 : i32
        %dma_start3A_171 = tpu.memref_slice %arg19[%add3A_147, %dma_start3A_170] : memref<10000x128xf32, #tpu.memory_space<vmem_shared>> -> memref<32x128xf32, #tpu.memory_space<vmem_shared>>
        %dma_start3A_172 = arith.constant 0 : i32
        %dma_start3A_173 = tpu.memref_slice %arg19[%add3A_147, %dma_start3A_172] : memref<10000x128xf32, #tpu.memory_space<vmem_shared>> -> memref<32x128xf32, #tpu.memory_space<vmem_shared>>
        tpu.enqueue_dma source(%arg14 : memref<32x128xf32, #tpu.memory_space<vmem>>) target(%dma_start3A_173 : memref<32x128xf32, #tpu.memory_space<vmem_shared>>) target_semaphore(%run_scoped3A : memref<!tpu.dma_semaphore, #tpu.memory_space<semaphore_mem>>)
        %dma_wait3A_174 = arith.constant 0 : i32
        %dma_wait3A_175 = tpu.memref_slice %arg19[%add3A_147, %dma_wait3A_174] : memref<10000x128xf32, #tpu.memory_space<vmem_shared>> -> memref<32x128xf32, #tpu.memory_space<vmem_shared>>
        %dma_wait3A_176 = arith.constant 0 : i32
        %dma_wait3A_177 = tpu.memref_slice %arg19[%add3A_147, %dma_wait3A_176] : memref<10000x128xf32, #tpu.memory_space<vmem_shared>> -> memref<32x128xf32, #tpu.memory_space<vmem_shared>>
        tpu.wait_dma2 semaphore(%run_scoped3A : memref<!tpu.dma_semaphore, #tpu.memory_space<semaphore_mem>>) src(%arg14 : memref<32x128xf32, #tpu.memory_space<vmem>>) dst(%dma_wait3A_177 : memref<32x128xf32, #tpu.memory_space<vmem_shared>>)
        tpu.yield
      }) : () -> ()
      %add3A_148 = arith.constant 288 : i32
      %add3A_149 = arith.addi %mul3A_16, %add3A_148 : i32
      "tpu.region"() ({
        %run_scoped3A = tpu.sem_alloc : memref<!tpu.dma_semaphore, #tpu.memory_space<semaphore_mem>>
        %dma_start3A_170 = arith.constant 0 : i32
        %dma_start3A_171 = tpu.memref_slice %arg19[%add3A_149, %dma_start3A_170] : memref<10000x128xf32, #tpu.memory_space<vmem_shared>> -> memref<32x128xf32, #tpu.memory_space<vmem_shared>>
        %dma_start3A_172 = arith.constant 0 : i32
        %dma_start3A_173 = tpu.memref_slice %arg19[%add3A_149, %dma_start3A_172] : memref<10000x128xf32, #tpu.memory_space<vmem_shared>> -> memref<32x128xf32, #tpu.memory_space<vmem_shared>>
        tpu.enqueue_dma source(%arg14 : memref<32x128xf32, #tpu.memory_space<vmem>>) target(%dma_start3A_173 : memref<32x128xf32, #tpu.memory_space<vmem_shared>>) target_semaphore(%run_scoped3A : memref<!tpu.dma_semaphore, #tpu.memory_space<semaphore_mem>>)
        %dma_wait3A_174 = arith.constant 0 : i32
        %dma_wait3A_175 = tpu.memref_slice %arg19[%add3A_149, %dma_wait3A_174] : memref<10000x128xf32, #tpu.memory_space<vmem_shared>> -> memref<32x128xf32, #tpu.memory_space<vmem_shared>>
        %dma_wait3A_176 = arith.constant 0 : i32
        %dma_wait3A_177 = tpu.memref_slice %arg19[%add3A_149, %dma_wait3A_176] : memref<10000x128xf32, #tpu.memory_space<vmem_shared>> -> memref<32x128xf32, #tpu.memory_space<vmem_shared>>
        tpu.wait_dma2 semaphore(%run_scoped3A : memref<!tpu.dma_semaphore, #tpu.memory_space<semaphore_mem>>) src(%arg14 : memref<32x128xf32, #tpu.memory_space<vmem>>) dst(%dma_wait3A_177 : memref<32x128xf32, #tpu.memory_space<vmem_shared>>)
        tpu.yield
      }) : () -> ()
      %add3A_150 = arith.constant 320 : i32
      %add3A_151 = arith.addi %mul3A_16, %add3A_150 : i32
      "tpu.region"() ({
        %run_scoped3A = tpu.sem_alloc : memref<!tpu.dma_semaphore, #tpu.memory_space<semaphore_mem>>
        %dma_start3A_170 = arith.constant 0 : i32
        %dma_start3A_171 = tpu.memref_slice %arg19[%add3A_151, %dma_start3A_170] : memref<10000x128xf32, #tpu.memory_space<vmem_shared>> -> memref<32x128xf32, #tpu.memory_space<vmem_shared>>
        %dma_start3A_172 = arith.constant 0 : i32
        %dma_start3A_173 = tpu.memref_slice %arg19[%add3A_151, %dma_start3A_172] : memref<10000x128xf32, #tpu.memory_space<vmem_shared>> -> memref<32x128xf32, #tpu.memory_space<vmem_shared>>
        tpu.enqueue_dma source(%arg14 : memref<32x128xf32, #tpu.memory_space<vmem>>) target(%dma_start3A_173 : memref<32x128xf32, #tpu.memory_space<vmem_shared>>) target_semaphore(%run_scoped3A : memref<!tpu.dma_semaphore, #tpu.memory_space<semaphore_mem>>)
        %dma_wait3A_174 = arith.constant 0 : i32
        %dma_wait3A_175 = tpu.memref_slice %arg19[%add3A_151, %dma_wait3A_174] : memref<10000x128xf32, #tpu.memory_space<vmem_shared>> -> memref<32x128xf32, #tpu.memory_space<vmem_shared>>
        %dma_wait3A_176 = arith.constant 0 : i32
        %dma_wait3A_177 = tpu.memref_slice %arg19[%add3A_151, %dma_wait3A_176] : memref<10000x128xf32, #tpu.memory_space<vmem_shared>> -> memref<32x128xf32, #tpu.memory_space<vmem_shared>>
        tpu.wait_dma2 semaphore(%run_scoped3A : memref<!tpu.dma_semaphore, #tpu.memory_space<semaphore_mem>>) src(%arg14 : memref<32x128xf32, #tpu.memory_space<vmem>>) dst(%dma_wait3A_177 : memref<32x128xf32, #tpu.memory_space<vmem_shared>>)
        tpu.yield
      }) : () -> ()
      %add3A_152 = arith.constant 352 : i32
      %add3A_153 = arith.addi %mul3A_16, %add3A_152 : i32
      "tpu.region"() ({
        %run_scoped3A = tpu.sem_alloc : memref<!tpu.dma_semaphore, #tpu.memory_space<semaphore_mem>>
        %dma_start3A_170 = arith.constant 0 : i32
        %dma_start3A_171 = tpu.memref_slice %arg19[%add3A_153, %dma_start3A_170] : memref<10000x128xf32, #tpu.memory_space<vmem_shared>> -> memref<32x128xf32, #tpu.memory_space<vmem_shared>>
        %dma_start3A_172 = arith.constant 0 : i32
        %dma_start3A_173 = tpu.memref_slice %arg19[%add3A_153, %dma_start3A_172] : memref<10000x128xf32, #tpu.memory_space<vmem_shared>> -> memref<32x128xf32, #tpu.memory_space<vmem_shared>>
        tpu.enqueue_dma source(%arg14 : memref<32x128xf32, #tpu.memory_space<vmem>>) target(%dma_start3A_173 : memref<32x128xf32, #tpu.memory_space<vmem_shared>>) target_semaphore(%run_scoped3A : memref<!tpu.dma_semaphore, #tpu.memory_space<semaphore_mem>>)
        %dma_wait3A_174 = arith.constant 0 : i32
        %dma_wait3A_175 = tpu.memref_slice %arg19[%add3A_153, %dma_wait3A_174] : memref<10000x128xf32, #tpu.memory_space<vmem_shared>> -> memref<32x128xf32, #tpu.memory_space<vmem_shared>>
        %dma_wait3A_176 = arith.constant 0 : i32
        %dma_wait3A_177 = tpu.memref_slice %arg19[%add3A_153, %dma_wait3A_176] : memref<10000x128xf32, #tpu.memory_space<vmem_shared>> -> memref<32x128xf32, #tpu.memory_space<vmem_shared>>
        tpu.wait_dma2 semaphore(%run_scoped3A : memref<!tpu.dma_semaphore, #tpu.memory_space<semaphore_mem>>) src(%arg14 : memref<32x128xf32, #tpu.memory_space<vmem>>) dst(%dma_wait3A_177 : memref<32x128xf32, #tpu.memory_space<vmem_shared>>)
        tpu.yield
      }) : () -> ()
      %add3A_154 = arith.constant 384 : i32
      %add3A_155 = arith.addi %mul3A_16, %add3A_154 : i32
      "tpu.region"() ({
        %run_scoped3A = tpu.sem_alloc : memref<!tpu.dma_semaphore, #tpu.memory_space<semaphore_mem>>
        %dma_start3A_170 = arith.constant 0 : i32
        %dma_start3A_171 = tpu.memref_slice %arg19[%add3A_155, %dma_start3A_170] : memref<10000x128xf32, #tpu.memory_space<vmem_shared>> -> memref<32x128xf32, #tpu.memory_space<vmem_shared>>
        %dma_start3A_172 = arith.constant 0 : i32
        %dma_start3A_173 = tpu.memref_slice %arg19[%add3A_155, %dma_start3A_172] : memref<10000x128xf32, #tpu.memory_space<vmem_shared>> -> memref<32x128xf32, #tpu.memory_space<vmem_shared>>
        tpu.enqueue_dma source(%arg14 : memref<32x128xf32, #tpu.memory_space<vmem>>) target(%dma_start3A_173 : memref<32x128xf32, #tpu.memory_space<vmem_shared>>) target_semaphore(%run_scoped3A : memref<!tpu.dma_semaphore, #tpu.memory_space<semaphore_mem>>)
        %dma_wait3A_174 = arith.constant 0 : i32
        %dma_wait3A_175 = tpu.memref_slice %arg19[%add3A_155, %dma_wait3A_174] : memref<10000x128xf32, #tpu.memory_space<vmem_shared>> -> memref<32x128xf32, #tpu.memory_space<vmem_shared>>
        %dma_wait3A_176 = arith.constant 0 : i32
        %dma_wait3A_177 = tpu.memref_slice %arg19[%add3A_155, %dma_wait3A_176] : memref<10000x128xf32, #tpu.memory_space<vmem_shared>> -> memref<32x128xf32, #tpu.memory_space<vmem_shared>>
        tpu.wait_dma2 semaphore(%run_scoped3A : memref<!tpu.dma_semaphore, #tpu.memory_space<semaphore_mem>>) src(%arg14 : memref<32x128xf32, #tpu.memory_space<vmem>>) dst(%dma_wait3A_177 : memref<32x128xf32, #tpu.memory_space<vmem_shared>>)
        tpu.yield
      }) : () -> ()
      %add3A_156 = arith.constant 416 : i32
      %add3A_157 = arith.addi %mul3A_16, %add3A_156 : i32
      "tpu.region"() ({
        %run_scoped3A = tpu.sem_alloc : memref<!tpu.dma_semaphore, #tpu.memory_space<semaphore_mem>>
        %dma_start3A_170 = arith.constant 0 : i32
        %dma_start3A_171 = tpu.memref_slice %arg19[%add3A_157, %dma_start3A_170] : memref<10000x128xf32, #tpu.memory_space<vmem_shared>> -> memref<32x128xf32, #tpu.memory_space<vmem_shared>>
        %dma_start3A_172 = arith.constant 0 : i32
        %dma_start3A_173 = tpu.memref_slice %arg19[%add3A_157, %dma_start3A_172] : memref<10000x128xf32, #tpu.memory_space<vmem_shared>> -> memref<32x128xf32, #tpu.memory_space<vmem_shared>>
        tpu.enqueue_dma source(%arg14 : memref<32x128xf32, #tpu.memory_space<vmem>>) target(%dma_start3A_173 : memref<32x128xf32, #tpu.memory_space<vmem_shared>>) target_semaphore(%run_scoped3A : memref<!tpu.dma_semaphore, #tpu.memory_space<semaphore_mem>>)
        %dma_wait3A_174 = arith.constant 0 : i32
        %dma_wait3A_175 = tpu.memref_slice %arg19[%add3A_157, %dma_wait3A_174] : memref<10000x128xf32, #tpu.memory_space<vmem_shared>> -> memref<32x128xf32, #tpu.memory_space<vmem_shared>>
        %dma_wait3A_176 = arith.constant 0 : i32
        %dma_wait3A_177 = tpu.memref_slice %arg19[%add3A_157, %dma_wait3A_176] : memref<10000x128xf32, #tpu.memory_space<vmem_shared>> -> memref<32x128xf32, #tpu.memory_space<vmem_shared>>
        tpu.wait_dma2 semaphore(%run_scoped3A : memref<!tpu.dma_semaphore, #tpu.memory_space<semaphore_mem>>) src(%arg14 : memref<32x128xf32, #tpu.memory_space<vmem>>) dst(%dma_wait3A_177 : memref<32x128xf32, #tpu.memory_space<vmem_shared>>)
        tpu.yield
      }) : () -> ()
      %add3A_158 = arith.constant 448 : i32
      %add3A_159 = arith.addi %mul3A_16, %add3A_158 : i32
      "tpu.region"() ({
        %run_scoped3A = tpu.sem_alloc : memref<!tpu.dma_semaphore, #tpu.memory_space<semaphore_mem>>
        %dma_start3A_170 = arith.constant 0 : i32
        %dma_start3A_171 = tpu.memref_slice %arg19[%add3A_159, %dma_start3A_170] : memref<10000x128xf32, #tpu.memory_space<vmem_shared>> -> memref<32x128xf32, #tpu.memory_space<vmem_shared>>
        %dma_start3A_172 = arith.constant 0 : i32
        %dma_start3A_173 = tpu.memref_slice %arg19[%add3A_159, %dma_start3A_172] : memref<10000x128xf32, #tpu.memory_space<vmem_shared>> -> memref<32x128xf32, #tpu.memory_space<vmem_shared>>
        tpu.enqueue_dma source(%arg14 : memref<32x128xf32, #tpu.memory_space<vmem>>) target(%dma_start3A_173 : memref<32x128xf32, #tpu.memory_space<vmem_shared>>) target_semaphore(%run_scoped3A : memref<!tpu.dma_semaphore, #tpu.memory_space<semaphore_mem>>)
        %dma_wait3A_174 = arith.constant 0 : i32
        %dma_wait3A_175 = tpu.memref_slice %arg19[%add3A_159, %dma_wait3A_174] : memref<10000x128xf32, #tpu.memory_space<vmem_shared>> -> memref<32x128xf32, #tpu.memory_space<vmem_shared>>
        %dma_wait3A_176 = arith.constant 0 : i32
        %dma_wait3A_177 = tpu.memref_slice %arg19[%add3A_159, %dma_wait3A_176] : memref<10000x128xf32, #tpu.memory_space<vmem_shared>> -> memref<32x128xf32, #tpu.memory_space<vmem_shared>>
        tpu.wait_dma2 semaphore(%run_scoped3A : memref<!tpu.dma_semaphore, #tpu.memory_space<semaphore_mem>>) src(%arg14 : memref<32x128xf32, #tpu.memory_space<vmem>>) dst(%dma_wait3A_177 : memref<32x128xf32, #tpu.memory_space<vmem_shared>>)
        tpu.yield
      }) : () -> ()
      %add3A_160 = arith.constant 480 : i32
      %add3A_161 = arith.addi %mul3A_16, %add3A_160 : i32
      "tpu.region"() ({
        %run_scoped3A = tpu.sem_alloc : memref<!tpu.dma_semaphore, #tpu.memory_space<semaphore_mem>>
        %dma_start3A_170 = arith.constant 0 : i32
        %dma_start3A_171 = tpu.memref_slice %arg19[%add3A_161, %dma_start3A_170] : memref<10000x128xf32, #tpu.memory_space<vmem_shared>> -> memref<32x128xf32, #tpu.memory_space<vmem_shared>>
        %dma_start3A_172 = arith.constant 0 : i32
        %dma_start3A_173 = tpu.memref_slice %arg19[%add3A_161, %dma_start3A_172] : memref<10000x128xf32, #tpu.memory_space<vmem_shared>> -> memref<32x128xf32, #tpu.memory_space<vmem_shared>>
        tpu.enqueue_dma source(%arg14 : memref<32x128xf32, #tpu.memory_space<vmem>>) target(%dma_start3A_173 : memref<32x128xf32, #tpu.memory_space<vmem_shared>>) target_semaphore(%run_scoped3A : memref<!tpu.dma_semaphore, #tpu.memory_space<semaphore_mem>>)
        %dma_wait3A_174 = arith.constant 0 : i32
        %dma_wait3A_175 = tpu.memref_slice %arg19[%add3A_161, %dma_wait3A_174] : memref<10000x128xf32, #tpu.memory_space<vmem_shared>> -> memref<32x128xf32, #tpu.memory_space<vmem_shared>>
        %dma_wait3A_176 = arith.constant 0 : i32
        %dma_wait3A_177 = tpu.memref_slice %arg19[%add3A_161, %dma_wait3A_176] : memref<10000x128xf32, #tpu.memory_space<vmem_shared>> -> memref<32x128xf32, #tpu.memory_space<vmem_shared>>
        tpu.wait_dma2 semaphore(%run_scoped3A : memref<!tpu.dma_semaphore, #tpu.memory_space<semaphore_mem>>) src(%arg14 : memref<32x128xf32, #tpu.memory_space<vmem>>) dst(%dma_wait3A_177 : memref<32x128xf32, #tpu.memory_space<vmem_shared>>)
        tpu.yield
      }) : () -> ()
      %add3A_162 = arith.constant 512 : i32
      %add3A_163 = arith.addi %mul3A_16, %add3A_162 : i32
      "tpu.region"() ({
        %run_scoped3A = tpu.sem_alloc : memref<!tpu.dma_semaphore, #tpu.memory_space<semaphore_mem>>
        %dma_start3A_170 = arith.constant 0 : i32
        %dma_start3A_171 = tpu.memref_slice %arg19[%add3A_163, %dma_start3A_170] : memref<10000x128xf32, #tpu.memory_space<vmem_shared>> -> memref<32x128xf32, #tpu.memory_space<vmem_shared>>
        %dma_start3A_172 = arith.constant 0 : i32
        %dma_start3A_173 = tpu.memref_slice %arg19[%add3A_163, %dma_start3A_172] : memref<10000x128xf32, #tpu.memory_space<vmem_shared>> -> memref<32x128xf32, #tpu.memory_space<vmem_shared>>
        tpu.enqueue_dma source(%arg14 : memref<32x128xf32, #tpu.memory_space<vmem>>) target(%dma_start3A_173 : memref<32x128xf32, #tpu.memory_space<vmem_shared>>) target_semaphore(%run_scoped3A : memref<!tpu.dma_semaphore, #tpu.memory_space<semaphore_mem>>)
        %dma_wait3A_174 = arith.constant 0 : i32
        %dma_wait3A_175 = tpu.memref_slice %arg19[%add3A_163, %dma_wait3A_174] : memref<10000x128xf32, #tpu.memory_space<vmem_shared>> -> memref<32x128xf32, #tpu.memory_space<vmem_shared>>
        %dma_wait3A_176 = arith.constant 0 : i32
        %dma_wait3A_177 = tpu.memref_slice %arg19[%add3A_163, %dma_wait3A_176] : memref<10000x128xf32, #tpu.memory_space<vmem_shared>> -> memref<32x128xf32, #tpu.memory_space<vmem_shared>>
        tpu.wait_dma2 semaphore(%run_scoped3A : memref<!tpu.dma_semaphore, #tpu.memory_space<semaphore_mem>>) src(%arg14 : memref<32x128xf32, #tpu.memory_space<vmem>>) dst(%dma_wait3A_177 : memref<32x128xf32, #tpu.memory_space<vmem_shared>>)
        tpu.yield
      }) : () -> ()
      %add3A_164 = arith.constant 544 : i32
      %add3A_165 = arith.addi %mul3A_16, %add3A_164 : i32
      "tpu.region"() ({
        %run_scoped3A = tpu.sem_alloc : memref<!tpu.dma_semaphore, #tpu.memory_space<semaphore_mem>>
        %dma_start3A_170 = arith.constant 0 : i32
        %dma_start3A_171 = tpu.memref_slice %arg19[%add3A_165, %dma_start3A_170] : memref<10000x128xf32, #tpu.memory_space<vmem_shared>> -> memref<32x128xf32, #tpu.memory_space<vmem_shared>>
        %dma_start3A_172 = arith.constant 0 : i32
        %dma_start3A_173 = tpu.memref_slice %arg19[%add3A_165, %dma_start3A_172] : memref<10000x128xf32, #tpu.memory_space<vmem_shared>> -> memref<32x128xf32, #tpu.memory_space<vmem_shared>>
        tpu.enqueue_dma source(%arg14 : memref<32x128xf32, #tpu.memory_space<vmem>>) target(%dma_start3A_173 : memref<32x128xf32, #tpu.memory_space<vmem_shared>>) target_semaphore(%run_scoped3A : memref<!tpu.dma_semaphore, #tpu.memory_space<semaphore_mem>>)
        %dma_wait3A_174 = arith.constant 0 : i32
        %dma_wait3A_175 = tpu.memref_slice %arg19[%add3A_165, %dma_wait3A_174] : memref<10000x128xf32, #tpu.memory_space<vmem_shared>> -> memref<32x128xf32, #tpu.memory_space<vmem_shared>>
        %dma_wait3A_176 = arith.constant 0 : i32
        %dma_wait3A_177 = tpu.memref_slice %arg19[%add3A_165, %dma_wait3A_176] : memref<10000x128xf32, #tpu.memory_space<vmem_shared>> -> memref<32x128xf32, #tpu.memory_space<vmem_shared>>
        tpu.wait_dma2 semaphore(%run_scoped3A : memref<!tpu.dma_semaphore, #tpu.memory_space<semaphore_mem>>) src(%arg14 : memref<32x128xf32, #tpu.memory_space<vmem>>) dst(%dma_wait3A_177 : memref<32x128xf32, #tpu.memory_space<vmem_shared>>)
        tpu.yield
      }) : () -> ()
      %add3A_166 = arith.constant 576 : i32
      %add3A_167 = arith.addi %mul3A_16, %add3A_166 : i32
      "tpu.region"() ({
        %run_scoped3A = tpu.sem_alloc : memref<!tpu.dma_semaphore, #tpu.memory_space<semaphore_mem>>
        %dma_start3A_170 = arith.constant 0 : i32
        %dma_start3A_171 = tpu.memref_slice %arg19[%add3A_167, %dma_start3A_170] : memref<10000x128xf32, #tpu.memory_space<vmem_shared>> -> memref<32x128xf32, #tpu.memory_space<vmem_shared>>
        %dma_start3A_172 = arith.constant 0 : i32
        %dma_start3A_173 = tpu.memref_slice %arg19[%add3A_167, %dma_start3A_172] : memref<10000x128xf32, #tpu.memory_space<vmem_shared>> -> memref<32x128xf32, #tpu.memory_space<vmem_shared>>
        tpu.enqueue_dma source(%arg14 : memref<32x128xf32, #tpu.memory_space<vmem>>) target(%dma_start3A_173 : memref<32x128xf32, #tpu.memory_space<vmem_shared>>) target_semaphore(%run_scoped3A : memref<!tpu.dma_semaphore, #tpu.memory_space<semaphore_mem>>)
        %dma_wait3A_174 = arith.constant 0 : i32
        %dma_wait3A_175 = tpu.memref_slice %arg19[%add3A_167, %dma_wait3A_174] : memref<10000x128xf32, #tpu.memory_space<vmem_shared>> -> memref<32x128xf32, #tpu.memory_space<vmem_shared>>
        %dma_wait3A_176 = arith.constant 0 : i32
        %dma_wait3A_177 = tpu.memref_slice %arg19[%add3A_167, %dma_wait3A_176] : memref<10000x128xf32, #tpu.memory_space<vmem_shared>> -> memref<32x128xf32, #tpu.memory_space<vmem_shared>>
        tpu.wait_dma2 semaphore(%run_scoped3A : memref<!tpu.dma_semaphore, #tpu.memory_space<semaphore_mem>>) src(%arg14 : memref<32x128xf32, #tpu.memory_space<vmem>>) dst(%dma_wait3A_177 : memref<32x128xf32, #tpu.memory_space<vmem_shared>>)
        tpu.yield
      }) : () -> ()
      %add3A_168 = arith.constant 608 : i32
      %add3A_169 = arith.addi %mul3A_16, %add3A_168 : i32
      "tpu.region"() ({
        %run_scoped3A = tpu.sem_alloc : memref<!tpu.dma_semaphore, #tpu.memory_space<semaphore_mem>>
        %dma_start3A_170 = arith.constant 0 : i32
        %dma_start3A_171 = tpu.memref_slice %arg19[%add3A_169, %dma_start3A_170] : memref<10000x128xf32, #tpu.memory_space<vmem_shared>> -> memref<32x128xf32, #tpu.memory_space<vmem_shared>>
        %dma_start3A_172 = arith.constant 0 : i32
        %dma_start3A_173 = tpu.memref_slice %arg19[%add3A_169, %dma_start3A_172] : memref<10000x128xf32, #tpu.memory_space<vmem_shared>> -> memref<32x128xf32, #tpu.memory_space<vmem_shared>>
        tpu.enqueue_dma source(%arg14 : memref<32x128xf32, #tpu.memory_space<vmem>>) target(%dma_start3A_173 : memref<32x128xf32, #tpu.memory_space<vmem_shared>>) target_semaphore(%run_scoped3A : memref<!tpu.dma_semaphore, #tpu.memory_space<semaphore_mem>>)
        %dma_wait3A_174 = arith.constant 0 : i32
        %dma_wait3A_175 = tpu.memref_slice %arg19[%add3A_169, %dma_wait3A_174] : memref<10000x128xf32, #tpu.memory_space<vmem_shared>> -> memref<32x128xf32, #tpu.memory_space<vmem_shared>>
        %dma_wait3A_176 = arith.constant 0 : i32
        %dma_wait3A_177 = tpu.memref_slice %arg19[%add3A_169, %dma_wait3A_176] : memref<10000x128xf32, #tpu.memory_space<vmem_shared>> -> memref<32x128xf32, #tpu.memory_space<vmem_shared>>
        tpu.wait_dma2 semaphore(%run_scoped3A : memref<!tpu.dma_semaphore, #tpu.memory_space<semaphore_mem>>) src(%arg14 : memref<32x128xf32, #tpu.memory_space<vmem>>) dst(%dma_wait3A_177 : memref<32x128xf32, #tpu.memory_space<vmem_shared>>)
        tpu.yield
      }) : () -> ()
    } else {
    }
    %eq3A = arith.constant 15 : i32
    %eq3A_19 = arith.cmpi eq, %arg1, %eq3A : i32
    %convert_element_type3A_20 = arith.extui %eq3A_19 : i1 to i32
    %cond3A_21 = arith.constant 0 : i32
    %cond3A_22 = arith.cmpi ne, %convert_element_type3A_20, %cond3A_21 : i32
    scf.if %cond3A_22 {
      %add3A_130 = arith.constant 0 : i32
      %add3A_131 = arith.addi %mul3A_16, %add3A_130 : i32
      "tpu.region"() ({
        %run_scoped3A = tpu.sem_alloc : memref<!tpu.dma_semaphore, #tpu.memory_space<semaphore_mem>>
        %dma_start3A_156 = arith.constant 0 : i32
        %dma_start3A_157 = tpu.memref_slice %arg19[%add3A_131, %dma_start3A_156] : memref<10000x128xf32, #tpu.memory_space<vmem_shared>> -> memref<32x128xf32, #tpu.memory_space<vmem_shared>>
        %dma_start3A_158 = arith.constant 0 : i32
        %dma_start3A_159 = tpu.memref_slice %arg19[%add3A_131, %dma_start3A_158] : memref<10000x128xf32, #tpu.memory_space<vmem_shared>> -> memref<32x128xf32, #tpu.memory_space<vmem_shared>>
        tpu.enqueue_dma source(%arg14 : memref<32x128xf32, #tpu.memory_space<vmem>>) target(%dma_start3A_159 : memref<32x128xf32, #tpu.memory_space<vmem_shared>>) target_semaphore(%run_scoped3A : memref<!tpu.dma_semaphore, #tpu.memory_space<semaphore_mem>>)
        %dma_wait3A_160 = arith.constant 0 : i32
        %dma_wait3A_161 = tpu.memref_slice %arg19[%add3A_131, %dma_wait3A_160] : memref<10000x128xf32, #tpu.memory_space<vmem_shared>> -> memref<32x128xf32, #tpu.memory_space<vmem_shared>>
        %dma_wait3A_162 = arith.constant 0 : i32
        %dma_wait3A_163 = tpu.memref_slice %arg19[%add3A_131, %dma_wait3A_162] : memref<10000x128xf32, #tpu.memory_space<vmem_shared>> -> memref<32x128xf32, #tpu.memory_space<vmem_shared>>
        tpu.wait_dma2 semaphore(%run_scoped3A : memref<!tpu.dma_semaphore, #tpu.memory_space<semaphore_mem>>) src(%arg14 : memref<32x128xf32, #tpu.memory_space<vmem>>) dst(%dma_wait3A_163 : memref<32x128xf32, #tpu.memory_space<vmem_shared>>)
        tpu.yield
      }) : () -> ()
      %add3A_132 = arith.constant 32 : i32
      %add3A_133 = arith.addi %mul3A_16, %add3A_132 : i32
      "tpu.region"() ({
        %run_scoped3A = tpu.sem_alloc : memref<!tpu.dma_semaphore, #tpu.memory_space<semaphore_mem>>
        %dma_start3A_156 = arith.constant 0 : i32
        %dma_start3A_157 = tpu.memref_slice %arg19[%add3A_133, %dma_start3A_156] : memref<10000x128xf32, #tpu.memory_space<vmem_shared>> -> memref<32x128xf32, #tpu.memory_space<vmem_shared>>
        %dma_start3A_158 = arith.constant 0 : i32
        %dma_start3A_159 = tpu.memref_slice %arg19[%add3A_133, %dma_start3A_158] : memref<10000x128xf32, #tpu.memory_space<vmem_shared>> -> memref<32x128xf32, #tpu.memory_space<vmem_shared>>
        tpu.enqueue_dma source(%arg14 : memref<32x128xf32, #tpu.memory_space<vmem>>) target(%dma_start3A_159 : memref<32x128xf32, #tpu.memory_space<vmem_shared>>) target_semaphore(%run_scoped3A : memref<!tpu.dma_semaphore, #tpu.memory_space<semaphore_mem>>)
        %dma_wait3A_160 = arith.constant 0 : i32
        %dma_wait3A_161 = tpu.memref_slice %arg19[%add3A_133, %dma_wait3A_160] : memref<10000x128xf32, #tpu.memory_space<vmem_shared>> -> memref<32x128xf32, #tpu.memory_space<vmem_shared>>
        %dma_wait3A_162 = arith.constant 0 : i32
        %dma_wait3A_163 = tpu.memref_slice %arg19[%add3A_133, %dma_wait3A_162] : memref<10000x128xf32, #tpu.memory_space<vmem_shared>> -> memref<32x128xf32, #tpu.memory_space<vmem_shared>>
        tpu.wait_dma2 semaphore(%run_scoped3A : memref<!tpu.dma_semaphore, #tpu.memory_space<semaphore_mem>>) src(%arg14 : memref<32x128xf32, #tpu.memory_space<vmem>>) dst(%dma_wait3A_163 : memref<32x128xf32, #tpu.memory_space<vmem_shared>>)
        tpu.yield
      }) : () -> ()
      %add3A_134 = arith.constant 64 : i32
      %add3A_135 = arith.addi %mul3A_16, %add3A_134 : i32
      "tpu.region"() ({
        %run_scoped3A = tpu.sem_alloc : memref<!tpu.dma_semaphore, #tpu.memory_space<semaphore_mem>>
        %dma_start3A_156 = arith.constant 0 : i32
        %dma_start3A_157 = tpu.memref_slice %arg19[%add3A_135, %dma_start3A_156] : memref<10000x128xf32, #tpu.memory_space<vmem_shared>> -> memref<32x128xf32, #tpu.memory_space<vmem_shared>>
        %dma_start3A_158 = arith.constant 0 : i32
        %dma_start3A_159 = tpu.memref_slice %arg19[%add3A_135, %dma_start3A_158] : memref<10000x128xf32, #tpu.memory_space<vmem_shared>> -> memref<32x128xf32, #tpu.memory_space<vmem_shared>>
        tpu.enqueue_dma source(%arg14 : memref<32x128xf32, #tpu.memory_space<vmem>>) target(%dma_start3A_159 : memref<32x128xf32, #tpu.memory_space<vmem_shared>>) target_semaphore(%run_scoped3A : memref<!tpu.dma_semaphore, #tpu.memory_space<semaphore_mem>>)
        %dma_wait3A_160 = arith.constant 0 : i32
        %dma_wait3A_161 = tpu.memref_slice %arg19[%add3A_135, %dma_wait3A_160] : memref<10000x128xf32, #tpu.memory_space<vmem_shared>> -> memref<32x128xf32, #tpu.memory_space<vmem_shared>>
        %dma_wait3A_162 = arith.constant 0 : i32
        %dma_wait3A_163 = tpu.memref_slice %arg19[%add3A_135, %dma_wait3A_162] : memref<10000x128xf32, #tpu.memory_space<vmem_shared>> -> memref<32x128xf32, #tpu.memory_space<vmem_shared>>
        tpu.wait_dma2 semaphore(%run_scoped3A : memref<!tpu.dma_semaphore, #tpu.memory_space<semaphore_mem>>) src(%arg14 : memref<32x128xf32, #tpu.memory_space<vmem>>) dst(%dma_wait3A_163 : memref<32x128xf32, #tpu.memory_space<vmem_shared>>)
        tpu.yield
      }) : () -> ()
      %add3A_136 = arith.constant 96 : i32
      %add3A_137 = arith.addi %mul3A_16, %add3A_136 : i32
      "tpu.region"() ({
        %run_scoped3A = tpu.sem_alloc : memref<!tpu.dma_semaphore, #tpu.memory_space<semaphore_mem>>
        %dma_start3A_156 = arith.constant 0 : i32
        %dma_start3A_157 = tpu.memref_slice %arg19[%add3A_137, %dma_start3A_156] : memref<10000x128xf32, #tpu.memory_space<vmem_shared>> -> memref<32x128xf32, #tpu.memory_space<vmem_shared>>
        %dma_start3A_158 = arith.constant 0 : i32
        %dma_start3A_159 = tpu.memref_slice %arg19[%add3A_137, %dma_start3A_158] : memref<10000x128xf32, #tpu.memory_space<vmem_shared>> -> memref<32x128xf32, #tpu.memory_space<vmem_shared>>
        tpu.enqueue_dma source(%arg14 : memref<32x128xf32, #tpu.memory_space<vmem>>) target(%dma_start3A_159 : memref<32x128xf32, #tpu.memory_space<vmem_shared>>) target_semaphore(%run_scoped3A : memref<!tpu.dma_semaphore, #tpu.memory_space<semaphore_mem>>)
        %dma_wait3A_160 = arith.constant 0 : i32
        %dma_wait3A_161 = tpu.memref_slice %arg19[%add3A_137, %dma_wait3A_160] : memref<10000x128xf32, #tpu.memory_space<vmem_shared>> -> memref<32x128xf32, #tpu.memory_space<vmem_shared>>
        %dma_wait3A_162 = arith.constant 0 : i32
        %dma_wait3A_163 = tpu.memref_slice %arg19[%add3A_137, %dma_wait3A_162] : memref<10000x128xf32, #tpu.memory_space<vmem_shared>> -> memref<32x128xf32, #tpu.memory_space<vmem_shared>>
        tpu.wait_dma2 semaphore(%run_scoped3A : memref<!tpu.dma_semaphore, #tpu.memory_space<semaphore_mem>>) src(%arg14 : memref<32x128xf32, #tpu.memory_space<vmem>>) dst(%dma_wait3A_163 : memref<32x128xf32, #tpu.memory_space<vmem_shared>>)
        tpu.yield
      }) : () -> ()
      %add3A_138 = arith.constant 128 : i32
      %add3A_139 = arith.addi %mul3A_16, %add3A_138 : i32
      "tpu.region"() ({
        %run_scoped3A = tpu.sem_alloc : memref<!tpu.dma_semaphore, #tpu.memory_space<semaphore_mem>>
        %dma_start3A_156 = arith.constant 0 : i32
        %dma_start3A_157 = tpu.memref_slice %arg19[%add3A_139, %dma_start3A_156] : memref<10000x128xf32, #tpu.memory_space<vmem_shared>> -> memref<32x128xf32, #tpu.memory_space<vmem_shared>>
        %dma_start3A_158 = arith.constant 0 : i32
        %dma_start3A_159 = tpu.memref_slice %arg19[%add3A_139, %dma_start3A_158] : memref<10000x128xf32, #tpu.memory_space<vmem_shared>> -> memref<32x128xf32, #tpu.memory_space<vmem_shared>>
        tpu.enqueue_dma source(%arg14 : memref<32x128xf32, #tpu.memory_space<vmem>>) target(%dma_start3A_159 : memref<32x128xf32, #tpu.memory_space<vmem_shared>>) target_semaphore(%run_scoped3A : memref<!tpu.dma_semaphore, #tpu.memory_space<semaphore_mem>>)
        %dma_wait3A_160 = arith.constant 0 : i32
        %dma_wait3A_161 = tpu.memref_slice %arg19[%add3A_139, %dma_wait3A_160] : memref<10000x128xf32, #tpu.memory_space<vmem_shared>> -> memref<32x128xf32, #tpu.memory_space<vmem_shared>>
        %dma_wait3A_162 = arith.constant 0 : i32
        %dma_wait3A_163 = tpu.memref_slice %arg19[%add3A_139, %dma_wait3A_162] : memref<10000x128xf32, #tpu.memory_space<vmem_shared>> -> memref<32x128xf32, #tpu.memory_space<vmem_shared>>
        tpu.wait_dma2 semaphore(%run_scoped3A : memref<!tpu.dma_semaphore, #tpu.memory_space<semaphore_mem>>) src(%arg14 : memref<32x128xf32, #tpu.memory_space<vmem>>) dst(%dma_wait3A_163 : memref<32x128xf32, #tpu.memory_space<vmem_shared>>)
        tpu.yield
      }) : () -> ()
      %add3A_140 = arith.constant 160 : i32
      %add3A_141 = arith.addi %mul3A_16, %add3A_140 : i32
      "tpu.region"() ({
        %run_scoped3A = tpu.sem_alloc : memref<!tpu.dma_semaphore, #tpu.memory_space<semaphore_mem>>
        %dma_start3A_156 = arith.constant 0 : i32
        %dma_start3A_157 = tpu.memref_slice %arg19[%add3A_141, %dma_start3A_156] : memref<10000x128xf32, #tpu.memory_space<vmem_shared>> -> memref<32x128xf32, #tpu.memory_space<vmem_shared>>
        %dma_start3A_158 = arith.constant 0 : i32
        %dma_start3A_159 = tpu.memref_slice %arg19[%add3A_141, %dma_start3A_158] : memref<10000x128xf32, #tpu.memory_space<vmem_shared>> -> memref<32x128xf32, #tpu.memory_space<vmem_shared>>
        tpu.enqueue_dma source(%arg14 : memref<32x128xf32, #tpu.memory_space<vmem>>) target(%dma_start3A_159 : memref<32x128xf32, #tpu.memory_space<vmem_shared>>) target_semaphore(%run_scoped3A : memref<!tpu.dma_semaphore, #tpu.memory_space<semaphore_mem>>)
        %dma_wait3A_160 = arith.constant 0 : i32
        %dma_wait3A_161 = tpu.memref_slice %arg19[%add3A_141, %dma_wait3A_160] : memref<10000x128xf32, #tpu.memory_space<vmem_shared>> -> memref<32x128xf32, #tpu.memory_space<vmem_shared>>
        %dma_wait3A_162 = arith.constant 0 : i32
        %dma_wait3A_163 = tpu.memref_slice %arg19[%add3A_141, %dma_wait3A_162] : memref<10000x128xf32, #tpu.memory_space<vmem_shared>> -> memref<32x128xf32, #tpu.memory_space<vmem_shared>>
        tpu.wait_dma2 semaphore(%run_scoped3A : memref<!tpu.dma_semaphore, #tpu.memory_space<semaphore_mem>>) src(%arg14 : memref<32x128xf32, #tpu.memory_space<vmem>>) dst(%dma_wait3A_163 : memref<32x128xf32, #tpu.memory_space<vmem_shared>>)
        tpu.yield
      }) : () -> ()
      %add3A_142 = arith.constant 192 : i32
      %add3A_143 = arith.addi %mul3A_16, %add3A_142 : i32
      "tpu.region"() ({
        %run_scoped3A = tpu.sem_alloc : memref<!tpu.dma_semaphore, #tpu.memory_space<semaphore_mem>>
        %dma_start3A_156 = arith.constant 0 : i32
        %dma_start3A_157 = tpu.memref_slice %arg19[%add3A_143, %dma_start3A_156] : memref<10000x128xf32, #tpu.memory_space<vmem_shared>> -> memref<32x128xf32, #tpu.memory_space<vmem_shared>>
        %dma_start3A_158 = arith.constant 0 : i32
        %dma_start3A_159 = tpu.memref_slice %arg19[%add3A_143, %dma_start3A_158] : memref<10000x128xf32, #tpu.memory_space<vmem_shared>> -> memref<32x128xf32, #tpu.memory_space<vmem_shared>>
        tpu.enqueue_dma source(%arg14 : memref<32x128xf32, #tpu.memory_space<vmem>>) target(%dma_start3A_159 : memref<32x128xf32, #tpu.memory_space<vmem_shared>>) target_semaphore(%run_scoped3A : memref<!tpu.dma_semaphore, #tpu.memory_space<semaphore_mem>>)
        %dma_wait3A_160 = arith.constant 0 : i32
        %dma_wait3A_161 = tpu.memref_slice %arg19[%add3A_143, %dma_wait3A_160] : memref<10000x128xf32, #tpu.memory_space<vmem_shared>> -> memref<32x128xf32, #tpu.memory_space<vmem_shared>>
        %dma_wait3A_162 = arith.constant 0 : i32
        %dma_wait3A_163 = tpu.memref_slice %arg19[%add3A_143, %dma_wait3A_162] : memref<10000x128xf32, #tpu.memory_space<vmem_shared>> -> memref<32x128xf32, #tpu.memory_space<vmem_shared>>
        tpu.wait_dma2 semaphore(%run_scoped3A : memref<!tpu.dma_semaphore, #tpu.memory_space<semaphore_mem>>) src(%arg14 : memref<32x128xf32, #tpu.memory_space<vmem>>) dst(%dma_wait3A_163 : memref<32x128xf32, #tpu.memory_space<vmem_shared>>)
        tpu.yield
      }) : () -> ()
      %add3A_144 = arith.constant 224 : i32
      %add3A_145 = arith.addi %mul3A_16, %add3A_144 : i32
      "tpu.region"() ({
        %run_scoped3A = tpu.sem_alloc : memref<!tpu.dma_semaphore, #tpu.memory_space<semaphore_mem>>
        %dma_start3A_156 = arith.constant 0 : i32
        %dma_start3A_157 = tpu.memref_slice %arg19[%add3A_145, %dma_start3A_156] : memref<10000x128xf32, #tpu.memory_space<vmem_shared>> -> memref<32x128xf32, #tpu.memory_space<vmem_shared>>
        %dma_start3A_158 = arith.constant 0 : i32
        %dma_start3A_159 = tpu.memref_slice %arg19[%add3A_145, %dma_start3A_158] : memref<10000x128xf32, #tpu.memory_space<vmem_shared>> -> memref<32x128xf32, #tpu.memory_space<vmem_shared>>
        tpu.enqueue_dma source(%arg14 : memref<32x128xf32, #tpu.memory_space<vmem>>) target(%dma_start3A_159 : memref<32x128xf32, #tpu.memory_space<vmem_shared>>) target_semaphore(%run_scoped3A : memref<!tpu.dma_semaphore, #tpu.memory_space<semaphore_mem>>)
        %dma_wait3A_160 = arith.constant 0 : i32
        %dma_wait3A_161 = tpu.memref_slice %arg19[%add3A_145, %dma_wait3A_160] : memref<10000x128xf32, #tpu.memory_space<vmem_shared>> -> memref<32x128xf32, #tpu.memory_space<vmem_shared>>
        %dma_wait3A_162 = arith.constant 0 : i32
        %dma_wait3A_163 = tpu.memref_slice %arg19[%add3A_145, %dma_wait3A_162] : memref<10000x128xf32, #tpu.memory_space<vmem_shared>> -> memref<32x128xf32, #tpu.memory_space<vmem_shared>>
        tpu.wait_dma2 semaphore(%run_scoped3A : memref<!tpu.dma_semaphore, #tpu.memory_space<semaphore_mem>>) src(%arg14 : memref<32x128xf32, #tpu.memory_space<vmem>>) dst(%dma_wait3A_163 : memref<32x128xf32, #tpu.memory_space<vmem_shared>>)
        tpu.yield
      }) : () -> ()
      %add3A_146 = arith.constant 256 : i32
      %add3A_147 = arith.addi %mul3A_16, %add3A_146 : i32
      "tpu.region"() ({
        %run_scoped3A = tpu.sem_alloc : memref<!tpu.dma_semaphore, #tpu.memory_space<semaphore_mem>>
        %dma_start3A_156 = arith.constant 0 : i32
        %dma_start3A_157 = tpu.memref_slice %arg19[%add3A_147, %dma_start3A_156] : memref<10000x128xf32, #tpu.memory_space<vmem_shared>> -> memref<32x128xf32, #tpu.memory_space<vmem_shared>>
        %dma_start3A_158 = arith.constant 0 : i32
        %dma_start3A_159 = tpu.memref_slice %arg19[%add3A_147, %dma_start3A_158] : memref<10000x128xf32, #tpu.memory_space<vmem_shared>> -> memref<32x128xf32, #tpu.memory_space<vmem_shared>>
        tpu.enqueue_dma source(%arg14 : memref<32x128xf32, #tpu.memory_space<vmem>>) target(%dma_start3A_159 : memref<32x128xf32, #tpu.memory_space<vmem_shared>>) target_semaphore(%run_scoped3A : memref<!tpu.dma_semaphore, #tpu.memory_space<semaphore_mem>>)
        %dma_wait3A_160 = arith.constant 0 : i32
        %dma_wait3A_161 = tpu.memref_slice %arg19[%add3A_147, %dma_wait3A_160] : memref<10000x128xf32, #tpu.memory_space<vmem_shared>> -> memref<32x128xf32, #tpu.memory_space<vmem_shared>>
        %dma_wait3A_162 = arith.constant 0 : i32
        %dma_wait3A_163 = tpu.memref_slice %arg19[%add3A_147, %dma_wait3A_162] : memref<10000x128xf32, #tpu.memory_space<vmem_shared>> -> memref<32x128xf32, #tpu.memory_space<vmem_shared>>
        tpu.wait_dma2 semaphore(%run_scoped3A : memref<!tpu.dma_semaphore, #tpu.memory_space<semaphore_mem>>) src(%arg14 : memref<32x128xf32, #tpu.memory_space<vmem>>) dst(%dma_wait3A_163 : memref<32x128xf32, #tpu.memory_space<vmem_shared>>)
        tpu.yield
      }) : () -> ()
      %add3A_148 = arith.constant 288 : i32
      %add3A_149 = arith.addi %mul3A_16, %add3A_148 : i32
      "tpu.region"() ({
        %run_scoped3A = tpu.sem_alloc : memref<!tpu.dma_semaphore, #tpu.memory_space<semaphore_mem>>
        %dma_start3A_156 = arith.constant 0 : i32
        %dma_start3A_157 = tpu.memref_slice %arg19[%add3A_149, %dma_start3A_156] : memref<10000x128xf32, #tpu.memory_space<vmem_shared>> -> memref<32x128xf32, #tpu.memory_space<vmem_shared>>
        %dma_start3A_158 = arith.constant 0 : i32
        %dma_start3A_159 = tpu.memref_slice %arg19[%add3A_149, %dma_start3A_158] : memref<10000x128xf32, #tpu.memory_space<vmem_shared>> -> memref<32x128xf32, #tpu.memory_space<vmem_shared>>
        tpu.enqueue_dma source(%arg14 : memref<32x128xf32, #tpu.memory_space<vmem>>) target(%dma_start3A_159 : memref<32x128xf32, #tpu.memory_space<vmem_shared>>) target_semaphore(%run_scoped3A : memref<!tpu.dma_semaphore, #tpu.memory_space<semaphore_mem>>)
        %dma_wait3A_160 = arith.constant 0 : i32
        %dma_wait3A_161 = tpu.memref_slice %arg19[%add3A_149, %dma_wait3A_160] : memref<10000x128xf32, #tpu.memory_space<vmem_shared>> -> memref<32x128xf32, #tpu.memory_space<vmem_shared>>
        %dma_wait3A_162 = arith.constant 0 : i32
        %dma_wait3A_163 = tpu.memref_slice %arg19[%add3A_149, %dma_wait3A_162] : memref<10000x128xf32, #tpu.memory_space<vmem_shared>> -> memref<32x128xf32, #tpu.memory_space<vmem_shared>>
        tpu.wait_dma2 semaphore(%run_scoped3A : memref<!tpu.dma_semaphore, #tpu.memory_space<semaphore_mem>>) src(%arg14 : memref<32x128xf32, #tpu.memory_space<vmem>>) dst(%dma_wait3A_163 : memref<32x128xf32, #tpu.memory_space<vmem_shared>>)
        tpu.yield
      }) : () -> ()
      %add3A_150 = arith.constant 320 : i32
      %add3A_151 = arith.addi %mul3A_16, %add3A_150 : i32
      "tpu.region"() ({
        %run_scoped3A = tpu.sem_alloc : memref<!tpu.dma_semaphore, #tpu.memory_space<semaphore_mem>>
        %dma_start3A_156 = arith.constant 0 : i32
        %dma_start3A_157 = tpu.memref_slice %arg19[%add3A_151, %dma_start3A_156] : memref<10000x128xf32, #tpu.memory_space<vmem_shared>> -> memref<32x128xf32, #tpu.memory_space<vmem_shared>>
        %dma_start3A_158 = arith.constant 0 : i32
        %dma_start3A_159 = tpu.memref_slice %arg19[%add3A_151, %dma_start3A_158] : memref<10000x128xf32, #tpu.memory_space<vmem_shared>> -> memref<32x128xf32, #tpu.memory_space<vmem_shared>>
        tpu.enqueue_dma source(%arg14 : memref<32x128xf32, #tpu.memory_space<vmem>>) target(%dma_start3A_159 : memref<32x128xf32, #tpu.memory_space<vmem_shared>>) target_semaphore(%run_scoped3A : memref<!tpu.dma_semaphore, #tpu.memory_space<semaphore_mem>>)
        %dma_wait3A_160 = arith.constant 0 : i32
        %dma_wait3A_161 = tpu.memref_slice %arg19[%add3A_151, %dma_wait3A_160] : memref<10000x128xf32, #tpu.memory_space<vmem_shared>> -> memref<32x128xf32, #tpu.memory_space<vmem_shared>>
        %dma_wait3A_162 = arith.constant 0 : i32
        %dma_wait3A_163 = tpu.memref_slice %arg19[%add3A_151, %dma_wait3A_162] : memref<10000x128xf32, #tpu.memory_space<vmem_shared>> -> memref<32x128xf32, #tpu.memory_space<vmem_shared>>
        tpu.wait_dma2 semaphore(%run_scoped3A : memref<!tpu.dma_semaphore, #tpu.memory_space<semaphore_mem>>) src(%arg14 : memref<32x128xf32, #tpu.memory_space<vmem>>) dst(%dma_wait3A_163 : memref<32x128xf32, #tpu.memory_space<vmem_shared>>)
        tpu.yield
      }) : () -> ()
      %add3A_152 = arith.constant 352 : i32
      %add3A_153 = arith.addi %mul3A_16, %add3A_152 : i32
      "tpu.region"() ({
        %run_scoped3A = tpu.sem_alloc : memref<!tpu.dma_semaphore, #tpu.memory_space<semaphore_mem>>
        %dma_start3A_156 = arith.constant 0 : i32
        %dma_start3A_157 = tpu.memref_slice %arg19[%add3A_153, %dma_start3A_156] : memref<10000x128xf32, #tpu.memory_space<vmem_shared>> -> memref<32x128xf32, #tpu.memory_space<vmem_shared>>
        %dma_start3A_158 = arith.constant 0 : i32
        %dma_start3A_159 = tpu.memref_slice %arg19[%add3A_153, %dma_start3A_158] : memref<10000x128xf32, #tpu.memory_space<vmem_shared>> -> memref<32x128xf32, #tpu.memory_space<vmem_shared>>
        tpu.enqueue_dma source(%arg14 : memref<32x128xf32, #tpu.memory_space<vmem>>) target(%dma_start3A_159 : memref<32x128xf32, #tpu.memory_space<vmem_shared>>) target_semaphore(%run_scoped3A : memref<!tpu.dma_semaphore, #tpu.memory_space<semaphore_mem>>)
        %dma_wait3A_160 = arith.constant 0 : i32
        %dma_wait3A_161 = tpu.memref_slice %arg19[%add3A_153, %dma_wait3A_160] : memref<10000x128xf32, #tpu.memory_space<vmem_shared>> -> memref<32x128xf32, #tpu.memory_space<vmem_shared>>
        %dma_wait3A_162 = arith.constant 0 : i32
        %dma_wait3A_163 = tpu.memref_slice %arg19[%add3A_153, %dma_wait3A_162] : memref<10000x128xf32, #tpu.memory_space<vmem_shared>> -> memref<32x128xf32, #tpu.memory_space<vmem_shared>>
        tpu.wait_dma2 semaphore(%run_scoped3A : memref<!tpu.dma_semaphore, #tpu.memory_space<semaphore_mem>>) src(%arg14 : memref<32x128xf32, #tpu.memory_space<vmem>>) dst(%dma_wait3A_163 : memref<32x128xf32, #tpu.memory_space<vmem_shared>>)
        tpu.yield
      }) : () -> ()
      %add3A_154 = arith.constant 384 : i32
      %add3A_155 = arith.addi %mul3A_16, %add3A_154 : i32
      "tpu.region"() ({
        %run_scoped3A = tpu.sem_alloc : memref<!tpu.dma_semaphore, #tpu.memory_space<semaphore_mem>>
        %dma_start3A_156 = arith.constant 0 : i32
        %dma_start3A_157 = arith.constant 0 : i32
        %dma_start3A_158 = tpu.memref_slice %arg14[%dma_start3A_156, %dma_start3A_157] : memref<32x128xf32, #tpu.memory_space<vmem>> -> memref<16x128xf32, #tpu.memory_space<vmem>>
        %dma_start3A_159 = arith.constant 0 : i32
        %dma_start3A_160 = tpu.memref_slice %arg19[%add3A_155, %dma_start3A_159] : memref<10000x128xf32, #tpu.memory_space<vmem_shared>> -> memref<16x128xf32, #tpu.memory_space<vmem_shared>>
        %dma_start3A_161 = arith.constant 0 : i32
        %dma_start3A_162 = tpu.memref_slice %arg19[%add3A_155, %dma_start3A_161] : memref<10000x128xf32, #tpu.memory_space<vmem_shared>> -> memref<16x128xf32, #tpu.memory_space<vmem_shared>>
        %dma_start3A_163 = arith.constant 0 : i32
        %dma_start3A_164 = arith.constant 0 : i32
        %dma_start3A_165 = tpu.memref_slice %arg14[%dma_start3A_163, %dma_start3A_164] : memref<32x128xf32, #tpu.memory_space<vmem>> -> memref<16x128xf32, #tpu.memory_space<vmem>>
        tpu.enqueue_dma source(%dma_start3A_165 : memref<16x128xf32, #tpu.memory_space<vmem>>) target(%dma_start3A_162 : memref<16x128xf32, #tpu.memory_space<vmem_shared>>) target_semaphore(%run_scoped3A : memref<!tpu.dma_semaphore, #tpu.memory_space<semaphore_mem>>)
        %dma_wait3A_166 = arith.constant 0 : i32
        %dma_wait3A_167 = arith.constant 0 : i32
        %dma_wait3A_168 = tpu.memref_slice %arg14[%dma_wait3A_166, %dma_wait3A_167] : memref<32x128xf32, #tpu.memory_space<vmem>> -> memref<16x128xf32, #tpu.memory_space<vmem>>
        %dma_wait3A_169 = arith.constant 0 : i32
        %dma_wait3A_170 = tpu.memref_slice %arg19[%add3A_155, %dma_wait3A_169] : memref<10000x128xf32, #tpu.memory_space<vmem_shared>> -> memref<16x128xf32, #tpu.memory_space<vmem_shared>>
        %dma_wait3A_171 = arith.constant 0 : i32
        %dma_wait3A_172 = tpu.memref_slice %arg19[%add3A_155, %dma_wait3A_171] : memref<10000x128xf32, #tpu.memory_space<vmem_shared>> -> memref<16x128xf32, #tpu.memory_space<vmem_shared>>
        %dma_wait3A_173 = arith.constant 0 : i32
        %dma_wait3A_174 = arith.constant 0 : i32
        %dma_wait3A_175 = tpu.memref_slice %arg14[%dma_wait3A_173, %dma_wait3A_174] : memref<32x128xf32, #tpu.memory_space<vmem>> -> memref<16x128xf32, #tpu.memory_space<vmem>>
        tpu.wait_dma2 semaphore(%run_scoped3A : memref<!tpu.dma_semaphore, #tpu.memory_space<semaphore_mem>>) src(%dma_wait3A_175 : memref<16x128xf32, #tpu.memory_space<vmem>>) dst(%dma_wait3A_172 : memref<16x128xf32, #tpu.memory_space<vmem_shared>>)
        tpu.yield
      }) : () -> ()
    } else {
    }
    %lt3A_23 = arith.constant 10 : i32
    %lt3A_24 = arith.cmpi slt, %arg1, %lt3A_23 : i32
    %convert_element_type3A_25 = arith.extui %lt3A_24 : i1 to i32
    %cond3A_26 = arith.constant 0 : i32
    %cond3A_27 = arith.cmpi ne, %convert_element_type3A_25, %cond3A_26 : i32
    scf.if %cond3A_27 {
      %mul3A_130 = arith.constant 8 : i32
      %mul3A_131 = arith.muli %arg1, %mul3A_130 : i32
      "tpu.region"() ({
        %run_scoped3A = tpu.sem_alloc : memref<!tpu.dma_semaphore, #tpu.memory_space<semaphore_mem>>
        %dma_start3A_132 = arith.constant 0 : i32
        %dma_start3A_133 = arith.constant 0 : i32
        %dma_start3A_134 = tpu.memref_slice %arg11[%dma_start3A_132, %dma_start3A_133] : memref<80x128xf32, #tpu.memory_space<vmem>> -> memref<8x128xf32, #tpu.memory_space<vmem>>
        %dma_start3A_135 = arith.constant 0 : i32
        %dma_start3A_136 = tpu.memref_slice %arg20[%mul3A_131, %dma_start3A_135] : memref<80x128xf32, #tpu.memory_space<vmem_shared>> -> memref<8x128xf32, #tpu.memory_space<vmem_shared>>
        %dma_start3A_137 = arith.constant 0 : i32
        %dma_start3A_138 = tpu.memref_slice %arg20[%mul3A_131, %dma_start3A_137] : memref<80x128xf32, #tpu.memory_space<vmem_shared>> -> memref<8x128xf32, #tpu.memory_space<vmem_shared>>
        %dma_start3A_139 = arith.constant 0 : i32
        %dma_start3A_140 = arith.constant 0 : i32
        %dma_start3A_141 = tpu.memref_slice %arg11[%dma_start3A_139, %dma_start3A_140] : memref<80x128xf32, #tpu.memory_space<vmem>> -> memref<8x128xf32, #tpu.memory_space<vmem>>
        tpu.enqueue_dma source(%dma_start3A_141 : memref<8x128xf32, #tpu.memory_space<vmem>>) target(%dma_start3A_138 : memref<8x128xf32, #tpu.memory_space<vmem_shared>>) target_semaphore(%run_scoped3A : memref<!tpu.dma_semaphore, #tpu.memory_space<semaphore_mem>>)
        %dma_wait3A_142 = arith.constant 0 : i32
        %dma_wait3A_143 = arith.constant 0 : i32
        %dma_wait3A_144 = tpu.memref_slice %arg11[%dma_wait3A_142, %dma_wait3A_143] : memref<80x128xf32, #tpu.memory_space<vmem>> -> memref<8x128xf32, #tpu.memory_space<vmem>>
        %dma_wait3A_145 = arith.constant 0 : i32
        %dma_wait3A_146 = tpu.memref_slice %arg20[%mul3A_131, %dma_wait3A_145] : memref<80x128xf32, #tpu.memory_space<vmem_shared>> -> memref<8x128xf32, #tpu.memory_space<vmem_shared>>
        %dma_wait3A_147 = arith.constant 0 : i32
        %dma_wait3A_148 = tpu.memref_slice %arg20[%mul3A_131, %dma_wait3A_147] : memref<80x128xf32, #tpu.memory_space<vmem_shared>> -> memref<8x128xf32, #tpu.memory_space<vmem_shared>>
        %dma_wait3A_149 = arith.constant 0 : i32
        %dma_wait3A_150 = arith.constant 0 : i32
        %dma_wait3A_151 = tpu.memref_slice %arg11[%dma_wait3A_149, %dma_wait3A_150] : memref<80x128xf32, #tpu.memory_space<vmem>> -> memref<8x128xf32, #tpu.memory_space<vmem>>
        tpu.wait_dma2 semaphore(%run_scoped3A : memref<!tpu.dma_semaphore, #tpu.memory_space<semaphore_mem>>) src(%dma_wait3A_151 : memref<8x128xf32, #tpu.memory_space<vmem>>) dst(%dma_wait3A_148 : memref<8x128xf32, #tpu.memory_space<vmem_shared>>)
        tpu.yield
      }) : () -> ()
    } else {
    }
    %barrier3A = arith.constant 0 : index
    tpu.barrier barrier_id(%barrier3A)
    %mul3A_28 = arith.constant 10240 : i32
    %mul3A_29 = arith.muli %add3A, %mul3A_28 : i32
    %sub3A = arith.constant 320000 : i32
    %sub3A_30 = arith.subi %sub3A, %mul3A_29 : i32
    %max3A = arith.constant 0 : i32
    %max3A_31 = arith.maxsi %sub3A_30, %max3A : i32
    %min3A = arith.constant 10240 : i32
    %min3A_32 = arith.minsi %max3A_31, %min3A : i32
    %mul3A_33 = arith.constant 10240 : i32
    %mul3A_34 = arith.muli %add3A, %mul3A_33 : i32
    %mul3A_35 = arith.constant 0 : i32
    %mul3A_36 = arith.constant 8 : i32
    %mul3A_37 = arith.muli %mul3A_35, %mul3A_36 : i32
    %mul3A_38 = arith.constant 32 : i32
    %mul3A_39 = arith.muli %mul3A_37, %mul3A_38 : i32
    %add3A_40 = arith.addi %mul3A_34, %mul3A_39 : i32
    %dma_start3A = arith.constant 0 : i32
    %dma_start3A_41 = tpu.memref_slice %arg12[%dma_start3A] : memref<512xi32, #tpu.memory_space<vmem>> -> memref<256xi32, #tpu.memory_space<vmem>>
    %dma_start3A_42 = tpu.memref_slice %arg4[%add3A_40] : memref<327680xi32, #tpu.memory_space<hbm>> -> memref<256xi32, #tpu.memory_space<hbm>>
    %dma_start3A_43 = arith.constant 0 : i32
    %dma_start3A_44 = tpu.memref_slice %arg12[%dma_start3A_43] : memref<512xi32, #tpu.memory_space<vmem>> -> memref<256xi32, #tpu.memory_space<vmem>>
    %dma_start3A_45 = tpu.memref_slice %arg4[%add3A_40] : memref<327680xi32, #tpu.memory_space<hbm>> -> memref<256xi32, #tpu.memory_space<hbm>>
    tpu.enqueue_dma source(%dma_start3A_45 : memref<256xi32, #tpu.memory_space<hbm>>) target(%dma_start3A_44 : memref<256xi32, #tpu.memory_space<vmem>>) target_semaphore(%arg29 : memref<!tpu.dma_semaphore, #tpu.memory_space<semaphore_mem>>)
    %mul3A_46 = arith.constant 320 : i32
    %mul3A_47 = arith.muli %add3A, %mul3A_46 : i32
    %mul3A_48 = arith.constant 0 : i32
    %mul3A_49 = arith.constant 8 : i32
    %mul3A_50 = arith.muli %mul3A_48, %mul3A_49 : i32
    %add3A_51 = arith.addi %mul3A_47, %mul3A_50 : i32
    %dma_start3A_52 = arith.constant 0 : i32
    %dma_start3A_53 = arith.constant 0 : i32
    %dma_start3A_54 = tpu.memref_slice %arg13[%dma_start3A_52, %dma_start3A_53] : memref<16x32xi32, #tpu.memory_space<vmem>> -> memref<8x32xi32, #tpu.memory_space<vmem>>
    %dma_start3A_55 = arith.constant 0 : i32
    %dma_start3A_56 = tpu.memref_slice %arg5[%add3A_51, %dma_start3A_55] : memref<10240x32xi32, #tpu.memory_space<hbm>> -> memref<8x32xi32, #tpu.memory_space<hbm>>
    %dma_start3A_57 = arith.constant 0 : i32
    %dma_start3A_58 = arith.constant 0 : i32
    %dma_start3A_59 = tpu.memref_slice %arg13[%dma_start3A_57, %dma_start3A_58] : memref<16x32xi32, #tpu.memory_space<vmem>> -> memref<8x32xi32, #tpu.memory_space<vmem>>
    %dma_start3A_60 = arith.constant 0 : i32
    %dma_start3A_61 = tpu.memref_slice %arg5[%add3A_51, %dma_start3A_60] : memref<10240x32xi32, #tpu.memory_space<hbm>> -> memref<8x32xi32, #tpu.memory_space<hbm>>
    tpu.enqueue_dma source(%dma_start3A_61 : memref<8x32xi32, #tpu.memory_space<hbm>>) target(%dma_start3A_59 : memref<8x32xi32, #tpu.memory_space<vmem>>) target_semaphore(%arg29 : memref<!tpu.dma_semaphore, #tpu.memory_space<semaphore_mem>>)
    %dma_wait3A = arith.constant 0 : i32
    %dma_wait3A_62 = tpu.memref_slice %arg12[%dma_wait3A] : memref<512xi32, #tpu.memory_space<vmem>> -> memref<256xi32, #tpu.memory_space<vmem>>
    %dma_wait3A_63 = arith.constant 0 : i32
    %dma_wait3A_64 = tpu.memref_slice %arg4[%dma_wait3A_63] : memref<327680xi32, #tpu.memory_space<hbm>> -> memref<256xi32, #tpu.memory_space<hbm>>
    %dma_wait3A_65 = arith.constant 0 : i32
    %dma_wait3A_66 = tpu.memref_slice %arg12[%dma_wait3A_65] : memref<512xi32, #tpu.memory_space<vmem>> -> memref<256xi32, #tpu.memory_space<vmem>>
    %dma_wait3A_67 = arith.constant 0 : i32
    %dma_wait3A_68 = tpu.memref_slice %arg4[%dma_wait3A_67] : memref<327680xi32, #tpu.memory_space<hbm>> -> memref<256xi32, #tpu.memory_space<hbm>>
    tpu.wait_dma2 semaphore(%arg29 : memref<!tpu.dma_semaphore, #tpu.memory_space<semaphore_mem>>) src(%dma_wait3A_68 : memref<256xi32, #tpu.memory_space<hbm>>) dst(%dma_wait3A_66 : memref<256xi32, #tpu.memory_space<vmem>>)
    %dma_wait3A_69 = arith.constant 0 : i32
    %dma_wait3A_70 = arith.constant 0 : i32
    %dma_wait3A_71 = tpu.memref_slice %arg13[%dma_wait3A_69, %dma_wait3A_70] : memref<16x32xi32, #tpu.memory_space<vmem>> -> memref<8x32xi32, #tpu.memory_space<vmem>>
    %dma_wait3A_72 = arith.constant 0 : i32
    %dma_wait3A_73 = arith.constant 0 : i32
    %dma_wait3A_74 = tpu.memref_slice %arg5[%dma_wait3A_72, %dma_wait3A_73] : memref<10240x32xi32, #tpu.memory_space<hbm>> -> memref<8x32xi32, #tpu.memory_space<hbm>>
    %dma_wait3A_75 = arith.constant 0 : i32
    %dma_wait3A_76 = arith.constant 0 : i32
    %dma_wait3A_77 = tpu.memref_slice %arg13[%dma_wait3A_75, %dma_wait3A_76] : memref<16x32xi32, #tpu.memory_space<vmem>> -> memref<8x32xi32, #tpu.memory_space<vmem>>
    %dma_wait3A_78 = arith.constant 0 : i32
    %dma_wait3A_79 = arith.constant 0 : i32
    %dma_wait3A_80 = tpu.memref_slice %arg5[%dma_wait3A_78, %dma_wait3A_79] : memref<10240x32xi32, #tpu.memory_space<hbm>> -> memref<8x32xi32, #tpu.memory_space<hbm>>
    tpu.wait_dma2 semaphore(%arg29 : memref<!tpu.dma_semaphore, #tpu.memory_space<semaphore_mem>>) src(%dma_wait3A_80 : memref<8x32xi32, #tpu.memory_space<hbm>>) dst(%dma_wait3A_77 : memref<8x32xi32, #tpu.memory_space<vmem>>)
    %dma_start3A_81 = arith.constant 0 : i32
    %dma_start3A_82 = tpu.memref_slice %arg12[%dma_start3A_81] : memref<512xi32, #tpu.memory_space<vmem>> -> memref<32xi32, #tpu.memory_space<vmem>>
    %dma_start3A_83 = arith.constant 0 : i32
    %dma_start3A_84 = arith.constant 0 : i32
    %dma_start3A_85 = tpu.memref_slice %arg6[%dma_start3A_83, %dma_start3A_84] : memref<10000x128xf32, #tpu.memory_space<hbm>> -> memref<10000x128xf32, #tpu.memory_space<hbm>>
    tpu.enqueue_indirect_dma source(%dma_start3A_85 : memref<10000x128xf32, #tpu.memory_space<hbm>>) target(%arg14 : memref<32x128xf32, #tpu.memory_space<vmem>>) offsets(%dma_start3A_82 : memref<32xi32, #tpu.memory_space<vmem>>) semaphore(%arg21 : memref<!tpu.dma_semaphore, #tpu.memory_space<semaphore_mem>>)
    %dma_start3A_86 = arith.constant 32 : i32
    %dma_start3A_87 = tpu.memref_slice %arg12[%dma_start3A_86] : memref<512xi32, #tpu.memory_space<vmem>> -> memref<32xi32, #tpu.memory_space<vmem>>
    %dma_start3A_88 = arith.constant 0 : i32
    %dma_start3A_89 = arith.constant 0 : i32
    %dma_start3A_90 = tpu.memref_slice %arg6[%dma_start3A_88, %dma_start3A_89] : memref<10000x128xf32, #tpu.memory_space<hbm>> -> memref<10000x128xf32, #tpu.memory_space<hbm>>
    tpu.enqueue_indirect_dma source(%dma_start3A_90 : memref<10000x128xf32, #tpu.memory_space<hbm>>) target(%arg15 : memref<32x128xf32, #tpu.memory_space<vmem>>) offsets(%dma_start3A_87 : memref<32xi32, #tpu.memory_space<vmem>>) semaphore(%arg22 : memref<!tpu.dma_semaphore, #tpu.memory_space<semaphore_mem>>)
    %scan3A_91 = arith.constant 0 : i32
    %scan3A_92 = arith.constant 0 : i32
    %scan3A_93 = arith.constant 20 : i32
    %scan3A_94 = arith.addi %scan3A_92, %scan3A_93 : i32
    %scan3A_95 = arith.constant 1 : i32
    %scan3A_96 = scf.for %scan3A_130 = %scan3A_92 to %scan3A_94 step %scan3A_95 iter_args(%scan3A_131 = %scan3A_91) -> (i32)  : i32 {
      %mul3A_132 = arith.constant 16 : i32
      %mul3A_133 = arith.muli %scan3A_130, %mul3A_132 : i32
      %add3A_134 = arith.constant 0 : i32
      %add3A_135 = arith.addi %mul3A_133, %add3A_134 : i32
      %dma_wait3A_136 = arith.constant 0 : i32
      %dma_wait3A_137 = tpu.memref_slice %arg12[%dma_wait3A_136] : memref<512xi32, #tpu.memory_space<vmem>> -> memref<32xi32, #tpu.memory_space<vmem>>
      %dma_wait3A_138 = arith.constant 0 : i32
      %dma_wait3A_139 = arith.constant 0 : i32
      %dma_wait3A_140 = tpu.memref_slice %arg6[%dma_wait3A_138, %dma_wait3A_139] : memref<10000x128xf32, #tpu.memory_space<hbm>> -> memref<10000x128xf32, #tpu.memory_space<hbm>>
      tpu.wait_indirect_dma semaphore(%arg21 : memref<!tpu.dma_semaphore, #tpu.memory_space<semaphore_mem>>) src(%dma_wait3A_140 : memref<10000x128xf32, #tpu.memory_space<hbm>>) dst(%arg14 : memref<32x128xf32, #tpu.memory_space<vmem>>)
      %add3A_141 = arith.constant 2 : i32
      %add3A_142 = arith.addi %add3A_135, %add3A_141 : i32
      %lt3A_143 = arith.constant 320 : i32
      %lt3A_144 = arith.cmpi slt, %add3A_142, %lt3A_143 : i32
      %convert_element_type3A_145 = arith.extui %lt3A_144 : i1 to i32
      %cond3A_146 = arith.constant 0 : i32
      %cond3A_147 = arith.cmpi ne, %convert_element_type3A_145, %cond3A_146 : i32
      scf.if %cond3A_147 {
        %ge3A_831 = arith.constant 2 : i32
        %ge3A_832 = arith.cmpi sge, %add3A_135, %ge3A_831 : i32
        %convert_element_type3A_833 = arith.extui %ge3A_832 : i1 to i32
        %cond3A_834 = arith.constant 0 : i32
        %cond3A_835 = arith.cmpi ne, %convert_element_type3A_833, %cond3A_834 : i32
        scf.if %cond3A_835 {
          %dma_wait3A_841 = arith.constant 0 : i32
          %dma_wait3A_842 = arith.constant 0 : i32
          %dma_wait3A_843 = tpu.memref_slice %arg13[%dma_wait3A_841, %dma_wait3A_842] : memref<16x32xi32, #tpu.memory_space<vmem>> -> memref<1x32xi32, #tpu.memory_space<vmem>>
          %dma_wait3A_844 = tpu.memref_squeeze %dma_wait3A_843 : memref<1x32xi32, #tpu.memory_space<vmem>> -> memref<32xi32, #tpu.memory_space<vmem>>
          %dma_wait3A_845 = arith.constant 0 : i32
          %dma_wait3A_846 = arith.constant 0 : i32
          %dma_wait3A_847 = tpu.memref_slice %arg19[%dma_wait3A_845, %dma_wait3A_846] : memref<10000x128xf32, #tpu.memory_space<vmem_shared>> -> memref<10000x128xf32, #tpu.memory_space<vmem_shared>>
          tpu.wait_indirect_dma semaphore(%arg27 : memref<!tpu.dma_semaphore, #tpu.memory_space<semaphore_mem>>) src(%arg16 : memref<32x128xf32, #tpu.memory_space<vmem>>) dst(%dma_wait3A_847 : memref<10000x128xf32, #tpu.memory_space<vmem_shared>>)
        } else {
        }
        %dma_start3A_836 = arith.constant 64 : i32
        %dma_start3A_837 = tpu.memref_slice %arg12[%dma_start3A_836] : memref<512xi32, #tpu.memory_space<vmem>> -> memref<32xi32, #tpu.memory_space<vmem>>
        %dma_start3A_838 = arith.constant 0 : i32
        %dma_start3A_839 = arith.constant 0 : i32
        %dma_start3A_840 = tpu.memref_slice %arg6[%dma_start3A_838, %dma_start3A_839] : memref<10000x128xf32, #tpu.memory_space<hbm>> -> memref<10000x128xf32, #tpu.memory_space<hbm>>
        tpu.enqueue_indirect_dma source(%dma_start3A_840 : memref<10000x128xf32, #tpu.memory_space<hbm>>) target(%arg16 : memref<32x128xf32, #tpu.memory_space<vmem>>) offsets(%dma_start3A_837 : memref<32xi32, #tpu.memory_space<vmem>>) semaphore(%arg23 : memref<!tpu.dma_semaphore, #tpu.memory_space<semaphore_mem>>)
      } else {
      }
      %scan3A_148 = arith.constant 0 : i32
      %scan3A_149 = arith.constant 0 : i32
      %scan3A_150 = arith.constant 2 : i32
      %scan3A_151 = arith.addi %scan3A_149, %scan3A_150 : i32
      %scan3A_152 = arith.constant 1 : i32
      %scan3A_153 = scf.for %scan3A_831 = %scan3A_149 to %scan3A_151 step %scan3A_152 iter_args(%scan3A_832 = %scan3A_148) -> (i32)  : i32 {
        %mul3A_833 = arith.constant 16 : i32
        %mul3A_834 = arith.muli %scan3A_831, %mul3A_833 : i32
        %add3A_835 = arith.constant 0 : i32
        %add3A_836 = arith.addi %add3A_835, %mul3A_834 : i32
        %get3A = arith.index_cast %add3A_836 : i32 to index
        %get3A_837 = tpu.vector_load %arg12[%get3A] {strides = array<i32>} : memref<512xi32, #tpu.memory_space<vmem>>, vector<16xi32>,
        %mul3A_838 = arith.constant 16 : i32
        %mul3A_839 = arith.muli %scan3A_831, %mul3A_838 : i32
        %get3A_840 = arith.constant 0 : i32
        %get3A_841 = arith.index_cast %get3A_840 : i32 to index
        %get3A_842 = arith.index_cast %mul3A_839 : i32 to index
        %get3A_843 = tpu.vector_load %arg13[%get3A_841, %get3A_842] {strides = array<i32>} : memref<16x32xi32, #tpu.memory_space<vmem>>, vector<16xi32>,
        %gather3A = tpu.vector_load_idx %arg9[%get3A_837] : memref<10000xf32, #tpu.memory_space<vmem>>[vector<16xi32>], vector<16xf32>,
        %gather3A_844 = tpu.vector_load_idx %arg10[%get3A_843] : memref<10000xf32, #tpu.memory_space<vmem>>[vector<16xi32>], vector<16xf32>,
        %add3A_845 = arith.addf %gather3A, %gather3A_844 : vector<16xf32>
        %gt3A = arith.constant 0.000000e+00 : f32
        %gt3A_846 = vector.broadcast %gt3A : f32 to vector<16xf32>
        %gt3A_847 = arith.cmpf ogt, %add3A_845, %gt3A_846 : vector<16xf32>
        %mul3A_848 = arith.constant 0.00999999977 : f32
        %mul3A_849 = vector.broadcast %mul3A_848 : f32 to vector<16xf32>
        %mul3A_850 = arith.mulf %mul3A_849, %add3A_845 : vector<16xf32>
        %select_n3A_851 = arith.select %gt3A_847, %add3A_845, %mul3A_850 : vector<16xi1>, vector<16xf32>
        %exp3A = math.exp %select_n3A_851 : vector<16xf32>
        %mul3A_852 = arith.constant 32 : i32
        %mul3A_853 = arith.muli %add3A_135, %mul3A_852 : i32
        %mul3A_854 = arith.constant 16 : i32
        %mul3A_855 = arith.muli %scan3A_831, %mul3A_854 : i32
        %add3A_856 = arith.addi %mul3A_853, %mul3A_855 : i32
        %add3A_857 = vector.broadcast %add3A_856 : i32 to vector<16xi32>
        %add3A_858 = arith.addi %add3A_857, %iota3A : vector<16xi32>
        %lt3A_859 = vector.broadcast %min3A_32 : i32 to vector<16xi32>
        %lt3A_860 = arith.cmpi slt, %add3A_858, %lt3A_859 : vector<16xi32>
        %jit3A_861 = arith.constant 0.000000e+00 : f32
        %broadcast_in_dim3A_862 = vector.broadcast %jit3A_861 : f32 to vector<16xf32>
        %select_n3A_863 = arith.select %lt3A_860, %exp3A, %broadcast_in_dim3A_862 : vector<16xi1>, vector<16xf32>
        %mul3A_864 = arith.constant 16 : i32
        %mul3A_865 = arith.muli %scan3A_831, %mul3A_864 : i32
        %add3A_866 = vector.broadcast %mul3A_865 : i32 to vector<16xi32>
        %add3A_867 = arith.addi %add3A_866, %iota3A : vector<16xi32>
        tpu.vector_store_idx %arg18[%add3A_867], %select_n3A_863 : memref<32xf32, #tpu.memory_space<vmem>>[vector<16xi32>], vector<16xf32>,
        %shift_right_arithmetic3A = arith.constant 7 : i32
        %shift_right_arithmetic3A_868 = vector.broadcast %shift_right_arithmetic3A : i32 to vector<16xi32>
        %shift_right_arithmetic3A_869 = arith.shrsi %get3A_843, %shift_right_arithmetic3A_868 : vector<16xi32>
        %and3A_870 = arith.constant 127 : i32
        %and3A_871 = vector.broadcast %and3A_870 : i32 to vector<16xi32>
        %and3A_872 = arith.andi %get3A_843, %and3A_871 : vector<16xi32>
        tpu.vector_store_idx %arg11[%shift_right_arithmetic3A_869, %and3A_872], %select_n3A_863 {add = true} : memref<80x128xf32, #tpu.memory_space<vmem>>[vector<16xi32>, vector<16xi32>], vector<16xf32>,
        %scan3A_873 = arith.constant 0 : i32
        scf.yield %scan3A_873 : i32
      }
      %scan3A_154 = arith.constant 2 : i32
      %scan3A_155 = arith.constant 0 : i32
      %scan3A_156 = arith.constant 0 : i32
      %scan3A_157 = arith.constant 32 : i32
      %scan3A_158 = arith.addi %scan3A_156, %scan3A_157 : i32
      %scan3A_159 = arith.constant 1 : i32
      %scan3A_160 = scf.for %scan3A_831 = %scan3A_156 to %scan3A_158 step %scan3A_159 iter_args(%scan3A_832 = %scan3A_155) -> (i32)  : i32 {
        %broadcast_in_dim3A_833 = vector.broadcast %scan3A_831 : i32 to vector<16xi32>
        %gather3A = tpu.vector_load_idx %arg18[%broadcast_in_dim3A_833] : memref<32xf32, #tpu.memory_space<vmem>>[vector<16xi32>], vector<16xf32>,
        %get3A = arith.index_cast %scan3A_831 : i32 to index
        %get3A_834 = arith.constant 0 : index
        %get3A_835 = tpu.vector_load %arg14[%get3A, %get3A_834] {strides = array<i32>} : memref<32x128xf32, #tpu.memory_space<vmem>>, vector<16xf32>,
        %mul3A_836 = arith.mulf %get3A_835, %gather3A : vector<16xf32>
        %swap3A = arith.index_cast %scan3A_831 : i32 to index
        %swap3A_837 = arith.constant 0 : index
        %swap3A_838 = tpu.vector_load %arg14[%swap3A, %swap3A_837] {strides = array<i32>} : memref<32x128xf32, #tpu.memory_space<vmem>>, vector<16xf32>,
        tpu.vector_store %arg14[%swap3A, %swap3A_837], %mul3A_836 {strides = array<i32>} : memref<32x128xf32, #tpu.memory_space<vmem>>, vector<16xf32>,
        %get3A_839 = arith.index_cast %scan3A_831 : i32 to index
        %get3A_840 = arith.constant 16 : index
        %get3A_841 = tpu.vector_load %arg14[%get3A_839, %get3A_840] {strides = array<i32>} : memref<32x128xf32, #tpu.memory_space<vmem>>, vector<16xf32>,
        %mul3A_842 = arith.mulf %get3A_841, %gather3A : vector<16xf32>
        %swap3A_843 = arith.index_cast %scan3A_831 : i32 to index
        %swap3A_844 = arith.constant 16 : index
        %swap3A_845 = tpu.vector_load %arg14[%swap3A_843, %swap3A_844] {strides = array<i32>} : memref<32x128xf32, #tpu.memory_space<vmem>>, vector<16xf32>,
        tpu.vector_store %arg14[%swap3A_843, %swap3A_844], %mul3A_842 {strides = array<i32>} : memref<32x128xf32, #tpu.memory_space<vmem>>, vector<16xf32>,
        %get3A_846 = arith.index_cast %scan3A_831 : i32 to index
        %get3A_847 = arith.constant 32 : index
        %get3A_848 = tpu.vector_load %arg14[%get3A_846, %get3A_847] {strides = array<i32>} : memref<32x128xf32, #tpu.memory_space<vmem>>, vector<16xf32>,
        %mul3A_849 = arith.mulf %get3A_848, %gather3A : vector<16xf32>
        %swap3A_850 = arith.index_cast %scan3A_831 : i32 to index
        %swap3A_851 = arith.constant 32 : index
        %swap3A_852 = tpu.vector_load %arg14[%swap3A_850, %swap3A_851] {strides = array<i32>} : memref<32x128xf32, #tpu.memory_space<vmem>>, vector<16xf32>,
        tpu.vector_store %arg14[%swap3A_850, %swap3A_851], %mul3A_849 {strides = array<i32>} : memref<32x128xf32, #tpu.memory_space<vmem>>, vector<16xf32>,
        %get3A_853 = arith.index_cast %scan3A_831 : i32 to index
        %get3A_854 = arith.constant 48 : index
        %get3A_855 = tpu.vector_load %arg14[%get3A_853, %get3A_854] {strides = array<i32>} : memref<32x128xf32, #tpu.memory_space<vmem>>, vector<16xf32>,
        %mul3A_856 = arith.mulf %get3A_855, %gather3A : vector<16xf32>
        %swap3A_857 = arith.index_cast %scan3A_831 : i32 to index
        %swap3A_858 = arith.constant 48 : index
        %swap3A_859 = tpu.vector_load %arg14[%swap3A_857, %swap3A_858] {strides = array<i32>} : memref<32x128xf32, #tpu.memory_space<vmem>>, vector<16xf32>,
        tpu.vector_store %arg14[%swap3A_857, %swap3A_858], %mul3A_856 {strides = array<i32>} : memref<32x128xf32, #tpu.memory_space<vmem>>, vector<16xf32>,
        %get3A_860 = arith.index_cast %scan3A_831 : i32 to index
        %get3A_861 = arith.constant 64 : index
        %get3A_862 = tpu.vector_load %arg14[%get3A_860, %get3A_861] {strides = array<i32>} : memref<32x128xf32, #tpu.memory_space<vmem>>, vector<16xf32>,
        %mul3A_863 = arith.mulf %get3A_862, %gather3A : vector<16xf32>
        %swap3A_864 = arith.index_cast %scan3A_831 : i32 to index
        %swap3A_865 = arith.constant 64 : index
        %swap3A_866 = tpu.vector_load %arg14[%swap3A_864, %swap3A_865] {strides = array<i32>} : memref<32x128xf32, #tpu.memory_space<vmem>>, vector<16xf32>,
        tpu.vector_store %arg14[%swap3A_864, %swap3A_865], %mul3A_863 {strides = array<i32>} : memref<32x128xf32, #tpu.memory_space<vmem>>, vector<16xf32>,
        %get3A_867 = arith.index_cast %scan3A_831 : i32 to index
        %get3A_868 = arith.constant 80 : index
        %get3A_869 = tpu.vector_load %arg14[%get3A_867, %get3A_868] {strides = array<i32>} : memref<32x128xf32, #tpu.memory_space<vmem>>, vector<16xf32>,
        %mul3A_870 = arith.mulf %get3A_869, %gather3A : vector<16xf32>
        %swap3A_871 = arith.index_cast %scan3A_831 : i32 to index
        %swap3A_872 = arith.constant 80 : index
        %swap3A_873 = tpu.vector_load %arg14[%swap3A_871, %swap3A_872] {strides = array<i32>} : memref<32x128xf32, #tpu.memory_space<vmem>>, vector<16xf32>,
        tpu.vector_store %arg14[%swap3A_871, %swap3A_872], %mul3A_870 {strides = array<i32>} : memref<32x128xf32, #tpu.memory_space<vmem>>, vector<16xf32>,
        %get3A_874 = arith.index_cast %scan3A_831 : i32 to index
        %get3A_875 = arith.constant 96 : index
        %get3A_876 = tpu.vector_load %arg14[%get3A_874, %get3A_875] {strides = array<i32>} : memref<32x128xf32, #tpu.memory_space<vmem>>, vector<16xf32>,
        %mul3A_877 = arith.mulf %get3A_876, %gather3A : vector<16xf32>
        %swap3A_878 = arith.index_cast %scan3A_831 : i32 to index
        %swap3A_879 = arith.constant 96 : index
        %swap3A_880 = tpu.vector_load %arg14[%swap3A_878, %swap3A_879] {strides = array<i32>} : memref<32x128xf32, #tpu.memory_space<vmem>>, vector<16xf32>,
        tpu.vector_store %arg14[%swap3A_878, %swap3A_879], %mul3A_877 {strides = array<i32>} : memref<32x128xf32, #tpu.memory_space<vmem>>, vector<16xf32>,
        %get3A_881 = arith.index_cast %scan3A_831 : i32 to index
        %get3A_882 = arith.constant 112 : index
        %get3A_883 = tpu.vector_load %arg14[%get3A_881, %get3A_882] {strides = array<i32>} : memref<32x128xf32, #tpu.memory_space<vmem>>, vector<16xf32>,
        %mul3A_884 = arith.mulf %get3A_883, %gather3A : vector<16xf32>
        %swap3A_885 = arith.index_cast %scan3A_831 : i32 to index
        %swap3A_886 = arith.constant 112 : index
        %swap3A_887 = tpu.vector_load %arg14[%swap3A_885, %swap3A_886] {strides = array<i32>} : memref<32x128xf32, #tpu.memory_space<vmem>>, vector<16xf32>,
        tpu.vector_store %arg14[%swap3A_885, %swap3A_886], %mul3A_884 {strides = array<i32>} : memref<32x128xf32, #tpu.memory_space<vmem>>, vector<16xf32>,
        %scan3A_888 = arith.constant 0 : i32
        scf.yield %scan3A_888 : i32
      }
      %scan3A_161 = arith.constant 32 : i32
      %lt3A_162 = arith.constant 316 : i32
      %lt3A_163 = arith.cmpi slt, %add3A_135, %lt3A_162 : i32
      %convert_element_type3A_164 = arith.extui %lt3A_163 : i1 to i32
      %cond3A_165 = arith.constant 0 : i32
      %cond3A_166 = arith.cmpi ne, %convert_element_type3A_164, %cond3A_165 : i32
      scf.if %cond3A_166 {
        %dma_start3A_831 = arith.constant 0 : i32
        %dma_start3A_832 = arith.constant 0 : i32
        %dma_start3A_833 = tpu.memref_slice %arg13[%dma_start3A_831, %dma_start3A_832] : memref<16x32xi32, #tpu.memory_space<vmem>> -> memref<1x32xi32, #tpu.memory_space<vmem>>
        %dma_start3A_834 = tpu.memref_squeeze %dma_start3A_833 : memref<1x32xi32, #tpu.memory_space<vmem>> -> memref<32xi32, #tpu.memory_space<vmem>>
        %dma_start3A_835 = arith.constant 0 : i32
        %dma_start3A_836 = arith.constant 0 : i32
        %dma_start3A_837 = tpu.memref_slice %arg19[%dma_start3A_835, %dma_start3A_836] : memref<10000x128xf32, #tpu.memory_space<vmem_shared>> -> memref<10000x128xf32, #tpu.memory_space<vmem_shared>>
        tpu.enqueue_indirect_dma source(%arg14 : memref<32x128xf32, #tpu.memory_space<vmem>>) target(%dma_start3A_837 : memref<10000x128xf32, #tpu.memory_space<vmem_shared>>) offsets(%dma_start3A_834 : memref<32xi32, #tpu.memory_space<vmem>>) semaphore(%arg25 : memref<!tpu.dma_semaphore, #tpu.memory_space<semaphore_mem>>) {add = true}
      } else {
      }
      %ge3A = arith.constant 316 : i32
      %ge3A_167 = arith.cmpi sge, %add3A_135, %ge3A : i32
      %convert_element_type3A_168 = arith.extui %ge3A_167 : i1 to i32
      %cond3A_169 = arith.constant 0 : i32
      %cond3A_170 = arith.cmpi ne, %convert_element_type3A_168, %cond3A_169 : i32
      scf.if %cond3A_170 {
        %run_scoped3A = arith.constant 0 : i32
        "tpu.region"() ({
          %run_scoped3A_831 = tpu.sem_alloc : memref<!tpu.dma_semaphore, #tpu.memory_space<semaphore_mem>>
          %dma_start3A_832 = arith.constant 0 : i32
          %dma_start3A_833 = tpu.memref_slice %arg13[%run_scoped3A, %dma_start3A_832] : memref<16x32xi32, #tpu.memory_space<vmem>> -> memref<1x32xi32, #tpu.memory_space<vmem>>
          %dma_start3A_834 = tpu.memref_squeeze %dma_start3A_833 : memref<1x32xi32, #tpu.memory_space<vmem>> -> memref<32xi32, #tpu.memory_space<vmem>>
          %dma_start3A_835 = arith.constant 0 : i32
          %dma_start3A_836 = arith.constant 0 : i32
          %dma_start3A_837 = tpu.memref_slice %arg19[%dma_start3A_835, %dma_start3A_836] : memref<10000x128xf32, #tpu.memory_space<vmem_shared>> -> memref<10000x128xf32, #tpu.memory_space<vmem_shared>>
          tpu.enqueue_indirect_dma source(%arg14 : memref<32x128xf32, #tpu.memory_space<vmem>>) target(%dma_start3A_837 : memref<10000x128xf32, #tpu.memory_space<vmem_shared>>) offsets(%dma_start3A_834 : memref<32xi32, #tpu.memory_space<vmem>>) semaphore(%run_scoped3A_831 : memref<!tpu.dma_semaphore, #tpu.memory_space<semaphore_mem>>) {add = true}
          %dma_wait3A_838 = arith.constant 0 : i32
          %dma_wait3A_839 = tpu.memref_slice %arg13[%run_scoped3A, %dma_wait3A_838] : memref<16x32xi32, #tpu.memory_space<vmem>> -> memref<1x32xi32, #tpu.memory_space<vmem>>
          %dma_wait3A_840 = tpu.memref_squeeze %dma_wait3A_839 : memref<1x32xi32, #tpu.memory_space<vmem>> -> memref<32xi32, #tpu.memory_space<vmem>>
          %dma_wait3A_841 = arith.constant 0 : i32
          %dma_wait3A_842 = arith.constant 0 : i32
          %dma_wait3A_843 = tpu.memref_slice %arg19[%dma_wait3A_841, %dma_wait3A_842] : memref<10000x128xf32, #tpu.memory_space<vmem_shared>> -> memref<10000x128xf32, #tpu.memory_space<vmem_shared>>
          tpu.wait_indirect_dma semaphore(%run_scoped3A_831 : memref<!tpu.dma_semaphore, #tpu.memory_space<semaphore_mem>>) src(%arg14 : memref<32x128xf32, #tpu.memory_space<vmem>>) dst(%dma_wait3A_843 : memref<10000x128xf32, #tpu.memory_space<vmem_shared>>)
          tpu.yield
        }) : () -> ()
      } else {
      }
      %mul3A_171 = arith.constant 16 : i32
      %mul3A_172 = arith.muli %scan3A_130, %mul3A_171 : i32
      %add3A_173 = arith.constant 1 : i32
      %add3A_174 = arith.addi %mul3A_172, %add3A_173 : i32
      %dma_wait3A_175 = arith.constant 32 : i32
      %dma_wait3A_176 = tpu.memref_slice %arg12[%dma_wait3A_175] : memref<512xi32, #tpu.memory_space<vmem>> -> memref<32xi32, #tpu.memory_space<vmem>>
      %dma_wait3A_177 = arith.constant 0 : i32
      %dma_wait3A_178 = arith.constant 0 : i32
      %dma_wait3A_179 = tpu.memref_slice %arg6[%dma_wait3A_177, %dma_wait3A_178] : memref<10000x128xf32, #tpu.memory_space<hbm>> -> memref<10000x128xf32, #tpu.memory_space<hbm>>
      tpu.wait_indirect_dma semaphore(%arg22 : memref<!tpu.dma_semaphore, #tpu.memory_space<semaphore_mem>>) src(%dma_wait3A_179 : memref<10000x128xf32, #tpu.memory_space<hbm>>) dst(%arg15 : memref<32x128xf32, #tpu.memory_space<vmem>>)
      %add3A_180 = arith.constant 2 : i32
      %add3A_181 = arith.addi %add3A_174, %add3A_180 : i32
      %lt3A_182 = arith.constant 320 : i32
      %lt3A_183 = arith.cmpi slt, %add3A_181, %lt3A_182 : i32
      %convert_element_type3A_184 = arith.extui %lt3A_183 : i1 to i32
      %cond3A_185 = arith.constant 0 : i32
      %cond3A_186 = arith.cmpi ne, %convert_element_type3A_184, %cond3A_185 : i32
      scf.if %cond3A_186 {
        %ge3A_831 = arith.constant 2 : i32
        %ge3A_832 = arith.cmpi sge, %add3A_174, %ge3A_831 : i32
        %convert_element_type3A_833 = arith.extui %ge3A_832 : i1 to i32
        %cond3A_834 = arith.constant 0 : i32
        %cond3A_835 = arith.cmpi ne, %convert_element_type3A_833, %cond3A_834 : i32
        scf.if %cond3A_835 {
          %dma_wait3A_841 = arith.constant 0 : i32
          %dma_wait3A_842 = arith.constant 0 : i32
          %dma_wait3A_843 = tpu.memref_slice %arg13[%dma_wait3A_841, %dma_wait3A_842] : memref<16x32xi32, #tpu.memory_space<vmem>> -> memref<1x32xi32, #tpu.memory_space<vmem>>
          %dma_wait3A_844 = tpu.memref_squeeze %dma_wait3A_843 : memref<1x32xi32, #tpu.memory_space<vmem>> -> memref<32xi32, #tpu.memory_space<vmem>>
          %dma_wait3A_845 = arith.constant 0 : i32
          %dma_wait3A_846 = arith.constant 0 : i32
          %dma_wait3A_847 = tpu.memref_slice %arg19[%dma_wait3A_845, %dma_wait3A_846] : memref<10000x128xf32, #tpu.memory_space<vmem_shared>> -> memref<10000x128xf32, #tpu.memory_space<vmem_shared>>
          tpu.wait_indirect_dma semaphore(%arg28 : memref<!tpu.dma_semaphore, #tpu.memory_space<semaphore_mem>>) src(%arg17 : memref<32x128xf32, #tpu.memory_space<vmem>>) dst(%dma_wait3A_847 : memref<10000x128xf32, #tpu.memory_space<vmem_shared>>)
        } else {
        }
        %dma_start3A_836 = arith.constant 96 : i32
        %dma_start3A_837 = tpu.memref_slice %arg12[%dma_start3A_836] : memref<512xi32, #tpu.memory_space<vmem>> -> memref<32xi32, #tpu.memory_space<vmem>>
        %dma_start3A_838 = arith.constant 0 : i32
        %dma_start3A_839 = arith.constant 0 : i32
        %dma_start3A_840 = tpu.memref_slice %arg6[%dma_start3A_838, %dma_start3A_839] : memref<10000x128xf32, #tpu.memory_space<hbm>> -> memref<10000x128xf32, #tpu.memory_space<hbm>>
        tpu.enqueue_indirect_dma source(%dma_start3A_840 : memref<10000x128xf32, #tpu.memory_space<hbm>>) target(%arg17 : memref<32x128xf32, #tpu.memory_space<vmem>>) offsets(%dma_start3A_837 : memref<32xi32, #tpu.memory_space<vmem>>) semaphore(%arg24 : memref<!tpu.dma_semaphore, #tpu.memory_space<semaphore_mem>>)
      } else {
      }
      %scan3A_187 = arith.constant 0 : i32
      %scan3A_188 = arith.constant 0 : i32
      %scan3A_189 = arith.constant 2 : i32
      %scan3A_190 = arith.addi %scan3A_188, %scan3A_189 : i32
      %scan3A_191 = arith.constant 1 : i32
      %scan3A_192 = scf.for %scan3A_831 = %scan3A_188 to %scan3A_190 step %scan3A_191 iter_args(%scan3A_832 = %scan3A_187) -> (i32)  : i32 {
        %mul3A_833 = arith.constant 16 : i32
        %mul3A_834 = arith.muli %scan3A_831, %mul3A_833 : i32
        %add3A_835 = arith.constant 32 : i32
        %add3A_836 = arith.addi %add3A_835, %mul3A_834 : i32
        %get3A = arith.index_cast %add3A_836 : i32 to index
        %get3A_837 = tpu.vector_load %arg12[%get3A] {strides = array<i32>} : memref<512xi32, #tpu.memory_space<vmem>>, vector<16xi32>,
        %mul3A_838 = arith.constant 16 : i32
        %mul3A_839 = arith.muli %scan3A_831, %mul3A_838 : i32
        %get3A_840 = arith.constant 1 : i32
        %get3A_841 = arith.index_cast %get3A_840 : i32 to index
        %get3A_842 = arith.index_cast %mul3A_839 : i32 to index
        %get3A_843 = tpu.vector_load %arg13[%get3A_841, %get3A_842] {strides = array<i32>} : memref<16x32xi32, #tpu.memory_space<vmem>>, vector<16xi32>,
        %gather3A = tpu.vector_load_idx %arg9[%get3A_837] : memref<10000xf32, #tpu.memory_space<vmem>>[vector<16xi32>], vector<16xf32>,
        %gather3A_844 = tpu.vector_load_idx %arg10[%get3A_843] : memref<10000xf32, #tpu.memory_space<vmem>>[vector<16xi32>], vector<16xf32>,
        %add3A_845 = arith.addf %gather3A, %gather3A_844 : vector<16xf32>
        %gt3A = arith.constant 0.000000e+00 : f32
        %gt3A_846 = vector.broadcast %gt3A : f32 to vector<16xf32>
        %gt3A_847 = arith.cmpf ogt, %add3A_845, %gt3A_846 : vector<16xf32>
        %mul3A_848 = arith.constant 0.00999999977 : f32
        %mul3A_849 = vector.broadcast %mul3A_848 : f32 to vector<16xf32>
        %mul3A_850 = arith.mulf %mul3A_849, %add3A_845 : vector<16xf32>
        %select_n3A_851 = arith.select %gt3A_847, %add3A_845, %mul3A_850 : vector<16xi1>, vector<16xf32>
        %exp3A = math.exp %select_n3A_851 : vector<16xf32>
        %mul3A_852 = arith.constant 32 : i32
        %mul3A_853 = arith.muli %add3A_174, %mul3A_852 : i32
        %mul3A_854 = arith.constant 16 : i32
        %mul3A_855 = arith.muli %scan3A_831, %mul3A_854 : i32
        %add3A_856 = arith.addi %mul3A_853, %mul3A_855 : i32
        %add3A_857 = vector.broadcast %add3A_856 : i32 to vector<16xi32>
        %add3A_858 = arith.addi %add3A_857, %iota3A : vector<16xi32>
        %lt3A_859 = vector.broadcast %min3A_32 : i32 to vector<16xi32>
        %lt3A_860 = arith.cmpi slt, %add3A_858, %lt3A_859 : vector<16xi32>
        %jit3A_861 = arith.constant 0.000000e+00 : f32
        %broadcast_in_dim3A_862 = vector.broadcast %jit3A_861 : f32 to vector<16xf32>
        %select_n3A_863 = arith.select %lt3A_860, %exp3A, %broadcast_in_dim3A_862 : vector<16xi1>, vector<16xf32>
        %mul3A_864 = arith.constant 16 : i32
        %mul3A_865 = arith.muli %scan3A_831, %mul3A_864 : i32
        %add3A_866 = vector.broadcast %mul3A_865 : i32 to vector<16xi32>
        %add3A_867 = arith.addi %add3A_866, %iota3A : vector<16xi32>
        tpu.vector_store_idx %arg18[%add3A_867], %select_n3A_863 : memref<32xf32, #tpu.memory_space<vmem>>[vector<16xi32>], vector<16xf32>,
        %shift_right_arithmetic3A = arith.constant 7 : i32
        %shift_right_arithmetic3A_868 = vector.broadcast %shift_right_arithmetic3A : i32 to vector<16xi32>
        %shift_right_arithmetic3A_869 = arith.shrsi %get3A_843, %shift_right_arithmetic3A_868 : vector<16xi32>
        %and3A_870 = arith.constant 127 : i32
        %and3A_871 = vector.broadcast %and3A_870 : i32 to vector<16xi32>
        %and3A_872 = arith.andi %get3A_843, %and3A_871 : vector<16xi32>
        tpu.vector_store_idx %arg11[%shift_right_arithmetic3A_869, %and3A_872], %select_n3A_863 {add = true} : memref<80x128xf32, #tpu.memory_space<vmem>>[vector<16xi32>, vector<16xi32>], vector<16xf32>,
        %scan3A_873 = arith.constant 0 : i32
        scf.yield %scan3A_873 : i32
      }
      %scan3A_193 = arith.constant 2 : i32
      %scan3A_194 = arith.constant 0 : i32
      %scan3A_195 = arith.constant 0 : i32
      %scan3A_196 = arith.constant 32 : i32
      %scan3A_197 = arith.addi %scan3A_195, %scan3A_196 : i32
      %scan3A_198 = arith.constant 1 : i32
      %scan3A_199 = scf.for %scan3A_831 = %scan3A_195 to %scan3A_197 step %scan3A_198 iter_args(%scan3A_832 = %scan3A_194) -> (i32)  : i32 {
        %broadcast_in_dim3A_833 = vector.broadcast %scan3A_831 : i32 to vector<16xi32>
        %gather3A = tpu.vector_load_idx %arg18[%broadcast_in_dim3A_833] : memref<32xf32, #tpu.memory_space<vmem>>[vector<16xi32>], vector<16xf32>,
        %get3A = arith.index_cast %scan3A_831 : i32 to index
        %get3A_834 = arith.constant 0 : index
        %get3A_835 = tpu.vector_load %arg15[%get3A, %get3A_834] {strides = array<i32>} : memref<32x128xf32, #tpu.memory_space<vmem>>, vector<16xf32>,
        %mul3A_836 = arith.mulf %get3A_835, %gather3A : vector<16xf32>
        %swap3A = arith.index_cast %scan3A_831 : i32 to index
        %swap3A_837 = arith.constant 0 : index
        %swap3A_838 = tpu.vector_load %arg15[%swap3A, %swap3A_837] {strides = array<i32>} : memref<32x128xf32, #tpu.memory_space<vmem>>, vector<16xf32>,
        tpu.vector_store %arg15[%swap3A, %swap3A_837], %mul3A_836 {strides = array<i32>} : memref<32x128xf32, #tpu.memory_space<vmem>>, vector<16xf32>,
        %get3A_839 = arith.index_cast %scan3A_831 : i32 to index
        %get3A_840 = arith.constant 16 : index
        %get3A_841 = tpu.vector_load %arg15[%get3A_839, %get3A_840] {strides = array<i32>} : memref<32x128xf32, #tpu.memory_space<vmem>>, vector<16xf32>,
        %mul3A_842 = arith.mulf %get3A_841, %gather3A : vector<16xf32>
        %swap3A_843 = arith.index_cast %scan3A_831 : i32 to index
        %swap3A_844 = arith.constant 16 : index
        %swap3A_845 = tpu.vector_load %arg15[%swap3A_843, %swap3A_844] {strides = array<i32>} : memref<32x128xf32, #tpu.memory_space<vmem>>, vector<16xf32>,
        tpu.vector_store %arg15[%swap3A_843, %swap3A_844], %mul3A_842 {strides = array<i32>} : memref<32x128xf32, #tpu.memory_space<vmem>>, vector<16xf32>,
        %get3A_846 = arith.index_cast %scan3A_831 : i32 to index
        %get3A_847 = arith.constant 32 : index
        %get3A_848 = tpu.vector_load %arg15[%get3A_846, %get3A_847] {strides = array<i32>} : memref<32x128xf32, #tpu.memory_space<vmem>>, vector<16xf32>,
        %mul3A_849 = arith.mulf %get3A_848, %gather3A : vector<16xf32>
        %swap3A_850 = arith.index_cast %scan3A_831 : i32 to index
        %swap3A_851 = arith.constant 32 : index
        %swap3A_852 = tpu.vector_load %arg15[%swap3A_850, %swap3A_851] {strides = array<i32>} : memref<32x128xf32, #tpu.memory_space<vmem>>, vector<16xf32>,
        tpu.vector_store %arg15[%swap3A_850, %swap3A_851], %mul3A_849 {strides = array<i32>} : memref<32x128xf32, #tpu.memory_space<vmem>>, vector<16xf32>,
        %get3A_853 = arith.index_cast %scan3A_831 : i32 to index
        %get3A_854 = arith.constant 48 : index
        %get3A_855 = tpu.vector_load %arg15[%get3A_853, %get3A_854] {strides = array<i32>} : memref<32x128xf32, #tpu.memory_space<vmem>>, vector<16xf32>,
        %mul3A_856 = arith.mulf %get3A_855, %gather3A : vector<16xf32>
        %swap3A_857 = arith.index_cast %scan3A_831 : i32 to index
        %swap3A_858 = arith.constant 48 : index
        %swap3A_859 = tpu.vector_load %arg15[%swap3A_857, %swap3A_858] {strides = array<i32>} : memref<32x128xf32, #tpu.memory_space<vmem>>, vector<16xf32>,
        tpu.vector_store %arg15[%swap3A_857, %swap3A_858], %mul3A_856 {strides = array<i32>} : memref<32x128xf32, #tpu.memory_space<vmem>>, vector<16xf32>,
        %get3A_860 = arith.index_cast %scan3A_831 : i32 to index
        %get3A_861 = arith.constant 64 : index
        %get3A_862 = tpu.vector_load %arg15[%get3A_860, %get3A_861] {strides = array<i32>} : memref<32x128xf32, #tpu.memory_space<vmem>>, vector<16xf32>,
        %mul3A_863 = arith.mulf %get3A_862, %gather3A : vector<16xf32>
        %swap3A_864 = arith.index_cast %scan3A_831 : i32 to index
        %swap3A_865 = arith.constant 64 : index
        %swap3A_866 = tpu.vector_load %arg15[%swap3A_864, %swap3A_865] {strides = array<i32>} : memref<32x128xf32, #tpu.memory_space<vmem>>, vector<16xf32>,
        tpu.vector_store %arg15[%swap3A_864, %swap3A_865], %mul3A_863 {strides = array<i32>} : memref<32x128xf32, #tpu.memory_space<vmem>>, vector<16xf32>,
        %get3A_867 = arith.index_cast %scan3A_831 : i32 to index
        %get3A_868 = arith.constant 80 : index
        %get3A_869 = tpu.vector_load %arg15[%get3A_867, %get3A_868] {strides = array<i32>} : memref<32x128xf32, #tpu.memory_space<vmem>>, vector<16xf32>,
        %mul3A_870 = arith.mulf %get3A_869, %gather3A : vector<16xf32>
        %swap3A_871 = arith.index_cast %scan3A_831 : i32 to index
        %swap3A_872 = arith.constant 80 : index
        %swap3A_873 = tpu.vector_load %arg15[%swap3A_871, %swap3A_872] {strides = array<i32>} : memref<32x128xf32, #tpu.memory_space<vmem>>, vector<16xf32>,
        tpu.vector_store %arg15[%swap3A_871, %swap3A_872], %mul3A_870 {strides = array<i32>} : memref<32x128xf32, #tpu.memory_space<vmem>>, vector<16xf32>,
        %get3A_874 = arith.index_cast %scan3A_831 : i32 to index
        %get3A_875 = arith.constant 96 : index
        %get3A_876 = tpu.vector_load %arg15[%get3A_874, %get3A_875] {strides = array<i32>} : memref<32x128xf32, #tpu.memory_space<vmem>>, vector<16xf32>,
        %mul3A_877 = arith.mulf %get3A_876, %gather3A : vector<16xf32>
        %swap3A_878 = arith.index_cast %scan3A_831 : i32 to index
        %swap3A_879 = arith.constant 96 : index
        %swap3A_880 = tpu.vector_load %arg15[%swap3A_878, %swap3A_879] {strides = array<i32>} : memref<32x128xf32, #tpu.memory_space<vmem>>, vector<16xf32>,
        tpu.vector_store %arg15[%swap3A_878, %swap3A_879], %mul3A_877 {strides = array<i32>} : memref<32x128xf32, #tpu.memory_space<vmem>>, vector<16xf32>,
        %get3A_881 = arith.index_cast %scan3A_831 : i32 to index
        %get3A_882 = arith.constant 112 : index
        %get3A_883 = tpu.vector_load %arg15[%get3A_881, %get3A_882] {strides = array<i32>} : memref<32x128xf32, #tpu.memory_space<vmem>>, vector<16xf32>,
        %mul3A_884 = arith.mulf %get3A_883, %gather3A : vector<16xf32>
        %swap3A_885 = arith.index_cast %scan3A_831 : i32 to index
        %swap3A_886 = arith.constant 112 : index
        %swap3A_887 = tpu.vector_load %arg15[%swap3A_885, %swap3A_886] {strides = array<i32>} : memref<32x128xf32, #tpu.memory_space<vmem>>, vector<16xf32>,
        tpu.vector_store %arg15[%swap3A_885, %swap3A_886], %mul3A_884 {strides = array<i32>} : memref<32x128xf32, #tpu.memory_space<vmem>>, vector<16xf32>,
        %scan3A_888 = arith.constant 0 : i32
        scf.yield %scan3A_888 : i32
      }
      %scan3A_200 = arith.constant 32 : i32
      %lt3A_201 = arith.constant 316 : i32
      %lt3A_202 = arith.cmpi slt, %add3A_174, %lt3A_201 : i32
      %convert_element_type3A_203 = arith.extui %lt3A_202 : i1 to i32
      %cond3A_204 = arith.constant 0 : i32
      %cond3A_205 = arith.cmpi ne, %convert_element_type3A_203, %cond3A_204 : i32
      scf.if %cond3A_205 {
        %dma_start3A_831 = arith.constant 1 : i32
        %dma_start3A_832 = arith.constant 0 : i32
        %dma_start3A_833 = tpu.memref_slice %arg13[%dma_start3A_831, %dma_start3A_832] : memref<16x32xi32, #tpu.memory_space<vmem>> -> memref<1x32xi32, #tpu.memory_space<vmem>>
        %dma_start3A_834 = tpu.memref_squeeze %dma_start3A_833 : memref<1x32xi32, #tpu.memory_space<vmem>> -> memref<32xi32, #tpu.memory_space<vmem>>
        %dma_start3A_835 = arith.constant 0 : i32
        %dma_start3A_836 = arith.constant 0 : i32
        %dma_start3A_837 = tpu.memref_slice %arg19[%dma_start3A_835, %dma_start3A_836] : memref<10000x128xf32, #tpu.memory_space<vmem_shared>> -> memref<10000x128xf32, #tpu.memory_space<vmem_shared>>
        tpu.enqueue_indirect_dma source(%arg15 : memref<32x128xf32, #tpu.memory_space<vmem>>) target(%dma_start3A_837 : memref<10000x128xf32, #tpu.memory_space<vmem_shared>>) offsets(%dma_start3A_834 : memref<32xi32, #tpu.memory_space<vmem>>) semaphore(%arg26 : memref<!tpu.dma_semaphore, #tpu.memory_space<semaphore_mem>>) {add = true}
      } else {
      }
      %ge3A_206 = arith.constant 316 : i32
      %ge3A_207 = arith.cmpi sge, %add3A_174, %ge3A_206 : i32
      %convert_element_type3A_208 = arith.extui %ge3A_207 : i1 to i32
      %cond3A_209 = arith.constant 0 : i32
      %cond3A_210 = arith.cmpi ne, %convert_element_type3A_208, %cond3A_209 : i32
      scf.if %cond3A_210 {
        %run_scoped3A = arith.constant 1 : i32
        "tpu.region"() ({
          %run_scoped3A_831 = tpu.sem_alloc : memref<!tpu.dma_semaphore, #tpu.memory_space<semaphore_mem>>
          %dma_start3A_832 = arith.constant 0 : i32
          %dma_start3A_833 = tpu.memref_slice %arg13[%run_scoped3A, %dma_start3A_832] : memref<16x32xi32, #tpu.memory_space<vmem>> -> memref<1x32xi32, #tpu.memory_space<vmem>>
          %dma_start3A_834 = tpu.memref_squeeze %dma_start3A_833 : memref<1x32xi32, #tpu.memory_space<vmem>> -> memref<32xi32, #tpu.memory_space<vmem>>
          %dma_start3A_835 = arith.constant 0 : i32
          %dma_start3A_836 = arith.constant 0 : i32
          %dma_start3A_837 = tpu.memref_slice %arg19[%dma_start3A_835, %dma_start3A_836] : memref<10000x128xf32, #tpu.memory_space<vmem_shared>> -> memref<10000x128xf32, #tpu.memory_space<vmem_shared>>
          tpu.enqueue_indirect_dma source(%arg15 : memref<32x128xf32, #tpu.memory_space<vmem>>) target(%dma_start3A_837 : memref<10000x128xf32, #tpu.memory_space<vmem_shared>>) offsets(%dma_start3A_834 : memref<32xi32, #tpu.memory_space<vmem>>) semaphore(%run_scoped3A_831 : memref<!tpu.dma_semaphore, #tpu.memory_space<semaphore_mem>>) {add = true}
          %dma_wait3A_838 = arith.constant 0 : i32
          %dma_wait3A_839 = tpu.memref_slice %arg13[%run_scoped3A, %dma_wait3A_838] : memref<16x32xi32, #tpu.memory_space<vmem>> -> memref<1x32xi32, #tpu.memory_space<vmem>>
          %dma_wait3A_840 = tpu.memref_squeeze %dma_wait3A_839 : memref<1x32xi32, #tpu.memory_space<vmem>> -> memref<32xi32, #tpu.memory_space<vmem>>
          %dma_wait3A_841 = arith.constant 0 : i32
          %dma_wait3A_842 = arith.constant 0 : i32
          %dma_wait3A_843 = tpu.memref_slice %arg19[%dma_wait3A_841, %dma_wait3A_842] : memref<10000x128xf32, #tpu.memory_space<vmem_shared>> -> memref<10000x128xf32, #tpu.memory_space<vmem_shared>>
          tpu.wait_indirect_dma semaphore(%run_scoped3A_831 : memref<!tpu.dma_semaphore, #tpu.memory_space<semaphore_mem>>) src(%arg15 : memref<32x128xf32, #tpu.memory_space<vmem>>) dst(%dma_wait3A_843 : memref<10000x128xf32, #tpu.memory_space<vmem_shared>>)
          tpu.yield
        }) : () -> ()
      } else {
      }
      %mul3A_211 = arith.constant 16 : i32
      %mul3A_212 = arith.muli %scan3A_130, %mul3A_211 : i32
      %add3A_213 = arith.constant 2 : i32
      %add3A_214 = arith.addi %mul3A_212, %add3A_213 : i32
      %dma_wait3A_215 = arith.constant 64 : i32
      %dma_wait3A_216 = tpu.memref_slice %arg12[%dma_wait3A_215] : memref<512xi32, #tpu.memory_space<vmem>> -> memref<32xi32, #tpu.memory_space<vmem>>
      %dma_wait3A_217 = arith.constant 0 : i32
      %dma_wait3A_218 = arith.constant 0 : i32
      %dma_wait3A_219 = tpu.memref_slice %arg6[%dma_wait3A_217, %dma_wait3A_218] : memref<10000x128xf32, #tpu.memory_space<hbm>> -> memref<10000x128xf32, #tpu.memory_space<hbm>>
      tpu.wait_indirect_dma semaphore(%arg23 : memref<!tpu.dma_semaphore, #tpu.memory_space<semaphore_mem>>) src(%dma_wait3A_219 : memref<10000x128xf32, #tpu.memory_space<hbm>>) dst(%arg16 : memref<32x128xf32, #tpu.memory_space<vmem>>)
      %add3A_220 = arith.constant 6 : i32
      %add3A_221 = arith.addi %add3A_214, %add3A_220 : i32
      %jit3A = arith.constant 8 : i32
      %div3A = arith.divsi %add3A_221, %jit3A : i32
      %sign3A = arith.constant 0 : i32
      %sign3A_222 = arith.cmpi sgt, %add3A_221, %sign3A : i32
      %sign3A_223 = arith.extui %sign3A_222 : i1 to i32
      %sign3A_224 = arith.constant 0 : i32
      %sign3A_225 = arith.cmpi slt, %add3A_221, %sign3A_224 : i32
      %sign3A_226 = arith.extui %sign3A_225 : i1 to i32
      %sign3A_227 = arith.subi %sign3A_223, %sign3A_226 : i32
      %sign3A_228 = arith.constant 0 : i32
      %sign3A_229 = arith.cmpi sgt, %jit3A, %sign3A_228 : i32
      %sign3A_230 = arith.extui %sign3A_229 : i1 to i32
      %sign3A_231 = arith.constant 0 : i32
      %sign3A_232 = arith.cmpi slt, %jit3A, %sign3A_231 : i32
      %sign3A_233 = arith.extui %sign3A_232 : i1 to i32
      %sign3A_234 = arith.subi %sign3A_230, %sign3A_233 : i32
      %ne3A = arith.cmpi ne, %sign3A_227, %sign3A_234 : i32
      %rem3A = arith.remsi %add3A_221, %jit3A : i32
      %ne3A_235 = arith.constant 0 : i32
      %ne3A_236 = arith.cmpi ne, %rem3A, %ne3A_235 : i32
      %and3A = arith.andi %ne3A, %ne3A_236 : i1
      %sub3A_237 = arith.constant 1 : i32
      %sub3A_238 = arith.subi %div3A, %sub3A_237 : i32
      %select_n3A = arith.select %and3A, %sub3A_238, %div3A : i32
      %add3A_239 = arith.constant 6 : i32
      %add3A_240 = arith.addi %add3A_214, %add3A_239 : i32
      %lt3A_241 = arith.constant 320 : i32
      %lt3A_242 = arith.cmpi slt, %add3A_240, %lt3A_241 : i32
      %convert_element_type3A_243 = arith.extui %lt3A_242 : i1 to i32
      %cond3A_244 = arith.constant 0 : i32
      %cond3A_245 = arith.cmpi ne, %convert_element_type3A_243, %cond3A_244 : i32
      scf.if %cond3A_245 {
        %mul3A_831 = arith.constant 8 : i32
        %mul3A_832 = arith.muli %select_n3A, %mul3A_831 : i32
        %mul3A_833 = arith.constant 32 : i32
        %mul3A_834 = arith.muli %mul3A_832, %mul3A_833 : i32
        %add3A_835 = arith.addi %mul3A_34, %mul3A_834 : i32
        %dma_start3A_836 = arith.constant 256 : i32
        %dma_start3A_837 = tpu.memref_slice %arg12[%dma_start3A_836] : memref<512xi32, #tpu.memory_space<vmem>> -> memref<256xi32, #tpu.memory_space<vmem>>
        %dma_start3A_838 = tpu.memref_slice %arg4[%add3A_835] : memref<327680xi32, #tpu.memory_space<hbm>> -> memref<256xi32, #tpu.memory_space<hbm>>
        %dma_start3A_839 = arith.constant 256 : i32
        %dma_start3A_840 = tpu.memref_slice %arg12[%dma_start3A_839] : memref<512xi32, #tpu.memory_space<vmem>> -> memref<256xi32, #tpu.memory_space<vmem>>
        %dma_start3A_841 = tpu.memref_slice %arg4[%add3A_835] : memref<327680xi32, #tpu.memory_space<hbm>> -> memref<256xi32, #tpu.memory_space<hbm>>
        tpu.enqueue_dma source(%dma_start3A_841 : memref<256xi32, #tpu.memory_space<hbm>>) target(%dma_start3A_840 : memref<256xi32, #tpu.memory_space<vmem>>) target_semaphore(%arg30 : memref<!tpu.dma_semaphore, #tpu.memory_space<semaphore_mem>>)
        %mul3A_842 = arith.constant 320 : i32
        %mul3A_843 = arith.muli %add3A, %mul3A_842 : i32
        %mul3A_844 = arith.constant 8 : i32
        %mul3A_845 = arith.muli %select_n3A, %mul3A_844 : i32
        %add3A_846 = arith.addi %mul3A_843, %mul3A_845 : i32
        %dma_start3A_847 = arith.constant 8 : i32
        %dma_start3A_848 = arith.constant 0 : i32
        %dma_start3A_849 = tpu.memref_slice %arg13[%dma_start3A_847, %dma_start3A_848] : memref<16x32xi32, #tpu.memory_space<vmem>> -> memref<8x32xi32, #tpu.memory_space<vmem>>
        %dma_start3A_850 = arith.constant 0 : i32
        %dma_start3A_851 = tpu.memref_slice %arg5[%add3A_846, %dma_start3A_850] : memref<10240x32xi32, #tpu.memory_space<hbm>> -> memref<8x32xi32, #tpu.memory_space<hbm>>
        %dma_start3A_852 = arith.constant 8 : i32
        %dma_start3A_853 = arith.constant 0 : i32
        %dma_start3A_854 = tpu.memref_slice %arg13[%dma_start3A_852, %dma_start3A_853] : memref<16x32xi32, #tpu.memory_space<vmem>> -> memref<8x32xi32, #tpu.memory_space<vmem>>
        %dma_start3A_855 = arith.constant 0 : i32
        %dma_start3A_856 = tpu.memref_slice %arg5[%add3A_846, %dma_start3A_855] : memref<10240x32xi32, #tpu.memory_space<hbm>> -> memref<8x32xi32, #tpu.memory_space<hbm>>
        tpu.enqueue_dma source(%dma_start3A_856 : memref<8x32xi32, #tpu.memory_space<hbm>>) target(%dma_start3A_854 : memref<8x32xi32, #tpu.memory_space<vmem>>) target_semaphore(%arg30 : memref<!tpu.dma_semaphore, #tpu.memory_space<semaphore_mem>>)
      } else {
      }
      %add3A_246 = arith.constant 2 : i32
      %add3A_247 = arith.addi %add3A_214, %add3A_246 : i32
      %lt3A_248 = arith.constant 320 : i32
      %lt3A_249 = arith.cmpi slt, %add3A_247, %lt3A_248 : i32
      %convert_element_type3A_250 = arith.extui %lt3A_249 : i1 to i32
      %cond3A_251 = arith.constant 0 : i32
      %cond3A_252 = arith.cmpi ne, %convert_element_type3A_250, %cond3A_251 : i32
      scf.if %cond3A_252 {
        %ge3A_831 = arith.constant 2 : i32
        %ge3A_832 = arith.cmpi sge, %add3A_214, %ge3A_831 : i32
        %convert_element_type3A_833 = arith.extui %ge3A_832 : i1 to i32
        %cond3A_834 = arith.constant 0 : i32
        %cond3A_835 = arith.cmpi ne, %convert_element_type3A_833, %cond3A_834 : i32
        scf.if %cond3A_835 {
          %dma_wait3A_841 = arith.constant 0 : i32
          %dma_wait3A_842 = arith.constant 0 : i32
          %dma_wait3A_843 = tpu.memref_slice %arg13[%dma_wait3A_841, %dma_wait3A_842] : memref<16x32xi32, #tpu.memory_space<vmem>> -> memref<1x32xi32, #tpu.memory_space<vmem>>
          %dma_wait3A_844 = tpu.memref_squeeze %dma_wait3A_843 : memref<1x32xi32, #tpu.memory_space<vmem>> -> memref<32xi32, #tpu.memory_space<vmem>>
          %dma_wait3A_845 = arith.constant 0 : i32
          %dma_wait3A_846 = arith.constant 0 : i32
          %dma_wait3A_847 = tpu.memref_slice %arg19[%dma_wait3A_845, %dma_wait3A_846] : memref<10000x128xf32, #tpu.memory_space<vmem_shared>> -> memref<10000x128xf32, #tpu.memory_space<vmem_shared>>
          tpu.wait_indirect_dma semaphore(%arg25 : memref<!tpu.dma_semaphore, #tpu.memory_space<semaphore_mem>>) src(%arg14 : memref<32x128xf32, #tpu.memory_space<vmem>>) dst(%dma_wait3A_847 : memref<10000x128xf32, #tpu.memory_space<vmem_shared>>)
        } else {
        }
        %dma_start3A_836 = arith.constant 128 : i32
        %dma_start3A_837 = tpu.memref_slice %arg12[%dma_start3A_836] : memref<512xi32, #tpu.memory_space<vmem>> -> memref<32xi32, #tpu.memory_space<vmem>>
        %dma_start3A_838 = arith.constant 0 : i32
        %dma_start3A_839 = arith.constant 0 : i32
        %dma_start3A_840 = tpu.memref_slice %arg6[%dma_start3A_838, %dma_start3A_839] : memref<10000x128xf32, #tpu.memory_space<hbm>> -> memref<10000x128xf32, #tpu.memory_space<hbm>>
        tpu.enqueue_indirect_dma source(%dma_start3A_840 : memref<10000x128xf32, #tpu.memory_space<hbm>>) target(%arg14 : memref<32x128xf32, #tpu.memory_space<vmem>>) offsets(%dma_start3A_837 : memref<32xi32, #tpu.memory_space<vmem>>) semaphore(%arg21 : memref<!tpu.dma_semaphore, #tpu.memory_space<semaphore_mem>>)
      } else {
      }
      %scan3A_253 = arith.constant 0 : i32
      %scan3A_254 = arith.constant 0 : i32
      %scan3A_255 = arith.constant 2 : i32
      %scan3A_256 = arith.addi %scan3A_254, %scan3A_255 : i32
      %scan3A_257 = arith.constant 1 : i32
      %scan3A_258 = scf.for %scan3A_831 = %scan3A_254 to %scan3A_256 step %scan3A_257 iter_args(%scan3A_832 = %scan3A_253) -> (i32)  : i32 {
        %mul3A_833 = arith.constant 16 : i32
        %mul3A_834 = arith.muli %scan3A_831, %mul3A_833 : i32
        %add3A_835 = arith.constant 64 : i32
        %add3A_836 = arith.addi %add3A_835, %mul3A_834 : i32
        %get3A = arith.index_cast %add3A_836 : i32 to index
        %get3A_837 = tpu.vector_load %arg12[%get3A] {strides = array<i32>} : memref<512xi32, #tpu.memory_space<vmem>>, vector<16xi32>,
        %mul3A_838 = arith.constant 16 : i32
        %mul3A_839 = arith.muli %scan3A_831, %mul3A_838 : i32
        %get3A_840 = arith.constant 2 : i32
        %get3A_841 = arith.index_cast %get3A_840 : i32 to index
        %get3A_842 = arith.index_cast %mul3A_839 : i32 to index
        %get3A_843 = tpu.vector_load %arg13[%get3A_841, %get3A_842] {strides = array<i32>} : memref<16x32xi32, #tpu.memory_space<vmem>>, vector<16xi32>,
        %gather3A = tpu.vector_load_idx %arg9[%get3A_837] : memref<10000xf32, #tpu.memory_space<vmem>>[vector<16xi32>], vector<16xf32>,
        %gather3A_844 = tpu.vector_load_idx %arg10[%get3A_843] : memref<10000xf32, #tpu.memory_space<vmem>>[vector<16xi32>], vector<16xf32>,
        %add3A_845 = arith.addf %gather3A, %gather3A_844 : vector<16xf32>
        %gt3A = arith.constant 0.000000e+00 : f32
        %gt3A_846 = vector.broadcast %gt3A : f32 to vector<16xf32>
        %gt3A_847 = arith.cmpf ogt, %add3A_845, %gt3A_846 : vector<16xf32>
        %mul3A_848 = arith.constant 0.00999999977 : f32
        %mul3A_849 = vector.broadcast %mul3A_848 : f32 to vector<16xf32>
        %mul3A_850 = arith.mulf %mul3A_849, %add3A_845 : vector<16xf32>
        %select_n3A_851 = arith.select %gt3A_847, %add3A_845, %mul3A_850 : vector<16xi1>, vector<16xf32>
        %exp3A = math.exp %select_n3A_851 : vector<16xf32>
        %mul3A_852 = arith.constant 32 : i32
        %mul3A_853 = arith.muli %add3A_214, %mul3A_852 : i32
        %mul3A_854 = arith.constant 16 : i32
        %mul3A_855 = arith.muli %scan3A_831, %mul3A_854 : i32
        %add3A_856 = arith.addi %mul3A_853, %mul3A_855 : i32
        %add3A_857 = vector.broadcast %add3A_856 : i32 to vector<16xi32>
        %add3A_858 = arith.addi %add3A_857, %iota3A : vector<16xi32>
        %lt3A_859 = vector.broadcast %min3A_32 : i32 to vector<16xi32>
        %lt3A_860 = arith.cmpi slt, %add3A_858, %lt3A_859 : vector<16xi32>
        %jit3A_861 = arith.constant 0.000000e+00 : f32
        %broadcast_in_dim3A_862 = vector.broadcast %jit3A_861 : f32 to vector<16xf32>
        %select_n3A_863 = arith.select %lt3A_860, %exp3A, %broadcast_in_dim3A_862 : vector<16xi1>, vector<16xf32>
        %mul3A_864 = arith.constant 16 : i32
        %mul3A_865 = arith.muli %scan3A_831, %mul3A_864 : i32
        %add3A_866 = vector.broadcast %mul3A_865 : i32 to vector<16xi32>
        %add3A_867 = arith.addi %add3A_866, %iota3A : vector<16xi32>
        tpu.vector_store_idx %arg18[%add3A_867], %select_n3A_863 : memref<32xf32, #tpu.memory_space<vmem>>[vector<16xi32>], vector<16xf32>,
        %shift_right_arithmetic3A = arith.constant 7 : i32
        %shift_right_arithmetic3A_868 = vector.broadcast %shift_right_arithmetic3A : i32 to vector<16xi32>
        %shift_right_arithmetic3A_869 = arith.shrsi %get3A_843, %shift_right_arithmetic3A_868 : vector<16xi32>
        %and3A_870 = arith.constant 127 : i32
        %and3A_871 = vector.broadcast %and3A_870 : i32 to vector<16xi32>
        %and3A_872 = arith.andi %get3A_843, %and3A_871 : vector<16xi32>
        tpu.vector_store_idx %arg11[%shift_right_arithmetic3A_869, %and3A_872], %select_n3A_863 {add = true} : memref<80x128xf32, #tpu.memory_space<vmem>>[vector<16xi32>, vector<16xi32>], vector<16xf32>,
        %scan3A_873 = arith.constant 0 : i32
        scf.yield %scan3A_873 : i32
      }
      %scan3A_259 = arith.constant 2 : i32
      %scan3A_260 = arith.constant 0 : i32
      %scan3A_261 = arith.constant 0 : i32
      %scan3A_262 = arith.constant 32 : i32
      %scan3A_263 = arith.addi %scan3A_261, %scan3A_262 : i32
      %scan3A_264 = arith.constant 1 : i32
      %scan3A_265 = scf.for %scan3A_831 = %scan3A_261 to %scan3A_263 step %scan3A_264 iter_args(%scan3A_832 = %scan3A_260) -> (i32)  : i32 {
        %broadcast_in_dim3A_833 = vector.broadcast %scan3A_831 : i32 to vector<16xi32>
        %gather3A = tpu.vector_load_idx %arg18[%broadcast_in_dim3A_833] : memref<32xf32, #tpu.memory_space<vmem>>[vector<16xi32>], vector<16xf32>,
        %get3A = arith.index_cast %scan3A_831 : i32 to index
        %get3A_834 = arith.constant 0 : index
        %get3A_835 = tpu.vector_load %arg16[%get3A, %get3A_834] {strides = array<i32>} : memref<32x128xf32, #tpu.memory_space<vmem>>, vector<16xf32>,
        %mul3A_836 = arith.mulf %get3A_835, %gather3A : vector<16xf32>
        %swap3A = arith.index_cast %scan3A_831 : i32 to index
        %swap3A_837 = arith.constant 0 : index
        %swap3A_838 = tpu.vector_load %arg16[%swap3A, %swap3A_837] {strides = array<i32>} : memref<32x128xf32, #tpu.memory_space<vmem>>, vector<16xf32>,
        tpu.vector_store %arg16[%swap3A, %swap3A_837], %mul3A_836 {strides = array<i32>} : memref<32x128xf32, #tpu.memory_space<vmem>>, vector<16xf32>,
        %get3A_839 = arith.index_cast %scan3A_831 : i32 to index
        %get3A_840 = arith.constant 16 : index
        %get3A_841 = tpu.vector_load %arg16[%get3A_839, %get3A_840] {strides = array<i32>} : memref<32x128xf32, #tpu.memory_space<vmem>>, vector<16xf32>,
        %mul3A_842 = arith.mulf %get3A_841, %gather3A : vector<16xf32>
        %swap3A_843 = arith.index_cast %scan3A_831 : i32 to index
        %swap3A_844 = arith.constant 16 : index
        %swap3A_845 = tpu.vector_load %arg16[%swap3A_843, %swap3A_844] {strides = array<i32>} : memref<32x128xf32, #tpu.memory_space<vmem>>, vector<16xf32>,
        tpu.vector_store %arg16[%swap3A_843, %swap3A_844], %mul3A_842 {strides = array<i32>} : memref<32x128xf32, #tpu.memory_space<vmem>>, vector<16xf32>,
        %get3A_846 = arith.index_cast %scan3A_831 : i32 to index
        %get3A_847 = arith.constant 32 : index
        %get3A_848 = tpu.vector_load %arg16[%get3A_846, %get3A_847] {strides = array<i32>} : memref<32x128xf32, #tpu.memory_space<vmem>>, vector<16xf32>,
        %mul3A_849 = arith.mulf %get3A_848, %gather3A : vector<16xf32>
        %swap3A_850 = arith.index_cast %scan3A_831 : i32 to index
        %swap3A_851 = arith.constant 32 : index
        %swap3A_852 = tpu.vector_load %arg16[%swap3A_850, %swap3A_851] {strides = array<i32>} : memref<32x128xf32, #tpu.memory_space<vmem>>, vector<16xf32>,
        tpu.vector_store %arg16[%swap3A_850, %swap3A_851], %mul3A_849 {strides = array<i32>} : memref<32x128xf32, #tpu.memory_space<vmem>>, vector<16xf32>,
        %get3A_853 = arith.index_cast %scan3A_831 : i32 to index
        %get3A_854 = arith.constant 48 : index
        %get3A_855 = tpu.vector_load %arg16[%get3A_853, %get3A_854] {strides = array<i32>} : memref<32x128xf32, #tpu.memory_space<vmem>>, vector<16xf32>,
        %mul3A_856 = arith.mulf %get3A_855, %gather3A : vector<16xf32>
        %swap3A_857 = arith.index_cast %scan3A_831 : i32 to index
        %swap3A_858 = arith.constant 48 : index
        %swap3A_859 = tpu.vector_load %arg16[%swap3A_857, %swap3A_858] {strides = array<i32>} : memref<32x128xf32, #tpu.memory_space<vmem>>, vector<16xf32>,
        tpu.vector_store %arg16[%swap3A_857, %swap3A_858], %mul3A_856 {strides = array<i32>} : memref<32x128xf32, #tpu.memory_space<vmem>>, vector<16xf32>,
        %get3A_860 = arith.index_cast %scan3A_831 : i32 to index
        %get3A_861 = arith.constant 64 : index
        %get3A_862 = tpu.vector_load %arg16[%get3A_860, %get3A_861] {strides = array<i32>} : memref<32x128xf32, #tpu.memory_space<vmem>>, vector<16xf32>,
        %mul3A_863 = arith.mulf %get3A_862, %gather3A : vector<16xf32>
        %swap3A_864 = arith.index_cast %scan3A_831 : i32 to index
        %swap3A_865 = arith.constant 64 : index
        %swap3A_866 = tpu.vector_load %arg16[%swap3A_864, %swap3A_865] {strides = array<i32>} : memref<32x128xf32, #tpu.memory_space<vmem>>, vector<16xf32>,
        tpu.vector_store %arg16[%swap3A_864, %swap3A_865], %mul3A_863 {strides = array<i32>} : memref<32x128xf32, #tpu.memory_space<vmem>>, vector<16xf32>,
        %get3A_867 = arith.index_cast %scan3A_831 : i32 to index
        %get3A_868 = arith.constant 80 : index
        %get3A_869 = tpu.vector_load %arg16[%get3A_867, %get3A_868] {strides = array<i32>} : memref<32x128xf32, #tpu.memory_space<vmem>>, vector<16xf32>,
        %mul3A_870 = arith.mulf %get3A_869, %gather3A : vector<16xf32>
        %swap3A_871 = arith.index_cast %scan3A_831 : i32 to index
        %swap3A_872 = arith.constant 80 : index
        %swap3A_873 = tpu.vector_load %arg16[%swap3A_871, %swap3A_872] {strides = array<i32>} : memref<32x128xf32, #tpu.memory_space<vmem>>, vector<16xf32>,
        tpu.vector_store %arg16[%swap3A_871, %swap3A_872], %mul3A_870 {strides = array<i32>} : memref<32x128xf32, #tpu.memory_space<vmem>>, vector<16xf32>,
        %get3A_874 = arith.index_cast %scan3A_831 : i32 to index
        %get3A_875 = arith.constant 96 : index
        %get3A_876 = tpu.vector_load %arg16[%get3A_874, %get3A_875] {strides = array<i32>} : memref<32x128xf32, #tpu.memory_space<vmem>>, vector<16xf32>,
        %mul3A_877 = arith.mulf %get3A_876, %gather3A : vector<16xf32>
        %swap3A_878 = arith.index_cast %scan3A_831 : i32 to index
        %swap3A_879 = arith.constant 96 : index
        %swap3A_880 = tpu.vector_load %arg16[%swap3A_878, %swap3A_879] {strides = array<i32>} : memref<32x128xf32, #tpu.memory_space<vmem>>, vector<16xf32>,
        tpu.vector_store %arg16[%swap3A_878, %swap3A_879], %mul3A_877 {strides = array<i32>} : memref<32x128xf32, #tpu.memory_space<vmem>>, vector<16xf32>,
        %get3A_881 = arith.index_cast %scan3A_831 : i32 to index
        %get3A_882 = arith.constant 112 : index
        %get3A_883 = tpu.vector_load %arg16[%get3A_881, %get3A_882] {strides = array<i32>} : memref<32x128xf32, #tpu.memory_space<vmem>>, vector<16xf32>,
        %mul3A_884 = arith.mulf %get3A_883, %gather3A : vector<16xf32>
        %swap3A_885 = arith.index_cast %scan3A_831 : i32 to index
        %swap3A_886 = arith.constant 112 : index
        %swap3A_887 = tpu.vector_load %arg16[%swap3A_885, %swap3A_886] {strides = array<i32>} : memref<32x128xf32, #tpu.memory_space<vmem>>, vector<16xf32>,
        tpu.vector_store %arg16[%swap3A_885, %swap3A_886], %mul3A_884 {strides = array<i32>} : memref<32x128xf32, #tpu.memory_space<vmem>>, vector<16xf32>,
        %scan3A_888 = arith.constant 0 : i32
        scf.yield %scan3A_888 : i32
      }
      %scan3A_266 = arith.constant 32 : i32
      %lt3A_267 = arith.constant 316 : i32
      %lt3A_268 = arith.cmpi slt, %add3A_214, %lt3A_267 : i32
      %convert_element_type3A_269 = arith.extui %lt3A_268 : i1 to i32
      %cond3A_270 = arith.constant 0 : i32
      %cond3A_271 = arith.cmpi ne, %convert_element_type3A_269, %cond3A_270 : i32
      scf.if %cond3A_271 {
        %dma_start3A_831 = arith.constant 2 : i32
        %dma_start3A_832 = arith.constant 0 : i32
        %dma_start3A_833 = tpu.memref_slice %arg13[%dma_start3A_831, %dma_start3A_832] : memref<16x32xi32, #tpu.memory_space<vmem>> -> memref<1x32xi32, #tpu.memory_space<vmem>>
        %dma_start3A_834 = tpu.memref_squeeze %dma_start3A_833 : memref<1x32xi32, #tpu.memory_space<vmem>> -> memref<32xi32, #tpu.memory_space<vmem>>
        %dma_start3A_835 = arith.constant 0 : i32
        %dma_start3A_836 = arith.constant 0 : i32
        %dma_start3A_837 = tpu.memref_slice %arg19[%dma_start3A_835, %dma_start3A_836] : memref<10000x128xf32, #tpu.memory_space<vmem_shared>> -> memref<10000x128xf32, #tpu.memory_space<vmem_shared>>
        tpu.enqueue_indirect_dma source(%arg16 : memref<32x128xf32, #tpu.memory_space<vmem>>) target(%dma_start3A_837 : memref<10000x128xf32, #tpu.memory_space<vmem_shared>>) offsets(%dma_start3A_834 : memref<32xi32, #tpu.memory_space<vmem>>) semaphore(%arg27 : memref<!tpu.dma_semaphore, #tpu.memory_space<semaphore_mem>>) {add = true}
      } else {
      }
      %ge3A_272 = arith.constant 316 : i32
      %ge3A_273 = arith.cmpi sge, %add3A_214, %ge3A_272 : i32
      %convert_element_type3A_274 = arith.extui %ge3A_273 : i1 to i32
      %cond3A_275 = arith.constant 0 : i32
      %cond3A_276 = arith.cmpi ne, %convert_element_type3A_274, %cond3A_275 : i32
      scf.if %cond3A_276 {
        %run_scoped3A = arith.constant 2 : i32
        "tpu.region"() ({
          %run_scoped3A_831 = tpu.sem_alloc : memref<!tpu.dma_semaphore, #tpu.memory_space<semaphore_mem>>
          %dma_start3A_832 = arith.constant 0 : i32
          %dma_start3A_833 = tpu.memref_slice %arg13[%run_scoped3A, %dma_start3A_832] : memref<16x32xi32, #tpu.memory_space<vmem>> -> memref<1x32xi32, #tpu.memory_space<vmem>>
          %dma_start3A_834 = tpu.memref_squeeze %dma_start3A_833 : memref<1x32xi32, #tpu.memory_space<vmem>> -> memref<32xi32, #tpu.memory_space<vmem>>
          %dma_start3A_835 = arith.constant 0 : i32
          %dma_start3A_836 = arith.constant 0 : i32
          %dma_start3A_837 = tpu.memref_slice %arg19[%dma_start3A_835, %dma_start3A_836] : memref<10000x128xf32, #tpu.memory_space<vmem_shared>> -> memref<10000x128xf32, #tpu.memory_space<vmem_shared>>
          tpu.enqueue_indirect_dma source(%arg16 : memref<32x128xf32, #tpu.memory_space<vmem>>) target(%dma_start3A_837 : memref<10000x128xf32, #tpu.memory_space<vmem_shared>>) offsets(%dma_start3A_834 : memref<32xi32, #tpu.memory_space<vmem>>) semaphore(%run_scoped3A_831 : memref<!tpu.dma_semaphore, #tpu.memory_space<semaphore_mem>>) {add = true}
          %dma_wait3A_838 = arith.constant 0 : i32
          %dma_wait3A_839 = tpu.memref_slice %arg13[%run_scoped3A, %dma_wait3A_838] : memref<16x32xi32, #tpu.memory_space<vmem>> -> memref<1x32xi32, #tpu.memory_space<vmem>>
          %dma_wait3A_840 = tpu.memref_squeeze %dma_wait3A_839 : memref<1x32xi32, #tpu.memory_space<vmem>> -> memref<32xi32, #tpu.memory_space<vmem>>
          %dma_wait3A_841 = arith.constant 0 : i32
          %dma_wait3A_842 = arith.constant 0 : i32
          %dma_wait3A_843 = tpu.memref_slice %arg19[%dma_wait3A_841, %dma_wait3A_842] : memref<10000x128xf32, #tpu.memory_space<vmem_shared>> -> memref<10000x128xf32, #tpu.memory_space<vmem_shared>>
          tpu.wait_indirect_dma semaphore(%run_scoped3A_831 : memref<!tpu.dma_semaphore, #tpu.memory_space<semaphore_mem>>) src(%arg16 : memref<32x128xf32, #tpu.memory_space<vmem>>) dst(%dma_wait3A_843 : memref<10000x128xf32, #tpu.memory_space<vmem_shared>>)
          tpu.yield
        }) : () -> ()
      } else {
      }
      %mul3A_277 = arith.constant 16 : i32
      %mul3A_278 = arith.muli %scan3A_130, %mul3A_277 : i32
      %add3A_279 = arith.constant 3 : i32
      %add3A_280 = arith.addi %mul3A_278, %add3A_279 : i32
      %dma_wait3A_281 = arith.constant 96 : i32
      %dma_wait3A_282 = tpu.memref_slice %arg12[%dma_wait3A_281] : memref<512xi32, #tpu.memory_space<vmem>> -> memref<32xi32, #tpu.memory_space<vmem>>
      %dma_wait3A_283 = arith.constant 0 : i32
      %dma_wait3A_284 = arith.constant 0 : i32
      %dma_wait3A_285 = tpu.memref_slice %arg6[%dma_wait3A_283, %dma_wait3A_284] : memref<10000x128xf32, #tpu.memory_space<hbm>> -> memref<10000x128xf32, #tpu.memory_space<hbm>>
      tpu.wait_indirect_dma semaphore(%arg24 : memref<!tpu.dma_semaphore, #tpu.memory_space<semaphore_mem>>) src(%dma_wait3A_285 : memref<10000x128xf32, #tpu.memory_space<hbm>>) dst(%arg17 : memref<32x128xf32, #tpu.memory_space<vmem>>)
      %add3A_286 = arith.constant 2 : i32
      %add3A_287 = arith.addi %add3A_280, %add3A_286 : i32
      %lt3A_288 = arith.constant 320 : i32
      %lt3A_289 = arith.cmpi slt, %add3A_287, %lt3A_288 : i32
      %convert_element_type3A_290 = arith.extui %lt3A_289 : i1 to i32
      %cond3A_291 = arith.constant 0 : i32
      %cond3A_292 = arith.cmpi ne, %convert_element_type3A_290, %cond3A_291 : i32
      scf.if %cond3A_292 {
        %ge3A_831 = arith.constant 2 : i32
        %ge3A_832 = arith.cmpi sge, %add3A_280, %ge3A_831 : i32
        %convert_element_type3A_833 = arith.extui %ge3A_832 : i1 to i32
        %cond3A_834 = arith.constant 0 : i32
        %cond3A_835 = arith.cmpi ne, %convert_element_type3A_833, %cond3A_834 : i32
        scf.if %cond3A_835 {
          %dma_wait3A_841 = arith.constant 0 : i32
          %dma_wait3A_842 = arith.constant 0 : i32
          %dma_wait3A_843 = tpu.memref_slice %arg13[%dma_wait3A_841, %dma_wait3A_842] : memref<16x32xi32, #tpu.memory_space<vmem>> -> memref<1x32xi32, #tpu.memory_space<vmem>>
          %dma_wait3A_844 = tpu.memref_squeeze %dma_wait3A_843 : memref<1x32xi32, #tpu.memory_space<vmem>> -> memref<32xi32, #tpu.memory_space<vmem>>
          %dma_wait3A_845 = arith.constant 0 : i32
          %dma_wait3A_846 = arith.constant 0 : i32
          %dma_wait3A_847 = tpu.memref_slice %arg19[%dma_wait3A_845, %dma_wait3A_846] : memref<10000x128xf32, #tpu.memory_space<vmem_shared>> -> memref<10000x128xf32, #tpu.memory_space<vmem_shared>>
          tpu.wait_indirect_dma semaphore(%arg26 : memref<!tpu.dma_semaphore, #tpu.memory_space<semaphore_mem>>) src(%arg15 : memref<32x128xf32, #tpu.memory_space<vmem>>) dst(%dma_wait3A_847 : memref<10000x128xf32, #tpu.memory_space<vmem_shared>>)
        } else {
        }
        %dma_start3A_836 = arith.constant 160 : i32
        %dma_start3A_837 = tpu.memref_slice %arg12[%dma_start3A_836] : memref<512xi32, #tpu.memory_space<vmem>> -> memref<32xi32, #tpu.memory_space<vmem>>
        %dma_start3A_838 = arith.constant 0 : i32
        %dma_start3A_839 = arith.constant 0 : i32
        %dma_start3A_840 = tpu.memref_slice %arg6[%dma_start3A_838, %dma_start3A_839] : memref<10000x128xf32, #tpu.memory_space<hbm>> -> memref<10000x128xf32, #tpu.memory_space<hbm>>
        tpu.enqueue_indirect_dma source(%dma_start3A_840 : memref<10000x128xf32, #tpu.memory_space<hbm>>) target(%arg15 : memref<32x128xf32, #tpu.memory_space<vmem>>) offsets(%dma_start3A_837 : memref<32xi32, #tpu.memory_space<vmem>>) semaphore(%arg22 : memref<!tpu.dma_semaphore, #tpu.memory_space<semaphore_mem>>)
      } else {
      }
      %scan3A_293 = arith.constant 0 : i32
      %scan3A_294 = arith.constant 0 : i32
      %scan3A_295 = arith.constant 2 : i32
      %scan3A_296 = arith.addi %scan3A_294, %scan3A_295 : i32
      %scan3A_297 = arith.constant 1 : i32
      %scan3A_298 = scf.for %scan3A_831 = %scan3A_294 to %scan3A_296 step %scan3A_297 iter_args(%scan3A_832 = %scan3A_293) -> (i32)  : i32 {
        %mul3A_833 = arith.constant 16 : i32
        %mul3A_834 = arith.muli %scan3A_831, %mul3A_833 : i32
        %add3A_835 = arith.constant 96 : i32
        %add3A_836 = arith.addi %add3A_835, %mul3A_834 : i32
        %get3A = arith.index_cast %add3A_836 : i32 to index
        %get3A_837 = tpu.vector_load %arg12[%get3A] {strides = array<i32>} : memref<512xi32, #tpu.memory_space<vmem>>, vector<16xi32>,
        %mul3A_838 = arith.constant 16 : i32
        %mul3A_839 = arith.muli %scan3A_831, %mul3A_838 : i32
        %get3A_840 = arith.constant 3 : i32
        %get3A_841 = arith.index_cast %get3A_840 : i32 to index
        %get3A_842 = arith.index_cast %mul3A_839 : i32 to index
        %get3A_843 = tpu.vector_load %arg13[%get3A_841, %get3A_842] {strides = array<i32>} : memref<16x32xi32, #tpu.memory_space<vmem>>, vector<16xi32>,
        %gather3A = tpu.vector_load_idx %arg9[%get3A_837] : memref<10000xf32, #tpu.memory_space<vmem>>[vector<16xi32>], vector<16xf32>,
        %gather3A_844 = tpu.vector_load_idx %arg10[%get3A_843] : memref<10000xf32, #tpu.memory_space<vmem>>[vector<16xi32>], vector<16xf32>,
        %add3A_845 = arith.addf %gather3A, %gather3A_844 : vector<16xf32>
        %gt3A = arith.constant 0.000000e+00 : f32
        %gt3A_846 = vector.broadcast %gt3A : f32 to vector<16xf32>
        %gt3A_847 = arith.cmpf ogt, %add3A_845, %gt3A_846 : vector<16xf32>
        %mul3A_848 = arith.constant 0.00999999977 : f32
        %mul3A_849 = vector.broadcast %mul3A_848 : f32 to vector<16xf32>
        %mul3A_850 = arith.mulf %mul3A_849, %add3A_845 : vector<16xf32>
        %select_n3A_851 = arith.select %gt3A_847, %add3A_845, %mul3A_850 : vector<16xi1>, vector<16xf32>
        %exp3A = math.exp %select_n3A_851 : vector<16xf32>
        %mul3A_852 = arith.constant 32 : i32
        %mul3A_853 = arith.muli %add3A_280, %mul3A_852 : i32
        %mul3A_854 = arith.constant 16 : i32
        %mul3A_855 = arith.muli %scan3A_831, %mul3A_854 : i32
        %add3A_856 = arith.addi %mul3A_853, %mul3A_855 : i32
        %add3A_857 = vector.broadcast %add3A_856 : i32 to vector<16xi32>
        %add3A_858 = arith.addi %add3A_857, %iota3A : vector<16xi32>
        %lt3A_859 = vector.broadcast %min3A_32 : i32 to vector<16xi32>
        %lt3A_860 = arith.cmpi slt, %add3A_858, %lt3A_859 : vector<16xi32>
        %jit3A_861 = arith.constant 0.000000e+00 : f32
        %broadcast_in_dim3A_862 = vector.broadcast %jit3A_861 : f32 to vector<16xf32>
        %select_n3A_863 = arith.select %lt3A_860, %exp3A, %broadcast_in_dim3A_862 : vector<16xi1>, vector<16xf32>
        %mul3A_864 = arith.constant 16 : i32
        %mul3A_865 = arith.muli %scan3A_831, %mul3A_864 : i32
        %add3A_866 = vector.broadcast %mul3A_865 : i32 to vector<16xi32>
        %add3A_867 = arith.addi %add3A_866, %iota3A : vector<16xi32>
        tpu.vector_store_idx %arg18[%add3A_867], %select_n3A_863 : memref<32xf32, #tpu.memory_space<vmem>>[vector<16xi32>], vector<16xf32>,
        %shift_right_arithmetic3A = arith.constant 7 : i32
        %shift_right_arithmetic3A_868 = vector.broadcast %shift_right_arithmetic3A : i32 to vector<16xi32>
        %shift_right_arithmetic3A_869 = arith.shrsi %get3A_843, %shift_right_arithmetic3A_868 : vector<16xi32>
        %and3A_870 = arith.constant 127 : i32
        %and3A_871 = vector.broadcast %and3A_870 : i32 to vector<16xi32>
        %and3A_872 = arith.andi %get3A_843, %and3A_871 : vector<16xi32>
        tpu.vector_store_idx %arg11[%shift_right_arithmetic3A_869, %and3A_872], %select_n3A_863 {add = true} : memref<80x128xf32, #tpu.memory_space<vmem>>[vector<16xi32>, vector<16xi32>], vector<16xf32>,
        %scan3A_873 = arith.constant 0 : i32
        scf.yield %scan3A_873 : i32
      }
      %scan3A_299 = arith.constant 2 : i32
      %scan3A_300 = arith.constant 0 : i32
      %scan3A_301 = arith.constant 0 : i32
      %scan3A_302 = arith.constant 32 : i32
      %scan3A_303 = arith.addi %scan3A_301, %scan3A_302 : i32
      %scan3A_304 = arith.constant 1 : i32
      %scan3A_305 = scf.for %scan3A_831 = %scan3A_301 to %scan3A_303 step %scan3A_304 iter_args(%scan3A_832 = %scan3A_300) -> (i32)  : i32 {
        %broadcast_in_dim3A_833 = vector.broadcast %scan3A_831 : i32 to vector<16xi32>
        %gather3A = tpu.vector_load_idx %arg18[%broadcast_in_dim3A_833] : memref<32xf32, #tpu.memory_space<vmem>>[vector<16xi32>], vector<16xf32>,
        %get3A = arith.index_cast %scan3A_831 : i32 to index
        %get3A_834 = arith.constant 0 : index
        %get3A_835 = tpu.vector_load %arg17[%get3A, %get3A_834] {strides = array<i32>} : memref<32x128xf32, #tpu.memory_space<vmem>>, vector<16xf32>,
        %mul3A_836 = arith.mulf %get3A_835, %gather3A : vector<16xf32>
        %swap3A = arith.index_cast %scan3A_831 : i32 to index
        %swap3A_837 = arith.constant 0 : index
        %swap3A_838 = tpu.vector_load %arg17[%swap3A, %swap3A_837] {strides = array<i32>} : memref<32x128xf32, #tpu.memory_space<vmem>>, vector<16xf32>,
        tpu.vector_store %arg17[%swap3A, %swap3A_837], %mul3A_836 {strides = array<i32>} : memref<32x128xf32, #tpu.memory_space<vmem>>, vector<16xf32>,
        %get3A_839 = arith.index_cast %scan3A_831 : i32 to index
        %get3A_840 = arith.constant 16 : index
        %get3A_841 = tpu.vector_load %arg17[%get3A_839, %get3A_840] {strides = array<i32>} : memref<32x128xf32, #tpu.memory_space<vmem>>, vector<16xf32>,
        %mul3A_842 = arith.mulf %get3A_841, %gather3A : vector<16xf32>
        %swap3A_843 = arith.index_cast %scan3A_831 : i32 to index
        %swap3A_844 = arith.constant 16 : index
        %swap3A_845 = tpu.vector_load %arg17[%swap3A_843, %swap3A_844] {strides = array<i32>} : memref<32x128xf32, #tpu.memory_space<vmem>>, vector<16xf32>,
        tpu.vector_store %arg17[%swap3A_843, %swap3A_844], %mul3A_842 {strides = array<i32>} : memref<32x128xf32, #tpu.memory_space<vmem>>, vector<16xf32>,
        %get3A_846 = arith.index_cast %scan3A_831 : i32 to index
        %get3A_847 = arith.constant 32 : index
        %get3A_848 = tpu.vector_load %arg17[%get3A_846, %get3A_847] {strides = array<i32>} : memref<32x128xf32, #tpu.memory_space<vmem>>, vector<16xf32>,
        %mul3A_849 = arith.mulf %get3A_848, %gather3A : vector<16xf32>
        %swap3A_850 = arith.index_cast %scan3A_831 : i32 to index
        %swap3A_851 = arith.constant 32 : index
        %swap3A_852 = tpu.vector_load %arg17[%swap3A_850, %swap3A_851] {strides = array<i32>} : memref<32x128xf32, #tpu.memory_space<vmem>>, vector<16xf32>,
        tpu.vector_store %arg17[%swap3A_850, %swap3A_851], %mul3A_849 {strides = array<i32>} : memref<32x128xf32, #tpu.memory_space<vmem>>, vector<16xf32>,
        %get3A_853 = arith.index_cast %scan3A_831 : i32 to index
        %get3A_854 = arith.constant 48 : index
        %get3A_855 = tpu.vector_load %arg17[%get3A_853, %get3A_854] {strides = array<i32>} : memref<32x128xf32, #tpu.memory_space<vmem>>, vector<16xf32>,
        %mul3A_856 = arith.mulf %get3A_855, %gather3A : vector<16xf32>
        %swap3A_857 = arith.index_cast %scan3A_831 : i32 to index
        %swap3A_858 = arith.constant 48 : index
        %swap3A_859 = tpu.vector_load %arg17[%swap3A_857, %swap3A_858] {strides = array<i32>} : memref<32x128xf32, #tpu.memory_space<vmem>>, vector<16xf32>,
        tpu.vector_store %arg17[%swap3A_857, %swap3A_858], %mul3A_856 {strides = array<i32>} : memref<32x128xf32, #tpu.memory_space<vmem>>, vector<16xf32>,
        %get3A_860 = arith.index_cast %scan3A_831 : i32 to index
        %get3A_861 = arith.constant 64 : index
        %get3A_862 = tpu.vector_load %arg17[%get3A_860, %get3A_861] {strides = array<i32>} : memref<32x128xf32, #tpu.memory_space<vmem>>, vector<16xf32>,
        %mul3A_863 = arith.mulf %get3A_862, %gather3A : vector<16xf32>
        %swap3A_864 = arith.index_cast %scan3A_831 : i32 to index
        %swap3A_865 = arith.constant 64 : index
        %swap3A_866 = tpu.vector_load %arg17[%swap3A_864, %swap3A_865] {strides = array<i32>} : memref<32x128xf32, #tpu.memory_space<vmem>>, vector<16xf32>,
        tpu.vector_store %arg17[%swap3A_864, %swap3A_865], %mul3A_863 {strides = array<i32>} : memref<32x128xf32, #tpu.memory_space<vmem>>, vector<16xf32>,
        %get3A_867 = arith.index_cast %scan3A_831 : i32 to index
        %get3A_868 = arith.constant 80 : index
        %get3A_869 = tpu.vector_load %arg17[%get3A_867, %get3A_868] {strides = array<i32>} : memref<32x128xf32, #tpu.memory_space<vmem>>, vector<16xf32>,
        %mul3A_870 = arith.mulf %get3A_869, %gather3A : vector<16xf32>
        %swap3A_871 = arith.index_cast %scan3A_831 : i32 to index
        %swap3A_872 = arith.constant 80 : index
        %swap3A_873 = tpu.vector_load %arg17[%swap3A_871, %swap3A_872] {strides = array<i32>} : memref<32x128xf32, #tpu.memory_space<vmem>>, vector<16xf32>,
        tpu.vector_store %arg17[%swap3A_871, %swap3A_872], %mul3A_870 {strides = array<i32>} : memref<32x128xf32, #tpu.memory_space<vmem>>, vector<16xf32>,
        %get3A_874 = arith.index_cast %scan3A_831 : i32 to index
        %get3A_875 = arith.constant 96 : index
        %get3A_876 = tpu.vector_load %arg17[%get3A_874, %get3A_875] {strides = array<i32>} : memref<32x128xf32, #tpu.memory_space<vmem>>, vector<16xf32>,
        %mul3A_877 = arith.mulf %get3A_876, %gather3A : vector<16xf32>
        %swap3A_878 = arith.index_cast %scan3A_831 : i32 to index
        %swap3A_879 = arith.constant 96 : index
        %swap3A_880 = tpu.vector_load %arg17[%swap3A_878, %swap3A_879] {strides = array<i32>} : memref<32x128xf32, #tpu.memory_space<vmem>>, vector<16xf32>,
        tpu.vector_store %arg17[%swap3A_878, %swap3A_879], %mul3A_877 {strides = array<i32>} : memref<32x128xf32, #tpu.memory_space<vmem>>, vector<16xf32>,
        %get3A_881 = arith.index_cast %scan3A_831 : i32 to index
        %get3A_882 = arith.constant 112 : index
        %get3A_883 = tpu.vector_load %arg17[%get3A_881, %get3A_882] {strides = array<i32>} : memref<32x128xf32, #tpu.memory_space<vmem>>, vector<16xf32>,
        %mul3A_884 = arith.mulf %get3A_883, %gather3A : vector<16xf32>
        %swap3A_885 = arith.index_cast %scan3A_831 : i32 to index
        %swap3A_886 = arith.constant 112 : index
        %swap3A_887 = tpu.vector_load %arg17[%swap3A_885, %swap3A_886] {strides = array<i32>} : memref<32x128xf32, #tpu.memory_space<vmem>>, vector<16xf32>,
        tpu.vector_store %arg17[%swap3A_885, %swap3A_886], %mul3A_884 {strides = array<i32>} : memref<32x128xf32, #tpu.memory_space<vmem>>, vector<16xf32>,
        %scan3A_888 = arith.constant 0 : i32
        scf.yield %scan3A_888 : i32
      }
      %scan3A_306 = arith.constant 32 : i32
      %lt3A_307 = arith.constant 316 : i32
      %lt3A_308 = arith.cmpi slt, %add3A_280, %lt3A_307 : i32
      %convert_element_type3A_309 = arith.extui %lt3A_308 : i1 to i32
      %cond3A_310 = arith.constant 0 : i32
      %cond3A_311 = arith.cmpi ne, %convert_element_type3A_309, %cond3A_310 : i32
      scf.if %cond3A_311 {
        %dma_start3A_831 = arith.constant 3 : i32
        %dma_start3A_832 = arith.constant 0 : i32
        %dma_start3A_833 = tpu.memref_slice %arg13[%dma_start3A_831, %dma_start3A_832] : memref<16x32xi32, #tpu.memory_space<vmem>> -> memref<1x32xi32, #tpu.memory_space<vmem>>
        %dma_start3A_834 = tpu.memref_squeeze %dma_start3A_833 : memref<1x32xi32, #tpu.memory_space<vmem>> -> memref<32xi32, #tpu.memory_space<vmem>>
        %dma_start3A_835 = arith.constant 0 : i32
        %dma_start3A_836 = arith.constant 0 : i32
        %dma_start3A_837 = tpu.memref_slice %arg19[%dma_start3A_835, %dma_start3A_836] : memref<10000x128xf32, #tpu.memory_space<vmem_shared>> -> memref<10000x128xf32, #tpu.memory_space<vmem_shared>>
        tpu.enqueue_indirect_dma source(%arg17 : memref<32x128xf32, #tpu.memory_space<vmem>>) target(%dma_start3A_837 : memref<10000x128xf32, #tpu.memory_space<vmem_shared>>) offsets(%dma_start3A_834 : memref<32xi32, #tpu.memory_space<vmem>>) semaphore(%arg28 : memref<!tpu.dma_semaphore, #tpu.memory_space<semaphore_mem>>) {add = true}
      } else {
      }
      %ge3A_312 = arith.constant 316 : i32
      %ge3A_313 = arith.cmpi sge, %add3A_280, %ge3A_312 : i32
      %convert_element_type3A_314 = arith.extui %ge3A_313 : i1 to i32
      %cond3A_315 = arith.constant 0 : i32
      %cond3A_316 = arith.cmpi ne, %convert_element_type3A_314, %cond3A_315 : i32
      scf.if %cond3A_316 {
        %run_scoped3A = arith.constant 3 : i32
        "tpu.region"() ({
          %run_scoped3A_831 = tpu.sem_alloc : memref<!tpu.dma_semaphore, #tpu.memory_space<semaphore_mem>>
          %dma_start3A_832 = arith.constant 0 : i32
          %dma_start3A_833 = tpu.memref_slice %arg13[%run_scoped3A, %dma_start3A_832] : memref<16x32xi32, #tpu.memory_space<vmem>> -> memref<1x32xi32, #tpu.memory_space<vmem>>
          %dma_start3A_834 = tpu.memref_squeeze %dma_start3A_833 : memref<1x32xi32, #tpu.memory_space<vmem>> -> memref<32xi32, #tpu.memory_space<vmem>>
          %dma_start3A_835 = arith.constant 0 : i32
          %dma_start3A_836 = arith.constant 0 : i32
          %dma_start3A_837 = tpu.memref_slice %arg19[%dma_start3A_835, %dma_start3A_836] : memref<10000x128xf32, #tpu.memory_space<vmem_shared>> -> memref<10000x128xf32, #tpu.memory_space<vmem_shared>>
          tpu.enqueue_indirect_dma source(%arg17 : memref<32x128xf32, #tpu.memory_space<vmem>>) target(%dma_start3A_837 : memref<10000x128xf32, #tpu.memory_space<vmem_shared>>) offsets(%dma_start3A_834 : memref<32xi32, #tpu.memory_space<vmem>>) semaphore(%run_scoped3A_831 : memref<!tpu.dma_semaphore, #tpu.memory_space<semaphore_mem>>) {add = true}
          %dma_wait3A_838 = arith.constant 0 : i32
          %dma_wait3A_839 = tpu.memref_slice %arg13[%run_scoped3A, %dma_wait3A_838] : memref<16x32xi32, #tpu.memory_space<vmem>> -> memref<1x32xi32, #tpu.memory_space<vmem>>
          %dma_wait3A_840 = tpu.memref_squeeze %dma_wait3A_839 : memref<1x32xi32, #tpu.memory_space<vmem>> -> memref<32xi32, #tpu.memory_space<vmem>>
          %dma_wait3A_841 = arith.constant 0 : i32
          %dma_wait3A_842 = arith.constant 0 : i32
          %dma_wait3A_843 = tpu.memref_slice %arg19[%dma_wait3A_841, %dma_wait3A_842] : memref<10000x128xf32, #tpu.memory_space<vmem_shared>> -> memref<10000x128xf32, #tpu.memory_space<vmem_shared>>
          tpu.wait_indirect_dma semaphore(%run_scoped3A_831 : memref<!tpu.dma_semaphore, #tpu.memory_space<semaphore_mem>>) src(%arg17 : memref<32x128xf32, #tpu.memory_space<vmem>>) dst(%dma_wait3A_843 : memref<10000x128xf32, #tpu.memory_space<vmem_shared>>)
          tpu.yield
        }) : () -> ()
      } else {
      }
      %mul3A_317 = arith.constant 16 : i32
      %mul3A_318 = arith.muli %scan3A_130, %mul3A_317 : i32
      %add3A_319 = arith.constant 4 : i32
      %add3A_320 = arith.addi %mul3A_318, %add3A_319 : i32
      %dma_wait3A_321 = arith.constant 128 : i32
      %dma_wait3A_322 = tpu.memref_slice %arg12[%dma_wait3A_321] : memref<512xi32, #tpu.memory_space<vmem>> -> memref<32xi32, #tpu.memory_space<vmem>>
      %dma_wait3A_323 = arith.constant 0 : i32
      %dma_wait3A_324 = arith.constant 0 : i32
      %dma_wait3A_325 = tpu.memref_slice %arg6[%dma_wait3A_323, %dma_wait3A_324] : memref<10000x128xf32, #tpu.memory_space<hbm>> -> memref<10000x128xf32, #tpu.memory_space<hbm>>
      tpu.wait_indirect_dma semaphore(%arg21 : memref<!tpu.dma_semaphore, #tpu.memory_space<semaphore_mem>>) src(%dma_wait3A_325 : memref<10000x128xf32, #tpu.memory_space<hbm>>) dst(%arg14 : memref<32x128xf32, #tpu.memory_space<vmem>>)
      %add3A_326 = arith.constant 2 : i32
      %add3A_327 = arith.addi %add3A_320, %add3A_326 : i32
      %lt3A_328 = arith.constant 320 : i32
      %lt3A_329 = arith.cmpi slt, %add3A_327, %lt3A_328 : i32
      %convert_element_type3A_330 = arith.extui %lt3A_329 : i1 to i32
      %cond3A_331 = arith.constant 0 : i32
      %cond3A_332 = arith.cmpi ne, %convert_element_type3A_330, %cond3A_331 : i32
      scf.if %cond3A_332 {
        %ge3A_831 = arith.constant 2 : i32
        %ge3A_832 = arith.cmpi sge, %add3A_320, %ge3A_831 : i32
        %convert_element_type3A_833 = arith.extui %ge3A_832 : i1 to i32
        %cond3A_834 = arith.constant 0 : i32
        %cond3A_835 = arith.cmpi ne, %convert_element_type3A_833, %cond3A_834 : i32
        scf.if %cond3A_835 {
          %dma_wait3A_841 = arith.constant 0 : i32
          %dma_wait3A_842 = arith.constant 0 : i32
          %dma_wait3A_843 = tpu.memref_slice %arg13[%dma_wait3A_841, %dma_wait3A_842] : memref<16x32xi32, #tpu.memory_space<vmem>> -> memref<1x32xi32, #tpu.memory_space<vmem>>
          %dma_wait3A_844 = tpu.memref_squeeze %dma_wait3A_843 : memref<1x32xi32, #tpu.memory_space<vmem>> -> memref<32xi32, #tpu.memory_space<vmem>>
          %dma_wait3A_845 = arith.constant 0 : i32
          %dma_wait3A_846 = arith.constant 0 : i32
          %dma_wait3A_847 = tpu.memref_slice %arg19[%dma_wait3A_845, %dma_wait3A_846] : memref<10000x128xf32, #tpu.memory_space<vmem_shared>> -> memref<10000x128xf32, #tpu.memory_space<vmem_shared>>
          tpu.wait_indirect_dma semaphore(%arg27 : memref<!tpu.dma_semaphore, #tpu.memory_space<semaphore_mem>>) src(%arg16 : memref<32x128xf32, #tpu.memory_space<vmem>>) dst(%dma_wait3A_847 : memref<10000x128xf32, #tpu.memory_space<vmem_shared>>)
        } else {
        }
        %dma_start3A_836 = arith.constant 192 : i32
        %dma_start3A_837 = tpu.memref_slice %arg12[%dma_start3A_836] : memref<512xi32, #tpu.memory_space<vmem>> -> memref<32xi32, #tpu.memory_space<vmem>>
        %dma_start3A_838 = arith.constant 0 : i32
        %dma_start3A_839 = arith.constant 0 : i32
        %dma_start3A_840 = tpu.memref_slice %arg6[%dma_start3A_838, %dma_start3A_839] : memref<10000x128xf32, #tpu.memory_space<hbm>> -> memref<10000x128xf32, #tpu.memory_space<hbm>>
        tpu.enqueue_indirect_dma source(%dma_start3A_840 : memref<10000x128xf32, #tpu.memory_space<hbm>>) target(%arg16 : memref<32x128xf32, #tpu.memory_space<vmem>>) offsets(%dma_start3A_837 : memref<32xi32, #tpu.memory_space<vmem>>) semaphore(%arg23 : memref<!tpu.dma_semaphore, #tpu.memory_space<semaphore_mem>>)
      } else {
      }
      %scan3A_333 = arith.constant 0 : i32
      %scan3A_334 = arith.constant 0 : i32
      %scan3A_335 = arith.constant 2 : i32
      %scan3A_336 = arith.addi %scan3A_334, %scan3A_335 : i32
      %scan3A_337 = arith.constant 1 : i32
      %scan3A_338 = scf.for %scan3A_831 = %scan3A_334 to %scan3A_336 step %scan3A_337 iter_args(%scan3A_832 = %scan3A_333) -> (i32)  : i32 {
        %mul3A_833 = arith.constant 16 : i32
        %mul3A_834 = arith.muli %scan3A_831, %mul3A_833 : i32
        %add3A_835 = arith.constant 128 : i32
        %add3A_836 = arith.addi %add3A_835, %mul3A_834 : i32
        %get3A = arith.index_cast %add3A_836 : i32 to index
        %get3A_837 = tpu.vector_load %arg12[%get3A] {strides = array<i32>} : memref<512xi32, #tpu.memory_space<vmem>>, vector<16xi32>,
        %mul3A_838 = arith.constant 16 : i32
        %mul3A_839 = arith.muli %scan3A_831, %mul3A_838 : i32
        %get3A_840 = arith.constant 4 : i32
        %get3A_841 = arith.index_cast %get3A_840 : i32 to index
        %get3A_842 = arith.index_cast %mul3A_839 : i32 to index
        %get3A_843 = tpu.vector_load %arg13[%get3A_841, %get3A_842] {strides = array<i32>} : memref<16x32xi32, #tpu.memory_space<vmem>>, vector<16xi32>,
        %gather3A = tpu.vector_load_idx %arg9[%get3A_837] : memref<10000xf32, #tpu.memory_space<vmem>>[vector<16xi32>], vector<16xf32>,
        %gather3A_844 = tpu.vector_load_idx %arg10[%get3A_843] : memref<10000xf32, #tpu.memory_space<vmem>>[vector<16xi32>], vector<16xf32>,
        %add3A_845 = arith.addf %gather3A, %gather3A_844 : vector<16xf32>
        %gt3A = arith.constant 0.000000e+00 : f32
        %gt3A_846 = vector.broadcast %gt3A : f32 to vector<16xf32>
        %gt3A_847 = arith.cmpf ogt, %add3A_845, %gt3A_846 : vector<16xf32>
        %mul3A_848 = arith.constant 0.00999999977 : f32
        %mul3A_849 = vector.broadcast %mul3A_848 : f32 to vector<16xf32>
        %mul3A_850 = arith.mulf %mul3A_849, %add3A_845 : vector<16xf32>
        %select_n3A_851 = arith.select %gt3A_847, %add3A_845, %mul3A_850 : vector<16xi1>, vector<16xf32>
        %exp3A = math.exp %select_n3A_851 : vector<16xf32>
        %mul3A_852 = arith.constant 32 : i32
        %mul3A_853 = arith.muli %add3A_320, %mul3A_852 : i32
        %mul3A_854 = arith.constant 16 : i32
        %mul3A_855 = arith.muli %scan3A_831, %mul3A_854 : i32
        %add3A_856 = arith.addi %mul3A_853, %mul3A_855 : i32
        %add3A_857 = vector.broadcast %add3A_856 : i32 to vector<16xi32>
        %add3A_858 = arith.addi %add3A_857, %iota3A : vector<16xi32>
        %lt3A_859 = vector.broadcast %min3A_32 : i32 to vector<16xi32>
        %lt3A_860 = arith.cmpi slt, %add3A_858, %lt3A_859 : vector<16xi32>
        %jit3A_861 = arith.constant 0.000000e+00 : f32
        %broadcast_in_dim3A_862 = vector.broadcast %jit3A_861 : f32 to vector<16xf32>
        %select_n3A_863 = arith.select %lt3A_860, %exp3A, %broadcast_in_dim3A_862 : vector<16xi1>, vector<16xf32>
        %mul3A_864 = arith.constant 16 : i32
        %mul3A_865 = arith.muli %scan3A_831, %mul3A_864 : i32
        %add3A_866 = vector.broadcast %mul3A_865 : i32 to vector<16xi32>
        %add3A_867 = arith.addi %add3A_866, %iota3A : vector<16xi32>
        tpu.vector_store_idx %arg18[%add3A_867], %select_n3A_863 : memref<32xf32, #tpu.memory_space<vmem>>[vector<16xi32>], vector<16xf32>,
        %shift_right_arithmetic3A = arith.constant 7 : i32
        %shift_right_arithmetic3A_868 = vector.broadcast %shift_right_arithmetic3A : i32 to vector<16xi32>
        %shift_right_arithmetic3A_869 = arith.shrsi %get3A_843, %shift_right_arithmetic3A_868 : vector<16xi32>
        %and3A_870 = arith.constant 127 : i32
        %and3A_871 = vector.broadcast %and3A_870 : i32 to vector<16xi32>
        %and3A_872 = arith.andi %get3A_843, %and3A_871 : vector<16xi32>
        tpu.vector_store_idx %arg11[%shift_right_arithmetic3A_869, %and3A_872], %select_n3A_863 {add = true} : memref<80x128xf32, #tpu.memory_space<vmem>>[vector<16xi32>, vector<16xi32>], vector<16xf32>,
        %scan3A_873 = arith.constant 0 : i32
        scf.yield %scan3A_873 : i32
      }
      %scan3A_339 = arith.constant 2 : i32
      %scan3A_340 = arith.constant 0 : i32
      %scan3A_341 = arith.constant 0 : i32
      %scan3A_342 = arith.constant 32 : i32
      %scan3A_343 = arith.addi %scan3A_341, %scan3A_342 : i32
      %scan3A_344 = arith.constant 1 : i32
      %scan3A_345 = scf.for %scan3A_831 = %scan3A_341 to %scan3A_343 step %scan3A_344 iter_args(%scan3A_832 = %scan3A_340) -> (i32)  : i32 {
        %broadcast_in_dim3A_833 = vector.broadcast %scan3A_831 : i32 to vector<16xi32>
        %gather3A = tpu.vector_load_idx %arg18[%broadcast_in_dim3A_833] : memref<32xf32, #tpu.memory_space<vmem>>[vector<16xi32>], vector<16xf32>,
        %get3A = arith.index_cast %scan3A_831 : i32 to index
        %get3A_834 = arith.constant 0 : index
        %get3A_835 = tpu.vector_load %arg14[%get3A, %get3A_834] {strides = array<i32>} : memref<32x128xf32, #tpu.memory_space<vmem>>, vector<16xf32>,
        %mul3A_836 = arith.mulf %get3A_835, %gather3A : vector<16xf32>
        %swap3A = arith.index_cast %scan3A_831 : i32 to index
        %swap3A_837 = arith.constant 0 : index
        %swap3A_838 = tpu.vector_load %arg14[%swap3A, %swap3A_837] {strides = array<i32>} : memref<32x128xf32, #tpu.memory_space<vmem>>, vector<16xf32>,
        tpu.vector_store %arg14[%swap3A, %swap3A_837], %mul3A_836 {strides = array<i32>} : memref<32x128xf32, #tpu.memory_space<vmem>>, vector<16xf32>,
        %get3A_839 = arith.index_cast %scan3A_831 : i32 to index
        %get3A_840 = arith.constant 16 : index
        %get3A_841 = tpu.vector_load %arg14[%get3A_839, %get3A_840] {strides = array<i32>} : memref<32x128xf32, #tpu.memory_space<vmem>>, vector<16xf32>,
        %mul3A_842 = arith.mulf %get3A_841, %gather3A : vector<16xf32>
        %swap3A_843 = arith.index_cast %scan3A_831 : i32 to index
        %swap3A_844 = arith.constant 16 : index
        %swap3A_845 = tpu.vector_load %arg14[%swap3A_843, %swap3A_844] {strides = array<i32>} : memref<32x128xf32, #tpu.memory_space<vmem>>, vector<16xf32>,
        tpu.vector_store %arg14[%swap3A_843, %swap3A_844], %mul3A_842 {strides = array<i32>} : memref<32x128xf32, #tpu.memory_space<vmem>>, vector<16xf32>,
        %get3A_846 = arith.index_cast %scan3A_831 : i32 to index
        %get3A_847 = arith.constant 32 : index
        %get3A_848 = tpu.vector_load %arg14[%get3A_846, %get3A_847] {strides = array<i32>} : memref<32x128xf32, #tpu.memory_space<vmem>>, vector<16xf32>,
        %mul3A_849 = arith.mulf %get3A_848, %gather3A : vector<16xf32>
        %swap3A_850 = arith.index_cast %scan3A_831 : i32 to index
        %swap3A_851 = arith.constant 32 : index
        %swap3A_852 = tpu.vector_load %arg14[%swap3A_850, %swap3A_851] {strides = array<i32>} : memref<32x128xf32, #tpu.memory_space<vmem>>, vector<16xf32>,
        tpu.vector_store %arg14[%swap3A_850, %swap3A_851], %mul3A_849 {strides = array<i32>} : memref<32x128xf32, #tpu.memory_space<vmem>>, vector<16xf32>,
        %get3A_853 = arith.index_cast %scan3A_831 : i32 to index
        %get3A_854 = arith.constant 48 : index
        %get3A_855 = tpu.vector_load %arg14[%get3A_853, %get3A_854] {strides = array<i32>} : memref<32x128xf32, #tpu.memory_space<vmem>>, vector<16xf32>,
        %mul3A_856 = arith.mulf %get3A_855, %gather3A : vector<16xf32>
        %swap3A_857 = arith.index_cast %scan3A_831 : i32 to index
        %swap3A_858 = arith.constant 48 : index
        %swap3A_859 = tpu.vector_load %arg14[%swap3A_857, %swap3A_858] {strides = array<i32>} : memref<32x128xf32, #tpu.memory_space<vmem>>, vector<16xf32>,
        tpu.vector_store %arg14[%swap3A_857, %swap3A_858], %mul3A_856 {strides = array<i32>} : memref<32x128xf32, #tpu.memory_space<vmem>>, vector<16xf32>,
        %get3A_860 = arith.index_cast %scan3A_831 : i32 to index
        %get3A_861 = arith.constant 64 : index
        %get3A_862 = tpu.vector_load %arg14[%get3A_860, %get3A_861] {strides = array<i32>} : memref<32x128xf32, #tpu.memory_space<vmem>>, vector<16xf32>,
        %mul3A_863 = arith.mulf %get3A_862, %gather3A : vector<16xf32>
        %swap3A_864 = arith.index_cast %scan3A_831 : i32 to index
        %swap3A_865 = arith.constant 64 : index
        %swap3A_866 = tpu.vector_load %arg14[%swap3A_864, %swap3A_865] {strides = array<i32>} : memref<32x128xf32, #tpu.memory_space<vmem>>, vector<16xf32>,
        tpu.vector_store %arg14[%swap3A_864, %swap3A_865], %mul3A_863 {strides = array<i32>} : memref<32x128xf32, #tpu.memory_space<vmem>>, vector<16xf32>,
        %get3A_867 = arith.index_cast %scan3A_831 : i32 to index
        %get3A_868 = arith.constant 80 : index
        %get3A_869 = tpu.vector_load %arg14[%get3A_867, %get3A_868] {strides = array<i32>} : memref<32x128xf32, #tpu.memory_space<vmem>>, vector<16xf32>,
        %mul3A_870 = arith.mulf %get3A_869, %gather3A : vector<16xf32>
        %swap3A_871 = arith.index_cast %scan3A_831 : i32 to index
        %swap3A_872 = arith.constant 80 : index
        %swap3A_873 = tpu.vector_load %arg14[%swap3A_871, %swap3A_872] {strides = array<i32>} : memref<32x128xf32, #tpu.memory_space<vmem>>, vector<16xf32>,
        tpu.vector_store %arg14[%swap3A_871, %swap3A_872], %mul3A_870 {strides = array<i32>} : memref<32x128xf32, #tpu.memory_space<vmem>>, vector<16xf32>,
        %get3A_874 = arith.index_cast %scan3A_831 : i32 to index
        %get3A_875 = arith.constant 96 : index
        %get3A_876 = tpu.vector_load %arg14[%get3A_874, %get3A_875] {strides = array<i32>} : memref<32x128xf32, #tpu.memory_space<vmem>>, vector<16xf32>,
        %mul3A_877 = arith.mulf %get3A_876, %gather3A : vector<16xf32>
        %swap3A_878 = arith.index_cast %scan3A_831 : i32 to index
        %swap3A_879 = arith.constant 96 : index
        %swap3A_880 = tpu.vector_load %arg14[%swap3A_878, %swap3A_879] {strides = array<i32>} : memref<32x128xf32, #tpu.memory_space<vmem>>, vector<16xf32>,
        tpu.vector_store %arg14[%swap3A_878, %swap3A_879], %mul3A_877 {strides = array<i32>} : memref<32x128xf32, #tpu.memory_space<vmem>>, vector<16xf32>,
        %get3A_881 = arith.index_cast %scan3A_831 : i32 to index
        %get3A_882 = arith.constant 112 : index
        %get3A_883 = tpu.vector_load %arg14[%get3A_881, %get3A_882] {strides = array<i32>} : memref<32x128xf32, #tpu.memory_space<vmem>>, vector<16xf32>,
        %mul3A_884 = arith.mulf %get3A_883, %gather3A : vector<16xf32>
        %swap3A_885 = arith.index_cast %scan3A_831 : i32 to index
        %swap3A_886 = arith.constant 112 : index
        %swap3A_887 = tpu.vector_load %arg14[%swap3A_885, %swap3A_886] {strides = array<i32>} : memref<32x128xf32, #tpu.memory_space<vmem>>, vector<16xf32>,
        tpu.vector_store %arg14[%swap3A_885, %swap3A_886], %mul3A_884 {strides = array<i32>} : memref<32x128xf32, #tpu.memory_space<vmem>>, vector<16xf32>,
        %scan3A_888 = arith.constant 0 : i32
        scf.yield %scan3A_888 : i32
      }
      %scan3A_346 = arith.constant 32 : i32
      %lt3A_347 = arith.constant 316 : i32
      %lt3A_348 = arith.cmpi slt, %add3A_320, %lt3A_347 : i32
      %convert_element_type3A_349 = arith.extui %lt3A_348 : i1 to i32
      %cond3A_350 = arith.constant 0 : i32
      %cond3A_351 = arith.cmpi ne, %convert_element_type3A_349, %cond3A_350 : i32
      scf.if %cond3A_351 {
        %dma_start3A_831 = arith.constant 4 : i32
        %dma_start3A_832 = arith.constant 0 : i32
        %dma_start3A_833 = tpu.memref_slice %arg13[%dma_start3A_831, %dma_start3A_832] : memref<16x32xi32, #tpu.memory_space<vmem>> -> memref<1x32xi32, #tpu.memory_space<vmem>>
        %dma_start3A_834 = tpu.memref_squeeze %dma_start3A_833 : memref<1x32xi32, #tpu.memory_space<vmem>> -> memref<32xi32, #tpu.memory_space<vmem>>
        %dma_start3A_835 = arith.constant 0 : i32
        %dma_start3A_836 = arith.constant 0 : i32
        %dma_start3A_837 = tpu.memref_slice %arg19[%dma_start3A_835, %dma_start3A_836] : memref<10000x128xf32, #tpu.memory_space<vmem_shared>> -> memref<10000x128xf32, #tpu.memory_space<vmem_shared>>
        tpu.enqueue_indirect_dma source(%arg14 : memref<32x128xf32, #tpu.memory_space<vmem>>) target(%dma_start3A_837 : memref<10000x128xf32, #tpu.memory_space<vmem_shared>>) offsets(%dma_start3A_834 : memref<32xi32, #tpu.memory_space<vmem>>) semaphore(%arg25 : memref<!tpu.dma_semaphore, #tpu.memory_space<semaphore_mem>>) {add = true}
      } else {
      }
      %ge3A_352 = arith.constant 316 : i32
      %ge3A_353 = arith.cmpi sge, %add3A_320, %ge3A_352 : i32
      %convert_element_type3A_354 = arith.extui %ge3A_353 : i1 to i32
      %cond3A_355 = arith.constant 0 : i32
      %cond3A_356 = arith.cmpi ne, %convert_element_type3A_354, %cond3A_355 : i32
      scf.if %cond3A_356 {
        %run_scoped3A = arith.constant 4 : i32
        "tpu.region"() ({
          %run_scoped3A_831 = tpu.sem_alloc : memref<!tpu.dma_semaphore, #tpu.memory_space<semaphore_mem>>
          %dma_start3A_832 = arith.constant 0 : i32
          %dma_start3A_833 = tpu.memref_slice %arg13[%run_scoped3A, %dma_start3A_832] : memref<16x32xi32, #tpu.memory_space<vmem>> -> memref<1x32xi32, #tpu.memory_space<vmem>>
          %dma_start3A_834 = tpu.memref_squeeze %dma_start3A_833 : memref<1x32xi32, #tpu.memory_space<vmem>> -> memref<32xi32, #tpu.memory_space<vmem>>
          %dma_start3A_835 = arith.constant 0 : i32
          %dma_start3A_836 = arith.constant 0 : i32
          %dma_start3A_837 = tpu.memref_slice %arg19[%dma_start3A_835, %dma_start3A_836] : memref<10000x128xf32, #tpu.memory_space<vmem_shared>> -> memref<10000x128xf32, #tpu.memory_space<vmem_shared>>
          tpu.enqueue_indirect_dma source(%arg14 : memref<32x128xf32, #tpu.memory_space<vmem>>) target(%dma_start3A_837 : memref<10000x128xf32, #tpu.memory_space<vmem_shared>>) offsets(%dma_start3A_834 : memref<32xi32, #tpu.memory_space<vmem>>) semaphore(%run_scoped3A_831 : memref<!tpu.dma_semaphore, #tpu.memory_space<semaphore_mem>>) {add = true}
          %dma_wait3A_838 = arith.constant 0 : i32
          %dma_wait3A_839 = tpu.memref_slice %arg13[%run_scoped3A, %dma_wait3A_838] : memref<16x32xi32, #tpu.memory_space<vmem>> -> memref<1x32xi32, #tpu.memory_space<vmem>>
          %dma_wait3A_840 = tpu.memref_squeeze %dma_wait3A_839 : memref<1x32xi32, #tpu.memory_space<vmem>> -> memref<32xi32, #tpu.memory_space<vmem>>
          %dma_wait3A_841 = arith.constant 0 : i32
          %dma_wait3A_842 = arith.constant 0 : i32
          %dma_wait3A_843 = tpu.memref_slice %arg19[%dma_wait3A_841, %dma_wait3A_842] : memref<10000x128xf32, #tpu.memory_space<vmem_shared>> -> memref<10000x128xf32, #tpu.memory_space<vmem_shared>>
          tpu.wait_indirect_dma semaphore(%run_scoped3A_831 : memref<!tpu.dma_semaphore, #tpu.memory_space<semaphore_mem>>) src(%arg14 : memref<32x128xf32, #tpu.memory_space<vmem>>) dst(%dma_wait3A_843 : memref<10000x128xf32, #tpu.memory_space<vmem_shared>>)
          tpu.yield
        }) : () -> ()
      } else {
      }
      %mul3A_357 = arith.constant 16 : i32
      %mul3A_358 = arith.muli %scan3A_130, %mul3A_357 : i32
      %add3A_359 = arith.constant 5 : i32
      %add3A_360 = arith.addi %mul3A_358, %add3A_359 : i32
      %dma_wait3A_361 = arith.constant 160 : i32
      %dma_wait3A_362 = tpu.memref_slice %arg12[%dma_wait3A_361] : memref<512xi32, #tpu.memory_space<vmem>> -> memref<32xi32, #tpu.memory_space<vmem>>
      %dma_wait3A_363 = arith.constant 0 : i32
      %dma_wait3A_364 = arith.constant 0 : i32
      %dma_wait3A_365 = tpu.memref_slice %arg6[%dma_wait3A_363, %dma_wait3A_364] : memref<10000x128xf32, #tpu.memory_space<hbm>> -> memref<10000x128xf32, #tpu.memory_space<hbm>>
      tpu.wait_indirect_dma semaphore(%arg22 : memref<!tpu.dma_semaphore, #tpu.memory_space<semaphore_mem>>) src(%dma_wait3A_365 : memref<10000x128xf32, #tpu.memory_space<hbm>>) dst(%arg15 : memref<32x128xf32, #tpu.memory_space<vmem>>)
      %add3A_366 = arith.constant 2 : i32
      %add3A_367 = arith.addi %add3A_360, %add3A_366 : i32
      %lt3A_368 = arith.constant 320 : i32
      %lt3A_369 = arith.cmpi slt, %add3A_367, %lt3A_368 : i32
      %convert_element_type3A_370 = arith.extui %lt3A_369 : i1 to i32
      %cond3A_371 = arith.constant 0 : i32
      %cond3A_372 = arith.cmpi ne, %convert_element_type3A_370, %cond3A_371 : i32
      scf.if %cond3A_372 {
        %ge3A_831 = arith.constant 2 : i32
        %ge3A_832 = arith.cmpi sge, %add3A_360, %ge3A_831 : i32
        %convert_element_type3A_833 = arith.extui %ge3A_832 : i1 to i32
        %cond3A_834 = arith.constant 0 : i32
        %cond3A_835 = arith.cmpi ne, %convert_element_type3A_833, %cond3A_834 : i32
        scf.if %cond3A_835 {
          %dma_wait3A_841 = arith.constant 0 : i32
          %dma_wait3A_842 = arith.constant 0 : i32
          %dma_wait3A_843 = tpu.memref_slice %arg13[%dma_wait3A_841, %dma_wait3A_842] : memref<16x32xi32, #tpu.memory_space<vmem>> -> memref<1x32xi32, #tpu.memory_space<vmem>>
          %dma_wait3A_844 = tpu.memref_squeeze %dma_wait3A_843 : memref<1x32xi32, #tpu.memory_space<vmem>> -> memref<32xi32, #tpu.memory_space<vmem>>
          %dma_wait3A_845 = arith.constant 0 : i32
          %dma_wait3A_846 = arith.constant 0 : i32
          %dma_wait3A_847 = tpu.memref_slice %arg19[%dma_wait3A_845, %dma_wait3A_846] : memref<10000x128xf32, #tpu.memory_space<vmem_shared>> -> memref<10000x128xf32, #tpu.memory_space<vmem_shared>>
          tpu.wait_indirect_dma semaphore(%arg28 : memref<!tpu.dma_semaphore, #tpu.memory_space<semaphore_mem>>) src(%arg17 : memref<32x128xf32, #tpu.memory_space<vmem>>) dst(%dma_wait3A_847 : memref<10000x128xf32, #tpu.memory_space<vmem_shared>>)
        } else {
        }
        %dma_start3A_836 = arith.constant 224 : i32
        %dma_start3A_837 = tpu.memref_slice %arg12[%dma_start3A_836] : memref<512xi32, #tpu.memory_space<vmem>> -> memref<32xi32, #tpu.memory_space<vmem>>
        %dma_start3A_838 = arith.constant 0 : i32
        %dma_start3A_839 = arith.constant 0 : i32
        %dma_start3A_840 = tpu.memref_slice %arg6[%dma_start3A_838, %dma_start3A_839] : memref<10000x128xf32, #tpu.memory_space<hbm>> -> memref<10000x128xf32, #tpu.memory_space<hbm>>
        tpu.enqueue_indirect_dma source(%dma_start3A_840 : memref<10000x128xf32, #tpu.memory_space<hbm>>) target(%arg17 : memref<32x128xf32, #tpu.memory_space<vmem>>) offsets(%dma_start3A_837 : memref<32xi32, #tpu.memory_space<vmem>>) semaphore(%arg24 : memref<!tpu.dma_semaphore, #tpu.memory_space<semaphore_mem>>)
      } else {
      }
      %scan3A_373 = arith.constant 0 : i32
      %scan3A_374 = arith.constant 0 : i32
      %scan3A_375 = arith.constant 2 : i32
      %scan3A_376 = arith.addi %scan3A_374, %scan3A_375 : i32
      %scan3A_377 = arith.constant 1 : i32
      %scan3A_378 = scf.for %scan3A_831 = %scan3A_374 to %scan3A_376 step %scan3A_377 iter_args(%scan3A_832 = %scan3A_373) -> (i32)  : i32 {
        %mul3A_833 = arith.constant 16 : i32
        %mul3A_834 = arith.muli %scan3A_831, %mul3A_833 : i32
        %add3A_835 = arith.constant 160 : i32
        %add3A_836 = arith.addi %add3A_835, %mul3A_834 : i32
        %get3A = arith.index_cast %add3A_836 : i32 to index
        %get3A_837 = tpu.vector_load %arg12[%get3A] {strides = array<i32>} : memref<512xi32, #tpu.memory_space<vmem>>, vector<16xi32>,
        %mul3A_838 = arith.constant 16 : i32
        %mul3A_839 = arith.muli %scan3A_831, %mul3A_838 : i32
        %get3A_840 = arith.constant 5 : i32
        %get3A_841 = arith.index_cast %get3A_840 : i32 to index
        %get3A_842 = arith.index_cast %mul3A_839 : i32 to index
        %get3A_843 = tpu.vector_load %arg13[%get3A_841, %get3A_842] {strides = array<i32>} : memref<16x32xi32, #tpu.memory_space<vmem>>, vector<16xi32>,
        %gather3A = tpu.vector_load_idx %arg9[%get3A_837] : memref<10000xf32, #tpu.memory_space<vmem>>[vector<16xi32>], vector<16xf32>,
        %gather3A_844 = tpu.vector_load_idx %arg10[%get3A_843] : memref<10000xf32, #tpu.memory_space<vmem>>[vector<16xi32>], vector<16xf32>,
        %add3A_845 = arith.addf %gather3A, %gather3A_844 : vector<16xf32>
        %gt3A = arith.constant 0.000000e+00 : f32
        %gt3A_846 = vector.broadcast %gt3A : f32 to vector<16xf32>
        %gt3A_847 = arith.cmpf ogt, %add3A_845, %gt3A_846 : vector<16xf32>
        %mul3A_848 = arith.constant 0.00999999977 : f32
        %mul3A_849 = vector.broadcast %mul3A_848 : f32 to vector<16xf32>
        %mul3A_850 = arith.mulf %mul3A_849, %add3A_845 : vector<16xf32>
        %select_n3A_851 = arith.select %gt3A_847, %add3A_845, %mul3A_850 : vector<16xi1>, vector<16xf32>
        %exp3A = math.exp %select_n3A_851 : vector<16xf32>
        %mul3A_852 = arith.constant 32 : i32
        %mul3A_853 = arith.muli %add3A_360, %mul3A_852 : i32
        %mul3A_854 = arith.constant 16 : i32
        %mul3A_855 = arith.muli %scan3A_831, %mul3A_854 : i32
        %add3A_856 = arith.addi %mul3A_853, %mul3A_855 : i32
        %add3A_857 = vector.broadcast %add3A_856 : i32 to vector<16xi32>
        %add3A_858 = arith.addi %add3A_857, %iota3A : vector<16xi32>
        %lt3A_859 = vector.broadcast %min3A_32 : i32 to vector<16xi32>
        %lt3A_860 = arith.cmpi slt, %add3A_858, %lt3A_859 : vector<16xi32>
        %jit3A_861 = arith.constant 0.000000e+00 : f32
        %broadcast_in_dim3A_862 = vector.broadcast %jit3A_861 : f32 to vector<16xf32>
        %select_n3A_863 = arith.select %lt3A_860, %exp3A, %broadcast_in_dim3A_862 : vector<16xi1>, vector<16xf32>
        %mul3A_864 = arith.constant 16 : i32
        %mul3A_865 = arith.muli %scan3A_831, %mul3A_864 : i32
        %add3A_866 = vector.broadcast %mul3A_865 : i32 to vector<16xi32>
        %add3A_867 = arith.addi %add3A_866, %iota3A : vector<16xi32>
        tpu.vector_store_idx %arg18[%add3A_867], %select_n3A_863 : memref<32xf32, #tpu.memory_space<vmem>>[vector<16xi32>], vector<16xf32>,
        %shift_right_arithmetic3A = arith.constant 7 : i32
        %shift_right_arithmetic3A_868 = vector.broadcast %shift_right_arithmetic3A : i32 to vector<16xi32>
        %shift_right_arithmetic3A_869 = arith.shrsi %get3A_843, %shift_right_arithmetic3A_868 : vector<16xi32>
        %and3A_870 = arith.constant 127 : i32
        %and3A_871 = vector.broadcast %and3A_870 : i32 to vector<16xi32>
        %and3A_872 = arith.andi %get3A_843, %and3A_871 : vector<16xi32>
        tpu.vector_store_idx %arg11[%shift_right_arithmetic3A_869, %and3A_872], %select_n3A_863 {add = true} : memref<80x128xf32, #tpu.memory_space<vmem>>[vector<16xi32>, vector<16xi32>], vector<16xf32>,
        %scan3A_873 = arith.constant 0 : i32
        scf.yield %scan3A_873 : i32
      }
      %scan3A_379 = arith.constant 2 : i32
      %scan3A_380 = arith.constant 0 : i32
      %scan3A_381 = arith.constant 0 : i32
      %scan3A_382 = arith.constant 32 : i32
      %scan3A_383 = arith.addi %scan3A_381, %scan3A_382 : i32
      %scan3A_384 = arith.constant 1 : i32
      %scan3A_385 = scf.for %scan3A_831 = %scan3A_381 to %scan3A_383 step %scan3A_384 iter_args(%scan3A_832 = %scan3A_380) -> (i32)  : i32 {
        %broadcast_in_dim3A_833 = vector.broadcast %scan3A_831 : i32 to vector<16xi32>
        %gather3A = tpu.vector_load_idx %arg18[%broadcast_in_dim3A_833] : memref<32xf32, #tpu.memory_space<vmem>>[vector<16xi32>], vector<16xf32>,
        %get3A = arith.index_cast %scan3A_831 : i32 to index
        %get3A_834 = arith.constant 0 : index
        %get3A_835 = tpu.vector_load %arg15[%get3A, %get3A_834] {strides = array<i32>} : memref<32x128xf32, #tpu.memory_space<vmem>>, vector<16xf32>,
        %mul3A_836 = arith.mulf %get3A_835, %gather3A : vector<16xf32>
        %swap3A = arith.index_cast %scan3A_831 : i32 to index
        %swap3A_837 = arith.constant 0 : index
        %swap3A_838 = tpu.vector_load %arg15[%swap3A, %swap3A_837] {strides = array<i32>} : memref<32x128xf32, #tpu.memory_space<vmem>>, vector<16xf32>,
        tpu.vector_store %arg15[%swap3A, %swap3A_837], %mul3A_836 {strides = array<i32>} : memref<32x128xf32, #tpu.memory_space<vmem>>, vector<16xf32>,
        %get3A_839 = arith.index_cast %scan3A_831 : i32 to index
        %get3A_840 = arith.constant 16 : index
        %get3A_841 = tpu.vector_load %arg15[%get3A_839, %get3A_840] {strides = array<i32>} : memref<32x128xf32, #tpu.memory_space<vmem>>, vector<16xf32>,
        %mul3A_842 = arith.mulf %get3A_841, %gather3A : vector<16xf32>
        %swap3A_843 = arith.index_cast %scan3A_831 : i32 to index
        %swap3A_844 = arith.constant 16 : index
        %swap3A_845 = tpu.vector_load %arg15[%swap3A_843, %swap3A_844] {strides = array<i32>} : memref<32x128xf32, #tpu.memory_space<vmem>>, vector<16xf32>,
        tpu.vector_store %arg15[%swap3A_843, %swap3A_844], %mul3A_842 {strides = array<i32>} : memref<32x128xf32, #tpu.memory_space<vmem>>, vector<16xf32>,
        %get3A_846 = arith.index_cast %scan3A_831 : i32 to index
        %get3A_847 = arith.constant 32 : index
        %get3A_848 = tpu.vector_load %arg15[%get3A_846, %get3A_847] {strides = array<i32>} : memref<32x128xf32, #tpu.memory_space<vmem>>, vector<16xf32>,
        %mul3A_849 = arith.mulf %get3A_848, %gather3A : vector<16xf32>
        %swap3A_850 = arith.index_cast %scan3A_831 : i32 to index
        %swap3A_851 = arith.constant 32 : index
        %swap3A_852 = tpu.vector_load %arg15[%swap3A_850, %swap3A_851] {strides = array<i32>} : memref<32x128xf32, #tpu.memory_space<vmem>>, vector<16xf32>,
        tpu.vector_store %arg15[%swap3A_850, %swap3A_851], %mul3A_849 {strides = array<i32>} : memref<32x128xf32, #tpu.memory_space<vmem>>, vector<16xf32>,
        %get3A_853 = arith.index_cast %scan3A_831 : i32 to index
        %get3A_854 = arith.constant 48 : index
        %get3A_855 = tpu.vector_load %arg15[%get3A_853, %get3A_854] {strides = array<i32>} : memref<32x128xf32, #tpu.memory_space<vmem>>, vector<16xf32>,
        %mul3A_856 = arith.mulf %get3A_855, %gather3A : vector<16xf32>
        %swap3A_857 = arith.index_cast %scan3A_831 : i32 to index
        %swap3A_858 = arith.constant 48 : index
        %swap3A_859 = tpu.vector_load %arg15[%swap3A_857, %swap3A_858] {strides = array<i32>} : memref<32x128xf32, #tpu.memory_space<vmem>>, vector<16xf32>,
        tpu.vector_store %arg15[%swap3A_857, %swap3A_858], %mul3A_856 {strides = array<i32>} : memref<32x128xf32, #tpu.memory_space<vmem>>, vector<16xf32>,
        %get3A_860 = arith.index_cast %scan3A_831 : i32 to index
        %get3A_861 = arith.constant 64 : index
        %get3A_862 = tpu.vector_load %arg15[%get3A_860, %get3A_861] {strides = array<i32>} : memref<32x128xf32, #tpu.memory_space<vmem>>, vector<16xf32>,
        %mul3A_863 = arith.mulf %get3A_862, %gather3A : vector<16xf32>
        %swap3A_864 = arith.index_cast %scan3A_831 : i32 to index
        %swap3A_865 = arith.constant 64 : index
        %swap3A_866 = tpu.vector_load %arg15[%swap3A_864, %swap3A_865] {strides = array<i32>} : memref<32x128xf32, #tpu.memory_space<vmem>>, vector<16xf32>,
        tpu.vector_store %arg15[%swap3A_864, %swap3A_865], %mul3A_863 {strides = array<i32>} : memref<32x128xf32, #tpu.memory_space<vmem>>, vector<16xf32>,
        %get3A_867 = arith.index_cast %scan3A_831 : i32 to index
        %get3A_868 = arith.constant 80 : index
        %get3A_869 = tpu.vector_load %arg15[%get3A_867, %get3A_868] {strides = array<i32>} : memref<32x128xf32, #tpu.memory_space<vmem>>, vector<16xf32>,
        %mul3A_870 = arith.mulf %get3A_869, %gather3A : vector<16xf32>
        %swap3A_871 = arith.index_cast %scan3A_831 : i32 to index
        %swap3A_872 = arith.constant 80 : index
        %swap3A_873 = tpu.vector_load %arg15[%swap3A_871, %swap3A_872] {strides = array<i32>} : memref<32x128xf32, #tpu.memory_space<vmem>>, vector<16xf32>,
        tpu.vector_store %arg15[%swap3A_871, %swap3A_872], %mul3A_870 {strides = array<i32>} : memref<32x128xf32, #tpu.memory_space<vmem>>, vector<16xf32>,
        %get3A_874 = arith.index_cast %scan3A_831 : i32 to index
        %get3A_875 = arith.constant 96 : index
        %get3A_876 = tpu.vector_load %arg15[%get3A_874, %get3A_875] {strides = array<i32>} : memref<32x128xf32, #tpu.memory_space<vmem>>, vector<16xf32>,
        %mul3A_877 = arith.mulf %get3A_876, %gather3A : vector<16xf32>
        %swap3A_878 = arith.index_cast %scan3A_831 : i32 to index
        %swap3A_879 = arith.constant 96 : index
        %swap3A_880 = tpu.vector_load %arg15[%swap3A_878, %swap3A_879] {strides = array<i32>} : memref<32x128xf32, #tpu.memory_space<vmem>>, vector<16xf32>,
        tpu.vector_store %arg15[%swap3A_878, %swap3A_879], %mul3A_877 {strides = array<i32>} : memref<32x128xf32, #tpu.memory_space<vmem>>, vector<16xf32>,
        %get3A_881 = arith.index_cast %scan3A_831 : i32 to index
        %get3A_882 = arith.constant 112 : index
        %get3A_883 = tpu.vector_load %arg15[%get3A_881, %get3A_882] {strides = array<i32>} : memref<32x128xf32, #tpu.memory_space<vmem>>, vector<16xf32>,
        %mul3A_884 = arith.mulf %get3A_883, %gather3A : vector<16xf32>
        %swap3A_885 = arith.index_cast %scan3A_831 : i32 to index
        %swap3A_886 = arith.constant 112 : index
        %swap3A_887 = tpu.vector_load %arg15[%swap3A_885, %swap3A_886] {strides = array<i32>} : memref<32x128xf32, #tpu.memory_space<vmem>>, vector<16xf32>,
        tpu.vector_store %arg15[%swap3A_885, %swap3A_886], %mul3A_884 {strides = array<i32>} : memref<32x128xf32, #tpu.memory_space<vmem>>, vector<16xf32>,
        %scan3A_888 = arith.constant 0 : i32
        scf.yield %scan3A_888 : i32
      }
      %scan3A_386 = arith.constant 32 : i32
      %lt3A_387 = arith.constant 316 : i32
      %lt3A_388 = arith.cmpi slt, %add3A_360, %lt3A_387 : i32
      %convert_element_type3A_389 = arith.extui %lt3A_388 : i1 to i32
      %cond3A_390 = arith.constant 0 : i32
      %cond3A_391 = arith.cmpi ne, %convert_element_type3A_389, %cond3A_390 : i32
      scf.if %cond3A_391 {
        %dma_start3A_831 = arith.constant 5 : i32
        %dma_start3A_832 = arith.constant 0 : i32
        %dma_start3A_833 = tpu.memref_slice %arg13[%dma_start3A_831, %dma_start3A_832] : memref<16x32xi32, #tpu.memory_space<vmem>> -> memref<1x32xi32, #tpu.memory_space<vmem>>
        %dma_start3A_834 = tpu.memref_squeeze %dma_start3A_833 : memref<1x32xi32, #tpu.memory_space<vmem>> -> memref<32xi32, #tpu.memory_space<vmem>>
        %dma_start3A_835 = arith.constant 0 : i32
        %dma_start3A_836 = arith.constant 0 : i32
        %dma_start3A_837 = tpu.memref_slice %arg19[%dma_start3A_835, %dma_start3A_836] : memref<10000x128xf32, #tpu.memory_space<vmem_shared>> -> memref<10000x128xf32, #tpu.memory_space<vmem_shared>>
        tpu.enqueue_indirect_dma source(%arg15 : memref<32x128xf32, #tpu.memory_space<vmem>>) target(%dma_start3A_837 : memref<10000x128xf32, #tpu.memory_space<vmem_shared>>) offsets(%dma_start3A_834 : memref<32xi32, #tpu.memory_space<vmem>>) semaphore(%arg26 : memref<!tpu.dma_semaphore, #tpu.memory_space<semaphore_mem>>) {add = true}
      } else {
      }
      %ge3A_392 = arith.constant 316 : i32
      %ge3A_393 = arith.cmpi sge, %add3A_360, %ge3A_392 : i32
      %convert_element_type3A_394 = arith.extui %ge3A_393 : i1 to i32
      %cond3A_395 = arith.constant 0 : i32
      %cond3A_396 = arith.cmpi ne, %convert_element_type3A_394, %cond3A_395 : i32
      scf.if %cond3A_396 {
        %run_scoped3A = arith.constant 5 : i32
        "tpu.region"() ({
          %run_scoped3A_831 = tpu.sem_alloc : memref<!tpu.dma_semaphore, #tpu.memory_space<semaphore_mem>>
          %dma_start3A_832 = arith.constant 0 : i32
          %dma_start3A_833 = tpu.memref_slice %arg13[%run_scoped3A, %dma_start3A_832] : memref<16x32xi32, #tpu.memory_space<vmem>> -> memref<1x32xi32, #tpu.memory_space<vmem>>
          %dma_start3A_834 = tpu.memref_squeeze %dma_start3A_833 : memref<1x32xi32, #tpu.memory_space<vmem>> -> memref<32xi32, #tpu.memory_space<vmem>>
          %dma_start3A_835 = arith.constant 0 : i32
          %dma_start3A_836 = arith.constant 0 : i32
          %dma_start3A_837 = tpu.memref_slice %arg19[%dma_start3A_835, %dma_start3A_836] : memref<10000x128xf32, #tpu.memory_space<vmem_shared>> -> memref<10000x128xf32, #tpu.memory_space<vmem_shared>>
          tpu.enqueue_indirect_dma source(%arg15 : memref<32x128xf32, #tpu.memory_space<vmem>>) target(%dma_start3A_837 : memref<10000x128xf32, #tpu.memory_space<vmem_shared>>) offsets(%dma_start3A_834 : memref<32xi32, #tpu.memory_space<vmem>>) semaphore(%run_scoped3A_831 : memref<!tpu.dma_semaphore, #tpu.memory_space<semaphore_mem>>) {add = true}
          %dma_wait3A_838 = arith.constant 0 : i32
          %dma_wait3A_839 = tpu.memref_slice %arg13[%run_scoped3A, %dma_wait3A_838] : memref<16x32xi32, #tpu.memory_space<vmem>> -> memref<1x32xi32, #tpu.memory_space<vmem>>
          %dma_wait3A_840 = tpu.memref_squeeze %dma_wait3A_839 : memref<1x32xi32, #tpu.memory_space<vmem>> -> memref<32xi32, #tpu.memory_space<vmem>>
          %dma_wait3A_841 = arith.constant 0 : i32
          %dma_wait3A_842 = arith.constant 0 : i32
          %dma_wait3A_843 = tpu.memref_slice %arg19[%dma_wait3A_841, %dma_wait3A_842] : memref<10000x128xf32, #tpu.memory_space<vmem_shared>> -> memref<10000x128xf32, #tpu.memory_space<vmem_shared>>
          tpu.wait_indirect_dma semaphore(%run_scoped3A_831 : memref<!tpu.dma_semaphore, #tpu.memory_space<semaphore_mem>>) src(%arg15 : memref<32x128xf32, #tpu.memory_space<vmem>>) dst(%dma_wait3A_843 : memref<10000x128xf32, #tpu.memory_space<vmem_shared>>)
          tpu.yield
        }) : () -> ()
      } else {
      }
      %mul3A_397 = arith.constant 16 : i32
      %mul3A_398 = arith.muli %scan3A_130, %mul3A_397 : i32
      %add3A_399 = arith.constant 6 : i32
      %add3A_400 = arith.addi %mul3A_398, %add3A_399 : i32
      %dma_wait3A_401 = arith.constant 192 : i32
      %dma_wait3A_402 = tpu.memref_slice %arg12[%dma_wait3A_401] : memref<512xi32, #tpu.memory_space<vmem>> -> memref<32xi32, #tpu.memory_space<vmem>>
      %dma_wait3A_403 = arith.constant 0 : i32
      %dma_wait3A_404 = arith.constant 0 : i32
      %dma_wait3A_405 = tpu.memref_slice %arg6[%dma_wait3A_403, %dma_wait3A_404] : memref<10000x128xf32, #tpu.memory_space<hbm>> -> memref<10000x128xf32, #tpu.memory_space<hbm>>
      tpu.wait_indirect_dma semaphore(%arg23 : memref<!tpu.dma_semaphore, #tpu.memory_space<semaphore_mem>>) src(%dma_wait3A_405 : memref<10000x128xf32, #tpu.memory_space<hbm>>) dst(%arg16 : memref<32x128xf32, #tpu.memory_space<vmem>>)
      %add3A_406 = arith.constant 2 : i32
      %add3A_407 = arith.addi %add3A_400, %add3A_406 : i32
      %lt3A_408 = arith.constant 320 : i32
      %lt3A_409 = arith.cmpi slt, %add3A_407, %lt3A_408 : i32
      %convert_element_type3A_410 = arith.extui %lt3A_409 : i1 to i32
      %cond3A_411 = arith.constant 0 : i32
      %cond3A_412 = arith.cmpi ne, %convert_element_type3A_410, %cond3A_411 : i32
      scf.if %cond3A_412 {
        %dma_wait3A_831 = arith.constant 0 : i32
        %dma_wait3A_832 = tpu.memref_slice %arg12[%dma_wait3A_831] : memref<512xi32, #tpu.memory_space<vmem>> -> memref<256xi32, #tpu.memory_space<vmem>>
        %dma_wait3A_833 = arith.constant 0 : i32
        %dma_wait3A_834 = tpu.memref_slice %arg4[%dma_wait3A_833] : memref<327680xi32, #tpu.memory_space<hbm>> -> memref<256xi32, #tpu.memory_space<hbm>>
        %dma_wait3A_835 = arith.constant 0 : i32
        %dma_wait3A_836 = tpu.memref_slice %arg12[%dma_wait3A_835] : memref<512xi32, #tpu.memory_space<vmem>> -> memref<256xi32, #tpu.memory_space<vmem>>
        %dma_wait3A_837 = arith.constant 0 : i32
        %dma_wait3A_838 = tpu.memref_slice %arg4[%dma_wait3A_837] : memref<327680xi32, #tpu.memory_space<hbm>> -> memref<256xi32, #tpu.memory_space<hbm>>
        tpu.wait_dma2 semaphore(%arg30 : memref<!tpu.dma_semaphore, #tpu.memory_space<semaphore_mem>>) src(%dma_wait3A_838 : memref<256xi32, #tpu.memory_space<hbm>>) dst(%dma_wait3A_836 : memref<256xi32, #tpu.memory_space<vmem>>)
        %dma_wait3A_839 = arith.constant 0 : i32
        %dma_wait3A_840 = arith.constant 0 : i32
        %dma_wait3A_841 = tpu.memref_slice %arg13[%dma_wait3A_839, %dma_wait3A_840] : memref<16x32xi32, #tpu.memory_space<vmem>> -> memref<8x32xi32, #tpu.memory_space<vmem>>
        %dma_wait3A_842 = arith.constant 0 : i32
        %dma_wait3A_843 = arith.constant 0 : i32
        %dma_wait3A_844 = tpu.memref_slice %arg5[%dma_wait3A_842, %dma_wait3A_843] : memref<10240x32xi32, #tpu.memory_space<hbm>> -> memref<8x32xi32, #tpu.memory_space<hbm>>
        %dma_wait3A_845 = arith.constant 0 : i32
        %dma_wait3A_846 = arith.constant 0 : i32
        %dma_wait3A_847 = tpu.memref_slice %arg13[%dma_wait3A_845, %dma_wait3A_846] : memref<16x32xi32, #tpu.memory_space<vmem>> -> memref<8x32xi32, #tpu.memory_space<vmem>>
        %dma_wait3A_848 = arith.constant 0 : i32
        %dma_wait3A_849 = arith.constant 0 : i32
        %dma_wait3A_850 = tpu.memref_slice %arg5[%dma_wait3A_848, %dma_wait3A_849] : memref<10240x32xi32, #tpu.memory_space<hbm>> -> memref<8x32xi32, #tpu.memory_space<hbm>>
        tpu.wait_dma2 semaphore(%arg30 : memref<!tpu.dma_semaphore, #tpu.memory_space<semaphore_mem>>) src(%dma_wait3A_850 : memref<8x32xi32, #tpu.memory_space<hbm>>) dst(%dma_wait3A_847 : memref<8x32xi32, #tpu.memory_space<vmem>>)
        %ge3A_851 = arith.constant 2 : i32
        %ge3A_852 = arith.cmpi sge, %add3A_400, %ge3A_851 : i32
        %convert_element_type3A_853 = arith.extui %ge3A_852 : i1 to i32
        %cond3A_854 = arith.constant 0 : i32
        %cond3A_855 = arith.cmpi ne, %convert_element_type3A_853, %cond3A_854 : i32
        scf.if %cond3A_855 {
          %dma_wait3A_861 = arith.constant 0 : i32
          %dma_wait3A_862 = arith.constant 0 : i32
          %dma_wait3A_863 = tpu.memref_slice %arg13[%dma_wait3A_861, %dma_wait3A_862] : memref<16x32xi32, #tpu.memory_space<vmem>> -> memref<1x32xi32, #tpu.memory_space<vmem>>
          %dma_wait3A_864 = tpu.memref_squeeze %dma_wait3A_863 : memref<1x32xi32, #tpu.memory_space<vmem>> -> memref<32xi32, #tpu.memory_space<vmem>>
          %dma_wait3A_865 = arith.constant 0 : i32
          %dma_wait3A_866 = arith.constant 0 : i32
          %dma_wait3A_867 = tpu.memref_slice %arg19[%dma_wait3A_865, %dma_wait3A_866] : memref<10000x128xf32, #tpu.memory_space<vmem_shared>> -> memref<10000x128xf32, #tpu.memory_space<vmem_shared>>
          tpu.wait_indirect_dma semaphore(%arg25 : memref<!tpu.dma_semaphore, #tpu.memory_space<semaphore_mem>>) src(%arg14 : memref<32x128xf32, #tpu.memory_space<vmem>>) dst(%dma_wait3A_867 : memref<10000x128xf32, #tpu.memory_space<vmem_shared>>)
        } else {
        }
        %dma_start3A_856 = arith.constant 256 : i32
        %dma_start3A_857 = tpu.memref_slice %arg12[%dma_start3A_856] : memref<512xi32, #tpu.memory_space<vmem>> -> memref<32xi32, #tpu.memory_space<vmem>>
        %dma_start3A_858 = arith.constant 0 : i32
        %dma_start3A_859 = arith.constant 0 : i32
        %dma_start3A_860 = tpu.memref_slice %arg6[%dma_start3A_858, %dma_start3A_859] : memref<10000x128xf32, #tpu.memory_space<hbm>> -> memref<10000x128xf32, #tpu.memory_space<hbm>>
        tpu.enqueue_indirect_dma source(%dma_start3A_860 : memref<10000x128xf32, #tpu.memory_space<hbm>>) target(%arg14 : memref<32x128xf32, #tpu.memory_space<vmem>>) offsets(%dma_start3A_857 : memref<32xi32, #tpu.memory_space<vmem>>) semaphore(%arg21 : memref<!tpu.dma_semaphore, #tpu.memory_space<semaphore_mem>>)
      } else {
      }
      %scan3A_413 = arith.constant 0 : i32
      %scan3A_414 = arith.constant 0 : i32
      %scan3A_415 = arith.constant 2 : i32
      %scan3A_416 = arith.addi %scan3A_414, %scan3A_415 : i32
      %scan3A_417 = arith.constant 1 : i32
      %scan3A_418 = scf.for %scan3A_831 = %scan3A_414 to %scan3A_416 step %scan3A_417 iter_args(%scan3A_832 = %scan3A_413) -> (i32)  : i32 {
        %mul3A_833 = arith.constant 16 : i32
        %mul3A_834 = arith.muli %scan3A_831, %mul3A_833 : i32
        %add3A_835 = arith.constant 192 : i32
        %add3A_836 = arith.addi %add3A_835, %mul3A_834 : i32
        %get3A = arith.index_cast %add3A_836 : i32 to index
        %get3A_837 = tpu.vector_load %arg12[%get3A] {strides = array<i32>} : memref<512xi32, #tpu.memory_space<vmem>>, vector<16xi32>,
        %mul3A_838 = arith.constant 16 : i32
        %mul3A_839 = arith.muli %scan3A_831, %mul3A_838 : i32
        %get3A_840 = arith.constant 6 : i32
        %get3A_841 = arith.index_cast %get3A_840 : i32 to index
        %get3A_842 = arith.index_cast %mul3A_839 : i32 to index
        %get3A_843 = tpu.vector_load %arg13[%get3A_841, %get3A_842] {strides = array<i32>} : memref<16x32xi32, #tpu.memory_space<vmem>>, vector<16xi32>,
        %gather3A = tpu.vector_load_idx %arg9[%get3A_837] : memref<10000xf32, #tpu.memory_space<vmem>>[vector<16xi32>], vector<16xf32>,
        %gather3A_844 = tpu.vector_load_idx %arg10[%get3A_843] : memref<10000xf32, #tpu.memory_space<vmem>>[vector<16xi32>], vector<16xf32>,
        %add3A_845 = arith.addf %gather3A, %gather3A_844 : vector<16xf32>
        %gt3A = arith.constant 0.000000e+00 : f32
        %gt3A_846 = vector.broadcast %gt3A : f32 to vector<16xf32>
        %gt3A_847 = arith.cmpf ogt, %add3A_845, %gt3A_846 : vector<16xf32>
        %mul3A_848 = arith.constant 0.00999999977 : f32
        %mul3A_849 = vector.broadcast %mul3A_848 : f32 to vector<16xf32>
        %mul3A_850 = arith.mulf %mul3A_849, %add3A_845 : vector<16xf32>
        %select_n3A_851 = arith.select %gt3A_847, %add3A_845, %mul3A_850 : vector<16xi1>, vector<16xf32>
        %exp3A = math.exp %select_n3A_851 : vector<16xf32>
        %mul3A_852 = arith.constant 32 : i32
        %mul3A_853 = arith.muli %add3A_400, %mul3A_852 : i32
        %mul3A_854 = arith.constant 16 : i32
        %mul3A_855 = arith.muli %scan3A_831, %mul3A_854 : i32
        %add3A_856 = arith.addi %mul3A_853, %mul3A_855 : i32
        %add3A_857 = vector.broadcast %add3A_856 : i32 to vector<16xi32>
        %add3A_858 = arith.addi %add3A_857, %iota3A : vector<16xi32>
        %lt3A_859 = vector.broadcast %min3A_32 : i32 to vector<16xi32>
        %lt3A_860 = arith.cmpi slt, %add3A_858, %lt3A_859 : vector<16xi32>
        %jit3A_861 = arith.constant 0.000000e+00 : f32
        %broadcast_in_dim3A_862 = vector.broadcast %jit3A_861 : f32 to vector<16xf32>
        %select_n3A_863 = arith.select %lt3A_860, %exp3A, %broadcast_in_dim3A_862 : vector<16xi1>, vector<16xf32>
        %mul3A_864 = arith.constant 16 : i32
        %mul3A_865 = arith.muli %scan3A_831, %mul3A_864 : i32
        %add3A_866 = vector.broadcast %mul3A_865 : i32 to vector<16xi32>
        %add3A_867 = arith.addi %add3A_866, %iota3A : vector<16xi32>
        tpu.vector_store_idx %arg18[%add3A_867], %select_n3A_863 : memref<32xf32, #tpu.memory_space<vmem>>[vector<16xi32>], vector<16xf32>,
        %shift_right_arithmetic3A = arith.constant 7 : i32
        %shift_right_arithmetic3A_868 = vector.broadcast %shift_right_arithmetic3A : i32 to vector<16xi32>
        %shift_right_arithmetic3A_869 = arith.shrsi %get3A_843, %shift_right_arithmetic3A_868 : vector<16xi32>
        %and3A_870 = arith.constant 127 : i32
        %and3A_871 = vector.broadcast %and3A_870 : i32 to vector<16xi32>
        %and3A_872 = arith.andi %get3A_843, %and3A_871 : vector<16xi32>
        tpu.vector_store_idx %arg11[%shift_right_arithmetic3A_869, %and3A_872], %select_n3A_863 {add = true} : memref<80x128xf32, #tpu.memory_space<vmem>>[vector<16xi32>, vector<16xi32>], vector<16xf32>,
        %scan3A_873 = arith.constant 0 : i32
        scf.yield %scan3A_873 : i32
      }
      %scan3A_419 = arith.constant 2 : i32
      %scan3A_420 = arith.constant 0 : i32
      %scan3A_421 = arith.constant 0 : i32
      %scan3A_422 = arith.constant 32 : i32
      %scan3A_423 = arith.addi %scan3A_421, %scan3A_422 : i32
      %scan3A_424 = arith.constant 1 : i32
      %scan3A_425 = scf.for %scan3A_831 = %scan3A_421 to %scan3A_423 step %scan3A_424 iter_args(%scan3A_832 = %scan3A_420) -> (i32)  : i32 {
        %broadcast_in_dim3A_833 = vector.broadcast %scan3A_831 : i32 to vector<16xi32>
        %gather3A = tpu.vector_load_idx %arg18[%broadcast_in_dim3A_833] : memref<32xf32, #tpu.memory_space<vmem>>[vector<16xi32>], vector<16xf32>,
        %get3A = arith.index_cast %scan3A_831 : i32 to index
        %get3A_834 = arith.constant 0 : index
        %get3A_835 = tpu.vector_load %arg16[%get3A, %get3A_834] {strides = array<i32>} : memref<32x128xf32, #tpu.memory_space<vmem>>, vector<16xf32>,
        %mul3A_836 = arith.mulf %get3A_835, %gather3A : vector<16xf32>
        %swap3A = arith.index_cast %scan3A_831 : i32 to index
        %swap3A_837 = arith.constant 0 : index
        %swap3A_838 = tpu.vector_load %arg16[%swap3A, %swap3A_837] {strides = array<i32>} : memref<32x128xf32, #tpu.memory_space<vmem>>, vector<16xf32>,
        tpu.vector_store %arg16[%swap3A, %swap3A_837], %mul3A_836 {strides = array<i32>} : memref<32x128xf32, #tpu.memory_space<vmem>>, vector<16xf32>,
        %get3A_839 = arith.index_cast %scan3A_831 : i32 to index
        %get3A_840 = arith.constant 16 : index
        %get3A_841 = tpu.vector_load %arg16[%get3A_839, %get3A_840] {strides = array<i32>} : memref<32x128xf32, #tpu.memory_space<vmem>>, vector<16xf32>,
        %mul3A_842 = arith.mulf %get3A_841, %gather3A : vector<16xf32>
        %swap3A_843 = arith.index_cast %scan3A_831 : i32 to index
        %swap3A_844 = arith.constant 16 : index
        %swap3A_845 = tpu.vector_load %arg16[%swap3A_843, %swap3A_844] {strides = array<i32>} : memref<32x128xf32, #tpu.memory_space<vmem>>, vector<16xf32>,
        tpu.vector_store %arg16[%swap3A_843, %swap3A_844], %mul3A_842 {strides = array<i32>} : memref<32x128xf32, #tpu.memory_space<vmem>>, vector<16xf32>,
        %get3A_846 = arith.index_cast %scan3A_831 : i32 to index
        %get3A_847 = arith.constant 32 : index
        %get3A_848 = tpu.vector_load %arg16[%get3A_846, %get3A_847] {strides = array<i32>} : memref<32x128xf32, #tpu.memory_space<vmem>>, vector<16xf32>,
        %mul3A_849 = arith.mulf %get3A_848, %gather3A : vector<16xf32>
        %swap3A_850 = arith.index_cast %scan3A_831 : i32 to index
        %swap3A_851 = arith.constant 32 : index
        %swap3A_852 = tpu.vector_load %arg16[%swap3A_850, %swap3A_851] {strides = array<i32>} : memref<32x128xf32, #tpu.memory_space<vmem>>, vector<16xf32>,
        tpu.vector_store %arg16[%swap3A_850, %swap3A_851], %mul3A_849 {strides = array<i32>} : memref<32x128xf32, #tpu.memory_space<vmem>>, vector<16xf32>,
        %get3A_853 = arith.index_cast %scan3A_831 : i32 to index
        %get3A_854 = arith.constant 48 : index
        %get3A_855 = tpu.vector_load %arg16[%get3A_853, %get3A_854] {strides = array<i32>} : memref<32x128xf32, #tpu.memory_space<vmem>>, vector<16xf32>,
        %mul3A_856 = arith.mulf %get3A_855, %gather3A : vector<16xf32>
        %swap3A_857 = arith.index_cast %scan3A_831 : i32 to index
        %swap3A_858 = arith.constant 48 : index
        %swap3A_859 = tpu.vector_load %arg16[%swap3A_857, %swap3A_858] {strides = array<i32>} : memref<32x128xf32, #tpu.memory_space<vmem>>, vector<16xf32>,
        tpu.vector_store %arg16[%swap3A_857, %swap3A_858], %mul3A_856 {strides = array<i32>} : memref<32x128xf32, #tpu.memory_space<vmem>>, vector<16xf32>,
        %get3A_860 = arith.index_cast %scan3A_831 : i32 to index
        %get3A_861 = arith.constant 64 : index
        %get3A_862 = tpu.vector_load %arg16[%get3A_860, %get3A_861] {strides = array<i32>} : memref<32x128xf32, #tpu.memory_space<vmem>>, vector<16xf32>,
        %mul3A_863 = arith.mulf %get3A_862, %gather3A : vector<16xf32>
        %swap3A_864 = arith.index_cast %scan3A_831 : i32 to index
        %swap3A_865 = arith.constant 64 : index
        %swap3A_866 = tpu.vector_load %arg16[%swap3A_864, %swap3A_865] {strides = array<i32>} : memref<32x128xf32, #tpu.memory_space<vmem>>, vector<16xf32>,
        tpu.vector_store %arg16[%swap3A_864, %swap3A_865], %mul3A_863 {strides = array<i32>} : memref<32x128xf32, #tpu.memory_space<vmem>>, vector<16xf32>,
        %get3A_867 = arith.index_cast %scan3A_831 : i32 to index
        %get3A_868 = arith.constant 80 : index
        %get3A_869 = tpu.vector_load %arg16[%get3A_867, %get3A_868] {strides = array<i32>} : memref<32x128xf32, #tpu.memory_space<vmem>>, vector<16xf32>,
        %mul3A_870 = arith.mulf %get3A_869, %gather3A : vector<16xf32>
        %swap3A_871 = arith.index_cast %scan3A_831 : i32 to index
        %swap3A_872 = arith.constant 80 : index
        %swap3A_873 = tpu.vector_load %arg16[%swap3A_871, %swap3A_872] {strides = array<i32>} : memref<32x128xf32, #tpu.memory_space<vmem>>, vector<16xf32>,
        tpu.vector_store %arg16[%swap3A_871, %swap3A_872], %mul3A_870 {strides = array<i32>} : memref<32x128xf32, #tpu.memory_space<vmem>>, vector<16xf32>,
        %get3A_874 = arith.index_cast %scan3A_831 : i32 to index
        %get3A_875 = arith.constant 96 : index
        %get3A_876 = tpu.vector_load %arg16[%get3A_874, %get3A_875] {strides = array<i32>} : memref<32x128xf32, #tpu.memory_space<vmem>>, vector<16xf32>,
        %mul3A_877 = arith.mulf %get3A_876, %gather3A : vector<16xf32>
        %swap3A_878 = arith.index_cast %scan3A_831 : i32 to index
        %swap3A_879 = arith.constant 96 : index
        %swap3A_880 = tpu.vector_load %arg16[%swap3A_878, %swap3A_879] {strides = array<i32>} : memref<32x128xf32, #tpu.memory_space<vmem>>, vector<16xf32>,
        tpu.vector_store %arg16[%swap3A_878, %swap3A_879], %mul3A_877 {strides = array<i32>} : memref<32x128xf32, #tpu.memory_space<vmem>>, vector<16xf32>,
        %get3A_881 = arith.index_cast %scan3A_831 : i32 to index
        %get3A_882 = arith.constant 112 : index
        %get3A_883 = tpu.vector_load %arg16[%get3A_881, %get3A_882] {strides = array<i32>} : memref<32x128xf32, #tpu.memory_space<vmem>>, vector<16xf32>,
        %mul3A_884 = arith.mulf %get3A_883, %gather3A : vector<16xf32>
        %swap3A_885 = arith.index_cast %scan3A_831 : i32 to index
        %swap3A_886 = arith.constant 112 : index
        %swap3A_887 = tpu.vector_load %arg16[%swap3A_885, %swap3A_886] {strides = array<i32>} : memref<32x128xf32, #tpu.memory_space<vmem>>, vector<16xf32>,
        tpu.vector_store %arg16[%swap3A_885, %swap3A_886], %mul3A_884 {strides = array<i32>} : memref<32x128xf32, #tpu.memory_space<vmem>>, vector<16xf32>,
        %scan3A_888 = arith.constant 0 : i32
        scf.yield %scan3A_888 : i32
      }
      %scan3A_426 = arith.constant 32 : i32
      %lt3A_427 = arith.constant 316 : i32
      %lt3A_428 = arith.cmpi slt, %add3A_400, %lt3A_427 : i32
      %convert_element_type3A_429 = arith.extui %lt3A_428 : i1 to i32
      %cond3A_430 = arith.constant 0 : i32
      %cond3A_431 = arith.cmpi ne, %convert_element_type3A_429, %cond3A_430 : i32
      scf.if %cond3A_431 {
        %dma_start3A_831 = arith.constant 6 : i32
        %dma_start3A_832 = arith.constant 0 : i32
        %dma_start3A_833 = tpu.memref_slice %arg13[%dma_start3A_831, %dma_start3A_832] : memref<16x32xi32, #tpu.memory_space<vmem>> -> memref<1x32xi32, #tpu.memory_space<vmem>>
        %dma_start3A_834 = tpu.memref_squeeze %dma_start3A_833 : memref<1x32xi32, #tpu.memory_space<vmem>> -> memref<32xi32, #tpu.memory_space<vmem>>
        %dma_start3A_835 = arith.constant 0 : i32
        %dma_start3A_836 = arith.constant 0 : i32
        %dma_start3A_837 = tpu.memref_slice %arg19[%dma_start3A_835, %dma_start3A_836] : memref<10000x128xf32, #tpu.memory_space<vmem_shared>> -> memref<10000x128xf32, #tpu.memory_space<vmem_shared>>
        tpu.enqueue_indirect_dma source(%arg16 : memref<32x128xf32, #tpu.memory_space<vmem>>) target(%dma_start3A_837 : memref<10000x128xf32, #tpu.memory_space<vmem_shared>>) offsets(%dma_start3A_834 : memref<32xi32, #tpu.memory_space<vmem>>) semaphore(%arg27 : memref<!tpu.dma_semaphore, #tpu.memory_space<semaphore_mem>>) {add = true}
      } else {
      }
      %ge3A_432 = arith.constant 316 : i32
      %ge3A_433 = arith.cmpi sge, %add3A_400, %ge3A_432 : i32
      %convert_element_type3A_434 = arith.extui %ge3A_433 : i1 to i32
      %cond3A_435 = arith.constant 0 : i32
      %cond3A_436 = arith.cmpi ne, %convert_element_type3A_434, %cond3A_435 : i32
      scf.if %cond3A_436 {
        %run_scoped3A = arith.constant 6 : i32
        "tpu.region"() ({
          %run_scoped3A_831 = tpu.sem_alloc : memref<!tpu.dma_semaphore, #tpu.memory_space<semaphore_mem>>
          %dma_start3A_832 = arith.constant 0 : i32
          %dma_start3A_833 = tpu.memref_slice %arg13[%run_scoped3A, %dma_start3A_832] : memref<16x32xi32, #tpu.memory_space<vmem>> -> memref<1x32xi32, #tpu.memory_space<vmem>>
          %dma_start3A_834 = tpu.memref_squeeze %dma_start3A_833 : memref<1x32xi32, #tpu.memory_space<vmem>> -> memref<32xi32, #tpu.memory_space<vmem>>
          %dma_start3A_835 = arith.constant 0 : i32
          %dma_start3A_836 = arith.constant 0 : i32
          %dma_start3A_837 = tpu.memref_slice %arg19[%dma_start3A_835, %dma_start3A_836] : memref<10000x128xf32, #tpu.memory_space<vmem_shared>> -> memref<10000x128xf32, #tpu.memory_space<vmem_shared>>
          tpu.enqueue_indirect_dma source(%arg16 : memref<32x128xf32, #tpu.memory_space<vmem>>) target(%dma_start3A_837 : memref<10000x128xf32, #tpu.memory_space<vmem_shared>>) offsets(%dma_start3A_834 : memref<32xi32, #tpu.memory_space<vmem>>) semaphore(%run_scoped3A_831 : memref<!tpu.dma_semaphore, #tpu.memory_space<semaphore_mem>>) {add = true}
          %dma_wait3A_838 = arith.constant 0 : i32
          %dma_wait3A_839 = tpu.memref_slice %arg13[%run_scoped3A, %dma_wait3A_838] : memref<16x32xi32, #tpu.memory_space<vmem>> -> memref<1x32xi32, #tpu.memory_space<vmem>>
          %dma_wait3A_840 = tpu.memref_squeeze %dma_wait3A_839 : memref<1x32xi32, #tpu.memory_space<vmem>> -> memref<32xi32, #tpu.memory_space<vmem>>
          %dma_wait3A_841 = arith.constant 0 : i32
          %dma_wait3A_842 = arith.constant 0 : i32
          %dma_wait3A_843 = tpu.memref_slice %arg19[%dma_wait3A_841, %dma_wait3A_842] : memref<10000x128xf32, #tpu.memory_space<vmem_shared>> -> memref<10000x128xf32, #tpu.memory_space<vmem_shared>>
          tpu.wait_indirect_dma semaphore(%run_scoped3A_831 : memref<!tpu.dma_semaphore, #tpu.memory_space<semaphore_mem>>) src(%arg16 : memref<32x128xf32, #tpu.memory_space<vmem>>) dst(%dma_wait3A_843 : memref<10000x128xf32, #tpu.memory_space<vmem_shared>>)
          tpu.yield
        }) : () -> ()
      } else {
      }
      %mul3A_437 = arith.constant 16 : i32
      %mul3A_438 = arith.muli %scan3A_130, %mul3A_437 : i32
      %add3A_439 = arith.constant 7 : i32
      %add3A_440 = arith.addi %mul3A_438, %add3A_439 : i32
      %dma_wait3A_441 = arith.constant 224 : i32
      %dma_wait3A_442 = tpu.memref_slice %arg12[%dma_wait3A_441] : memref<512xi32, #tpu.memory_space<vmem>> -> memref<32xi32, #tpu.memory_space<vmem>>
      %dma_wait3A_443 = arith.constant 0 : i32
      %dma_wait3A_444 = arith.constant 0 : i32
      %dma_wait3A_445 = tpu.memref_slice %arg6[%dma_wait3A_443, %dma_wait3A_444] : memref<10000x128xf32, #tpu.memory_space<hbm>> -> memref<10000x128xf32, #tpu.memory_space<hbm>>
      tpu.wait_indirect_dma semaphore(%arg24 : memref<!tpu.dma_semaphore, #tpu.memory_space<semaphore_mem>>) src(%dma_wait3A_445 : memref<10000x128xf32, #tpu.memory_space<hbm>>) dst(%arg17 : memref<32x128xf32, #tpu.memory_space<vmem>>)
      %add3A_446 = arith.constant 2 : i32
      %add3A_447 = arith.addi %add3A_440, %add3A_446 : i32
      %lt3A_448 = arith.constant 320 : i32
      %lt3A_449 = arith.cmpi slt, %add3A_447, %lt3A_448 : i32
      %convert_element_type3A_450 = arith.extui %lt3A_449 : i1 to i32
      %cond3A_451 = arith.constant 0 : i32
      %cond3A_452 = arith.cmpi ne, %convert_element_type3A_450, %cond3A_451 : i32
      scf.if %cond3A_452 {
        %ge3A_831 = arith.constant 2 : i32
        %ge3A_832 = arith.cmpi sge, %add3A_440, %ge3A_831 : i32
        %convert_element_type3A_833 = arith.extui %ge3A_832 : i1 to i32
        %cond3A_834 = arith.constant 0 : i32
        %cond3A_835 = arith.cmpi ne, %convert_element_type3A_833, %cond3A_834 : i32
        scf.if %cond3A_835 {
          %dma_wait3A_841 = arith.constant 0 : i32
          %dma_wait3A_842 = arith.constant 0 : i32
          %dma_wait3A_843 = tpu.memref_slice %arg13[%dma_wait3A_841, %dma_wait3A_842] : memref<16x32xi32, #tpu.memory_space<vmem>> -> memref<1x32xi32, #tpu.memory_space<vmem>>
          %dma_wait3A_844 = tpu.memref_squeeze %dma_wait3A_843 : memref<1x32xi32, #tpu.memory_space<vmem>> -> memref<32xi32, #tpu.memory_space<vmem>>
          %dma_wait3A_845 = arith.constant 0 : i32
          %dma_wait3A_846 = arith.constant 0 : i32
          %dma_wait3A_847 = tpu.memref_slice %arg19[%dma_wait3A_845, %dma_wait3A_846] : memref<10000x128xf32, #tpu.memory_space<vmem_shared>> -> memref<10000x128xf32, #tpu.memory_space<vmem_shared>>
          tpu.wait_indirect_dma semaphore(%arg26 : memref<!tpu.dma_semaphore, #tpu.memory_space<semaphore_mem>>) src(%arg15 : memref<32x128xf32, #tpu.memory_space<vmem>>) dst(%dma_wait3A_847 : memref<10000x128xf32, #tpu.memory_space<vmem_shared>>)
        } else {
        }
        %dma_start3A_836 = arith.constant 288 : i32
        %dma_start3A_837 = tpu.memref_slice %arg12[%dma_start3A_836] : memref<512xi32, #tpu.memory_space<vmem>> -> memref<32xi32, #tpu.memory_space<vmem>>
        %dma_start3A_838 = arith.constant 0 : i32
        %dma_start3A_839 = arith.constant 0 : i32
        %dma_start3A_840 = tpu.memref_slice %arg6[%dma_start3A_838, %dma_start3A_839] : memref<10000x128xf32, #tpu.memory_space<hbm>> -> memref<10000x128xf32, #tpu.memory_space<hbm>>
        tpu.enqueue_indirect_dma source(%dma_start3A_840 : memref<10000x128xf32, #tpu.memory_space<hbm>>) target(%arg15 : memref<32x128xf32, #tpu.memory_space<vmem>>) offsets(%dma_start3A_837 : memref<32xi32, #tpu.memory_space<vmem>>) semaphore(%arg22 : memref<!tpu.dma_semaphore, #tpu.memory_space<semaphore_mem>>)
      } else {
      }
      %scan3A_453 = arith.constant 0 : i32
      %scan3A_454 = arith.constant 0 : i32
      %scan3A_455 = arith.constant 2 : i32
      %scan3A_456 = arith.addi %scan3A_454, %scan3A_455 : i32
      %scan3A_457 = arith.constant 1 : i32
      %scan3A_458 = scf.for %scan3A_831 = %scan3A_454 to %scan3A_456 step %scan3A_457 iter_args(%scan3A_832 = %scan3A_453) -> (i32)  : i32 {
        %mul3A_833 = arith.constant 16 : i32
        %mul3A_834 = arith.muli %scan3A_831, %mul3A_833 : i32
        %add3A_835 = arith.constant 224 : i32
        %add3A_836 = arith.addi %add3A_835, %mul3A_834 : i32
        %get3A = arith.index_cast %add3A_836 : i32 to index
        %get3A_837 = tpu.vector_load %arg12[%get3A] {strides = array<i32>} : memref<512xi32, #tpu.memory_space<vmem>>, vector<16xi32>,
        %mul3A_838 = arith.constant 16 : i32
        %mul3A_839 = arith.muli %scan3A_831, %mul3A_838 : i32
        %get3A_840 = arith.constant 7 : i32
        %get3A_841 = arith.index_cast %get3A_840 : i32 to index
        %get3A_842 = arith.index_cast %mul3A_839 : i32 to index
        %get3A_843 = tpu.vector_load %arg13[%get3A_841, %get3A_842] {strides = array<i32>} : memref<16x32xi32, #tpu.memory_space<vmem>>, vector<16xi32>,
        %gather3A = tpu.vector_load_idx %arg9[%get3A_837] : memref<10000xf32, #tpu.memory_space<vmem>>[vector<16xi32>], vector<16xf32>,
        %gather3A_844 = tpu.vector_load_idx %arg10[%get3A_843] : memref<10000xf32, #tpu.memory_space<vmem>>[vector<16xi32>], vector<16xf32>,
        %add3A_845 = arith.addf %gather3A, %gather3A_844 : vector<16xf32>
        %gt3A = arith.constant 0.000000e+00 : f32
        %gt3A_846 = vector.broadcast %gt3A : f32 to vector<16xf32>
        %gt3A_847 = arith.cmpf ogt, %add3A_845, %gt3A_846 : vector<16xf32>
        %mul3A_848 = arith.constant 0.00999999977 : f32
        %mul3A_849 = vector.broadcast %mul3A_848 : f32 to vector<16xf32>
        %mul3A_850 = arith.mulf %mul3A_849, %add3A_845 : vector<16xf32>
        %select_n3A_851 = arith.select %gt3A_847, %add3A_845, %mul3A_850 : vector<16xi1>, vector<16xf32>
        %exp3A = math.exp %select_n3A_851 : vector<16xf32>
        %mul3A_852 = arith.constant 32 : i32
        %mul3A_853 = arith.muli %add3A_440, %mul3A_852 : i32
        %mul3A_854 = arith.constant 16 : i32
        %mul3A_855 = arith.muli %scan3A_831, %mul3A_854 : i32
        %add3A_856 = arith.addi %mul3A_853, %mul3A_855 : i32
        %add3A_857 = vector.broadcast %add3A_856 : i32 to vector<16xi32>
        %add3A_858 = arith.addi %add3A_857, %iota3A : vector<16xi32>
        %lt3A_859 = vector.broadcast %min3A_32 : i32 to vector<16xi32>
        %lt3A_860 = arith.cmpi slt, %add3A_858, %lt3A_859 : vector<16xi32>
        %jit3A_861 = arith.constant 0.000000e+00 : f32
        %broadcast_in_dim3A_862 = vector.broadcast %jit3A_861 : f32 to vector<16xf32>
        %select_n3A_863 = arith.select %lt3A_860, %exp3A, %broadcast_in_dim3A_862 : vector<16xi1>, vector<16xf32>
        %mul3A_864 = arith.constant 16 : i32
        %mul3A_865 = arith.muli %scan3A_831, %mul3A_864 : i32
        %add3A_866 = vector.broadcast %mul3A_865 : i32 to vector<16xi32>
        %add3A_867 = arith.addi %add3A_866, %iota3A : vector<16xi32>
        tpu.vector_store_idx %arg18[%add3A_867], %select_n3A_863 : memref<32xf32, #tpu.memory_space<vmem>>[vector<16xi32>], vector<16xf32>,
        %shift_right_arithmetic3A = arith.constant 7 : i32
        %shift_right_arithmetic3A_868 = vector.broadcast %shift_right_arithmetic3A : i32 to vector<16xi32>
        %shift_right_arithmetic3A_869 = arith.shrsi %get3A_843, %shift_right_arithmetic3A_868 : vector<16xi32>
        %and3A_870 = arith.constant 127 : i32
        %and3A_871 = vector.broadcast %and3A_870 : i32 to vector<16xi32>
        %and3A_872 = arith.andi %get3A_843, %and3A_871 : vector<16xi32>
        tpu.vector_store_idx %arg11[%shift_right_arithmetic3A_869, %and3A_872], %select_n3A_863 {add = true} : memref<80x128xf32, #tpu.memory_space<vmem>>[vector<16xi32>, vector<16xi32>], vector<16xf32>,
        %scan3A_873 = arith.constant 0 : i32
        scf.yield %scan3A_873 : i32
      }
      %scan3A_459 = arith.constant 2 : i32
      %scan3A_460 = arith.constant 0 : i32
      %scan3A_461 = arith.constant 0 : i32
      %scan3A_462 = arith.constant 32 : i32
      %scan3A_463 = arith.addi %scan3A_461, %scan3A_462 : i32
      %scan3A_464 = arith.constant 1 : i32
      %scan3A_465 = scf.for %scan3A_831 = %scan3A_461 to %scan3A_463 step %scan3A_464 iter_args(%scan3A_832 = %scan3A_460) -> (i32)  : i32 {
        %broadcast_in_dim3A_833 = vector.broadcast %scan3A_831 : i32 to vector<16xi32>
        %gather3A = tpu.vector_load_idx %arg18[%broadcast_in_dim3A_833] : memref<32xf32, #tpu.memory_space<vmem>>[vector<16xi32>], vector<16xf32>,
        %get3A = arith.index_cast %scan3A_831 : i32 to index
        %get3A_834 = arith.constant 0 : index
        %get3A_835 = tpu.vector_load %arg17[%get3A, %get3A_834] {strides = array<i32>} : memref<32x128xf32, #tpu.memory_space<vmem>>, vector<16xf32>,
        %mul3A_836 = arith.mulf %get3A_835, %gather3A : vector<16xf32>
        %swap3A = arith.index_cast %scan3A_831 : i32 to index
        %swap3A_837 = arith.constant 0 : index
        %swap3A_838 = tpu.vector_load %arg17[%swap3A, %swap3A_837] {strides = array<i32>} : memref<32x128xf32, #tpu.memory_space<vmem>>, vector<16xf32>,
        tpu.vector_store %arg17[%swap3A, %swap3A_837], %mul3A_836 {strides = array<i32>} : memref<32x128xf32, #tpu.memory_space<vmem>>, vector<16xf32>,
        %get3A_839 = arith.index_cast %scan3A_831 : i32 to index
        %get3A_840 = arith.constant 16 : index
        %get3A_841 = tpu.vector_load %arg17[%get3A_839, %get3A_840] {strides = array<i32>} : memref<32x128xf32, #tpu.memory_space<vmem>>, vector<16xf32>,
        %mul3A_842 = arith.mulf %get3A_841, %gather3A : vector<16xf32>
        %swap3A_843 = arith.index_cast %scan3A_831 : i32 to index
        %swap3A_844 = arith.constant 16 : index
        %swap3A_845 = tpu.vector_load %arg17[%swap3A_843, %swap3A_844] {strides = array<i32>} : memref<32x128xf32, #tpu.memory_space<vmem>>, vector<16xf32>,
        tpu.vector_store %arg17[%swap3A_843, %swap3A_844], %mul3A_842 {strides = array<i32>} : memref<32x128xf32, #tpu.memory_space<vmem>>, vector<16xf32>,
        %get3A_846 = arith.index_cast %scan3A_831 : i32 to index
        %get3A_847 = arith.constant 32 : index
        %get3A_848 = tpu.vector_load %arg17[%get3A_846, %get3A_847] {strides = array<i32>} : memref<32x128xf32, #tpu.memory_space<vmem>>, vector<16xf32>,
        %mul3A_849 = arith.mulf %get3A_848, %gather3A : vector<16xf32>
        %swap3A_850 = arith.index_cast %scan3A_831 : i32 to index
        %swap3A_851 = arith.constant 32 : index
        %swap3A_852 = tpu.vector_load %arg17[%swap3A_850, %swap3A_851] {strides = array<i32>} : memref<32x128xf32, #tpu.memory_space<vmem>>, vector<16xf32>,
        tpu.vector_store %arg17[%swap3A_850, %swap3A_851], %mul3A_849 {strides = array<i32>} : memref<32x128xf32, #tpu.memory_space<vmem>>, vector<16xf32>,
        %get3A_853 = arith.index_cast %scan3A_831 : i32 to index
        %get3A_854 = arith.constant 48 : index
        %get3A_855 = tpu.vector_load %arg17[%get3A_853, %get3A_854] {strides = array<i32>} : memref<32x128xf32, #tpu.memory_space<vmem>>, vector<16xf32>,
        %mul3A_856 = arith.mulf %get3A_855, %gather3A : vector<16xf32>
        %swap3A_857 = arith.index_cast %scan3A_831 : i32 to index
        %swap3A_858 = arith.constant 48 : index
        %swap3A_859 = tpu.vector_load %arg17[%swap3A_857, %swap3A_858] {strides = array<i32>} : memref<32x128xf32, #tpu.memory_space<vmem>>, vector<16xf32>,
        tpu.vector_store %arg17[%swap3A_857, %swap3A_858], %mul3A_856 {strides = array<i32>} : memref<32x128xf32, #tpu.memory_space<vmem>>, vector<16xf32>,
        %get3A_860 = arith.index_cast %scan3A_831 : i32 to index
        %get3A_861 = arith.constant 64 : index
        %get3A_862 = tpu.vector_load %arg17[%get3A_860, %get3A_861] {strides = array<i32>} : memref<32x128xf32, #tpu.memory_space<vmem>>, vector<16xf32>,
        %mul3A_863 = arith.mulf %get3A_862, %gather3A : vector<16xf32>
        %swap3A_864 = arith.index_cast %scan3A_831 : i32 to index
        %swap3A_865 = arith.constant 64 : index
        %swap3A_866 = tpu.vector_load %arg17[%swap3A_864, %swap3A_865] {strides = array<i32>} : memref<32x128xf32, #tpu.memory_space<vmem>>, vector<16xf32>,
        tpu.vector_store %arg17[%swap3A_864, %swap3A_865], %mul3A_863 {strides = array<i32>} : memref<32x128xf32, #tpu.memory_space<vmem>>, vector<16xf32>,
        %get3A_867 = arith.index_cast %scan3A_831 : i32 to index
        %get3A_868 = arith.constant 80 : index
        %get3A_869 = tpu.vector_load %arg17[%get3A_867, %get3A_868] {strides = array<i32>} : memref<32x128xf32, #tpu.memory_space<vmem>>, vector<16xf32>,
        %mul3A_870 = arith.mulf %get3A_869, %gather3A : vector<16xf32>
        %swap3A_871 = arith.index_cast %scan3A_831 : i32 to index
        %swap3A_872 = arith.constant 80 : index
        %swap3A_873 = tpu.vector_load %arg17[%swap3A_871, %swap3A_872] {strides = array<i32>} : memref<32x128xf32, #tpu.memory_space<vmem>>, vector<16xf32>,
        tpu.vector_store %arg17[%swap3A_871, %swap3A_872], %mul3A_870 {strides = array<i32>} : memref<32x128xf32, #tpu.memory_space<vmem>>, vector<16xf32>,
        %get3A_874 = arith.index_cast %scan3A_831 : i32 to index
        %get3A_875 = arith.constant 96 : index
        %get3A_876 = tpu.vector_load %arg17[%get3A_874, %get3A_875] {strides = array<i32>} : memref<32x128xf32, #tpu.memory_space<vmem>>, vector<16xf32>,
        %mul3A_877 = arith.mulf %get3A_876, %gather3A : vector<16xf32>
        %swap3A_878 = arith.index_cast %scan3A_831 : i32 to index
        %swap3A_879 = arith.constant 96 : index
        %swap3A_880 = tpu.vector_load %arg17[%swap3A_878, %swap3A_879] {strides = array<i32>} : memref<32x128xf32, #tpu.memory_space<vmem>>, vector<16xf32>,
        tpu.vector_store %arg17[%swap3A_878, %swap3A_879], %mul3A_877 {strides = array<i32>} : memref<32x128xf32, #tpu.memory_space<vmem>>, vector<16xf32>,
        %get3A_881 = arith.index_cast %scan3A_831 : i32 to index
        %get3A_882 = arith.constant 112 : index
        %get3A_883 = tpu.vector_load %arg17[%get3A_881, %get3A_882] {strides = array<i32>} : memref<32x128xf32, #tpu.memory_space<vmem>>, vector<16xf32>,
        %mul3A_884 = arith.mulf %get3A_883, %gather3A : vector<16xf32>
        %swap3A_885 = arith.index_cast %scan3A_831 : i32 to index
        %swap3A_886 = arith.constant 112 : index
        %swap3A_887 = tpu.vector_load %arg17[%swap3A_885, %swap3A_886] {strides = array<i32>} : memref<32x128xf32, #tpu.memory_space<vmem>>, vector<16xf32>,
        tpu.vector_store %arg17[%swap3A_885, %swap3A_886], %mul3A_884 {strides = array<i32>} : memref<32x128xf32, #tpu.memory_space<vmem>>, vector<16xf32>,
        %scan3A_888 = arith.constant 0 : i32
        scf.yield %scan3A_888 : i32
      }
      %scan3A_466 = arith.constant 32 : i32
      %lt3A_467 = arith.constant 316 : i32
      %lt3A_468 = arith.cmpi slt, %add3A_440, %lt3A_467 : i32
      %convert_element_type3A_469 = arith.extui %lt3A_468 : i1 to i32
      %cond3A_470 = arith.constant 0 : i32
      %cond3A_471 = arith.cmpi ne, %convert_element_type3A_469, %cond3A_470 : i32
      scf.if %cond3A_471 {
        %dma_start3A_831 = arith.constant 7 : i32
        %dma_start3A_832 = arith.constant 0 : i32
        %dma_start3A_833 = tpu.memref_slice %arg13[%dma_start3A_831, %dma_start3A_832] : memref<16x32xi32, #tpu.memory_space<vmem>> -> memref<1x32xi32, #tpu.memory_space<vmem>>
        %dma_start3A_834 = tpu.memref_squeeze %dma_start3A_833 : memref<1x32xi32, #tpu.memory_space<vmem>> -> memref<32xi32, #tpu.memory_space<vmem>>
        %dma_start3A_835 = arith.constant 0 : i32
        %dma_start3A_836 = arith.constant 0 : i32
        %dma_start3A_837 = tpu.memref_slice %arg19[%dma_start3A_835, %dma_start3A_836] : memref<10000x128xf32, #tpu.memory_space<vmem_shared>> -> memref<10000x128xf32, #tpu.memory_space<vmem_shared>>
        tpu.enqueue_indirect_dma source(%arg17 : memref<32x128xf32, #tpu.memory_space<vmem>>) target(%dma_start3A_837 : memref<10000x128xf32, #tpu.memory_space<vmem_shared>>) offsets(%dma_start3A_834 : memref<32xi32, #tpu.memory_space<vmem>>) semaphore(%arg28 : memref<!tpu.dma_semaphore, #tpu.memory_space<semaphore_mem>>) {add = true}
      } else {
      }
      %ge3A_472 = arith.constant 316 : i32
      %ge3A_473 = arith.cmpi sge, %add3A_440, %ge3A_472 : i32
      %convert_element_type3A_474 = arith.extui %ge3A_473 : i1 to i32
      %cond3A_475 = arith.constant 0 : i32
      %cond3A_476 = arith.cmpi ne, %convert_element_type3A_474, %cond3A_475 : i32
      scf.if %cond3A_476 {
        %run_scoped3A = arith.constant 7 : i32
        "tpu.region"() ({
          %run_scoped3A_831 = tpu.sem_alloc : memref<!tpu.dma_semaphore, #tpu.memory_space<semaphore_mem>>
          %dma_start3A_832 = arith.constant 0 : i32
          %dma_start3A_833 = tpu.memref_slice %arg13[%run_scoped3A, %dma_start3A_832] : memref<16x32xi32, #tpu.memory_space<vmem>> -> memref<1x32xi32, #tpu.memory_space<vmem>>
          %dma_start3A_834 = tpu.memref_squeeze %dma_start3A_833 : memref<1x32xi32, #tpu.memory_space<vmem>> -> memref<32xi32, #tpu.memory_space<vmem>>
          %dma_start3A_835 = arith.constant 0 : i32
          %dma_start3A_836 = arith.constant 0 : i32
          %dma_start3A_837 = tpu.memref_slice %arg19[%dma_start3A_835, %dma_start3A_836] : memref<10000x128xf32, #tpu.memory_space<vmem_shared>> -> memref<10000x128xf32, #tpu.memory_space<vmem_shared>>
          tpu.enqueue_indirect_dma source(%arg17 : memref<32x128xf32, #tpu.memory_space<vmem>>) target(%dma_start3A_837 : memref<10000x128xf32, #tpu.memory_space<vmem_shared>>) offsets(%dma_start3A_834 : memref<32xi32, #tpu.memory_space<vmem>>) semaphore(%run_scoped3A_831 : memref<!tpu.dma_semaphore, #tpu.memory_space<semaphore_mem>>) {add = true}
          %dma_wait3A_838 = arith.constant 0 : i32
          %dma_wait3A_839 = tpu.memref_slice %arg13[%run_scoped3A, %dma_wait3A_838] : memref<16x32xi32, #tpu.memory_space<vmem>> -> memref<1x32xi32, #tpu.memory_space<vmem>>
          %dma_wait3A_840 = tpu.memref_squeeze %dma_wait3A_839 : memref<1x32xi32, #tpu.memory_space<vmem>> -> memref<32xi32, #tpu.memory_space<vmem>>
          %dma_wait3A_841 = arith.constant 0 : i32
          %dma_wait3A_842 = arith.constant 0 : i32
          %dma_wait3A_843 = tpu.memref_slice %arg19[%dma_wait3A_841, %dma_wait3A_842] : memref<10000x128xf32, #tpu.memory_space<vmem_shared>> -> memref<10000x128xf32, #tpu.memory_space<vmem_shared>>
          tpu.wait_indirect_dma semaphore(%run_scoped3A_831 : memref<!tpu.dma_semaphore, #tpu.memory_space<semaphore_mem>>) src(%arg17 : memref<32x128xf32, #tpu.memory_space<vmem>>) dst(%dma_wait3A_843 : memref<10000x128xf32, #tpu.memory_space<vmem_shared>>)
          tpu.yield
        }) : () -> ()
      } else {
      }
      %mul3A_477 = arith.constant 16 : i32
      %mul3A_478 = arith.muli %scan3A_130, %mul3A_477 : i32
      %add3A_479 = arith.constant 8 : i32
      %add3A_480 = arith.addi %mul3A_478, %add3A_479 : i32
      %dma_wait3A_481 = arith.constant 256 : i32
      %dma_wait3A_482 = tpu.memref_slice %arg12[%dma_wait3A_481] : memref<512xi32, #tpu.memory_space<vmem>> -> memref<32xi32, #tpu.memory_space<vmem>>
      %dma_wait3A_483 = arith.constant 0 : i32
      %dma_wait3A_484 = arith.constant 0 : i32
      %dma_wait3A_485 = tpu.memref_slice %arg6[%dma_wait3A_483, %dma_wait3A_484] : memref<10000x128xf32, #tpu.memory_space<hbm>> -> memref<10000x128xf32, #tpu.memory_space<hbm>>
      tpu.wait_indirect_dma semaphore(%arg21 : memref<!tpu.dma_semaphore, #tpu.memory_space<semaphore_mem>>) src(%dma_wait3A_485 : memref<10000x128xf32, #tpu.memory_space<hbm>>) dst(%arg14 : memref<32x128xf32, #tpu.memory_space<vmem>>)
      %add3A_486 = arith.constant 2 : i32
      %add3A_487 = arith.addi %add3A_480, %add3A_486 : i32
      %lt3A_488 = arith.constant 320 : i32
      %lt3A_489 = arith.cmpi slt, %add3A_487, %lt3A_488 : i32
      %convert_element_type3A_490 = arith.extui %lt3A_489 : i1 to i32
      %cond3A_491 = arith.constant 0 : i32
      %cond3A_492 = arith.cmpi ne, %convert_element_type3A_490, %cond3A_491 : i32
      scf.if %cond3A_492 {
        %ge3A_831 = arith.constant 2 : i32
        %ge3A_832 = arith.cmpi sge, %add3A_480, %ge3A_831 : i32
        %convert_element_type3A_833 = arith.extui %ge3A_832 : i1 to i32
        %cond3A_834 = arith.constant 0 : i32
        %cond3A_835 = arith.cmpi ne, %convert_element_type3A_833, %cond3A_834 : i32
        scf.if %cond3A_835 {
          %dma_wait3A_841 = arith.constant 0 : i32
          %dma_wait3A_842 = arith.constant 0 : i32
          %dma_wait3A_843 = tpu.memref_slice %arg13[%dma_wait3A_841, %dma_wait3A_842] : memref<16x32xi32, #tpu.memory_space<vmem>> -> memref<1x32xi32, #tpu.memory_space<vmem>>
          %dma_wait3A_844 = tpu.memref_squeeze %dma_wait3A_843 : memref<1x32xi32, #tpu.memory_space<vmem>> -> memref<32xi32, #tpu.memory_space<vmem>>
          %dma_wait3A_845 = arith.constant 0 : i32
          %dma_wait3A_846 = arith.constant 0 : i32
          %dma_wait3A_847 = tpu.memref_slice %arg19[%dma_wait3A_845, %dma_wait3A_846] : memref<10000x128xf32, #tpu.memory_space<vmem_shared>> -> memref<10000x128xf32, #tpu.memory_space<vmem_shared>>
          tpu.wait_indirect_dma semaphore(%arg27 : memref<!tpu.dma_semaphore, #tpu.memory_space<semaphore_mem>>) src(%arg16 : memref<32x128xf32, #tpu.memory_space<vmem>>) dst(%dma_wait3A_847 : memref<10000x128xf32, #tpu.memory_space<vmem_shared>>)
        } else {
        }
        %dma_start3A_836 = arith.constant 320 : i32
        %dma_start3A_837 = tpu.memref_slice %arg12[%dma_start3A_836] : memref<512xi32, #tpu.memory_space<vmem>> -> memref<32xi32, #tpu.memory_space<vmem>>
        %dma_start3A_838 = arith.constant 0 : i32
        %dma_start3A_839 = arith.constant 0 : i32
        %dma_start3A_840 = tpu.memref_slice %arg6[%dma_start3A_838, %dma_start3A_839] : memref<10000x128xf32, #tpu.memory_space<hbm>> -> memref<10000x128xf32, #tpu.memory_space<hbm>>
        tpu.enqueue_indirect_dma source(%dma_start3A_840 : memref<10000x128xf32, #tpu.memory_space<hbm>>) target(%arg16 : memref<32x128xf32, #tpu.memory_space<vmem>>) offsets(%dma_start3A_837 : memref<32xi32, #tpu.memory_space<vmem>>) semaphore(%arg23 : memref<!tpu.dma_semaphore, #tpu.memory_space<semaphore_mem>>)
      } else {
      }
      %scan3A_493 = arith.constant 0 : i32
      %scan3A_494 = arith.constant 0 : i32
      %scan3A_495 = arith.constant 2 : i32
      %scan3A_496 = arith.addi %scan3A_494, %scan3A_495 : i32
      %scan3A_497 = arith.constant 1 : i32
      %scan3A_498 = scf.for %scan3A_831 = %scan3A_494 to %scan3A_496 step %scan3A_497 iter_args(%scan3A_832 = %scan3A_493) -> (i32)  : i32 {
        %mul3A_833 = arith.constant 16 : i32
        %mul3A_834 = arith.muli %scan3A_831, %mul3A_833 : i32
        %add3A_835 = arith.constant 256 : i32
        %add3A_836 = arith.addi %add3A_835, %mul3A_834 : i32
        %get3A = arith.index_cast %add3A_836 : i32 to index
        %get3A_837 = tpu.vector_load %arg12[%get3A] {strides = array<i32>} : memref<512xi32, #tpu.memory_space<vmem>>, vector<16xi32>,
        %mul3A_838 = arith.constant 16 : i32
        %mul3A_839 = arith.muli %scan3A_831, %mul3A_838 : i32
        %get3A_840 = arith.constant 8 : i32
        %get3A_841 = arith.index_cast %get3A_840 : i32 to index
        %get3A_842 = arith.index_cast %mul3A_839 : i32 to index
        %get3A_843 = tpu.vector_load %arg13[%get3A_841, %get3A_842] {strides = array<i32>} : memref<16x32xi32, #tpu.memory_space<vmem>>, vector<16xi32>,
        %gather3A = tpu.vector_load_idx %arg9[%get3A_837] : memref<10000xf32, #tpu.memory_space<vmem>>[vector<16xi32>], vector<16xf32>,
        %gather3A_844 = tpu.vector_load_idx %arg10[%get3A_843] : memref<10000xf32, #tpu.memory_space<vmem>>[vector<16xi32>], vector<16xf32>,
        %add3A_845 = arith.addf %gather3A, %gather3A_844 : vector<16xf32>
        %gt3A = arith.constant 0.000000e+00 : f32
        %gt3A_846 = vector.broadcast %gt3A : f32 to vector<16xf32>
        %gt3A_847 = arith.cmpf ogt, %add3A_845, %gt3A_846 : vector<16xf32>
        %mul3A_848 = arith.constant 0.00999999977 : f32
        %mul3A_849 = vector.broadcast %mul3A_848 : f32 to vector<16xf32>
        %mul3A_850 = arith.mulf %mul3A_849, %add3A_845 : vector<16xf32>
        %select_n3A_851 = arith.select %gt3A_847, %add3A_845, %mul3A_850 : vector<16xi1>, vector<16xf32>
        %exp3A = math.exp %select_n3A_851 : vector<16xf32>
        %mul3A_852 = arith.constant 32 : i32
        %mul3A_853 = arith.muli %add3A_480, %mul3A_852 : i32
        %mul3A_854 = arith.constant 16 : i32
        %mul3A_855 = arith.muli %scan3A_831, %mul3A_854 : i32
        %add3A_856 = arith.addi %mul3A_853, %mul3A_855 : i32
        %add3A_857 = vector.broadcast %add3A_856 : i32 to vector<16xi32>
        %add3A_858 = arith.addi %add3A_857, %iota3A : vector<16xi32>
        %lt3A_859 = vector.broadcast %min3A_32 : i32 to vector<16xi32>
        %lt3A_860 = arith.cmpi slt, %add3A_858, %lt3A_859 : vector<16xi32>
        %jit3A_861 = arith.constant 0.000000e+00 : f32
        %broadcast_in_dim3A_862 = vector.broadcast %jit3A_861 : f32 to vector<16xf32>
        %select_n3A_863 = arith.select %lt3A_860, %exp3A, %broadcast_in_dim3A_862 : vector<16xi1>, vector<16xf32>
        %mul3A_864 = arith.constant 16 : i32
        %mul3A_865 = arith.muli %scan3A_831, %mul3A_864 : i32
        %add3A_866 = vector.broadcast %mul3A_865 : i32 to vector<16xi32>
        %add3A_867 = arith.addi %add3A_866, %iota3A : vector<16xi32>
        tpu.vector_store_idx %arg18[%add3A_867], %select_n3A_863 : memref<32xf32, #tpu.memory_space<vmem>>[vector<16xi32>], vector<16xf32>,
        %shift_right_arithmetic3A = arith.constant 7 : i32
        %shift_right_arithmetic3A_868 = vector.broadcast %shift_right_arithmetic3A : i32 to vector<16xi32>
        %shift_right_arithmetic3A_869 = arith.shrsi %get3A_843, %shift_right_arithmetic3A_868 : vector<16xi32>
        %and3A_870 = arith.constant 127 : i32
        %and3A_871 = vector.broadcast %and3A_870 : i32 to vector<16xi32>
        %and3A_872 = arith.andi %get3A_843, %and3A_871 : vector<16xi32>
        tpu.vector_store_idx %arg11[%shift_right_arithmetic3A_869, %and3A_872], %select_n3A_863 {add = true} : memref<80x128xf32, #tpu.memory_space<vmem>>[vector<16xi32>, vector<16xi32>], vector<16xf32>,
        %scan3A_873 = arith.constant 0 : i32
        scf.yield %scan3A_873 : i32
      }
      %scan3A_499 = arith.constant 2 : i32
      %scan3A_500 = arith.constant 0 : i32
      %scan3A_501 = arith.constant 0 : i32
      %scan3A_502 = arith.constant 32 : i32
      %scan3A_503 = arith.addi %scan3A_501, %scan3A_502 : i32
      %scan3A_504 = arith.constant 1 : i32
      %scan3A_505 = scf.for %scan3A_831 = %scan3A_501 to %scan3A_503 step %scan3A_504 iter_args(%scan3A_832 = %scan3A_500) -> (i32)  : i32 {
        %broadcast_in_dim3A_833 = vector.broadcast %scan3A_831 : i32 to vector<16xi32>
        %gather3A = tpu.vector_load_idx %arg18[%broadcast_in_dim3A_833] : memref<32xf32, #tpu.memory_space<vmem>>[vector<16xi32>], vector<16xf32>,
        %get3A = arith.index_cast %scan3A_831 : i32 to index
        %get3A_834 = arith.constant 0 : index
        %get3A_835 = tpu.vector_load %arg14[%get3A, %get3A_834] {strides = array<i32>} : memref<32x128xf32, #tpu.memory_space<vmem>>, vector<16xf32>,
        %mul3A_836 = arith.mulf %get3A_835, %gather3A : vector<16xf32>
        %swap3A = arith.index_cast %scan3A_831 : i32 to index
        %swap3A_837 = arith.constant 0 : index
        %swap3A_838 = tpu.vector_load %arg14[%swap3A, %swap3A_837] {strides = array<i32>} : memref<32x128xf32, #tpu.memory_space<vmem>>, vector<16xf32>,
        tpu.vector_store %arg14[%swap3A, %swap3A_837], %mul3A_836 {strides = array<i32>} : memref<32x128xf32, #tpu.memory_space<vmem>>, vector<16xf32>,
        %get3A_839 = arith.index_cast %scan3A_831 : i32 to index
        %get3A_840 = arith.constant 16 : index
        %get3A_841 = tpu.vector_load %arg14[%get3A_839, %get3A_840] {strides = array<i32>} : memref<32x128xf32, #tpu.memory_space<vmem>>, vector<16xf32>,
        %mul3A_842 = arith.mulf %get3A_841, %gather3A : vector<16xf32>
        %swap3A_843 = arith.index_cast %scan3A_831 : i32 to index
        %swap3A_844 = arith.constant 16 : index
        %swap3A_845 = tpu.vector_load %arg14[%swap3A_843, %swap3A_844] {strides = array<i32>} : memref<32x128xf32, #tpu.memory_space<vmem>>, vector<16xf32>,
        tpu.vector_store %arg14[%swap3A_843, %swap3A_844], %mul3A_842 {strides = array<i32>} : memref<32x128xf32, #tpu.memory_space<vmem>>, vector<16xf32>,
        %get3A_846 = arith.index_cast %scan3A_831 : i32 to index
        %get3A_847 = arith.constant 32 : index
        %get3A_848 = tpu.vector_load %arg14[%get3A_846, %get3A_847] {strides = array<i32>} : memref<32x128xf32, #tpu.memory_space<vmem>>, vector<16xf32>,
        %mul3A_849 = arith.mulf %get3A_848, %gather3A : vector<16xf32>
        %swap3A_850 = arith.index_cast %scan3A_831 : i32 to index
        %swap3A_851 = arith.constant 32 : index
        %swap3A_852 = tpu.vector_load %arg14[%swap3A_850, %swap3A_851] {strides = array<i32>} : memref<32x128xf32, #tpu.memory_space<vmem>>, vector<16xf32>,
        tpu.vector_store %arg14[%swap3A_850, %swap3A_851], %mul3A_849 {strides = array<i32>} : memref<32x128xf32, #tpu.memory_space<vmem>>, vector<16xf32>,
        %get3A_853 = arith.index_cast %scan3A_831 : i32 to index
        %get3A_854 = arith.constant 48 : index
        %get3A_855 = tpu.vector_load %arg14[%get3A_853, %get3A_854] {strides = array<i32>} : memref<32x128xf32, #tpu.memory_space<vmem>>, vector<16xf32>,
        %mul3A_856 = arith.mulf %get3A_855, %gather3A : vector<16xf32>
        %swap3A_857 = arith.index_cast %scan3A_831 : i32 to index
        %swap3A_858 = arith.constant 48 : index
        %swap3A_859 = tpu.vector_load %arg14[%swap3A_857, %swap3A_858] {strides = array<i32>} : memref<32x128xf32, #tpu.memory_space<vmem>>, vector<16xf32>,
        tpu.vector_store %arg14[%swap3A_857, %swap3A_858], %mul3A_856 {strides = array<i32>} : memref<32x128xf32, #tpu.memory_space<vmem>>, vector<16xf32>,
        %get3A_860 = arith.index_cast %scan3A_831 : i32 to index
        %get3A_861 = arith.constant 64 : index
        %get3A_862 = tpu.vector_load %arg14[%get3A_860, %get3A_861] {strides = array<i32>} : memref<32x128xf32, #tpu.memory_space<vmem>>, vector<16xf32>,
        %mul3A_863 = arith.mulf %get3A_862, %gather3A : vector<16xf32>
        %swap3A_864 = arith.index_cast %scan3A_831 : i32 to index
        %swap3A_865 = arith.constant 64 : index
        %swap3A_866 = tpu.vector_load %arg14[%swap3A_864, %swap3A_865] {strides = array<i32>} : memref<32x128xf32, #tpu.memory_space<vmem>>, vector<16xf32>,
        tpu.vector_store %arg14[%swap3A_864, %swap3A_865], %mul3A_863 {strides = array<i32>} : memref<32x128xf32, #tpu.memory_space<vmem>>, vector<16xf32>,
        %get3A_867 = arith.index_cast %scan3A_831 : i32 to index
        %get3A_868 = arith.constant 80 : index
        %get3A_869 = tpu.vector_load %arg14[%get3A_867, %get3A_868] {strides = array<i32>} : memref<32x128xf32, #tpu.memory_space<vmem>>, vector<16xf32>,
        %mul3A_870 = arith.mulf %get3A_869, %gather3A : vector<16xf32>
        %swap3A_871 = arith.index_cast %scan3A_831 : i32 to index
        %swap3A_872 = arith.constant 80 : index
        %swap3A_873 = tpu.vector_load %arg14[%swap3A_871, %swap3A_872] {strides = array<i32>} : memref<32x128xf32, #tpu.memory_space<vmem>>, vector<16xf32>,
        tpu.vector_store %arg14[%swap3A_871, %swap3A_872], %mul3A_870 {strides = array<i32>} : memref<32x128xf32, #tpu.memory_space<vmem>>, vector<16xf32>,
        %get3A_874 = arith.index_cast %scan3A_831 : i32 to index
        %get3A_875 = arith.constant 96 : index
        %get3A_876 = tpu.vector_load %arg14[%get3A_874, %get3A_875] {strides = array<i32>} : memref<32x128xf32, #tpu.memory_space<vmem>>, vector<16xf32>,
        %mul3A_877 = arith.mulf %get3A_876, %gather3A : vector<16xf32>
        %swap3A_878 = arith.index_cast %scan3A_831 : i32 to index
        %swap3A_879 = arith.constant 96 : index
        %swap3A_880 = tpu.vector_load %arg14[%swap3A_878, %swap3A_879] {strides = array<i32>} : memref<32x128xf32, #tpu.memory_space<vmem>>, vector<16xf32>,
        tpu.vector_store %arg14[%swap3A_878, %swap3A_879], %mul3A_877 {strides = array<i32>} : memref<32x128xf32, #tpu.memory_space<vmem>>, vector<16xf32>,
        %get3A_881 = arith.index_cast %scan3A_831 : i32 to index
        %get3A_882 = arith.constant 112 : index
        %get3A_883 = tpu.vector_load %arg14[%get3A_881, %get3A_882] {strides = array<i32>} : memref<32x128xf32, #tpu.memory_space<vmem>>, vector<16xf32>,
        %mul3A_884 = arith.mulf %get3A_883, %gather3A : vector<16xf32>
        %swap3A_885 = arith.index_cast %scan3A_831 : i32 to index
        %swap3A_886 = arith.constant 112 : index
        %swap3A_887 = tpu.vector_load %arg14[%swap3A_885, %swap3A_886] {strides = array<i32>} : memref<32x128xf32, #tpu.memory_space<vmem>>, vector<16xf32>,
        tpu.vector_store %arg14[%swap3A_885, %swap3A_886], %mul3A_884 {strides = array<i32>} : memref<32x128xf32, #tpu.memory_space<vmem>>, vector<16xf32>,
        %scan3A_888 = arith.constant 0 : i32
        scf.yield %scan3A_888 : i32
      }
      %scan3A_506 = arith.constant 32 : i32
      %lt3A_507 = arith.constant 316 : i32
      %lt3A_508 = arith.cmpi slt, %add3A_480, %lt3A_507 : i32
      %convert_element_type3A_509 = arith.extui %lt3A_508 : i1 to i32
      %cond3A_510 = arith.constant 0 : i32
      %cond3A_511 = arith.cmpi ne, %convert_element_type3A_509, %cond3A_510 : i32
      scf.if %cond3A_511 {
        %dma_start3A_831 = arith.constant 8 : i32
        %dma_start3A_832 = arith.constant 0 : i32
        %dma_start3A_833 = tpu.memref_slice %arg13[%dma_start3A_831, %dma_start3A_832] : memref<16x32xi32, #tpu.memory_space<vmem>> -> memref<1x32xi32, #tpu.memory_space<vmem>>
        %dma_start3A_834 = tpu.memref_squeeze %dma_start3A_833 : memref<1x32xi32, #tpu.memory_space<vmem>> -> memref<32xi32, #tpu.memory_space<vmem>>
        %dma_start3A_835 = arith.constant 0 : i32
        %dma_start3A_836 = arith.constant 0 : i32
        %dma_start3A_837 = tpu.memref_slice %arg19[%dma_start3A_835, %dma_start3A_836] : memref<10000x128xf32, #tpu.memory_space<vmem_shared>> -> memref<10000x128xf32, #tpu.memory_space<vmem_shared>>
        tpu.enqueue_indirect_dma source(%arg14 : memref<32x128xf32, #tpu.memory_space<vmem>>) target(%dma_start3A_837 : memref<10000x128xf32, #tpu.memory_space<vmem_shared>>) offsets(%dma_start3A_834 : memref<32xi32, #tpu.memory_space<vmem>>) semaphore(%arg25 : memref<!tpu.dma_semaphore, #tpu.memory_space<semaphore_mem>>) {add = true}
      } else {
      }
      %ge3A_512 = arith.constant 316 : i32
      %ge3A_513 = arith.cmpi sge, %add3A_480, %ge3A_512 : i32
      %convert_element_type3A_514 = arith.extui %ge3A_513 : i1 to i32
      %cond3A_515 = arith.constant 0 : i32
      %cond3A_516 = arith.cmpi ne, %convert_element_type3A_514, %cond3A_515 : i32
      scf.if %cond3A_516 {
        %run_scoped3A = arith.constant 8 : i32
        "tpu.region"() ({
          %run_scoped3A_831 = tpu.sem_alloc : memref<!tpu.dma_semaphore, #tpu.memory_space<semaphore_mem>>
          %dma_start3A_832 = arith.constant 0 : i32
          %dma_start3A_833 = tpu.memref_slice %arg13[%run_scoped3A, %dma_start3A_832] : memref<16x32xi32, #tpu.memory_space<vmem>> -> memref<1x32xi32, #tpu.memory_space<vmem>>
          %dma_start3A_834 = tpu.memref_squeeze %dma_start3A_833 : memref<1x32xi32, #tpu.memory_space<vmem>> -> memref<32xi32, #tpu.memory_space<vmem>>
          %dma_start3A_835 = arith.constant 0 : i32
          %dma_start3A_836 = arith.constant 0 : i32
          %dma_start3A_837 = tpu.memref_slice %arg19[%dma_start3A_835, %dma_start3A_836] : memref<10000x128xf32, #tpu.memory_space<vmem_shared>> -> memref<10000x128xf32, #tpu.memory_space<vmem_shared>>
          tpu.enqueue_indirect_dma source(%arg14 : memref<32x128xf32, #tpu.memory_space<vmem>>) target(%dma_start3A_837 : memref<10000x128xf32, #tpu.memory_space<vmem_shared>>) offsets(%dma_start3A_834 : memref<32xi32, #tpu.memory_space<vmem>>) semaphore(%run_scoped3A_831 : memref<!tpu.dma_semaphore, #tpu.memory_space<semaphore_mem>>) {add = true}
          %dma_wait3A_838 = arith.constant 0 : i32
          %dma_wait3A_839 = tpu.memref_slice %arg13[%run_scoped3A, %dma_wait3A_838] : memref<16x32xi32, #tpu.memory_space<vmem>> -> memref<1x32xi32, #tpu.memory_space<vmem>>
          %dma_wait3A_840 = tpu.memref_squeeze %dma_wait3A_839 : memref<1x32xi32, #tpu.memory_space<vmem>> -> memref<32xi32, #tpu.memory_space<vmem>>
          %dma_wait3A_841 = arith.constant 0 : i32
          %dma_wait3A_842 = arith.constant 0 : i32
          %dma_wait3A_843 = tpu.memref_slice %arg19[%dma_wait3A_841, %dma_wait3A_842] : memref<10000x128xf32, #tpu.memory_space<vmem_shared>> -> memref<10000x128xf32, #tpu.memory_space<vmem_shared>>
          tpu.wait_indirect_dma semaphore(%run_scoped3A_831 : memref<!tpu.dma_semaphore, #tpu.memory_space<semaphore_mem>>) src(%arg14 : memref<32x128xf32, #tpu.memory_space<vmem>>) dst(%dma_wait3A_843 : memref<10000x128xf32, #tpu.memory_space<vmem_shared>>)
          tpu.yield
        }) : () -> ()
      } else {
      }
      %mul3A_517 = arith.constant 16 : i32
      %mul3A_518 = arith.muli %scan3A_130, %mul3A_517 : i32
      %add3A_519 = arith.constant 9 : i32
      %add3A_520 = arith.addi %mul3A_518, %add3A_519 : i32
      %dma_wait3A_521 = arith.constant 288 : i32
      %dma_wait3A_522 = tpu.memref_slice %arg12[%dma_wait3A_521] : memref<512xi32, #tpu.memory_space<vmem>> -> memref<32xi32, #tpu.memory_space<vmem>>
      %dma_wait3A_523 = arith.constant 0 : i32
      %dma_wait3A_524 = arith.constant 0 : i32
      %dma_wait3A_525 = tpu.memref_slice %arg6[%dma_wait3A_523, %dma_wait3A_524] : memref<10000x128xf32, #tpu.memory_space<hbm>> -> memref<10000x128xf32, #tpu.memory_space<hbm>>
      tpu.wait_indirect_dma semaphore(%arg22 : memref<!tpu.dma_semaphore, #tpu.memory_space<semaphore_mem>>) src(%dma_wait3A_525 : memref<10000x128xf32, #tpu.memory_space<hbm>>) dst(%arg15 : memref<32x128xf32, #tpu.memory_space<vmem>>)
      %add3A_526 = arith.constant 2 : i32
      %add3A_527 = arith.addi %add3A_520, %add3A_526 : i32
      %lt3A_528 = arith.constant 320 : i32
      %lt3A_529 = arith.cmpi slt, %add3A_527, %lt3A_528 : i32
      %convert_element_type3A_530 = arith.extui %lt3A_529 : i1 to i32
      %cond3A_531 = arith.constant 0 : i32
      %cond3A_532 = arith.cmpi ne, %convert_element_type3A_530, %cond3A_531 : i32
      scf.if %cond3A_532 {
        %ge3A_831 = arith.constant 2 : i32
        %ge3A_832 = arith.cmpi sge, %add3A_520, %ge3A_831 : i32
        %convert_element_type3A_833 = arith.extui %ge3A_832 : i1 to i32
        %cond3A_834 = arith.constant 0 : i32
        %cond3A_835 = arith.cmpi ne, %convert_element_type3A_833, %cond3A_834 : i32
        scf.if %cond3A_835 {
          %dma_wait3A_841 = arith.constant 0 : i32
          %dma_wait3A_842 = arith.constant 0 : i32
          %dma_wait3A_843 = tpu.memref_slice %arg13[%dma_wait3A_841, %dma_wait3A_842] : memref<16x32xi32, #tpu.memory_space<vmem>> -> memref<1x32xi32, #tpu.memory_space<vmem>>
          %dma_wait3A_844 = tpu.memref_squeeze %dma_wait3A_843 : memref<1x32xi32, #tpu.memory_space<vmem>> -> memref<32xi32, #tpu.memory_space<vmem>>
          %dma_wait3A_845 = arith.constant 0 : i32
          %dma_wait3A_846 = arith.constant 0 : i32
          %dma_wait3A_847 = tpu.memref_slice %arg19[%dma_wait3A_845, %dma_wait3A_846] : memref<10000x128xf32, #tpu.memory_space<vmem_shared>> -> memref<10000x128xf32, #tpu.memory_space<vmem_shared>>
          tpu.wait_indirect_dma semaphore(%arg28 : memref<!tpu.dma_semaphore, #tpu.memory_space<semaphore_mem>>) src(%arg17 : memref<32x128xf32, #tpu.memory_space<vmem>>) dst(%dma_wait3A_847 : memref<10000x128xf32, #tpu.memory_space<vmem_shared>>)
        } else {
        }
        %dma_start3A_836 = arith.constant 352 : i32
        %dma_start3A_837 = tpu.memref_slice %arg12[%dma_start3A_836] : memref<512xi32, #tpu.memory_space<vmem>> -> memref<32xi32, #tpu.memory_space<vmem>>
        %dma_start3A_838 = arith.constant 0 : i32
        %dma_start3A_839 = arith.constant 0 : i32
        %dma_start3A_840 = tpu.memref_slice %arg6[%dma_start3A_838, %dma_start3A_839] : memref<10000x128xf32, #tpu.memory_space<hbm>> -> memref<10000x128xf32, #tpu.memory_space<hbm>>
        tpu.enqueue_indirect_dma source(%dma_start3A_840 : memref<10000x128xf32, #tpu.memory_space<hbm>>) target(%arg17 : memref<32x128xf32, #tpu.memory_space<vmem>>) offsets(%dma_start3A_837 : memref<32xi32, #tpu.memory_space<vmem>>) semaphore(%arg24 : memref<!tpu.dma_semaphore, #tpu.memory_space<semaphore_mem>>)
      } else {
      }
      %scan3A_533 = arith.constant 0 : i32
      %scan3A_534 = arith.constant 0 : i32
      %scan3A_535 = arith.constant 2 : i32
      %scan3A_536 = arith.addi %scan3A_534, %scan3A_535 : i32
      %scan3A_537 = arith.constant 1 : i32
      %scan3A_538 = scf.for %scan3A_831 = %scan3A_534 to %scan3A_536 step %scan3A_537 iter_args(%scan3A_832 = %scan3A_533) -> (i32)  : i32 {
        %mul3A_833 = arith.constant 16 : i32
        %mul3A_834 = arith.muli %scan3A_831, %mul3A_833 : i32
        %add3A_835 = arith.constant 288 : i32
        %add3A_836 = arith.addi %add3A_835, %mul3A_834 : i32
        %get3A = arith.index_cast %add3A_836 : i32 to index
        %get3A_837 = tpu.vector_load %arg12[%get3A] {strides = array<i32>} : memref<512xi32, #tpu.memory_space<vmem>>, vector<16xi32>,
        %mul3A_838 = arith.constant 16 : i32
        %mul3A_839 = arith.muli %scan3A_831, %mul3A_838 : i32
        %get3A_840 = arith.constant 9 : i32
        %get3A_841 = arith.index_cast %get3A_840 : i32 to index
        %get3A_842 = arith.index_cast %mul3A_839 : i32 to index
        %get3A_843 = tpu.vector_load %arg13[%get3A_841, %get3A_842] {strides = array<i32>} : memref<16x32xi32, #tpu.memory_space<vmem>>, vector<16xi32>,
        %gather3A = tpu.vector_load_idx %arg9[%get3A_837] : memref<10000xf32, #tpu.memory_space<vmem>>[vector<16xi32>], vector<16xf32>,
        %gather3A_844 = tpu.vector_load_idx %arg10[%get3A_843] : memref<10000xf32, #tpu.memory_space<vmem>>[vector<16xi32>], vector<16xf32>,
        %add3A_845 = arith.addf %gather3A, %gather3A_844 : vector<16xf32>
        %gt3A = arith.constant 0.000000e+00 : f32
        %gt3A_846 = vector.broadcast %gt3A : f32 to vector<16xf32>
        %gt3A_847 = arith.cmpf ogt, %add3A_845, %gt3A_846 : vector<16xf32>
        %mul3A_848 = arith.constant 0.00999999977 : f32
        %mul3A_849 = vector.broadcast %mul3A_848 : f32 to vector<16xf32>
        %mul3A_850 = arith.mulf %mul3A_849, %add3A_845 : vector<16xf32>
        %select_n3A_851 = arith.select %gt3A_847, %add3A_845, %mul3A_850 : vector<16xi1>, vector<16xf32>
        %exp3A = math.exp %select_n3A_851 : vector<16xf32>
        %mul3A_852 = arith.constant 32 : i32
        %mul3A_853 = arith.muli %add3A_520, %mul3A_852 : i32
        %mul3A_854 = arith.constant 16 : i32
        %mul3A_855 = arith.muli %scan3A_831, %mul3A_854 : i32
        %add3A_856 = arith.addi %mul3A_853, %mul3A_855 : i32
        %add3A_857 = vector.broadcast %add3A_856 : i32 to vector<16xi32>
        %add3A_858 = arith.addi %add3A_857, %iota3A : vector<16xi32>
        %lt3A_859 = vector.broadcast %min3A_32 : i32 to vector<16xi32>
        %lt3A_860 = arith.cmpi slt, %add3A_858, %lt3A_859 : vector<16xi32>
        %jit3A_861 = arith.constant 0.000000e+00 : f32
        %broadcast_in_dim3A_862 = vector.broadcast %jit3A_861 : f32 to vector<16xf32>
        %select_n3A_863 = arith.select %lt3A_860, %exp3A, %broadcast_in_dim3A_862 : vector<16xi1>, vector<16xf32>
        %mul3A_864 = arith.constant 16 : i32
        %mul3A_865 = arith.muli %scan3A_831, %mul3A_864 : i32
        %add3A_866 = vector.broadcast %mul3A_865 : i32 to vector<16xi32>
        %add3A_867 = arith.addi %add3A_866, %iota3A : vector<16xi32>
        tpu.vector_store_idx %arg18[%add3A_867], %select_n3A_863 : memref<32xf32, #tpu.memory_space<vmem>>[vector<16xi32>], vector<16xf32>,
        %shift_right_arithmetic3A = arith.constant 7 : i32
        %shift_right_arithmetic3A_868 = vector.broadcast %shift_right_arithmetic3A : i32 to vector<16xi32>
        %shift_right_arithmetic3A_869 = arith.shrsi %get3A_843, %shift_right_arithmetic3A_868 : vector<16xi32>
        %and3A_870 = arith.constant 127 : i32
        %and3A_871 = vector.broadcast %and3A_870 : i32 to vector<16xi32>
        %and3A_872 = arith.andi %get3A_843, %and3A_871 : vector<16xi32>
        tpu.vector_store_idx %arg11[%shift_right_arithmetic3A_869, %and3A_872], %select_n3A_863 {add = true} : memref<80x128xf32, #tpu.memory_space<vmem>>[vector<16xi32>, vector<16xi32>], vector<16xf32>,
        %scan3A_873 = arith.constant 0 : i32
        scf.yield %scan3A_873 : i32
      }
      %scan3A_539 = arith.constant 2 : i32
      %scan3A_540 = arith.constant 0 : i32
      %scan3A_541 = arith.constant 0 : i32
      %scan3A_542 = arith.constant 32 : i32
      %scan3A_543 = arith.addi %scan3A_541, %scan3A_542 : i32
      %scan3A_544 = arith.constant 1 : i32
      %scan3A_545 = scf.for %scan3A_831 = %scan3A_541 to %scan3A_543 step %scan3A_544 iter_args(%scan3A_832 = %scan3A_540) -> (i32)  : i32 {
        %broadcast_in_dim3A_833 = vector.broadcast %scan3A_831 : i32 to vector<16xi32>
        %gather3A = tpu.vector_load_idx %arg18[%broadcast_in_dim3A_833] : memref<32xf32, #tpu.memory_space<vmem>>[vector<16xi32>], vector<16xf32>,
        %get3A = arith.index_cast %scan3A_831 : i32 to index
        %get3A_834 = arith.constant 0 : index
        %get3A_835 = tpu.vector_load %arg15[%get3A, %get3A_834] {strides = array<i32>} : memref<32x128xf32, #tpu.memory_space<vmem>>, vector<16xf32>,
        %mul3A_836 = arith.mulf %get3A_835, %gather3A : vector<16xf32>
        %swap3A = arith.index_cast %scan3A_831 : i32 to index
        %swap3A_837 = arith.constant 0 : index
        %swap3A_838 = tpu.vector_load %arg15[%swap3A, %swap3A_837] {strides = array<i32>} : memref<32x128xf32, #tpu.memory_space<vmem>>, vector<16xf32>,
        tpu.vector_store %arg15[%swap3A, %swap3A_837], %mul3A_836 {strides = array<i32>} : memref<32x128xf32, #tpu.memory_space<vmem>>, vector<16xf32>,
        %get3A_839 = arith.index_cast %scan3A_831 : i32 to index
        %get3A_840 = arith.constant 16 : index
        %get3A_841 = tpu.vector_load %arg15[%get3A_839, %get3A_840] {strides = array<i32>} : memref<32x128xf32, #tpu.memory_space<vmem>>, vector<16xf32>,
        %mul3A_842 = arith.mulf %get3A_841, %gather3A : vector<16xf32>
        %swap3A_843 = arith.index_cast %scan3A_831 : i32 to index
        %swap3A_844 = arith.constant 16 : index
        %swap3A_845 = tpu.vector_load %arg15[%swap3A_843, %swap3A_844] {strides = array<i32>} : memref<32x128xf32, #tpu.memory_space<vmem>>, vector<16xf32>,
        tpu.vector_store %arg15[%swap3A_843, %swap3A_844], %mul3A_842 {strides = array<i32>} : memref<32x128xf32, #tpu.memory_space<vmem>>, vector<16xf32>,
        %get3A_846 = arith.index_cast %scan3A_831 : i32 to index
        %get3A_847 = arith.constant 32 : index
        %get3A_848 = tpu.vector_load %arg15[%get3A_846, %get3A_847] {strides = array<i32>} : memref<32x128xf32, #tpu.memory_space<vmem>>, vector<16xf32>,
        %mul3A_849 = arith.mulf %get3A_848, %gather3A : vector<16xf32>
        %swap3A_850 = arith.index_cast %scan3A_831 : i32 to index
        %swap3A_851 = arith.constant 32 : index
        %swap3A_852 = tpu.vector_load %arg15[%swap3A_850, %swap3A_851] {strides = array<i32>} : memref<32x128xf32, #tpu.memory_space<vmem>>, vector<16xf32>,
        tpu.vector_store %arg15[%swap3A_850, %swap3A_851], %mul3A_849 {strides = array<i32>} : memref<32x128xf32, #tpu.memory_space<vmem>>, vector<16xf32>,
        %get3A_853 = arith.index_cast %scan3A_831 : i32 to index
        %get3A_854 = arith.constant 48 : index
        %get3A_855 = tpu.vector_load %arg15[%get3A_853, %get3A_854] {strides = array<i32>} : memref<32x128xf32, #tpu.memory_space<vmem>>, vector<16xf32>,
        %mul3A_856 = arith.mulf %get3A_855, %gather3A : vector<16xf32>
        %swap3A_857 = arith.index_cast %scan3A_831 : i32 to index
        %swap3A_858 = arith.constant 48 : index
        %swap3A_859 = tpu.vector_load %arg15[%swap3A_857, %swap3A_858] {strides = array<i32>} : memref<32x128xf32, #tpu.memory_space<vmem>>, vector<16xf32>,
        tpu.vector_store %arg15[%swap3A_857, %swap3A_858], %mul3A_856 {strides = array<i32>} : memref<32x128xf32, #tpu.memory_space<vmem>>, vector<16xf32>,
        %get3A_860 = arith.index_cast %scan3A_831 : i32 to index
        %get3A_861 = arith.constant 64 : index
        %get3A_862 = tpu.vector_load %arg15[%get3A_860, %get3A_861] {strides = array<i32>} : memref<32x128xf32, #tpu.memory_space<vmem>>, vector<16xf32>,
        %mul3A_863 = arith.mulf %get3A_862, %gather3A : vector<16xf32>
        %swap3A_864 = arith.index_cast %scan3A_831 : i32 to index
        %swap3A_865 = arith.constant 64 : index
        %swap3A_866 = tpu.vector_load %arg15[%swap3A_864, %swap3A_865] {strides = array<i32>} : memref<32x128xf32, #tpu.memory_space<vmem>>, vector<16xf32>,
        tpu.vector_store %arg15[%swap3A_864, %swap3A_865], %mul3A_863 {strides = array<i32>} : memref<32x128xf32, #tpu.memory_space<vmem>>, vector<16xf32>,
        %get3A_867 = arith.index_cast %scan3A_831 : i32 to index
        %get3A_868 = arith.constant 80 : index
        %get3A_869 = tpu.vector_load %arg15[%get3A_867, %get3A_868] {strides = array<i32>} : memref<32x128xf32, #tpu.memory_space<vmem>>, vector<16xf32>,
        %mul3A_870 = arith.mulf %get3A_869, %gather3A : vector<16xf32>
        %swap3A_871 = arith.index_cast %scan3A_831 : i32 to index
        %swap3A_872 = arith.constant 80 : index
        %swap3A_873 = tpu.vector_load %arg15[%swap3A_871, %swap3A_872] {strides = array<i32>} : memref<32x128xf32, #tpu.memory_space<vmem>>, vector<16xf32>,
        tpu.vector_store %arg15[%swap3A_871, %swap3A_872], %mul3A_870 {strides = array<i32>} : memref<32x128xf32, #tpu.memory_space<vmem>>, vector<16xf32>,
        %get3A_874 = arith.index_cast %scan3A_831 : i32 to index
        %get3A_875 = arith.constant 96 : index
        %get3A_876 = tpu.vector_load %arg15[%get3A_874, %get3A_875] {strides = array<i32>} : memref<32x128xf32, #tpu.memory_space<vmem>>, vector<16xf32>,
        %mul3A_877 = arith.mulf %get3A_876, %gather3A : vector<16xf32>
        %swap3A_878 = arith.index_cast %scan3A_831 : i32 to index
        %swap3A_879 = arith.constant 96 : index
        %swap3A_880 = tpu.vector_load %arg15[%swap3A_878, %swap3A_879] {strides = array<i32>} : memref<32x128xf32, #tpu.memory_space<vmem>>, vector<16xf32>,
        tpu.vector_store %arg15[%swap3A_878, %swap3A_879], %mul3A_877 {strides = array<i32>} : memref<32x128xf32, #tpu.memory_space<vmem>>, vector<16xf32>,
        %get3A_881 = arith.index_cast %scan3A_831 : i32 to index
        %get3A_882 = arith.constant 112 : index
        %get3A_883 = tpu.vector_load %arg15[%get3A_881, %get3A_882] {strides = array<i32>} : memref<32x128xf32, #tpu.memory_space<vmem>>, vector<16xf32>,
        %mul3A_884 = arith.mulf %get3A_883, %gather3A : vector<16xf32>
        %swap3A_885 = arith.index_cast %scan3A_831 : i32 to index
        %swap3A_886 = arith.constant 112 : index
        %swap3A_887 = tpu.vector_load %arg15[%swap3A_885, %swap3A_886] {strides = array<i32>} : memref<32x128xf32, #tpu.memory_space<vmem>>, vector<16xf32>,
        tpu.vector_store %arg15[%swap3A_885, %swap3A_886], %mul3A_884 {strides = array<i32>} : memref<32x128xf32, #tpu.memory_space<vmem>>, vector<16xf32>,
        %scan3A_888 = arith.constant 0 : i32
        scf.yield %scan3A_888 : i32
      }
      %scan3A_546 = arith.constant 32 : i32
      %lt3A_547 = arith.constant 316 : i32
      %lt3A_548 = arith.cmpi slt, %add3A_520, %lt3A_547 : i32
      %convert_element_type3A_549 = arith.extui %lt3A_548 : i1 to i32
      %cond3A_550 = arith.constant 0 : i32
      %cond3A_551 = arith.cmpi ne, %convert_element_type3A_549, %cond3A_550 : i32
      scf.if %cond3A_551 {
        %dma_start3A_831 = arith.constant 9 : i32
        %dma_start3A_832 = arith.constant 0 : i32
        %dma_start3A_833 = tpu.memref_slice %arg13[%dma_start3A_831, %dma_start3A_832] : memref<16x32xi32, #tpu.memory_space<vmem>> -> memref<1x32xi32, #tpu.memory_space<vmem>>
        %dma_start3A_834 = tpu.memref_squeeze %dma_start3A_833 : memref<1x32xi32, #tpu.memory_space<vmem>> -> memref<32xi32, #tpu.memory_space<vmem>>
        %dma_start3A_835 = arith.constant 0 : i32
        %dma_start3A_836 = arith.constant 0 : i32
        %dma_start3A_837 = tpu.memref_slice %arg19[%dma_start3A_835, %dma_start3A_836] : memref<10000x128xf32, #tpu.memory_space<vmem_shared>> -> memref<10000x128xf32, #tpu.memory_space<vmem_shared>>
        tpu.enqueue_indirect_dma source(%arg15 : memref<32x128xf32, #tpu.memory_space<vmem>>) target(%dma_start3A_837 : memref<10000x128xf32, #tpu.memory_space<vmem_shared>>) offsets(%dma_start3A_834 : memref<32xi32, #tpu.memory_space<vmem>>) semaphore(%arg26 : memref<!tpu.dma_semaphore, #tpu.memory_space<semaphore_mem>>) {add = true}
      } else {
      }
      %ge3A_552 = arith.constant 316 : i32
      %ge3A_553 = arith.cmpi sge, %add3A_520, %ge3A_552 : i32
      %convert_element_type3A_554 = arith.extui %ge3A_553 : i1 to i32
      %cond3A_555 = arith.constant 0 : i32
      %cond3A_556 = arith.cmpi ne, %convert_element_type3A_554, %cond3A_555 : i32
      scf.if %cond3A_556 {
        %run_scoped3A = arith.constant 9 : i32
        "tpu.region"() ({
          %run_scoped3A_831 = tpu.sem_alloc : memref<!tpu.dma_semaphore, #tpu.memory_space<semaphore_mem>>
          %dma_start3A_832 = arith.constant 0 : i32
          %dma_start3A_833 = tpu.memref_slice %arg13[%run_scoped3A, %dma_start3A_832] : memref<16x32xi32, #tpu.memory_space<vmem>> -> memref<1x32xi32, #tpu.memory_space<vmem>>
          %dma_start3A_834 = tpu.memref_squeeze %dma_start3A_833 : memref<1x32xi32, #tpu.memory_space<vmem>> -> memref<32xi32, #tpu.memory_space<vmem>>
          %dma_start3A_835 = arith.constant 0 : i32
          %dma_start3A_836 = arith.constant 0 : i32
          %dma_start3A_837 = tpu.memref_slice %arg19[%dma_start3A_835, %dma_start3A_836] : memref<10000x128xf32, #tpu.memory_space<vmem_shared>> -> memref<10000x128xf32, #tpu.memory_space<vmem_shared>>
          tpu.enqueue_indirect_dma source(%arg15 : memref<32x128xf32, #tpu.memory_space<vmem>>) target(%dma_start3A_837 : memref<10000x128xf32, #tpu.memory_space<vmem_shared>>) offsets(%dma_start3A_834 : memref<32xi32, #tpu.memory_space<vmem>>) semaphore(%run_scoped3A_831 : memref<!tpu.dma_semaphore, #tpu.memory_space<semaphore_mem>>) {add = true}
          %dma_wait3A_838 = arith.constant 0 : i32
          %dma_wait3A_839 = tpu.memref_slice %arg13[%run_scoped3A, %dma_wait3A_838] : memref<16x32xi32, #tpu.memory_space<vmem>> -> memref<1x32xi32, #tpu.memory_space<vmem>>
          %dma_wait3A_840 = tpu.memref_squeeze %dma_wait3A_839 : memref<1x32xi32, #tpu.memory_space<vmem>> -> memref<32xi32, #tpu.memory_space<vmem>>
          %dma_wait3A_841 = arith.constant 0 : i32
          %dma_wait3A_842 = arith.constant 0 : i32
          %dma_wait3A_843 = tpu.memref_slice %arg19[%dma_wait3A_841, %dma_wait3A_842] : memref<10000x128xf32, #tpu.memory_space<vmem_shared>> -> memref<10000x128xf32, #tpu.memory_space<vmem_shared>>
          tpu.wait_indirect_dma semaphore(%run_scoped3A_831 : memref<!tpu.dma_semaphore, #tpu.memory_space<semaphore_mem>>) src(%arg15 : memref<32x128xf32, #tpu.memory_space<vmem>>) dst(%dma_wait3A_843 : memref<10000x128xf32, #tpu.memory_space<vmem_shared>>)
          tpu.yield
        }) : () -> ()
      } else {
      }
      %mul3A_557 = arith.constant 16 : i32
      %mul3A_558 = arith.muli %scan3A_130, %mul3A_557 : i32
      %add3A_559 = arith.constant 10 : i32
      %add3A_560 = arith.addi %mul3A_558, %add3A_559 : i32
      %dma_wait3A_561 = arith.constant 320 : i32
      %dma_wait3A_562 = tpu.memref_slice %arg12[%dma_wait3A_561] : memref<512xi32, #tpu.memory_space<vmem>> -> memref<32xi32, #tpu.memory_space<vmem>>
      %dma_wait3A_563 = arith.constant 0 : i32
      %dma_wait3A_564 = arith.constant 0 : i32
      %dma_wait3A_565 = tpu.memref_slice %arg6[%dma_wait3A_563, %dma_wait3A_564] : memref<10000x128xf32, #tpu.memory_space<hbm>> -> memref<10000x128xf32, #tpu.memory_space<hbm>>
      tpu.wait_indirect_dma semaphore(%arg23 : memref<!tpu.dma_semaphore, #tpu.memory_space<semaphore_mem>>) src(%dma_wait3A_565 : memref<10000x128xf32, #tpu.memory_space<hbm>>) dst(%arg16 : memref<32x128xf32, #tpu.memory_space<vmem>>)
      %add3A_566 = arith.constant 6 : i32
      %add3A_567 = arith.addi %add3A_560, %add3A_566 : i32
      %jit3A_568 = arith.constant 8 : i32
      %div3A_569 = arith.divsi %add3A_567, %jit3A_568 : i32
      %sign3A_570 = arith.constant 0 : i32
      %sign3A_571 = arith.cmpi sgt, %add3A_567, %sign3A_570 : i32
      %sign3A_572 = arith.extui %sign3A_571 : i1 to i32
      %sign3A_573 = arith.constant 0 : i32
      %sign3A_574 = arith.cmpi slt, %add3A_567, %sign3A_573 : i32
      %sign3A_575 = arith.extui %sign3A_574 : i1 to i32
      %sign3A_576 = arith.subi %sign3A_572, %sign3A_575 : i32
      %sign3A_577 = arith.constant 0 : i32
      %sign3A_578 = arith.cmpi sgt, %jit3A_568, %sign3A_577 : i32
      %sign3A_579 = arith.extui %sign3A_578 : i1 to i32
      %sign3A_580 = arith.constant 0 : i32
      %sign3A_581 = arith.cmpi slt, %jit3A_568, %sign3A_580 : i32
      %sign3A_582 = arith.extui %sign3A_581 : i1 to i32
      %sign3A_583 = arith.subi %sign3A_579, %sign3A_582 : i32
      %ne3A_584 = arith.cmpi ne, %sign3A_576, %sign3A_583 : i32
      %rem3A_585 = arith.remsi %add3A_567, %jit3A_568 : i32
      %ne3A_586 = arith.constant 0 : i32
      %ne3A_587 = arith.cmpi ne, %rem3A_585, %ne3A_586 : i32
      %and3A_588 = arith.andi %ne3A_584, %ne3A_587 : i1
      %sub3A_589 = arith.constant 1 : i32
      %sub3A_590 = arith.subi %div3A_569, %sub3A_589 : i32
      %select_n3A_591 = arith.select %and3A_588, %sub3A_590, %div3A_569 : i32
      %add3A_592 = arith.constant 6 : i32
      %add3A_593 = arith.addi %add3A_560, %add3A_592 : i32
      %lt3A_594 = arith.constant 320 : i32
      %lt3A_595 = arith.cmpi slt, %add3A_593, %lt3A_594 : i32
      %convert_element_type3A_596 = arith.extui %lt3A_595 : i1 to i32
      %cond3A_597 = arith.constant 0 : i32
      %cond3A_598 = arith.cmpi ne, %convert_element_type3A_596, %cond3A_597 : i32
      scf.if %cond3A_598 {
        %mul3A_831 = arith.constant 8 : i32
        %mul3A_832 = arith.muli %select_n3A_591, %mul3A_831 : i32
        %mul3A_833 = arith.constant 32 : i32
        %mul3A_834 = arith.muli %mul3A_832, %mul3A_833 : i32
        %add3A_835 = arith.addi %mul3A_34, %mul3A_834 : i32
        %dma_start3A_836 = arith.constant 0 : i32
        %dma_start3A_837 = tpu.memref_slice %arg12[%dma_start3A_836] : memref<512xi32, #tpu.memory_space<vmem>> -> memref<256xi32, #tpu.memory_space<vmem>>
        %dma_start3A_838 = tpu.memref_slice %arg4[%add3A_835] : memref<327680xi32, #tpu.memory_space<hbm>> -> memref<256xi32, #tpu.memory_space<hbm>>
        %dma_start3A_839 = arith.constant 0 : i32
        %dma_start3A_840 = tpu.memref_slice %arg12[%dma_start3A_839] : memref<512xi32, #tpu.memory_space<vmem>> -> memref<256xi32, #tpu.memory_space<vmem>>
        %dma_start3A_841 = tpu.memref_slice %arg4[%add3A_835] : memref<327680xi32, #tpu.memory_space<hbm>> -> memref<256xi32, #tpu.memory_space<hbm>>
        tpu.enqueue_dma source(%dma_start3A_841 : memref<256xi32, #tpu.memory_space<hbm>>) target(%dma_start3A_840 : memref<256xi32, #tpu.memory_space<vmem>>) target_semaphore(%arg29 : memref<!tpu.dma_semaphore, #tpu.memory_space<semaphore_mem>>)
        %mul3A_842 = arith.constant 320 : i32
        %mul3A_843 = arith.muli %add3A, %mul3A_842 : i32
        %mul3A_844 = arith.constant 8 : i32
        %mul3A_845 = arith.muli %select_n3A_591, %mul3A_844 : i32
        %add3A_846 = arith.addi %mul3A_843, %mul3A_845 : i32
        %dma_start3A_847 = arith.constant 0 : i32
        %dma_start3A_848 = arith.constant 0 : i32
        %dma_start3A_849 = tpu.memref_slice %arg13[%dma_start3A_847, %dma_start3A_848] : memref<16x32xi32, #tpu.memory_space<vmem>> -> memref<8x32xi32, #tpu.memory_space<vmem>>
        %dma_start3A_850 = arith.constant 0 : i32
        %dma_start3A_851 = tpu.memref_slice %arg5[%add3A_846, %dma_start3A_850] : memref<10240x32xi32, #tpu.memory_space<hbm>> -> memref<8x32xi32, #tpu.memory_space<hbm>>
        %dma_start3A_852 = arith.constant 0 : i32
        %dma_start3A_853 = arith.constant 0 : i32
        %dma_start3A_854 = tpu.memref_slice %arg13[%dma_start3A_852, %dma_start3A_853] : memref<16x32xi32, #tpu.memory_space<vmem>> -> memref<8x32xi32, #tpu.memory_space<vmem>>
        %dma_start3A_855 = arith.constant 0 : i32
        %dma_start3A_856 = tpu.memref_slice %arg5[%add3A_846, %dma_start3A_855] : memref<10240x32xi32, #tpu.memory_space<hbm>> -> memref<8x32xi32, #tpu.memory_space<hbm>>
        tpu.enqueue_dma source(%dma_start3A_856 : memref<8x32xi32, #tpu.memory_space<hbm>>) target(%dma_start3A_854 : memref<8x32xi32, #tpu.memory_space<vmem>>) target_semaphore(%arg29 : memref<!tpu.dma_semaphore, #tpu.memory_space<semaphore_mem>>)
      } else {
      }
      %add3A_599 = arith.constant 2 : i32
      %add3A_600 = arith.addi %add3A_560, %add3A_599 : i32
      %lt3A_601 = arith.constant 320 : i32
      %lt3A_602 = arith.cmpi slt, %add3A_600, %lt3A_601 : i32
      %convert_element_type3A_603 = arith.extui %lt3A_602 : i1 to i32
      %cond3A_604 = arith.constant 0 : i32
      %cond3A_605 = arith.cmpi ne, %convert_element_type3A_603, %cond3A_604 : i32
      scf.if %cond3A_605 {
        %ge3A_831 = arith.constant 2 : i32
        %ge3A_832 = arith.cmpi sge, %add3A_560, %ge3A_831 : i32
        %convert_element_type3A_833 = arith.extui %ge3A_832 : i1 to i32
        %cond3A_834 = arith.constant 0 : i32
        %cond3A_835 = arith.cmpi ne, %convert_element_type3A_833, %cond3A_834 : i32
        scf.if %cond3A_835 {
          %dma_wait3A_841 = arith.constant 0 : i32
          %dma_wait3A_842 = arith.constant 0 : i32
          %dma_wait3A_843 = tpu.memref_slice %arg13[%dma_wait3A_841, %dma_wait3A_842] : memref<16x32xi32, #tpu.memory_space<vmem>> -> memref<1x32xi32, #tpu.memory_space<vmem>>
          %dma_wait3A_844 = tpu.memref_squeeze %dma_wait3A_843 : memref<1x32xi32, #tpu.memory_space<vmem>> -> memref<32xi32, #tpu.memory_space<vmem>>
          %dma_wait3A_845 = arith.constant 0 : i32
          %dma_wait3A_846 = arith.constant 0 : i32
          %dma_wait3A_847 = tpu.memref_slice %arg19[%dma_wait3A_845, %dma_wait3A_846] : memref<10000x128xf32, #tpu.memory_space<vmem_shared>> -> memref<10000x128xf32, #tpu.memory_space<vmem_shared>>
          tpu.wait_indirect_dma semaphore(%arg25 : memref<!tpu.dma_semaphore, #tpu.memory_space<semaphore_mem>>) src(%arg14 : memref<32x128xf32, #tpu.memory_space<vmem>>) dst(%dma_wait3A_847 : memref<10000x128xf32, #tpu.memory_space<vmem_shared>>)
        } else {
        }
        %dma_start3A_836 = arith.constant 384 : i32
        %dma_start3A_837 = tpu.memref_slice %arg12[%dma_start3A_836] : memref<512xi32, #tpu.memory_space<vmem>> -> memref<32xi32, #tpu.memory_space<vmem>>
        %dma_start3A_838 = arith.constant 0 : i32
        %dma_start3A_839 = arith.constant 0 : i32
        %dma_start3A_840 = tpu.memref_slice %arg6[%dma_start3A_838, %dma_start3A_839] : memref<10000x128xf32, #tpu.memory_space<hbm>> -> memref<10000x128xf32, #tpu.memory_space<hbm>>
        tpu.enqueue_indirect_dma source(%dma_start3A_840 : memref<10000x128xf32, #tpu.memory_space<hbm>>) target(%arg14 : memref<32x128xf32, #tpu.memory_space<vmem>>) offsets(%dma_start3A_837 : memref<32xi32, #tpu.memory_space<vmem>>) semaphore(%arg21 : memref<!tpu.dma_semaphore, #tpu.memory_space<semaphore_mem>>)
      } else {
      }
      %scan3A_606 = arith.constant 0 : i32
      %scan3A_607 = arith.constant 0 : i32
      %scan3A_608 = arith.constant 2 : i32
      %scan3A_609 = arith.addi %scan3A_607, %scan3A_608 : i32
      %scan3A_610 = arith.constant 1 : i32
      %scan3A_611 = scf.for %scan3A_831 = %scan3A_607 to %scan3A_609 step %scan3A_610 iter_args(%scan3A_832 = %scan3A_606) -> (i32)  : i32 {
        %mul3A_833 = arith.constant 16 : i32
        %mul3A_834 = arith.muli %scan3A_831, %mul3A_833 : i32
        %add3A_835 = arith.constant 320 : i32
        %add3A_836 = arith.addi %add3A_835, %mul3A_834 : i32
        %get3A = arith.index_cast %add3A_836 : i32 to index
        %get3A_837 = tpu.vector_load %arg12[%get3A] {strides = array<i32>} : memref<512xi32, #tpu.memory_space<vmem>>, vector<16xi32>,
        %mul3A_838 = arith.constant 16 : i32
        %mul3A_839 = arith.muli %scan3A_831, %mul3A_838 : i32
        %get3A_840 = arith.constant 10 : i32
        %get3A_841 = arith.index_cast %get3A_840 : i32 to index
        %get3A_842 = arith.index_cast %mul3A_839 : i32 to index
        %get3A_843 = tpu.vector_load %arg13[%get3A_841, %get3A_842] {strides = array<i32>} : memref<16x32xi32, #tpu.memory_space<vmem>>, vector<16xi32>,
        %gather3A = tpu.vector_load_idx %arg9[%get3A_837] : memref<10000xf32, #tpu.memory_space<vmem>>[vector<16xi32>], vector<16xf32>,
        %gather3A_844 = tpu.vector_load_idx %arg10[%get3A_843] : memref<10000xf32, #tpu.memory_space<vmem>>[vector<16xi32>], vector<16xf32>,
        %add3A_845 = arith.addf %gather3A, %gather3A_844 : vector<16xf32>
        %gt3A = arith.constant 0.000000e+00 : f32
        %gt3A_846 = vector.broadcast %gt3A : f32 to vector<16xf32>
        %gt3A_847 = arith.cmpf ogt, %add3A_845, %gt3A_846 : vector<16xf32>
        %mul3A_848 = arith.constant 0.00999999977 : f32
        %mul3A_849 = vector.broadcast %mul3A_848 : f32 to vector<16xf32>
        %mul3A_850 = arith.mulf %mul3A_849, %add3A_845 : vector<16xf32>
        %select_n3A_851 = arith.select %gt3A_847, %add3A_845, %mul3A_850 : vector<16xi1>, vector<16xf32>
        %exp3A = math.exp %select_n3A_851 : vector<16xf32>
        %mul3A_852 = arith.constant 32 : i32
        %mul3A_853 = arith.muli %add3A_560, %mul3A_852 : i32
        %mul3A_854 = arith.constant 16 : i32
        %mul3A_855 = arith.muli %scan3A_831, %mul3A_854 : i32
        %add3A_856 = arith.addi %mul3A_853, %mul3A_855 : i32
        %add3A_857 = vector.broadcast %add3A_856 : i32 to vector<16xi32>
        %add3A_858 = arith.addi %add3A_857, %iota3A : vector<16xi32>
        %lt3A_859 = vector.broadcast %min3A_32 : i32 to vector<16xi32>
        %lt3A_860 = arith.cmpi slt, %add3A_858, %lt3A_859 : vector<16xi32>
        %jit3A_861 = arith.constant 0.000000e+00 : f32
        %broadcast_in_dim3A_862 = vector.broadcast %jit3A_861 : f32 to vector<16xf32>
        %select_n3A_863 = arith.select %lt3A_860, %exp3A, %broadcast_in_dim3A_862 : vector<16xi1>, vector<16xf32>
        %mul3A_864 = arith.constant 16 : i32
        %mul3A_865 = arith.muli %scan3A_831, %mul3A_864 : i32
        %add3A_866 = vector.broadcast %mul3A_865 : i32 to vector<16xi32>
        %add3A_867 = arith.addi %add3A_866, %iota3A : vector<16xi32>
        tpu.vector_store_idx %arg18[%add3A_867], %select_n3A_863 : memref<32xf32, #tpu.memory_space<vmem>>[vector<16xi32>], vector<16xf32>,
        %shift_right_arithmetic3A = arith.constant 7 : i32
        %shift_right_arithmetic3A_868 = vector.broadcast %shift_right_arithmetic3A : i32 to vector<16xi32>
        %shift_right_arithmetic3A_869 = arith.shrsi %get3A_843, %shift_right_arithmetic3A_868 : vector<16xi32>
        %and3A_870 = arith.constant 127 : i32
        %and3A_871 = vector.broadcast %and3A_870 : i32 to vector<16xi32>
        %and3A_872 = arith.andi %get3A_843, %and3A_871 : vector<16xi32>
        tpu.vector_store_idx %arg11[%shift_right_arithmetic3A_869, %and3A_872], %select_n3A_863 {add = true} : memref<80x128xf32, #tpu.memory_space<vmem>>[vector<16xi32>, vector<16xi32>], vector<16xf32>,
        %scan3A_873 = arith.constant 0 : i32
        scf.yield %scan3A_873 : i32
      }
      %scan3A_612 = arith.constant 2 : i32
      %scan3A_613 = arith.constant 0 : i32
      %scan3A_614 = arith.constant 0 : i32
      %scan3A_615 = arith.constant 32 : i32
      %scan3A_616 = arith.addi %scan3A_614, %scan3A_615 : i32
      %scan3A_617 = arith.constant 1 : i32
      %scan3A_618 = scf.for %scan3A_831 = %scan3A_614 to %scan3A_616 step %scan3A_617 iter_args(%scan3A_832 = %scan3A_613) -> (i32)  : i32 {
        %broadcast_in_dim3A_833 = vector.broadcast %scan3A_831 : i32 to vector<16xi32>
        %gather3A = tpu.vector_load_idx %arg18[%broadcast_in_dim3A_833] : memref<32xf32, #tpu.memory_space<vmem>>[vector<16xi32>], vector<16xf32>,
        %get3A = arith.index_cast %scan3A_831 : i32 to index
        %get3A_834 = arith.constant 0 : index
        %get3A_835 = tpu.vector_load %arg16[%get3A, %get3A_834] {strides = array<i32>} : memref<32x128xf32, #tpu.memory_space<vmem>>, vector<16xf32>,
        %mul3A_836 = arith.mulf %get3A_835, %gather3A : vector<16xf32>
        %swap3A = arith.index_cast %scan3A_831 : i32 to index
        %swap3A_837 = arith.constant 0 : index
        %swap3A_838 = tpu.vector_load %arg16[%swap3A, %swap3A_837] {strides = array<i32>} : memref<32x128xf32, #tpu.memory_space<vmem>>, vector<16xf32>,
        tpu.vector_store %arg16[%swap3A, %swap3A_837], %mul3A_836 {strides = array<i32>} : memref<32x128xf32, #tpu.memory_space<vmem>>, vector<16xf32>,
        %get3A_839 = arith.index_cast %scan3A_831 : i32 to index
        %get3A_840 = arith.constant 16 : index
        %get3A_841 = tpu.vector_load %arg16[%get3A_839, %get3A_840] {strides = array<i32>} : memref<32x128xf32, #tpu.memory_space<vmem>>, vector<16xf32>,
        %mul3A_842 = arith.mulf %get3A_841, %gather3A : vector<16xf32>
        %swap3A_843 = arith.index_cast %scan3A_831 : i32 to index
        %swap3A_844 = arith.constant 16 : index
        %swap3A_845 = tpu.vector_load %arg16[%swap3A_843, %swap3A_844] {strides = array<i32>} : memref<32x128xf32, #tpu.memory_space<vmem>>, vector<16xf32>,
        tpu.vector_store %arg16[%swap3A_843, %swap3A_844], %mul3A_842 {strides = array<i32>} : memref<32x128xf32, #tpu.memory_space<vmem>>, vector<16xf32>,
        %get3A_846 = arith.index_cast %scan3A_831 : i32 to index
        %get3A_847 = arith.constant 32 : index
        %get3A_848 = tpu.vector_load %arg16[%get3A_846, %get3A_847] {strides = array<i32>} : memref<32x128xf32, #tpu.memory_space<vmem>>, vector<16xf32>,
        %mul3A_849 = arith.mulf %get3A_848, %gather3A : vector<16xf32>
        %swap3A_850 = arith.index_cast %scan3A_831 : i32 to index
        %swap3A_851 = arith.constant 32 : index
        %swap3A_852 = tpu.vector_load %arg16[%swap3A_850, %swap3A_851] {strides = array<i32>} : memref<32x128xf32, #tpu.memory_space<vmem>>, vector<16xf32>,
        tpu.vector_store %arg16[%swap3A_850, %swap3A_851], %mul3A_849 {strides = array<i32>} : memref<32x128xf32, #tpu.memory_space<vmem>>, vector<16xf32>,
        %get3A_853 = arith.index_cast %scan3A_831 : i32 to index
        %get3A_854 = arith.constant 48 : index
        %get3A_855 = tpu.vector_load %arg16[%get3A_853, %get3A_854] {strides = array<i32>} : memref<32x128xf32, #tpu.memory_space<vmem>>, vector<16xf32>,
        %mul3A_856 = arith.mulf %get3A_855, %gather3A : vector<16xf32>
        %swap3A_857 = arith.index_cast %scan3A_831 : i32 to index
        %swap3A_858 = arith.constant 48 : index
        %swap3A_859 = tpu.vector_load %arg16[%swap3A_857, %swap3A_858] {strides = array<i32>} : memref<32x128xf32, #tpu.memory_space<vmem>>, vector<16xf32>,
        tpu.vector_store %arg16[%swap3A_857, %swap3A_858], %mul3A_856 {strides = array<i32>} : memref<32x128xf32, #tpu.memory_space<vmem>>, vector<16xf32>,
        %get3A_860 = arith.index_cast %scan3A_831 : i32 to index
        %get3A_861 = arith.constant 64 : index
        %get3A_862 = tpu.vector_load %arg16[%get3A_860, %get3A_861] {strides = array<i32>} : memref<32x128xf32, #tpu.memory_space<vmem>>, vector<16xf32>,
        %mul3A_863 = arith.mulf %get3A_862, %gather3A : vector<16xf32>
        %swap3A_864 = arith.index_cast %scan3A_831 : i32 to index
        %swap3A_865 = arith.constant 64 : index
        %swap3A_866 = tpu.vector_load %arg16[%swap3A_864, %swap3A_865] {strides = array<i32>} : memref<32x128xf32, #tpu.memory_space<vmem>>, vector<16xf32>,
        tpu.vector_store %arg16[%swap3A_864, %swap3A_865], %mul3A_863 {strides = array<i32>} : memref<32x128xf32, #tpu.memory_space<vmem>>, vector<16xf32>,
        %get3A_867 = arith.index_cast %scan3A_831 : i32 to index
        %get3A_868 = arith.constant 80 : index
        %get3A_869 = tpu.vector_load %arg16[%get3A_867, %get3A_868] {strides = array<i32>} : memref<32x128xf32, #tpu.memory_space<vmem>>, vector<16xf32>,
        %mul3A_870 = arith.mulf %get3A_869, %gather3A : vector<16xf32>
        %swap3A_871 = arith.index_cast %scan3A_831 : i32 to index
        %swap3A_872 = arith.constant 80 : index
        %swap3A_873 = tpu.vector_load %arg16[%swap3A_871, %swap3A_872] {strides = array<i32>} : memref<32x128xf32, #tpu.memory_space<vmem>>, vector<16xf32>,
        tpu.vector_store %arg16[%swap3A_871, %swap3A_872], %mul3A_870 {strides = array<i32>} : memref<32x128xf32, #tpu.memory_space<vmem>>, vector<16xf32>,
        %get3A_874 = arith.index_cast %scan3A_831 : i32 to index
        %get3A_875 = arith.constant 96 : index
        %get3A_876 = tpu.vector_load %arg16[%get3A_874, %get3A_875] {strides = array<i32>} : memref<32x128xf32, #tpu.memory_space<vmem>>, vector<16xf32>,
        %mul3A_877 = arith.mulf %get3A_876, %gather3A : vector<16xf32>
        %swap3A_878 = arith.index_cast %scan3A_831 : i32 to index
        %swap3A_879 = arith.constant 96 : index
        %swap3A_880 = tpu.vector_load %arg16[%swap3A_878, %swap3A_879] {strides = array<i32>} : memref<32x128xf32, #tpu.memory_space<vmem>>, vector<16xf32>,
        tpu.vector_store %arg16[%swap3A_878, %swap3A_879], %mul3A_877 {strides = array<i32>} : memref<32x128xf32, #tpu.memory_space<vmem>>, vector<16xf32>,
        %get3A_881 = arith.index_cast %scan3A_831 : i32 to index
        %get3A_882 = arith.constant 112 : index
        %get3A_883 = tpu.vector_load %arg16[%get3A_881, %get3A_882] {strides = array<i32>} : memref<32x128xf32, #tpu.memory_space<vmem>>, vector<16xf32>,
        %mul3A_884 = arith.mulf %get3A_883, %gather3A : vector<16xf32>
        %swap3A_885 = arith.index_cast %scan3A_831 : i32 to index
        %swap3A_886 = arith.constant 112 : index
        %swap3A_887 = tpu.vector_load %arg16[%swap3A_885, %swap3A_886] {strides = array<i32>} : memref<32x128xf32, #tpu.memory_space<vmem>>, vector<16xf32>,
        tpu.vector_store %arg16[%swap3A_885, %swap3A_886], %mul3A_884 {strides = array<i32>} : memref<32x128xf32, #tpu.memory_space<vmem>>, vector<16xf32>,
        %scan3A_888 = arith.constant 0 : i32
        scf.yield %scan3A_888 : i32
      }
      %scan3A_619 = arith.constant 32 : i32
      %lt3A_620 = arith.constant 316 : i32
      %lt3A_621 = arith.cmpi slt, %add3A_560, %lt3A_620 : i32
      %convert_element_type3A_622 = arith.extui %lt3A_621 : i1 to i32
      %cond3A_623 = arith.constant 0 : i32
      %cond3A_624 = arith.cmpi ne, %convert_element_type3A_622, %cond3A_623 : i32
      scf.if %cond3A_624 {
        %dma_start3A_831 = arith.constant 10 : i32
        %dma_start3A_832 = arith.constant 0 : i32
        %dma_start3A_833 = tpu.memref_slice %arg13[%dma_start3A_831, %dma_start3A_832] : memref<16x32xi32, #tpu.memory_space<vmem>> -> memref<1x32xi32, #tpu.memory_space<vmem>>
        %dma_start3A_834 = tpu.memref_squeeze %dma_start3A_833 : memref<1x32xi32, #tpu.memory_space<vmem>> -> memref<32xi32, #tpu.memory_space<vmem>>
        %dma_start3A_835 = arith.constant 0 : i32
        %dma_start3A_836 = arith.constant 0 : i32
        %dma_start3A_837 = tpu.memref_slice %arg19[%dma_start3A_835, %dma_start3A_836] : memref<10000x128xf32, #tpu.memory_space<vmem_shared>> -> memref<10000x128xf32, #tpu.memory_space<vmem_shared>>
        tpu.enqueue_indirect_dma source(%arg16 : memref<32x128xf32, #tpu.memory_space<vmem>>) target(%dma_start3A_837 : memref<10000x128xf32, #tpu.memory_space<vmem_shared>>) offsets(%dma_start3A_834 : memref<32xi32, #tpu.memory_space<vmem>>) semaphore(%arg27 : memref<!tpu.dma_semaphore, #tpu.memory_space<semaphore_mem>>) {add = true}
      } else {
      }
      %ge3A_625 = arith.constant 316 : i32
      %ge3A_626 = arith.cmpi sge, %add3A_560, %ge3A_625 : i32
      %convert_element_type3A_627 = arith.extui %ge3A_626 : i1 to i32
      %cond3A_628 = arith.constant 0 : i32
      %cond3A_629 = arith.cmpi ne, %convert_element_type3A_627, %cond3A_628 : i32
      scf.if %cond3A_629 {
        %run_scoped3A = arith.constant 10 : i32
        "tpu.region"() ({
          %run_scoped3A_831 = tpu.sem_alloc : memref<!tpu.dma_semaphore, #tpu.memory_space<semaphore_mem>>
          %dma_start3A_832 = arith.constant 0 : i32
          %dma_start3A_833 = tpu.memref_slice %arg13[%run_scoped3A, %dma_start3A_832] : memref<16x32xi32, #tpu.memory_space<vmem>> -> memref<1x32xi32, #tpu.memory_space<vmem>>
          %dma_start3A_834 = tpu.memref_squeeze %dma_start3A_833 : memref<1x32xi32, #tpu.memory_space<vmem>> -> memref<32xi32, #tpu.memory_space<vmem>>
          %dma_start3A_835 = arith.constant 0 : i32
          %dma_start3A_836 = arith.constant 0 : i32
          %dma_start3A_837 = tpu.memref_slice %arg19[%dma_start3A_835, %dma_start3A_836] : memref<10000x128xf32, #tpu.memory_space<vmem_shared>> -> memref<10000x128xf32, #tpu.memory_space<vmem_shared>>
          tpu.enqueue_indirect_dma source(%arg16 : memref<32x128xf32, #tpu.memory_space<vmem>>) target(%dma_start3A_837 : memref<10000x128xf32, #tpu.memory_space<vmem_shared>>) offsets(%dma_start3A_834 : memref<32xi32, #tpu.memory_space<vmem>>) semaphore(%run_scoped3A_831 : memref<!tpu.dma_semaphore, #tpu.memory_space<semaphore_mem>>) {add = true}
          %dma_wait3A_838 = arith.constant 0 : i32
          %dma_wait3A_839 = tpu.memref_slice %arg13[%run_scoped3A, %dma_wait3A_838] : memref<16x32xi32, #tpu.memory_space<vmem>> -> memref<1x32xi32, #tpu.memory_space<vmem>>
          %dma_wait3A_840 = tpu.memref_squeeze %dma_wait3A_839 : memref<1x32xi32, #tpu.memory_space<vmem>> -> memref<32xi32, #tpu.memory_space<vmem>>
          %dma_wait3A_841 = arith.constant 0 : i32
          %dma_wait3A_842 = arith.constant 0 : i32
          %dma_wait3A_843 = tpu.memref_slice %arg19[%dma_wait3A_841, %dma_wait3A_842] : memref<10000x128xf32, #tpu.memory_space<vmem_shared>> -> memref<10000x128xf32, #tpu.memory_space<vmem_shared>>
          tpu.wait_indirect_dma semaphore(%run_scoped3A_831 : memref<!tpu.dma_semaphore, #tpu.memory_space<semaphore_mem>>) src(%arg16 : memref<32x128xf32, #tpu.memory_space<vmem>>) dst(%dma_wait3A_843 : memref<10000x128xf32, #tpu.memory_space<vmem_shared>>)
          tpu.yield
        }) : () -> ()
      } else {
      }
      %mul3A_630 = arith.constant 16 : i32
      %mul3A_631 = arith.muli %scan3A_130, %mul3A_630 : i32
      %add3A_632 = arith.constant 11 : i32
      %add3A_633 = arith.addi %mul3A_631, %add3A_632 : i32
      %dma_wait3A_634 = arith.constant 352 : i32
      %dma_wait3A_635 = tpu.memref_slice %arg12[%dma_wait3A_634] : memref<512xi32, #tpu.memory_space<vmem>> -> memref<32xi32, #tpu.memory_space<vmem>>
      %dma_wait3A_636 = arith.constant 0 : i32
      %dma_wait3A_637 = arith.constant 0 : i32
      %dma_wait3A_638 = tpu.memref_slice %arg6[%dma_wait3A_636, %dma_wait3A_637] : memref<10000x128xf32, #tpu.memory_space<hbm>> -> memref<10000x128xf32, #tpu.memory_space<hbm>>
      tpu.wait_indirect_dma semaphore(%arg24 : memref<!tpu.dma_semaphore, #tpu.memory_space<semaphore_mem>>) src(%dma_wait3A_638 : memref<10000x128xf32, #tpu.memory_space<hbm>>) dst(%arg17 : memref<32x128xf32, #tpu.memory_space<vmem>>)
      %add3A_639 = arith.constant 2 : i32
      %add3A_640 = arith.addi %add3A_633, %add3A_639 : i32
      %lt3A_641 = arith.constant 320 : i32
      %lt3A_642 = arith.cmpi slt, %add3A_640, %lt3A_641 : i32
      %convert_element_type3A_643 = arith.extui %lt3A_642 : i1 to i32
      %cond3A_644 = arith.constant 0 : i32
      %cond3A_645 = arith.cmpi ne, %convert_element_type3A_643, %cond3A_644 : i32
      scf.if %cond3A_645 {
        %ge3A_831 = arith.constant 2 : i32
        %ge3A_832 = arith.cmpi sge, %add3A_633, %ge3A_831 : i32
        %convert_element_type3A_833 = arith.extui %ge3A_832 : i1 to i32
        %cond3A_834 = arith.constant 0 : i32
        %cond3A_835 = arith.cmpi ne, %convert_element_type3A_833, %cond3A_834 : i32
        scf.if %cond3A_835 {
          %dma_wait3A_841 = arith.constant 0 : i32
          %dma_wait3A_842 = arith.constant 0 : i32
          %dma_wait3A_843 = tpu.memref_slice %arg13[%dma_wait3A_841, %dma_wait3A_842] : memref<16x32xi32, #tpu.memory_space<vmem>> -> memref<1x32xi32, #tpu.memory_space<vmem>>
          %dma_wait3A_844 = tpu.memref_squeeze %dma_wait3A_843 : memref<1x32xi32, #tpu.memory_space<vmem>> -> memref<32xi32, #tpu.memory_space<vmem>>
          %dma_wait3A_845 = arith.constant 0 : i32
          %dma_wait3A_846 = arith.constant 0 : i32
          %dma_wait3A_847 = tpu.memref_slice %arg19[%dma_wait3A_845, %dma_wait3A_846] : memref<10000x128xf32, #tpu.memory_space<vmem_shared>> -> memref<10000x128xf32, #tpu.memory_space<vmem_shared>>
          tpu.wait_indirect_dma semaphore(%arg26 : memref<!tpu.dma_semaphore, #tpu.memory_space<semaphore_mem>>) src(%arg15 : memref<32x128xf32, #tpu.memory_space<vmem>>) dst(%dma_wait3A_847 : memref<10000x128xf32, #tpu.memory_space<vmem_shared>>)
        } else {
        }
        %dma_start3A_836 = arith.constant 416 : i32
        %dma_start3A_837 = tpu.memref_slice %arg12[%dma_start3A_836] : memref<512xi32, #tpu.memory_space<vmem>> -> memref<32xi32, #tpu.memory_space<vmem>>
        %dma_start3A_838 = arith.constant 0 : i32
        %dma_start3A_839 = arith.constant 0 : i32
        %dma_start3A_840 = tpu.memref_slice %arg6[%dma_start3A_838, %dma_start3A_839] : memref<10000x128xf32, #tpu.memory_space<hbm>> -> memref<10000x128xf32, #tpu.memory_space<hbm>>
        tpu.enqueue_indirect_dma source(%dma_start3A_840 : memref<10000x128xf32, #tpu.memory_space<hbm>>) target(%arg15 : memref<32x128xf32, #tpu.memory_space<vmem>>) offsets(%dma_start3A_837 : memref<32xi32, #tpu.memory_space<vmem>>) semaphore(%arg22 : memref<!tpu.dma_semaphore, #tpu.memory_space<semaphore_mem>>)
      } else {
      }
      %scan3A_646 = arith.constant 0 : i32
      %scan3A_647 = arith.constant 0 : i32
      %scan3A_648 = arith.constant 2 : i32
      %scan3A_649 = arith.addi %scan3A_647, %scan3A_648 : i32
      %scan3A_650 = arith.constant 1 : i32
      %scan3A_651 = scf.for %scan3A_831 = %scan3A_647 to %scan3A_649 step %scan3A_650 iter_args(%scan3A_832 = %scan3A_646) -> (i32)  : i32 {
        %mul3A_833 = arith.constant 16 : i32
        %mul3A_834 = arith.muli %scan3A_831, %mul3A_833 : i32
        %add3A_835 = arith.constant 352 : i32
        %add3A_836 = arith.addi %add3A_835, %mul3A_834 : i32
        %get3A = arith.index_cast %add3A_836 : i32 to index
        %get3A_837 = tpu.vector_load %arg12[%get3A] {strides = array<i32>} : memref<512xi32, #tpu.memory_space<vmem>>, vector<16xi32>,
        %mul3A_838 = arith.constant 16 : i32
        %mul3A_839 = arith.muli %scan3A_831, %mul3A_838 : i32
        %get3A_840 = arith.constant 11 : i32
        %get3A_841 = arith.index_cast %get3A_840 : i32 to index
        %get3A_842 = arith.index_cast %mul3A_839 : i32 to index
        %get3A_843 = tpu.vector_load %arg13[%get3A_841, %get3A_842] {strides = array<i32>} : memref<16x32xi32, #tpu.memory_space<vmem>>, vector<16xi32>,
        %gather3A = tpu.vector_load_idx %arg9[%get3A_837] : memref<10000xf32, #tpu.memory_space<vmem>>[vector<16xi32>], vector<16xf32>,
        %gather3A_844 = tpu.vector_load_idx %arg10[%get3A_843] : memref<10000xf32, #tpu.memory_space<vmem>>[vector<16xi32>], vector<16xf32>,
        %add3A_845 = arith.addf %gather3A, %gather3A_844 : vector<16xf32>
        %gt3A = arith.constant 0.000000e+00 : f32
        %gt3A_846 = vector.broadcast %gt3A : f32 to vector<16xf32>
        %gt3A_847 = arith.cmpf ogt, %add3A_845, %gt3A_846 : vector<16xf32>
        %mul3A_848 = arith.constant 0.00999999977 : f32
        %mul3A_849 = vector.broadcast %mul3A_848 : f32 to vector<16xf32>
        %mul3A_850 = arith.mulf %mul3A_849, %add3A_845 : vector<16xf32>
        %select_n3A_851 = arith.select %gt3A_847, %add3A_845, %mul3A_850 : vector<16xi1>, vector<16xf32>
        %exp3A = math.exp %select_n3A_851 : vector<16xf32>
        %mul3A_852 = arith.constant 32 : i32
        %mul3A_853 = arith.muli %add3A_633, %mul3A_852 : i32
        %mul3A_854 = arith.constant 16 : i32
        %mul3A_855 = arith.muli %scan3A_831, %mul3A_854 : i32
        %add3A_856 = arith.addi %mul3A_853, %mul3A_855 : i32
        %add3A_857 = vector.broadcast %add3A_856 : i32 to vector<16xi32>
        %add3A_858 = arith.addi %add3A_857, %iota3A : vector<16xi32>
        %lt3A_859 = vector.broadcast %min3A_32 : i32 to vector<16xi32>
        %lt3A_860 = arith.cmpi slt, %add3A_858, %lt3A_859 : vector<16xi32>
        %jit3A_861 = arith.constant 0.000000e+00 : f32
        %broadcast_in_dim3A_862 = vector.broadcast %jit3A_861 : f32 to vector<16xf32>
        %select_n3A_863 = arith.select %lt3A_860, %exp3A, %broadcast_in_dim3A_862 : vector<16xi1>, vector<16xf32>
        %mul3A_864 = arith.constant 16 : i32
        %mul3A_865 = arith.muli %scan3A_831, %mul3A_864 : i32
        %add3A_866 = vector.broadcast %mul3A_865 : i32 to vector<16xi32>
        %add3A_867 = arith.addi %add3A_866, %iota3A : vector<16xi32>
        tpu.vector_store_idx %arg18[%add3A_867], %select_n3A_863 : memref<32xf32, #tpu.memory_space<vmem>>[vector<16xi32>], vector<16xf32>,
        %shift_right_arithmetic3A = arith.constant 7 : i32
        %shift_right_arithmetic3A_868 = vector.broadcast %shift_right_arithmetic3A : i32 to vector<16xi32>
        %shift_right_arithmetic3A_869 = arith.shrsi %get3A_843, %shift_right_arithmetic3A_868 : vector<16xi32>
        %and3A_870 = arith.constant 127 : i32
        %and3A_871 = vector.broadcast %and3A_870 : i32 to vector<16xi32>
        %and3A_872 = arith.andi %get3A_843, %and3A_871 : vector<16xi32>
        tpu.vector_store_idx %arg11[%shift_right_arithmetic3A_869, %and3A_872], %select_n3A_863 {add = true} : memref<80x128xf32, #tpu.memory_space<vmem>>[vector<16xi32>, vector<16xi32>], vector<16xf32>,
        %scan3A_873 = arith.constant 0 : i32
        scf.yield %scan3A_873 : i32
      }
      %scan3A_652 = arith.constant 2 : i32
      %scan3A_653 = arith.constant 0 : i32
      %scan3A_654 = arith.constant 0 : i32
      %scan3A_655 = arith.constant 32 : i32
      %scan3A_656 = arith.addi %scan3A_654, %scan3A_655 : i32
      %scan3A_657 = arith.constant 1 : i32
      %scan3A_658 = scf.for %scan3A_831 = %scan3A_654 to %scan3A_656 step %scan3A_657 iter_args(%scan3A_832 = %scan3A_653) -> (i32)  : i32 {
        %broadcast_in_dim3A_833 = vector.broadcast %scan3A_831 : i32 to vector<16xi32>
        %gather3A = tpu.vector_load_idx %arg18[%broadcast_in_dim3A_833] : memref<32xf32, #tpu.memory_space<vmem>>[vector<16xi32>], vector<16xf32>,
        %get3A = arith.index_cast %scan3A_831 : i32 to index
        %get3A_834 = arith.constant 0 : index
        %get3A_835 = tpu.vector_load %arg17[%get3A, %get3A_834] {strides = array<i32>} : memref<32x128xf32, #tpu.memory_space<vmem>>, vector<16xf32>,
        %mul3A_836 = arith.mulf %get3A_835, %gather3A : vector<16xf32>
        %swap3A = arith.index_cast %scan3A_831 : i32 to index
        %swap3A_837 = arith.constant 0 : index
        %swap3A_838 = tpu.vector_load %arg17[%swap3A, %swap3A_837] {strides = array<i32>} : memref<32x128xf32, #tpu.memory_space<vmem>>, vector<16xf32>,
        tpu.vector_store %arg17[%swap3A, %swap3A_837], %mul3A_836 {strides = array<i32>} : memref<32x128xf32, #tpu.memory_space<vmem>>, vector<16xf32>,
        %get3A_839 = arith.index_cast %scan3A_831 : i32 to index
        %get3A_840 = arith.constant 16 : index
        %get3A_841 = tpu.vector_load %arg17[%get3A_839, %get3A_840] {strides = array<i32>} : memref<32x128xf32, #tpu.memory_space<vmem>>, vector<16xf32>,
        %mul3A_842 = arith.mulf %get3A_841, %gather3A : vector<16xf32>
        %swap3A_843 = arith.index_cast %scan3A_831 : i32 to index
        %swap3A_844 = arith.constant 16 : index
        %swap3A_845 = tpu.vector_load %arg17[%swap3A_843, %swap3A_844] {strides = array<i32>} : memref<32x128xf32, #tpu.memory_space<vmem>>, vector<16xf32>,
        tpu.vector_store %arg17[%swap3A_843, %swap3A_844], %mul3A_842 {strides = array<i32>} : memref<32x128xf32, #tpu.memory_space<vmem>>, vector<16xf32>,
        %get3A_846 = arith.index_cast %scan3A_831 : i32 to index
        %get3A_847 = arith.constant 32 : index
        %get3A_848 = tpu.vector_load %arg17[%get3A_846, %get3A_847] {strides = array<i32>} : memref<32x128xf32, #tpu.memory_space<vmem>>, vector<16xf32>,
        %mul3A_849 = arith.mulf %get3A_848, %gather3A : vector<16xf32>
        %swap3A_850 = arith.index_cast %scan3A_831 : i32 to index
        %swap3A_851 = arith.constant 32 : index
        %swap3A_852 = tpu.vector_load %arg17[%swap3A_850, %swap3A_851] {strides = array<i32>} : memref<32x128xf32, #tpu.memory_space<vmem>>, vector<16xf32>,
        tpu.vector_store %arg17[%swap3A_850, %swap3A_851], %mul3A_849 {strides = array<i32>} : memref<32x128xf32, #tpu.memory_space<vmem>>, vector<16xf32>,
        %get3A_853 = arith.index_cast %scan3A_831 : i32 to index
        %get3A_854 = arith.constant 48 : index
        %get3A_855 = tpu.vector_load %arg17[%get3A_853, %get3A_854] {strides = array<i32>} : memref<32x128xf32, #tpu.memory_space<vmem>>, vector<16xf32>,
        %mul3A_856 = arith.mulf %get3A_855, %gather3A : vector<16xf32>
        %swap3A_857 = arith.index_cast %scan3A_831 : i32 to index
        %swap3A_858 = arith.constant 48 : index
        %swap3A_859 = tpu.vector_load %arg17[%swap3A_857, %swap3A_858] {strides = array<i32>} : memref<32x128xf32, #tpu.memory_space<vmem>>, vector<16xf32>,
        tpu.vector_store %arg17[%swap3A_857, %swap3A_858], %mul3A_856 {strides = array<i32>} : memref<32x128xf32, #tpu.memory_space<vmem>>, vector<16xf32>,
        %get3A_860 = arith.index_cast %scan3A_831 : i32 to index
        %get3A_861 = arith.constant 64 : index
        %get3A_862 = tpu.vector_load %arg17[%get3A_860, %get3A_861] {strides = array<i32>} : memref<32x128xf32, #tpu.memory_space<vmem>>, vector<16xf32>,
        %mul3A_863 = arith.mulf %get3A_862, %gather3A : vector<16xf32>
        %swap3A_864 = arith.index_cast %scan3A_831 : i32 to index
        %swap3A_865 = arith.constant 64 : index
        %swap3A_866 = tpu.vector_load %arg17[%swap3A_864, %swap3A_865] {strides = array<i32>} : memref<32x128xf32, #tpu.memory_space<vmem>>, vector<16xf32>,
        tpu.vector_store %arg17[%swap3A_864, %swap3A_865], %mul3A_863 {strides = array<i32>} : memref<32x128xf32, #tpu.memory_space<vmem>>, vector<16xf32>,
        %get3A_867 = arith.index_cast %scan3A_831 : i32 to index
        %get3A_868 = arith.constant 80 : index
        %get3A_869 = tpu.vector_load %arg17[%get3A_867, %get3A_868] {strides = array<i32>} : memref<32x128xf32, #tpu.memory_space<vmem>>, vector<16xf32>,
        %mul3A_870 = arith.mulf %get3A_869, %gather3A : vector<16xf32>
        %swap3A_871 = arith.index_cast %scan3A_831 : i32 to index
        %swap3A_872 = arith.constant 80 : index
        %swap3A_873 = tpu.vector_load %arg17[%swap3A_871, %swap3A_872] {strides = array<i32>} : memref<32x128xf32, #tpu.memory_space<vmem>>, vector<16xf32>,
        tpu.vector_store %arg17[%swap3A_871, %swap3A_872], %mul3A_870 {strides = array<i32>} : memref<32x128xf32, #tpu.memory_space<vmem>>, vector<16xf32>,
        %get3A_874 = arith.index_cast %scan3A_831 : i32 to index
        %get3A_875 = arith.constant 96 : index
        %get3A_876 = tpu.vector_load %arg17[%get3A_874, %get3A_875] {strides = array<i32>} : memref<32x128xf32, #tpu.memory_space<vmem>>, vector<16xf32>,
        %mul3A_877 = arith.mulf %get3A_876, %gather3A : vector<16xf32>
        %swap3A_878 = arith.index_cast %scan3A_831 : i32 to index
        %swap3A_879 = arith.constant 96 : index
        %swap3A_880 = tpu.vector_load %arg17[%swap3A_878, %swap3A_879] {strides = array<i32>} : memref<32x128xf32, #tpu.memory_space<vmem>>, vector<16xf32>,
        tpu.vector_store %arg17[%swap3A_878, %swap3A_879], %mul3A_877 {strides = array<i32>} : memref<32x128xf32, #tpu.memory_space<vmem>>, vector<16xf32>,
        %get3A_881 = arith.index_cast %scan3A_831 : i32 to index
        %get3A_882 = arith.constant 112 : index
        %get3A_883 = tpu.vector_load %arg17[%get3A_881, %get3A_882] {strides = array<i32>} : memref<32x128xf32, #tpu.memory_space<vmem>>, vector<16xf32>,
        %mul3A_884 = arith.mulf %get3A_883, %gather3A : vector<16xf32>
        %swap3A_885 = arith.index_cast %scan3A_831 : i32 to index
        %swap3A_886 = arith.constant 112 : index
        %swap3A_887 = tpu.vector_load %arg17[%swap3A_885, %swap3A_886] {strides = array<i32>} : memref<32x128xf32, #tpu.memory_space<vmem>>, vector<16xf32>,
        tpu.vector_store %arg17[%swap3A_885, %swap3A_886], %mul3A_884 {strides = array<i32>} : memref<32x128xf32, #tpu.memory_space<vmem>>, vector<16xf32>,
        %scan3A_888 = arith.constant 0 : i32
        scf.yield %scan3A_888 : i32
      }
      %scan3A_659 = arith.constant 32 : i32
      %lt3A_660 = arith.constant 316 : i32
      %lt3A_661 = arith.cmpi slt, %add3A_633, %lt3A_660 : i32
      %convert_element_type3A_662 = arith.extui %lt3A_661 : i1 to i32
      %cond3A_663 = arith.constant 0 : i32
      %cond3A_664 = arith.cmpi ne, %convert_element_type3A_662, %cond3A_663 : i32
      scf.if %cond3A_664 {
        %dma_start3A_831 = arith.constant 11 : i32
        %dma_start3A_832 = arith.constant 0 : i32
        %dma_start3A_833 = tpu.memref_slice %arg13[%dma_start3A_831, %dma_start3A_832] : memref<16x32xi32, #tpu.memory_space<vmem>> -> memref<1x32xi32, #tpu.memory_space<vmem>>
        %dma_start3A_834 = tpu.memref_squeeze %dma_start3A_833 : memref<1x32xi32, #tpu.memory_space<vmem>> -> memref<32xi32, #tpu.memory_space<vmem>>
        %dma_start3A_835 = arith.constant 0 : i32
        %dma_start3A_836 = arith.constant 0 : i32
        %dma_start3A_837 = tpu.memref_slice %arg19[%dma_start3A_835, %dma_start3A_836] : memref<10000x128xf32, #tpu.memory_space<vmem_shared>> -> memref<10000x128xf32, #tpu.memory_space<vmem_shared>>
        tpu.enqueue_indirect_dma source(%arg17 : memref<32x128xf32, #tpu.memory_space<vmem>>) target(%dma_start3A_837 : memref<10000x128xf32, #tpu.memory_space<vmem_shared>>) offsets(%dma_start3A_834 : memref<32xi32, #tpu.memory_space<vmem>>) semaphore(%arg28 : memref<!tpu.dma_semaphore, #tpu.memory_space<semaphore_mem>>) {add = true}
      } else {
      }
      %ge3A_665 = arith.constant 316 : i32
      %ge3A_666 = arith.cmpi sge, %add3A_633, %ge3A_665 : i32
      %convert_element_type3A_667 = arith.extui %ge3A_666 : i1 to i32
      %cond3A_668 = arith.constant 0 : i32
      %cond3A_669 = arith.cmpi ne, %convert_element_type3A_667, %cond3A_668 : i32
      scf.if %cond3A_669 {
        %run_scoped3A = arith.constant 11 : i32
        "tpu.region"() ({
          %run_scoped3A_831 = tpu.sem_alloc : memref<!tpu.dma_semaphore, #tpu.memory_space<semaphore_mem>>
          %dma_start3A_832 = arith.constant 0 : i32
          %dma_start3A_833 = tpu.memref_slice %arg13[%run_scoped3A, %dma_start3A_832] : memref<16x32xi32, #tpu.memory_space<vmem>> -> memref<1x32xi32, #tpu.memory_space<vmem>>
          %dma_start3A_834 = tpu.memref_squeeze %dma_start3A_833 : memref<1x32xi32, #tpu.memory_space<vmem>> -> memref<32xi32, #tpu.memory_space<vmem>>
          %dma_start3A_835 = arith.constant 0 : i32
          %dma_start3A_836 = arith.constant 0 : i32
          %dma_start3A_837 = tpu.memref_slice %arg19[%dma_start3A_835, %dma_start3A_836] : memref<10000x128xf32, #tpu.memory_space<vmem_shared>> -> memref<10000x128xf32, #tpu.memory_space<vmem_shared>>
          tpu.enqueue_indirect_dma source(%arg17 : memref<32x128xf32, #tpu.memory_space<vmem>>) target(%dma_start3A_837 : memref<10000x128xf32, #tpu.memory_space<vmem_shared>>) offsets(%dma_start3A_834 : memref<32xi32, #tpu.memory_space<vmem>>) semaphore(%run_scoped3A_831 : memref<!tpu.dma_semaphore, #tpu.memory_space<semaphore_mem>>) {add = true}
          %dma_wait3A_838 = arith.constant 0 : i32
          %dma_wait3A_839 = tpu.memref_slice %arg13[%run_scoped3A, %dma_wait3A_838] : memref<16x32xi32, #tpu.memory_space<vmem>> -> memref<1x32xi32, #tpu.memory_space<vmem>>
          %dma_wait3A_840 = tpu.memref_squeeze %dma_wait3A_839 : memref<1x32xi32, #tpu.memory_space<vmem>> -> memref<32xi32, #tpu.memory_space<vmem>>
          %dma_wait3A_841 = arith.constant 0 : i32
          %dma_wait3A_842 = arith.constant 0 : i32
          %dma_wait3A_843 = tpu.memref_slice %arg19[%dma_wait3A_841, %dma_wait3A_842] : memref<10000x128xf32, #tpu.memory_space<vmem_shared>> -> memref<10000x128xf32, #tpu.memory_space<vmem_shared>>
          tpu.wait_indirect_dma semaphore(%run_scoped3A_831 : memref<!tpu.dma_semaphore, #tpu.memory_space<semaphore_mem>>) src(%arg17 : memref<32x128xf32, #tpu.memory_space<vmem>>) dst(%dma_wait3A_843 : memref<10000x128xf32, #tpu.memory_space<vmem_shared>>)
          tpu.yield
        }) : () -> ()
      } else {
      }
      %mul3A_670 = arith.constant 16 : i32
      %mul3A_671 = arith.muli %scan3A_130, %mul3A_670 : i32
      %add3A_672 = arith.constant 12 : i32
      %add3A_673 = arith.addi %mul3A_671, %add3A_672 : i32
      %dma_wait3A_674 = arith.constant 384 : i32
      %dma_wait3A_675 = tpu.memref_slice %arg12[%dma_wait3A_674] : memref<512xi32, #tpu.memory_space<vmem>> -> memref<32xi32, #tpu.memory_space<vmem>>
      %dma_wait3A_676 = arith.constant 0 : i32
      %dma_wait3A_677 = arith.constant 0 : i32
      %dma_wait3A_678 = tpu.memref_slice %arg6[%dma_wait3A_676, %dma_wait3A_677] : memref<10000x128xf32, #tpu.memory_space<hbm>> -> memref<10000x128xf32, #tpu.memory_space<hbm>>
      tpu.wait_indirect_dma semaphore(%arg21 : memref<!tpu.dma_semaphore, #tpu.memory_space<semaphore_mem>>) src(%dma_wait3A_678 : memref<10000x128xf32, #tpu.memory_space<hbm>>) dst(%arg14 : memref<32x128xf32, #tpu.memory_space<vmem>>)
      %add3A_679 = arith.constant 2 : i32
      %add3A_680 = arith.addi %add3A_673, %add3A_679 : i32
      %lt3A_681 = arith.constant 320 : i32
      %lt3A_682 = arith.cmpi slt, %add3A_680, %lt3A_681 : i32
      %convert_element_type3A_683 = arith.extui %lt3A_682 : i1 to i32
      %cond3A_684 = arith.constant 0 : i32
      %cond3A_685 = arith.cmpi ne, %convert_element_type3A_683, %cond3A_684 : i32
      scf.if %cond3A_685 {
        %ge3A_831 = arith.constant 2 : i32
        %ge3A_832 = arith.cmpi sge, %add3A_673, %ge3A_831 : i32
        %convert_element_type3A_833 = arith.extui %ge3A_832 : i1 to i32
        %cond3A_834 = arith.constant 0 : i32
        %cond3A_835 = arith.cmpi ne, %convert_element_type3A_833, %cond3A_834 : i32
        scf.if %cond3A_835 {
          %dma_wait3A_841 = arith.constant 0 : i32
          %dma_wait3A_842 = arith.constant 0 : i32
          %dma_wait3A_843 = tpu.memref_slice %arg13[%dma_wait3A_841, %dma_wait3A_842] : memref<16x32xi32, #tpu.memory_space<vmem>> -> memref<1x32xi32, #tpu.memory_space<vmem>>
          %dma_wait3A_844 = tpu.memref_squeeze %dma_wait3A_843 : memref<1x32xi32, #tpu.memory_space<vmem>> -> memref<32xi32, #tpu.memory_space<vmem>>
          %dma_wait3A_845 = arith.constant 0 : i32
          %dma_wait3A_846 = arith.constant 0 : i32
          %dma_wait3A_847 = tpu.memref_slice %arg19[%dma_wait3A_845, %dma_wait3A_846] : memref<10000x128xf32, #tpu.memory_space<vmem_shared>> -> memref<10000x128xf32, #tpu.memory_space<vmem_shared>>
          tpu.wait_indirect_dma semaphore(%arg27 : memref<!tpu.dma_semaphore, #tpu.memory_space<semaphore_mem>>) src(%arg16 : memref<32x128xf32, #tpu.memory_space<vmem>>) dst(%dma_wait3A_847 : memref<10000x128xf32, #tpu.memory_space<vmem_shared>>)
        } else {
        }
        %dma_start3A_836 = arith.constant 448 : i32
        %dma_start3A_837 = tpu.memref_slice %arg12[%dma_start3A_836] : memref<512xi32, #tpu.memory_space<vmem>> -> memref<32xi32, #tpu.memory_space<vmem>>
        %dma_start3A_838 = arith.constant 0 : i32
        %dma_start3A_839 = arith.constant 0 : i32
        %dma_start3A_840 = tpu.memref_slice %arg6[%dma_start3A_838, %dma_start3A_839] : memref<10000x128xf32, #tpu.memory_space<hbm>> -> memref<10000x128xf32, #tpu.memory_space<hbm>>
        tpu.enqueue_indirect_dma source(%dma_start3A_840 : memref<10000x128xf32, #tpu.memory_space<hbm>>) target(%arg16 : memref<32x128xf32, #tpu.memory_space<vmem>>) offsets(%dma_start3A_837 : memref<32xi32, #tpu.memory_space<vmem>>) semaphore(%arg23 : memref<!tpu.dma_semaphore, #tpu.memory_space<semaphore_mem>>)
      } else {
      }
      %scan3A_686 = arith.constant 0 : i32
      %scan3A_687 = arith.constant 0 : i32
      %scan3A_688 = arith.constant 2 : i32
      %scan3A_689 = arith.addi %scan3A_687, %scan3A_688 : i32
      %scan3A_690 = arith.constant 1 : i32
      %scan3A_691 = scf.for %scan3A_831 = %scan3A_687 to %scan3A_689 step %scan3A_690 iter_args(%scan3A_832 = %scan3A_686) -> (i32)  : i32 {
        %mul3A_833 = arith.constant 16 : i32
        %mul3A_834 = arith.muli %scan3A_831, %mul3A_833 : i32
        %add3A_835 = arith.constant 384 : i32
        %add3A_836 = arith.addi %add3A_835, %mul3A_834 : i32
        %get3A = arith.index_cast %add3A_836 : i32 to index
        %get3A_837 = tpu.vector_load %arg12[%get3A] {strides = array<i32>} : memref<512xi32, #tpu.memory_space<vmem>>, vector<16xi32>,
        %mul3A_838 = arith.constant 16 : i32
        %mul3A_839 = arith.muli %scan3A_831, %mul3A_838 : i32
        %get3A_840 = arith.constant 12 : i32
        %get3A_841 = arith.index_cast %get3A_840 : i32 to index
        %get3A_842 = arith.index_cast %mul3A_839 : i32 to index
        %get3A_843 = tpu.vector_load %arg13[%get3A_841, %get3A_842] {strides = array<i32>} : memref<16x32xi32, #tpu.memory_space<vmem>>, vector<16xi32>,
        %gather3A = tpu.vector_load_idx %arg9[%get3A_837] : memref<10000xf32, #tpu.memory_space<vmem>>[vector<16xi32>], vector<16xf32>,
        %gather3A_844 = tpu.vector_load_idx %arg10[%get3A_843] : memref<10000xf32, #tpu.memory_space<vmem>>[vector<16xi32>], vector<16xf32>,
        %add3A_845 = arith.addf %gather3A, %gather3A_844 : vector<16xf32>
        %gt3A = arith.constant 0.000000e+00 : f32
        %gt3A_846 = vector.broadcast %gt3A : f32 to vector<16xf32>
        %gt3A_847 = arith.cmpf ogt, %add3A_845, %gt3A_846 : vector<16xf32>
        %mul3A_848 = arith.constant 0.00999999977 : f32
        %mul3A_849 = vector.broadcast %mul3A_848 : f32 to vector<16xf32>
        %mul3A_850 = arith.mulf %mul3A_849, %add3A_845 : vector<16xf32>
        %select_n3A_851 = arith.select %gt3A_847, %add3A_845, %mul3A_850 : vector<16xi1>, vector<16xf32>
        %exp3A = math.exp %select_n3A_851 : vector<16xf32>
        %mul3A_852 = arith.constant 32 : i32
        %mul3A_853 = arith.muli %add3A_673, %mul3A_852 : i32
        %mul3A_854 = arith.constant 16 : i32
        %mul3A_855 = arith.muli %scan3A_831, %mul3A_854 : i32
        %add3A_856 = arith.addi %mul3A_853, %mul3A_855 : i32
        %add3A_857 = vector.broadcast %add3A_856 : i32 to vector<16xi32>
        %add3A_858 = arith.addi %add3A_857, %iota3A : vector<16xi32>
        %lt3A_859 = vector.broadcast %min3A_32 : i32 to vector<16xi32>
        %lt3A_860 = arith.cmpi slt, %add3A_858, %lt3A_859 : vector<16xi32>
        %jit3A_861 = arith.constant 0.000000e+00 : f32
        %broadcast_in_dim3A_862 = vector.broadcast %jit3A_861 : f32 to vector<16xf32>
        %select_n3A_863 = arith.select %lt3A_860, %exp3A, %broadcast_in_dim3A_862 : vector<16xi1>, vector<16xf32>
        %mul3A_864 = arith.constant 16 : i32
        %mul3A_865 = arith.muli %scan3A_831, %mul3A_864 : i32
        %add3A_866 = vector.broadcast %mul3A_865 : i32 to vector<16xi32>
        %add3A_867 = arith.addi %add3A_866, %iota3A : vector<16xi32>
        tpu.vector_store_idx %arg18[%add3A_867], %select_n3A_863 : memref<32xf32, #tpu.memory_space<vmem>>[vector<16xi32>], vector<16xf32>,
        %shift_right_arithmetic3A = arith.constant 7 : i32
        %shift_right_arithmetic3A_868 = vector.broadcast %shift_right_arithmetic3A : i32 to vector<16xi32>
        %shift_right_arithmetic3A_869 = arith.shrsi %get3A_843, %shift_right_arithmetic3A_868 : vector<16xi32>
        %and3A_870 = arith.constant 127 : i32
        %and3A_871 = vector.broadcast %and3A_870 : i32 to vector<16xi32>
        %and3A_872 = arith.andi %get3A_843, %and3A_871 : vector<16xi32>
        tpu.vector_store_idx %arg11[%shift_right_arithmetic3A_869, %and3A_872], %select_n3A_863 {add = true} : memref<80x128xf32, #tpu.memory_space<vmem>>[vector<16xi32>, vector<16xi32>], vector<16xf32>,
        %scan3A_873 = arith.constant 0 : i32
        scf.yield %scan3A_873 : i32
      }
      %scan3A_692 = arith.constant 2 : i32
      %scan3A_693 = arith.constant 0 : i32
      %scan3A_694 = arith.constant 0 : i32
      %scan3A_695 = arith.constant 32 : i32
      %scan3A_696 = arith.addi %scan3A_694, %scan3A_695 : i32
      %scan3A_697 = arith.constant 1 : i32
      %scan3A_698 = scf.for %scan3A_831 = %scan3A_694 to %scan3A_696 step %scan3A_697 iter_args(%scan3A_832 = %scan3A_693) -> (i32)  : i32 {
        %broadcast_in_dim3A_833 = vector.broadcast %scan3A_831 : i32 to vector<16xi32>
        %gather3A = tpu.vector_load_idx %arg18[%broadcast_in_dim3A_833] : memref<32xf32, #tpu.memory_space<vmem>>[vector<16xi32>], vector<16xf32>,
        %get3A = arith.index_cast %scan3A_831 : i32 to index
        %get3A_834 = arith.constant 0 : index
        %get3A_835 = tpu.vector_load %arg14[%get3A, %get3A_834] {strides = array<i32>} : memref<32x128xf32, #tpu.memory_space<vmem>>, vector<16xf32>,
        %mul3A_836 = arith.mulf %get3A_835, %gather3A : vector<16xf32>
        %swap3A = arith.index_cast %scan3A_831 : i32 to index
        %swap3A_837 = arith.constant 0 : index
        %swap3A_838 = tpu.vector_load %arg14[%swap3A, %swap3A_837] {strides = array<i32>} : memref<32x128xf32, #tpu.memory_space<vmem>>, vector<16xf32>,
        tpu.vector_store %arg14[%swap3A, %swap3A_837], %mul3A_836 {strides = array<i32>} : memref<32x128xf32, #tpu.memory_space<vmem>>, vector<16xf32>,
        %get3A_839 = arith.index_cast %scan3A_831 : i32 to index
        %get3A_840 = arith.constant 16 : index
        %get3A_841 = tpu.vector_load %arg14[%get3A_839, %get3A_840] {strides = array<i32>} : memref<32x128xf32, #tpu.memory_space<vmem>>, vector<16xf32>,
        %mul3A_842 = arith.mulf %get3A_841, %gather3A : vector<16xf32>
        %swap3A_843 = arith.index_cast %scan3A_831 : i32 to index
        %swap3A_844 = arith.constant 16 : index
        %swap3A_845 = tpu.vector_load %arg14[%swap3A_843, %swap3A_844] {strides = array<i32>} : memref<32x128xf32, #tpu.memory_space<vmem>>, vector<16xf32>,
        tpu.vector_store %arg14[%swap3A_843, %swap3A_844], %mul3A_842 {strides = array<i32>} : memref<32x128xf32, #tpu.memory_space<vmem>>, vector<16xf32>,
        %get3A_846 = arith.index_cast %scan3A_831 : i32 to index
        %get3A_847 = arith.constant 32 : index
        %get3A_848 = tpu.vector_load %arg14[%get3A_846, %get3A_847] {strides = array<i32>} : memref<32x128xf32, #tpu.memory_space<vmem>>, vector<16xf32>,
        %mul3A_849 = arith.mulf %get3A_848, %gather3A : vector<16xf32>
        %swap3A_850 = arith.index_cast %scan3A_831 : i32 to index
        %swap3A_851 = arith.constant 32 : index
        %swap3A_852 = tpu.vector_load %arg14[%swap3A_850, %swap3A_851] {strides = array<i32>} : memref<32x128xf32, #tpu.memory_space<vmem>>, vector<16xf32>,
        tpu.vector_store %arg14[%swap3A_850, %swap3A_851], %mul3A_849 {strides = array<i32>} : memref<32x128xf32, #tpu.memory_space<vmem>>, vector<16xf32>,
        %get3A_853 = arith.index_cast %scan3A_831 : i32 to index
        %get3A_854 = arith.constant 48 : index
        %get3A_855 = tpu.vector_load %arg14[%get3A_853, %get3A_854] {strides = array<i32>} : memref<32x128xf32, #tpu.memory_space<vmem>>, vector<16xf32>,
        %mul3A_856 = arith.mulf %get3A_855, %gather3A : vector<16xf32>
        %swap3A_857 = arith.index_cast %scan3A_831 : i32 to index
        %swap3A_858 = arith.constant 48 : index
        %swap3A_859 = tpu.vector_load %arg14[%swap3A_857, %swap3A_858] {strides = array<i32>} : memref<32x128xf32, #tpu.memory_space<vmem>>, vector<16xf32>,
        tpu.vector_store %arg14[%swap3A_857, %swap3A_858], %mul3A_856 {strides = array<i32>} : memref<32x128xf32, #tpu.memory_space<vmem>>, vector<16xf32>,
        %get3A_860 = arith.index_cast %scan3A_831 : i32 to index
        %get3A_861 = arith.constant 64 : index
        %get3A_862 = tpu.vector_load %arg14[%get3A_860, %get3A_861] {strides = array<i32>} : memref<32x128xf32, #tpu.memory_space<vmem>>, vector<16xf32>,
        %mul3A_863 = arith.mulf %get3A_862, %gather3A : vector<16xf32>
        %swap3A_864 = arith.index_cast %scan3A_831 : i32 to index
        %swap3A_865 = arith.constant 64 : index
        %swap3A_866 = tpu.vector_load %arg14[%swap3A_864, %swap3A_865] {strides = array<i32>} : memref<32x128xf32, #tpu.memory_space<vmem>>, vector<16xf32>,
        tpu.vector_store %arg14[%swap3A_864, %swap3A_865], %mul3A_863 {strides = array<i32>} : memref<32x128xf32, #tpu.memory_space<vmem>>, vector<16xf32>,
        %get3A_867 = arith.index_cast %scan3A_831 : i32 to index
        %get3A_868 = arith.constant 80 : index
        %get3A_869 = tpu.vector_load %arg14[%get3A_867, %get3A_868] {strides = array<i32>} : memref<32x128xf32, #tpu.memory_space<vmem>>, vector<16xf32>,
        %mul3A_870 = arith.mulf %get3A_869, %gather3A : vector<16xf32>
        %swap3A_871 = arith.index_cast %scan3A_831 : i32 to index
        %swap3A_872 = arith.constant 80 : index
        %swap3A_873 = tpu.vector_load %arg14[%swap3A_871, %swap3A_872] {strides = array<i32>} : memref<32x128xf32, #tpu.memory_space<vmem>>, vector<16xf32>,
        tpu.vector_store %arg14[%swap3A_871, %swap3A_872], %mul3A_870 {strides = array<i32>} : memref<32x128xf32, #tpu.memory_space<vmem>>, vector<16xf32>,
        %get3A_874 = arith.index_cast %scan3A_831 : i32 to index
        %get3A_875 = arith.constant 96 : index
        %get3A_876 = tpu.vector_load %arg14[%get3A_874, %get3A_875] {strides = array<i32>} : memref<32x128xf32, #tpu.memory_space<vmem>>, vector<16xf32>,
        %mul3A_877 = arith.mulf %get3A_876, %gather3A : vector<16xf32>
        %swap3A_878 = arith.index_cast %scan3A_831 : i32 to index
        %swap3A_879 = arith.constant 96 : index
        %swap3A_880 = tpu.vector_load %arg14[%swap3A_878, %swap3A_879] {strides = array<i32>} : memref<32x128xf32, #tpu.memory_space<vmem>>, vector<16xf32>,
        tpu.vector_store %arg14[%swap3A_878, %swap3A_879], %mul3A_877 {strides = array<i32>} : memref<32x128xf32, #tpu.memory_space<vmem>>, vector<16xf32>,
        %get3A_881 = arith.index_cast %scan3A_831 : i32 to index
        %get3A_882 = arith.constant 112 : index
        %get3A_883 = tpu.vector_load %arg14[%get3A_881, %get3A_882] {strides = array<i32>} : memref<32x128xf32, #tpu.memory_space<vmem>>, vector<16xf32>,
        %mul3A_884 = arith.mulf %get3A_883, %gather3A : vector<16xf32>
        %swap3A_885 = arith.index_cast %scan3A_831 : i32 to index
        %swap3A_886 = arith.constant 112 : index
        %swap3A_887 = tpu.vector_load %arg14[%swap3A_885, %swap3A_886] {strides = array<i32>} : memref<32x128xf32, #tpu.memory_space<vmem>>, vector<16xf32>,
        tpu.vector_store %arg14[%swap3A_885, %swap3A_886], %mul3A_884 {strides = array<i32>} : memref<32x128xf32, #tpu.memory_space<vmem>>, vector<16xf32>,
        %scan3A_888 = arith.constant 0 : i32
        scf.yield %scan3A_888 : i32
      }
      %scan3A_699 = arith.constant 32 : i32
      %lt3A_700 = arith.constant 316 : i32
      %lt3A_701 = arith.cmpi slt, %add3A_673, %lt3A_700 : i32
      %convert_element_type3A_702 = arith.extui %lt3A_701 : i1 to i32
      %cond3A_703 = arith.constant 0 : i32
      %cond3A_704 = arith.cmpi ne, %convert_element_type3A_702, %cond3A_703 : i32
      scf.if %cond3A_704 {
        %dma_start3A_831 = arith.constant 12 : i32
        %dma_start3A_832 = arith.constant 0 : i32
        %dma_start3A_833 = tpu.memref_slice %arg13[%dma_start3A_831, %dma_start3A_832] : memref<16x32xi32, #tpu.memory_space<vmem>> -> memref<1x32xi32, #tpu.memory_space<vmem>>
        %dma_start3A_834 = tpu.memref_squeeze %dma_start3A_833 : memref<1x32xi32, #tpu.memory_space<vmem>> -> memref<32xi32, #tpu.memory_space<vmem>>
        %dma_start3A_835 = arith.constant 0 : i32
        %dma_start3A_836 = arith.constant 0 : i32
        %dma_start3A_837 = tpu.memref_slice %arg19[%dma_start3A_835, %dma_start3A_836] : memref<10000x128xf32, #tpu.memory_space<vmem_shared>> -> memref<10000x128xf32, #tpu.memory_space<vmem_shared>>
        tpu.enqueue_indirect_dma source(%arg14 : memref<32x128xf32, #tpu.memory_space<vmem>>) target(%dma_start3A_837 : memref<10000x128xf32, #tpu.memory_space<vmem_shared>>) offsets(%dma_start3A_834 : memref<32xi32, #tpu.memory_space<vmem>>) semaphore(%arg25 : memref<!tpu.dma_semaphore, #tpu.memory_space<semaphore_mem>>) {add = true}
      } else {
      }
      %ge3A_705 = arith.constant 316 : i32
      %ge3A_706 = arith.cmpi sge, %add3A_673, %ge3A_705 : i32
      %convert_element_type3A_707 = arith.extui %ge3A_706 : i1 to i32
      %cond3A_708 = arith.constant 0 : i32
      %cond3A_709 = arith.cmpi ne, %convert_element_type3A_707, %cond3A_708 : i32
      scf.if %cond3A_709 {
        %run_scoped3A = arith.constant 12 : i32
        "tpu.region"() ({
          %run_scoped3A_831 = tpu.sem_alloc : memref<!tpu.dma_semaphore, #tpu.memory_space<semaphore_mem>>
          %dma_start3A_832 = arith.constant 0 : i32
          %dma_start3A_833 = tpu.memref_slice %arg13[%run_scoped3A, %dma_start3A_832] : memref<16x32xi32, #tpu.memory_space<vmem>> -> memref<1x32xi32, #tpu.memory_space<vmem>>
          %dma_start3A_834 = tpu.memref_squeeze %dma_start3A_833 : memref<1x32xi32, #tpu.memory_space<vmem>> -> memref<32xi32, #tpu.memory_space<vmem>>
          %dma_start3A_835 = arith.constant 0 : i32
          %dma_start3A_836 = arith.constant 0 : i32
          %dma_start3A_837 = tpu.memref_slice %arg19[%dma_start3A_835, %dma_start3A_836] : memref<10000x128xf32, #tpu.memory_space<vmem_shared>> -> memref<10000x128xf32, #tpu.memory_space<vmem_shared>>
          tpu.enqueue_indirect_dma source(%arg14 : memref<32x128xf32, #tpu.memory_space<vmem>>) target(%dma_start3A_837 : memref<10000x128xf32, #tpu.memory_space<vmem_shared>>) offsets(%dma_start3A_834 : memref<32xi32, #tpu.memory_space<vmem>>) semaphore(%run_scoped3A_831 : memref<!tpu.dma_semaphore, #tpu.memory_space<semaphore_mem>>) {add = true}
          %dma_wait3A_838 = arith.constant 0 : i32
          %dma_wait3A_839 = tpu.memref_slice %arg13[%run_scoped3A, %dma_wait3A_838] : memref<16x32xi32, #tpu.memory_space<vmem>> -> memref<1x32xi32, #tpu.memory_space<vmem>>
          %dma_wait3A_840 = tpu.memref_squeeze %dma_wait3A_839 : memref<1x32xi32, #tpu.memory_space<vmem>> -> memref<32xi32, #tpu.memory_space<vmem>>
          %dma_wait3A_841 = arith.constant 0 : i32
          %dma_wait3A_842 = arith.constant 0 : i32
          %dma_wait3A_843 = tpu.memref_slice %arg19[%dma_wait3A_841, %dma_wait3A_842] : memref<10000x128xf32, #tpu.memory_space<vmem_shared>> -> memref<10000x128xf32, #tpu.memory_space<vmem_shared>>
          tpu.wait_indirect_dma semaphore(%run_scoped3A_831 : memref<!tpu.dma_semaphore, #tpu.memory_space<semaphore_mem>>) src(%arg14 : memref<32x128xf32, #tpu.memory_space<vmem>>) dst(%dma_wait3A_843 : memref<10000x128xf32, #tpu.memory_space<vmem_shared>>)
          tpu.yield
        }) : () -> ()
      } else {
      }
      %mul3A_710 = arith.constant 16 : i32
      %mul3A_711 = arith.muli %scan3A_130, %mul3A_710 : i32
      %add3A_712 = arith.constant 13 : i32
      %add3A_713 = arith.addi %mul3A_711, %add3A_712 : i32
      %dma_wait3A_714 = arith.constant 416 : i32
      %dma_wait3A_715 = tpu.memref_slice %arg12[%dma_wait3A_714] : memref<512xi32, #tpu.memory_space<vmem>> -> memref<32xi32, #tpu.memory_space<vmem>>
      %dma_wait3A_716 = arith.constant 0 : i32
      %dma_wait3A_717 = arith.constant 0 : i32
      %dma_wait3A_718 = tpu.memref_slice %arg6[%dma_wait3A_716, %dma_wait3A_717] : memref<10000x128xf32, #tpu.memory_space<hbm>> -> memref<10000x128xf32, #tpu.memory_space<hbm>>
      tpu.wait_indirect_dma semaphore(%arg22 : memref<!tpu.dma_semaphore, #tpu.memory_space<semaphore_mem>>) src(%dma_wait3A_718 : memref<10000x128xf32, #tpu.memory_space<hbm>>) dst(%arg15 : memref<32x128xf32, #tpu.memory_space<vmem>>)
      %add3A_719 = arith.constant 2 : i32
      %add3A_720 = arith.addi %add3A_713, %add3A_719 : i32
      %lt3A_721 = arith.constant 320 : i32
      %lt3A_722 = arith.cmpi slt, %add3A_720, %lt3A_721 : i32
      %convert_element_type3A_723 = arith.extui %lt3A_722 : i1 to i32
      %cond3A_724 = arith.constant 0 : i32
      %cond3A_725 = arith.cmpi ne, %convert_element_type3A_723, %cond3A_724 : i32
      scf.if %cond3A_725 {
        %ge3A_831 = arith.constant 2 : i32
        %ge3A_832 = arith.cmpi sge, %add3A_713, %ge3A_831 : i32
        %convert_element_type3A_833 = arith.extui %ge3A_832 : i1 to i32
        %cond3A_834 = arith.constant 0 : i32
        %cond3A_835 = arith.cmpi ne, %convert_element_type3A_833, %cond3A_834 : i32
        scf.if %cond3A_835 {
          %dma_wait3A_841 = arith.constant 0 : i32
          %dma_wait3A_842 = arith.constant 0 : i32
          %dma_wait3A_843 = tpu.memref_slice %arg13[%dma_wait3A_841, %dma_wait3A_842] : memref<16x32xi32, #tpu.memory_space<vmem>> -> memref<1x32xi32, #tpu.memory_space<vmem>>
          %dma_wait3A_844 = tpu.memref_squeeze %dma_wait3A_843 : memref<1x32xi32, #tpu.memory_space<vmem>> -> memref<32xi32, #tpu.memory_space<vmem>>
          %dma_wait3A_845 = arith.constant 0 : i32
          %dma_wait3A_846 = arith.constant 0 : i32
          %dma_wait3A_847 = tpu.memref_slice %arg19[%dma_wait3A_845, %dma_wait3A_846] : memref<10000x128xf32, #tpu.memory_space<vmem_shared>> -> memref<10000x128xf32, #tpu.memory_space<vmem_shared>>
          tpu.wait_indirect_dma semaphore(%arg28 : memref<!tpu.dma_semaphore, #tpu.memory_space<semaphore_mem>>) src(%arg17 : memref<32x128xf32, #tpu.memory_space<vmem>>) dst(%dma_wait3A_847 : memref<10000x128xf32, #tpu.memory_space<vmem_shared>>)
        } else {
        }
        %dma_start3A_836 = arith.constant 480 : i32
        %dma_start3A_837 = tpu.memref_slice %arg12[%dma_start3A_836] : memref<512xi32, #tpu.memory_space<vmem>> -> memref<32xi32, #tpu.memory_space<vmem>>
        %dma_start3A_838 = arith.constant 0 : i32
        %dma_start3A_839 = arith.constant 0 : i32
        %dma_start3A_840 = tpu.memref_slice %arg6[%dma_start3A_838, %dma_start3A_839] : memref<10000x128xf32, #tpu.memory_space<hbm>> -> memref<10000x128xf32, #tpu.memory_space<hbm>>
        tpu.enqueue_indirect_dma source(%dma_start3A_840 : memref<10000x128xf32, #tpu.memory_space<hbm>>) target(%arg17 : memref<32x128xf32, #tpu.memory_space<vmem>>) offsets(%dma_start3A_837 : memref<32xi32, #tpu.memory_space<vmem>>) semaphore(%arg24 : memref<!tpu.dma_semaphore, #tpu.memory_space<semaphore_mem>>)
      } else {
      }
      %scan3A_726 = arith.constant 0 : i32
      %scan3A_727 = arith.constant 0 : i32
      %scan3A_728 = arith.constant 2 : i32
      %scan3A_729 = arith.addi %scan3A_727, %scan3A_728 : i32
      %scan3A_730 = arith.constant 1 : i32
      %scan3A_731 = scf.for %scan3A_831 = %scan3A_727 to %scan3A_729 step %scan3A_730 iter_args(%scan3A_832 = %scan3A_726) -> (i32)  : i32 {
        %mul3A_833 = arith.constant 16 : i32
        %mul3A_834 = arith.muli %scan3A_831, %mul3A_833 : i32
        %add3A_835 = arith.constant 416 : i32
        %add3A_836 = arith.addi %add3A_835, %mul3A_834 : i32
        %get3A = arith.index_cast %add3A_836 : i32 to index
        %get3A_837 = tpu.vector_load %arg12[%get3A] {strides = array<i32>} : memref<512xi32, #tpu.memory_space<vmem>>, vector<16xi32>,
        %mul3A_838 = arith.constant 16 : i32
        %mul3A_839 = arith.muli %scan3A_831, %mul3A_838 : i32
        %get3A_840 = arith.constant 13 : i32
        %get3A_841 = arith.index_cast %get3A_840 : i32 to index
        %get3A_842 = arith.index_cast %mul3A_839 : i32 to index
        %get3A_843 = tpu.vector_load %arg13[%get3A_841, %get3A_842] {strides = array<i32>} : memref<16x32xi32, #tpu.memory_space<vmem>>, vector<16xi32>,
        %gather3A = tpu.vector_load_idx %arg9[%get3A_837] : memref<10000xf32, #tpu.memory_space<vmem>>[vector<16xi32>], vector<16xf32>,
        %gather3A_844 = tpu.vector_load_idx %arg10[%get3A_843] : memref<10000xf32, #tpu.memory_space<vmem>>[vector<16xi32>], vector<16xf32>,
        %add3A_845 = arith.addf %gather3A, %gather3A_844 : vector<16xf32>
        %gt3A = arith.constant 0.000000e+00 : f32
        %gt3A_846 = vector.broadcast %gt3A : f32 to vector<16xf32>
        %gt3A_847 = arith.cmpf ogt, %add3A_845, %gt3A_846 : vector<16xf32>
        %mul3A_848 = arith.constant 0.00999999977 : f32
        %mul3A_849 = vector.broadcast %mul3A_848 : f32 to vector<16xf32>
        %mul3A_850 = arith.mulf %mul3A_849, %add3A_845 : vector<16xf32>
        %select_n3A_851 = arith.select %gt3A_847, %add3A_845, %mul3A_850 : vector<16xi1>, vector<16xf32>
        %exp3A = math.exp %select_n3A_851 : vector<16xf32>
        %mul3A_852 = arith.constant 32 : i32
        %mul3A_853 = arith.muli %add3A_713, %mul3A_852 : i32
        %mul3A_854 = arith.constant 16 : i32
        %mul3A_855 = arith.muli %scan3A_831, %mul3A_854 : i32
        %add3A_856 = arith.addi %mul3A_853, %mul3A_855 : i32
        %add3A_857 = vector.broadcast %add3A_856 : i32 to vector<16xi32>
        %add3A_858 = arith.addi %add3A_857, %iota3A : vector<16xi32>
        %lt3A_859 = vector.broadcast %min3A_32 : i32 to vector<16xi32>
        %lt3A_860 = arith.cmpi slt, %add3A_858, %lt3A_859 : vector<16xi32>
        %jit3A_861 = arith.constant 0.000000e+00 : f32
        %broadcast_in_dim3A_862 = vector.broadcast %jit3A_861 : f32 to vector<16xf32>
        %select_n3A_863 = arith.select %lt3A_860, %exp3A, %broadcast_in_dim3A_862 : vector<16xi1>, vector<16xf32>
        %mul3A_864 = arith.constant 16 : i32
        %mul3A_865 = arith.muli %scan3A_831, %mul3A_864 : i32
        %add3A_866 = vector.broadcast %mul3A_865 : i32 to vector<16xi32>
        %add3A_867 = arith.addi %add3A_866, %iota3A : vector<16xi32>
        tpu.vector_store_idx %arg18[%add3A_867], %select_n3A_863 : memref<32xf32, #tpu.memory_space<vmem>>[vector<16xi32>], vector<16xf32>,
        %shift_right_arithmetic3A = arith.constant 7 : i32
        %shift_right_arithmetic3A_868 = vector.broadcast %shift_right_arithmetic3A : i32 to vector<16xi32>
        %shift_right_arithmetic3A_869 = arith.shrsi %get3A_843, %shift_right_arithmetic3A_868 : vector<16xi32>
        %and3A_870 = arith.constant 127 : i32
        %and3A_871 = vector.broadcast %and3A_870 : i32 to vector<16xi32>
        %and3A_872 = arith.andi %get3A_843, %and3A_871 : vector<16xi32>
        tpu.vector_store_idx %arg11[%shift_right_arithmetic3A_869, %and3A_872], %select_n3A_863 {add = true} : memref<80x128xf32, #tpu.memory_space<vmem>>[vector<16xi32>, vector<16xi32>], vector<16xf32>,
        %scan3A_873 = arith.constant 0 : i32
        scf.yield %scan3A_873 : i32
      }
      %scan3A_732 = arith.constant 2 : i32
      %scan3A_733 = arith.constant 0 : i32
      %scan3A_734 = arith.constant 0 : i32
      %scan3A_735 = arith.constant 32 : i32
      %scan3A_736 = arith.addi %scan3A_734, %scan3A_735 : i32
      %scan3A_737 = arith.constant 1 : i32
      %scan3A_738 = scf.for %scan3A_831 = %scan3A_734 to %scan3A_736 step %scan3A_737 iter_args(%scan3A_832 = %scan3A_733) -> (i32)  : i32 {
        %broadcast_in_dim3A_833 = vector.broadcast %scan3A_831 : i32 to vector<16xi32>
        %gather3A = tpu.vector_load_idx %arg18[%broadcast_in_dim3A_833] : memref<32xf32, #tpu.memory_space<vmem>>[vector<16xi32>], vector<16xf32>,
        %get3A = arith.index_cast %scan3A_831 : i32 to index
        %get3A_834 = arith.constant 0 : index
        %get3A_835 = tpu.vector_load %arg15[%get3A, %get3A_834] {strides = array<i32>} : memref<32x128xf32, #tpu.memory_space<vmem>>, vector<16xf32>,
        %mul3A_836 = arith.mulf %get3A_835, %gather3A : vector<16xf32>
        %swap3A = arith.index_cast %scan3A_831 : i32 to index
        %swap3A_837 = arith.constant 0 : index
        %swap3A_838 = tpu.vector_load %arg15[%swap3A, %swap3A_837] {strides = array<i32>} : memref<32x128xf32, #tpu.memory_space<vmem>>, vector<16xf32>,
        tpu.vector_store %arg15[%swap3A, %swap3A_837], %mul3A_836 {strides = array<i32>} : memref<32x128xf32, #tpu.memory_space<vmem>>, vector<16xf32>,
        %get3A_839 = arith.index_cast %scan3A_831 : i32 to index
        %get3A_840 = arith.constant 16 : index
        %get3A_841 = tpu.vector_load %arg15[%get3A_839, %get3A_840] {strides = array<i32>} : memref<32x128xf32, #tpu.memory_space<vmem>>, vector<16xf32>,
        %mul3A_842 = arith.mulf %get3A_841, %gather3A : vector<16xf32>
        %swap3A_843 = arith.index_cast %scan3A_831 : i32 to index
        %swap3A_844 = arith.constant 16 : index
        %swap3A_845 = tpu.vector_load %arg15[%swap3A_843, %swap3A_844] {strides = array<i32>} : memref<32x128xf32, #tpu.memory_space<vmem>>, vector<16xf32>,
        tpu.vector_store %arg15[%swap3A_843, %swap3A_844], %mul3A_842 {strides = array<i32>} : memref<32x128xf32, #tpu.memory_space<vmem>>, vector<16xf32>,
        %get3A_846 = arith.index_cast %scan3A_831 : i32 to index
        %get3A_847 = arith.constant 32 : index
        %get3A_848 = tpu.vector_load %arg15[%get3A_846, %get3A_847] {strides = array<i32>} : memref<32x128xf32, #tpu.memory_space<vmem>>, vector<16xf32>,
        %mul3A_849 = arith.mulf %get3A_848, %gather3A : vector<16xf32>
        %swap3A_850 = arith.index_cast %scan3A_831 : i32 to index
        %swap3A_851 = arith.constant 32 : index
        %swap3A_852 = tpu.vector_load %arg15[%swap3A_850, %swap3A_851] {strides = array<i32>} : memref<32x128xf32, #tpu.memory_space<vmem>>, vector<16xf32>,
        tpu.vector_store %arg15[%swap3A_850, %swap3A_851], %mul3A_849 {strides = array<i32>} : memref<32x128xf32, #tpu.memory_space<vmem>>, vector<16xf32>,
        %get3A_853 = arith.index_cast %scan3A_831 : i32 to index
        %get3A_854 = arith.constant 48 : index
        %get3A_855 = tpu.vector_load %arg15[%get3A_853, %get3A_854] {strides = array<i32>} : memref<32x128xf32, #tpu.memory_space<vmem>>, vector<16xf32>,
        %mul3A_856 = arith.mulf %get3A_855, %gather3A : vector<16xf32>
        %swap3A_857 = arith.index_cast %scan3A_831 : i32 to index
        %swap3A_858 = arith.constant 48 : index
        %swap3A_859 = tpu.vector_load %arg15[%swap3A_857, %swap3A_858] {strides = array<i32>} : memref<32x128xf32, #tpu.memory_space<vmem>>, vector<16xf32>,
        tpu.vector_store %arg15[%swap3A_857, %swap3A_858], %mul3A_856 {strides = array<i32>} : memref<32x128xf32, #tpu.memory_space<vmem>>, vector<16xf32>,
        %get3A_860 = arith.index_cast %scan3A_831 : i32 to index
        %get3A_861 = arith.constant 64 : index
        %get3A_862 = tpu.vector_load %arg15[%get3A_860, %get3A_861] {strides = array<i32>} : memref<32x128xf32, #tpu.memory_space<vmem>>, vector<16xf32>,
        %mul3A_863 = arith.mulf %get3A_862, %gather3A : vector<16xf32>
        %swap3A_864 = arith.index_cast %scan3A_831 : i32 to index
        %swap3A_865 = arith.constant 64 : index
        %swap3A_866 = tpu.vector_load %arg15[%swap3A_864, %swap3A_865] {strides = array<i32>} : memref<32x128xf32, #tpu.memory_space<vmem>>, vector<16xf32>,
        tpu.vector_store %arg15[%swap3A_864, %swap3A_865], %mul3A_863 {strides = array<i32>} : memref<32x128xf32, #tpu.memory_space<vmem>>, vector<16xf32>,
        %get3A_867 = arith.index_cast %scan3A_831 : i32 to index
        %get3A_868 = arith.constant 80 : index
        %get3A_869 = tpu.vector_load %arg15[%get3A_867, %get3A_868] {strides = array<i32>} : memref<32x128xf32, #tpu.memory_space<vmem>>, vector<16xf32>,
        %mul3A_870 = arith.mulf %get3A_869, %gather3A : vector<16xf32>
        %swap3A_871 = arith.index_cast %scan3A_831 : i32 to index
        %swap3A_872 = arith.constant 80 : index
        %swap3A_873 = tpu.vector_load %arg15[%swap3A_871, %swap3A_872] {strides = array<i32>} : memref<32x128xf32, #tpu.memory_space<vmem>>, vector<16xf32>,
        tpu.vector_store %arg15[%swap3A_871, %swap3A_872], %mul3A_870 {strides = array<i32>} : memref<32x128xf32, #tpu.memory_space<vmem>>, vector<16xf32>,
        %get3A_874 = arith.index_cast %scan3A_831 : i32 to index
        %get3A_875 = arith.constant 96 : index
        %get3A_876 = tpu.vector_load %arg15[%get3A_874, %get3A_875] {strides = array<i32>} : memref<32x128xf32, #tpu.memory_space<vmem>>, vector<16xf32>,
        %mul3A_877 = arith.mulf %get3A_876, %gather3A : vector<16xf32>
        %swap3A_878 = arith.index_cast %scan3A_831 : i32 to index
        %swap3A_879 = arith.constant 96 : index
        %swap3A_880 = tpu.vector_load %arg15[%swap3A_878, %swap3A_879] {strides = array<i32>} : memref<32x128xf32, #tpu.memory_space<vmem>>, vector<16xf32>,
        tpu.vector_store %arg15[%swap3A_878, %swap3A_879], %mul3A_877 {strides = array<i32>} : memref<32x128xf32, #tpu.memory_space<vmem>>, vector<16xf32>,
        %get3A_881 = arith.index_cast %scan3A_831 : i32 to index
        %get3A_882 = arith.constant 112 : index
        %get3A_883 = tpu.vector_load %arg15[%get3A_881, %get3A_882] {strides = array<i32>} : memref<32x128xf32, #tpu.memory_space<vmem>>, vector<16xf32>,
        %mul3A_884 = arith.mulf %get3A_883, %gather3A : vector<16xf32>
        %swap3A_885 = arith.index_cast %scan3A_831 : i32 to index
        %swap3A_886 = arith.constant 112 : index
        %swap3A_887 = tpu.vector_load %arg15[%swap3A_885, %swap3A_886] {strides = array<i32>} : memref<32x128xf32, #tpu.memory_space<vmem>>, vector<16xf32>,
        tpu.vector_store %arg15[%swap3A_885, %swap3A_886], %mul3A_884 {strides = array<i32>} : memref<32x128xf32, #tpu.memory_space<vmem>>, vector<16xf32>,
        %scan3A_888 = arith.constant 0 : i32
        scf.yield %scan3A_888 : i32
      }
      %scan3A_739 = arith.constant 32 : i32
      %lt3A_740 = arith.constant 316 : i32
      %lt3A_741 = arith.cmpi slt, %add3A_713, %lt3A_740 : i32
      %convert_element_type3A_742 = arith.extui %lt3A_741 : i1 to i32
      %cond3A_743 = arith.constant 0 : i32
      %cond3A_744 = arith.cmpi ne, %convert_element_type3A_742, %cond3A_743 : i32
      scf.if %cond3A_744 {
        %dma_start3A_831 = arith.constant 13 : i32
        %dma_start3A_832 = arith.constant 0 : i32
        %dma_start3A_833 = tpu.memref_slice %arg13[%dma_start3A_831, %dma_start3A_832] : memref<16x32xi32, #tpu.memory_space<vmem>> -> memref<1x32xi32, #tpu.memory_space<vmem>>
        %dma_start3A_834 = tpu.memref_squeeze %dma_start3A_833 : memref<1x32xi32, #tpu.memory_space<vmem>> -> memref<32xi32, #tpu.memory_space<vmem>>
        %dma_start3A_835 = arith.constant 0 : i32
        %dma_start3A_836 = arith.constant 0 : i32
        %dma_start3A_837 = tpu.memref_slice %arg19[%dma_start3A_835, %dma_start3A_836] : memref<10000x128xf32, #tpu.memory_space<vmem_shared>> -> memref<10000x128xf32, #tpu.memory_space<vmem_shared>>
        tpu.enqueue_indirect_dma source(%arg15 : memref<32x128xf32, #tpu.memory_space<vmem>>) target(%dma_start3A_837 : memref<10000x128xf32, #tpu.memory_space<vmem_shared>>) offsets(%dma_start3A_834 : memref<32xi32, #tpu.memory_space<vmem>>) semaphore(%arg26 : memref<!tpu.dma_semaphore, #tpu.memory_space<semaphore_mem>>) {add = true}
      } else {
      }
      %ge3A_745 = arith.constant 316 : i32
      %ge3A_746 = arith.cmpi sge, %add3A_713, %ge3A_745 : i32
      %convert_element_type3A_747 = arith.extui %ge3A_746 : i1 to i32
      %cond3A_748 = arith.constant 0 : i32
      %cond3A_749 = arith.cmpi ne, %convert_element_type3A_747, %cond3A_748 : i32
      scf.if %cond3A_749 {
        %run_scoped3A = arith.constant 13 : i32
        "tpu.region"() ({
          %run_scoped3A_831 = tpu.sem_alloc : memref<!tpu.dma_semaphore, #tpu.memory_space<semaphore_mem>>
          %dma_start3A_832 = arith.constant 0 : i32
          %dma_start3A_833 = tpu.memref_slice %arg13[%run_scoped3A, %dma_start3A_832] : memref<16x32xi32, #tpu.memory_space<vmem>> -> memref<1x32xi32, #tpu.memory_space<vmem>>
          %dma_start3A_834 = tpu.memref_squeeze %dma_start3A_833 : memref<1x32xi32, #tpu.memory_space<vmem>> -> memref<32xi32, #tpu.memory_space<vmem>>
          %dma_start3A_835 = arith.constant 0 : i32
          %dma_start3A_836 = arith.constant 0 : i32
          %dma_start3A_837 = tpu.memref_slice %arg19[%dma_start3A_835, %dma_start3A_836] : memref<10000x128xf32, #tpu.memory_space<vmem_shared>> -> memref<10000x128xf32, #tpu.memory_space<vmem_shared>>
          tpu.enqueue_indirect_dma source(%arg15 : memref<32x128xf32, #tpu.memory_space<vmem>>) target(%dma_start3A_837 : memref<10000x128xf32, #tpu.memory_space<vmem_shared>>) offsets(%dma_start3A_834 : memref<32xi32, #tpu.memory_space<vmem>>) semaphore(%run_scoped3A_831 : memref<!tpu.dma_semaphore, #tpu.memory_space<semaphore_mem>>) {add = true}
          %dma_wait3A_838 = arith.constant 0 : i32
          %dma_wait3A_839 = tpu.memref_slice %arg13[%run_scoped3A, %dma_wait3A_838] : memref<16x32xi32, #tpu.memory_space<vmem>> -> memref<1x32xi32, #tpu.memory_space<vmem>>
          %dma_wait3A_840 = tpu.memref_squeeze %dma_wait3A_839 : memref<1x32xi32, #tpu.memory_space<vmem>> -> memref<32xi32, #tpu.memory_space<vmem>>
          %dma_wait3A_841 = arith.constant 0 : i32
          %dma_wait3A_842 = arith.constant 0 : i32
          %dma_wait3A_843 = tpu.memref_slice %arg19[%dma_wait3A_841, %dma_wait3A_842] : memref<10000x128xf32, #tpu.memory_space<vmem_shared>> -> memref<10000x128xf32, #tpu.memory_space<vmem_shared>>
          tpu.wait_indirect_dma semaphore(%run_scoped3A_831 : memref<!tpu.dma_semaphore, #tpu.memory_space<semaphore_mem>>) src(%arg15 : memref<32x128xf32, #tpu.memory_space<vmem>>) dst(%dma_wait3A_843 : memref<10000x128xf32, #tpu.memory_space<vmem_shared>>)
          tpu.yield
        }) : () -> ()
      } else {
      }
      %mul3A_750 = arith.constant 16 : i32
      %mul3A_751 = arith.muli %scan3A_130, %mul3A_750 : i32
      %add3A_752 = arith.constant 14 : i32
      %add3A_753 = arith.addi %mul3A_751, %add3A_752 : i32
      %dma_wait3A_754 = arith.constant 448 : i32
      %dma_wait3A_755 = tpu.memref_slice %arg12[%dma_wait3A_754] : memref<512xi32, #tpu.memory_space<vmem>> -> memref<32xi32, #tpu.memory_space<vmem>>
      %dma_wait3A_756 = arith.constant 0 : i32
      %dma_wait3A_757 = arith.constant 0 : i32
      %dma_wait3A_758 = tpu.memref_slice %arg6[%dma_wait3A_756, %dma_wait3A_757] : memref<10000x128xf32, #tpu.memory_space<hbm>> -> memref<10000x128xf32, #tpu.memory_space<hbm>>
      tpu.wait_indirect_dma semaphore(%arg23 : memref<!tpu.dma_semaphore, #tpu.memory_space<semaphore_mem>>) src(%dma_wait3A_758 : memref<10000x128xf32, #tpu.memory_space<hbm>>) dst(%arg16 : memref<32x128xf32, #tpu.memory_space<vmem>>)
      %add3A_759 = arith.constant 2 : i32
      %add3A_760 = arith.addi %add3A_753, %add3A_759 : i32
      %lt3A_761 = arith.constant 320 : i32
      %lt3A_762 = arith.cmpi slt, %add3A_760, %lt3A_761 : i32
      %convert_element_type3A_763 = arith.extui %lt3A_762 : i1 to i32
      %cond3A_764 = arith.constant 0 : i32
      %cond3A_765 = arith.cmpi ne, %convert_element_type3A_763, %cond3A_764 : i32
      scf.if %cond3A_765 {
        %dma_wait3A_831 = arith.constant 0 : i32
        %dma_wait3A_832 = tpu.memref_slice %arg12[%dma_wait3A_831] : memref<512xi32, #tpu.memory_space<vmem>> -> memref<256xi32, #tpu.memory_space<vmem>>
        %dma_wait3A_833 = arith.constant 0 : i32
        %dma_wait3A_834 = tpu.memref_slice %arg4[%dma_wait3A_833] : memref<327680xi32, #tpu.memory_space<hbm>> -> memref<256xi32, #tpu.memory_space<hbm>>
        %dma_wait3A_835 = arith.constant 0 : i32
        %dma_wait3A_836 = tpu.memref_slice %arg12[%dma_wait3A_835] : memref<512xi32, #tpu.memory_space<vmem>> -> memref<256xi32, #tpu.memory_space<vmem>>
        %dma_wait3A_837 = arith.constant 0 : i32
        %dma_wait3A_838 = tpu.memref_slice %arg4[%dma_wait3A_837] : memref<327680xi32, #tpu.memory_space<hbm>> -> memref<256xi32, #tpu.memory_space<hbm>>
        tpu.wait_dma2 semaphore(%arg29 : memref<!tpu.dma_semaphore, #tpu.memory_space<semaphore_mem>>) src(%dma_wait3A_838 : memref<256xi32, #tpu.memory_space<hbm>>) dst(%dma_wait3A_836 : memref<256xi32, #tpu.memory_space<vmem>>)
        %dma_wait3A_839 = arith.constant 0 : i32
        %dma_wait3A_840 = arith.constant 0 : i32
        %dma_wait3A_841 = tpu.memref_slice %arg13[%dma_wait3A_839, %dma_wait3A_840] : memref<16x32xi32, #tpu.memory_space<vmem>> -> memref<8x32xi32, #tpu.memory_space<vmem>>
        %dma_wait3A_842 = arith.constant 0 : i32
        %dma_wait3A_843 = arith.constant 0 : i32
        %dma_wait3A_844 = tpu.memref_slice %arg5[%dma_wait3A_842, %dma_wait3A_843] : memref<10240x32xi32, #tpu.memory_space<hbm>> -> memref<8x32xi32, #tpu.memory_space<hbm>>
        %dma_wait3A_845 = arith.constant 0 : i32
        %dma_wait3A_846 = arith.constant 0 : i32
        %dma_wait3A_847 = tpu.memref_slice %arg13[%dma_wait3A_845, %dma_wait3A_846] : memref<16x32xi32, #tpu.memory_space<vmem>> -> memref<8x32xi32, #tpu.memory_space<vmem>>
        %dma_wait3A_848 = arith.constant 0 : i32
        %dma_wait3A_849 = arith.constant 0 : i32
        %dma_wait3A_850 = tpu.memref_slice %arg5[%dma_wait3A_848, %dma_wait3A_849] : memref<10240x32xi32, #tpu.memory_space<hbm>> -> memref<8x32xi32, #tpu.memory_space<hbm>>
        tpu.wait_dma2 semaphore(%arg29 : memref<!tpu.dma_semaphore, #tpu.memory_space<semaphore_mem>>) src(%dma_wait3A_850 : memref<8x32xi32, #tpu.memory_space<hbm>>) dst(%dma_wait3A_847 : memref<8x32xi32, #tpu.memory_space<vmem>>)
        %ge3A_851 = arith.constant 2 : i32
        %ge3A_852 = arith.cmpi sge, %add3A_753, %ge3A_851 : i32
        %convert_element_type3A_853 = arith.extui %ge3A_852 : i1 to i32
        %cond3A_854 = arith.constant 0 : i32
        %cond3A_855 = arith.cmpi ne, %convert_element_type3A_853, %cond3A_854 : i32
        scf.if %cond3A_855 {
          %dma_wait3A_861 = arith.constant 0 : i32
          %dma_wait3A_862 = arith.constant 0 : i32
          %dma_wait3A_863 = tpu.memref_slice %arg13[%dma_wait3A_861, %dma_wait3A_862] : memref<16x32xi32, #tpu.memory_space<vmem>> -> memref<1x32xi32, #tpu.memory_space<vmem>>
          %dma_wait3A_864 = tpu.memref_squeeze %dma_wait3A_863 : memref<1x32xi32, #tpu.memory_space<vmem>> -> memref<32xi32, #tpu.memory_space<vmem>>
          %dma_wait3A_865 = arith.constant 0 : i32
          %dma_wait3A_866 = arith.constant 0 : i32
          %dma_wait3A_867 = tpu.memref_slice %arg19[%dma_wait3A_865, %dma_wait3A_866] : memref<10000x128xf32, #tpu.memory_space<vmem_shared>> -> memref<10000x128xf32, #tpu.memory_space<vmem_shared>>
          tpu.wait_indirect_dma semaphore(%arg25 : memref<!tpu.dma_semaphore, #tpu.memory_space<semaphore_mem>>) src(%arg14 : memref<32x128xf32, #tpu.memory_space<vmem>>) dst(%dma_wait3A_867 : memref<10000x128xf32, #tpu.memory_space<vmem_shared>>)
        } else {
        }
        %dma_start3A_856 = arith.constant 0 : i32
        %dma_start3A_857 = tpu.memref_slice %arg12[%dma_start3A_856] : memref<512xi32, #tpu.memory_space<vmem>> -> memref<32xi32, #tpu.memory_space<vmem>>
        %dma_start3A_858 = arith.constant 0 : i32
        %dma_start3A_859 = arith.constant 0 : i32
        %dma_start3A_860 = tpu.memref_slice %arg6[%dma_start3A_858, %dma_start3A_859] : memref<10000x128xf32, #tpu.memory_space<hbm>> -> memref<10000x128xf32, #tpu.memory_space<hbm>>
        tpu.enqueue_indirect_dma source(%dma_start3A_860 : memref<10000x128xf32, #tpu.memory_space<hbm>>) target(%arg14 : memref<32x128xf32, #tpu.memory_space<vmem>>) offsets(%dma_start3A_857 : memref<32xi32, #tpu.memory_space<vmem>>) semaphore(%arg21 : memref<!tpu.dma_semaphore, #tpu.memory_space<semaphore_mem>>)
      } else {
      }
      %scan3A_766 = arith.constant 0 : i32
      %scan3A_767 = arith.constant 0 : i32
      %scan3A_768 = arith.constant 2 : i32
      %scan3A_769 = arith.addi %scan3A_767, %scan3A_768 : i32
      %scan3A_770 = arith.constant 1 : i32
      %scan3A_771 = scf.for %scan3A_831 = %scan3A_767 to %scan3A_769 step %scan3A_770 iter_args(%scan3A_832 = %scan3A_766) -> (i32)  : i32 {
        %mul3A_833 = arith.constant 16 : i32
        %mul3A_834 = arith.muli %scan3A_831, %mul3A_833 : i32
        %add3A_835 = arith.constant 448 : i32
        %add3A_836 = arith.addi %add3A_835, %mul3A_834 : i32
        %get3A = arith.index_cast %add3A_836 : i32 to index
        %get3A_837 = tpu.vector_load %arg12[%get3A] {strides = array<i32>} : memref<512xi32, #tpu.memory_space<vmem>>, vector<16xi32>,
        %mul3A_838 = arith.constant 16 : i32
        %mul3A_839 = arith.muli %scan3A_831, %mul3A_838 : i32
        %get3A_840 = arith.constant 14 : i32
        %get3A_841 = arith.index_cast %get3A_840 : i32 to index
        %get3A_842 = arith.index_cast %mul3A_839 : i32 to index
        %get3A_843 = tpu.vector_load %arg13[%get3A_841, %get3A_842] {strides = array<i32>} : memref<16x32xi32, #tpu.memory_space<vmem>>, vector<16xi32>,
        %gather3A = tpu.vector_load_idx %arg9[%get3A_837] : memref<10000xf32, #tpu.memory_space<vmem>>[vector<16xi32>], vector<16xf32>,
        %gather3A_844 = tpu.vector_load_idx %arg10[%get3A_843] : memref<10000xf32, #tpu.memory_space<vmem>>[vector<16xi32>], vector<16xf32>,
        %add3A_845 = arith.addf %gather3A, %gather3A_844 : vector<16xf32>
        %gt3A = arith.constant 0.000000e+00 : f32
        %gt3A_846 = vector.broadcast %gt3A : f32 to vector<16xf32>
        %gt3A_847 = arith.cmpf ogt, %add3A_845, %gt3A_846 : vector<16xf32>
        %mul3A_848 = arith.constant 0.00999999977 : f32
        %mul3A_849 = vector.broadcast %mul3A_848 : f32 to vector<16xf32>
        %mul3A_850 = arith.mulf %mul3A_849, %add3A_845 : vector<16xf32>
        %select_n3A_851 = arith.select %gt3A_847, %add3A_845, %mul3A_850 : vector<16xi1>, vector<16xf32>
        %exp3A = math.exp %select_n3A_851 : vector<16xf32>
        %mul3A_852 = arith.constant 32 : i32
        %mul3A_853 = arith.muli %add3A_753, %mul3A_852 : i32
        %mul3A_854 = arith.constant 16 : i32
        %mul3A_855 = arith.muli %scan3A_831, %mul3A_854 : i32
        %add3A_856 = arith.addi %mul3A_853, %mul3A_855 : i32
        %add3A_857 = vector.broadcast %add3A_856 : i32 to vector<16xi32>
        %add3A_858 = arith.addi %add3A_857, %iota3A : vector<16xi32>
        %lt3A_859 = vector.broadcast %min3A_32 : i32 to vector<16xi32>
        %lt3A_860 = arith.cmpi slt, %add3A_858, %lt3A_859 : vector<16xi32>
        %jit3A_861 = arith.constant 0.000000e+00 : f32
        %broadcast_in_dim3A_862 = vector.broadcast %jit3A_861 : f32 to vector<16xf32>
        %select_n3A_863 = arith.select %lt3A_860, %exp3A, %broadcast_in_dim3A_862 : vector<16xi1>, vector<16xf32>
        %mul3A_864 = arith.constant 16 : i32
        %mul3A_865 = arith.muli %scan3A_831, %mul3A_864 : i32
        %add3A_866 = vector.broadcast %mul3A_865 : i32 to vector<16xi32>
        %add3A_867 = arith.addi %add3A_866, %iota3A : vector<16xi32>
        tpu.vector_store_idx %arg18[%add3A_867], %select_n3A_863 : memref<32xf32, #tpu.memory_space<vmem>>[vector<16xi32>], vector<16xf32>,
        %shift_right_arithmetic3A = arith.constant 7 : i32
        %shift_right_arithmetic3A_868 = vector.broadcast %shift_right_arithmetic3A : i32 to vector<16xi32>
        %shift_right_arithmetic3A_869 = arith.shrsi %get3A_843, %shift_right_arithmetic3A_868 : vector<16xi32>
        %and3A_870 = arith.constant 127 : i32
        %and3A_871 = vector.broadcast %and3A_870 : i32 to vector<16xi32>
        %and3A_872 = arith.andi %get3A_843, %and3A_871 : vector<16xi32>
        tpu.vector_store_idx %arg11[%shift_right_arithmetic3A_869, %and3A_872], %select_n3A_863 {add = true} : memref<80x128xf32, #tpu.memory_space<vmem>>[vector<16xi32>, vector<16xi32>], vector<16xf32>,
        %scan3A_873 = arith.constant 0 : i32
        scf.yield %scan3A_873 : i32
      }
      %scan3A_772 = arith.constant 2 : i32
      %scan3A_773 = arith.constant 0 : i32
      %scan3A_774 = arith.constant 0 : i32
      %scan3A_775 = arith.constant 32 : i32
      %scan3A_776 = arith.addi %scan3A_774, %scan3A_775 : i32
      %scan3A_777 = arith.constant 1 : i32
      %scan3A_778 = scf.for %scan3A_831 = %scan3A_774 to %scan3A_776 step %scan3A_777 iter_args(%scan3A_832 = %scan3A_773) -> (i32)  : i32 {
        %broadcast_in_dim3A_833 = vector.broadcast %scan3A_831 : i32 to vector<16xi32>
        %gather3A = tpu.vector_load_idx %arg18[%broadcast_in_dim3A_833] : memref<32xf32, #tpu.memory_space<vmem>>[vector<16xi32>], vector<16xf32>,
        %get3A = arith.index_cast %scan3A_831 : i32 to index
        %get3A_834 = arith.constant 0 : index
        %get3A_835 = tpu.vector_load %arg16[%get3A, %get3A_834] {strides = array<i32>} : memref<32x128xf32, #tpu.memory_space<vmem>>, vector<16xf32>,
        %mul3A_836 = arith.mulf %get3A_835, %gather3A : vector<16xf32>
        %swap3A = arith.index_cast %scan3A_831 : i32 to index
        %swap3A_837 = arith.constant 0 : index
        %swap3A_838 = tpu.vector_load %arg16[%swap3A, %swap3A_837] {strides = array<i32>} : memref<32x128xf32, #tpu.memory_space<vmem>>, vector<16xf32>,
        tpu.vector_store %arg16[%swap3A, %swap3A_837], %mul3A_836 {strides = array<i32>} : memref<32x128xf32, #tpu.memory_space<vmem>>, vector<16xf32>,
        %get3A_839 = arith.index_cast %scan3A_831 : i32 to index
        %get3A_840 = arith.constant 16 : index
        %get3A_841 = tpu.vector_load %arg16[%get3A_839, %get3A_840] {strides = array<i32>} : memref<32x128xf32, #tpu.memory_space<vmem>>, vector<16xf32>,
        %mul3A_842 = arith.mulf %get3A_841, %gather3A : vector<16xf32>
        %swap3A_843 = arith.index_cast %scan3A_831 : i32 to index
        %swap3A_844 = arith.constant 16 : index
        %swap3A_845 = tpu.vector_load %arg16[%swap3A_843, %swap3A_844] {strides = array<i32>} : memref<32x128xf32, #tpu.memory_space<vmem>>, vector<16xf32>,
        tpu.vector_store %arg16[%swap3A_843, %swap3A_844], %mul3A_842 {strides = array<i32>} : memref<32x128xf32, #tpu.memory_space<vmem>>, vector<16xf32>,
        %get3A_846 = arith.index_cast %scan3A_831 : i32 to index
        %get3A_847 = arith.constant 32 : index
        %get3A_848 = tpu.vector_load %arg16[%get3A_846, %get3A_847] {strides = array<i32>} : memref<32x128xf32, #tpu.memory_space<vmem>>, vector<16xf32>,
        %mul3A_849 = arith.mulf %get3A_848, %gather3A : vector<16xf32>
        %swap3A_850 = arith.index_cast %scan3A_831 : i32 to index
        %swap3A_851 = arith.constant 32 : index
        %swap3A_852 = tpu.vector_load %arg16[%swap3A_850, %swap3A_851] {strides = array<i32>} : memref<32x128xf32, #tpu.memory_space<vmem>>, vector<16xf32>,
        tpu.vector_store %arg16[%swap3A_850, %swap3A_851], %mul3A_849 {strides = array<i32>} : memref<32x128xf32, #tpu.memory_space<vmem>>, vector<16xf32>,
        %get3A_853 = arith.index_cast %scan3A_831 : i32 to index
        %get3A_854 = arith.constant 48 : index
        %get3A_855 = tpu.vector_load %arg16[%get3A_853, %get3A_854] {strides = array<i32>} : memref<32x128xf32, #tpu.memory_space<vmem>>, vector<16xf32>,
        %mul3A_856 = arith.mulf %get3A_855, %gather3A : vector<16xf32>
        %swap3A_857 = arith.index_cast %scan3A_831 : i32 to index
        %swap3A_858 = arith.constant 48 : index
        %swap3A_859 = tpu.vector_load %arg16[%swap3A_857, %swap3A_858] {strides = array<i32>} : memref<32x128xf32, #tpu.memory_space<vmem>>, vector<16xf32>,
        tpu.vector_store %arg16[%swap3A_857, %swap3A_858], %mul3A_856 {strides = array<i32>} : memref<32x128xf32, #tpu.memory_space<vmem>>, vector<16xf32>,
        %get3A_860 = arith.index_cast %scan3A_831 : i32 to index
        %get3A_861 = arith.constant 64 : index
        %get3A_862 = tpu.vector_load %arg16[%get3A_860, %get3A_861] {strides = array<i32>} : memref<32x128xf32, #tpu.memory_space<vmem>>, vector<16xf32>,
        %mul3A_863 = arith.mulf %get3A_862, %gather3A : vector<16xf32>
        %swap3A_864 = arith.index_cast %scan3A_831 : i32 to index
        %swap3A_865 = arith.constant 64 : index
        %swap3A_866 = tpu.vector_load %arg16[%swap3A_864, %swap3A_865] {strides = array<i32>} : memref<32x128xf32, #tpu.memory_space<vmem>>, vector<16xf32>,
        tpu.vector_store %arg16[%swap3A_864, %swap3A_865], %mul3A_863 {strides = array<i32>} : memref<32x128xf32, #tpu.memory_space<vmem>>, vector<16xf32>,
        %get3A_867 = arith.index_cast %scan3A_831 : i32 to index
        %get3A_868 = arith.constant 80 : index
        %get3A_869 = tpu.vector_load %arg16[%get3A_867, %get3A_868] {strides = array<i32>} : memref<32x128xf32, #tpu.memory_space<vmem>>, vector<16xf32>,
        %mul3A_870 = arith.mulf %get3A_869, %gather3A : vector<16xf32>
        %swap3A_871 = arith.index_cast %scan3A_831 : i32 to index
        %swap3A_872 = arith.constant 80 : index
        %swap3A_873 = tpu.vector_load %arg16[%swap3A_871, %swap3A_872] {strides = array<i32>} : memref<32x128xf32, #tpu.memory_space<vmem>>, vector<16xf32>,
        tpu.vector_store %arg16[%swap3A_871, %swap3A_872], %mul3A_870 {strides = array<i32>} : memref<32x128xf32, #tpu.memory_space<vmem>>, vector<16xf32>,
        %get3A_874 = arith.index_cast %scan3A_831 : i32 to index
        %get3A_875 = arith.constant 96 : index
        %get3A_876 = tpu.vector_load %arg16[%get3A_874, %get3A_875] {strides = array<i32>} : memref<32x128xf32, #tpu.memory_space<vmem>>, vector<16xf32>,
        %mul3A_877 = arith.mulf %get3A_876, %gather3A : vector<16xf32>
        %swap3A_878 = arith.index_cast %scan3A_831 : i32 to index
        %swap3A_879 = arith.constant 96 : index
        %swap3A_880 = tpu.vector_load %arg16[%swap3A_878, %swap3A_879] {strides = array<i32>} : memref<32x128xf32, #tpu.memory_space<vmem>>, vector<16xf32>,
        tpu.vector_store %arg16[%swap3A_878, %swap3A_879], %mul3A_877 {strides = array<i32>} : memref<32x128xf32, #tpu.memory_space<vmem>>, vector<16xf32>,
        %get3A_881 = arith.index_cast %scan3A_831 : i32 to index
        %get3A_882 = arith.constant 112 : index
        %get3A_883 = tpu.vector_load %arg16[%get3A_881, %get3A_882] {strides = array<i32>} : memref<32x128xf32, #tpu.memory_space<vmem>>, vector<16xf32>,
        %mul3A_884 = arith.mulf %get3A_883, %gather3A : vector<16xf32>
        %swap3A_885 = arith.index_cast %scan3A_831 : i32 to index
        %swap3A_886 = arith.constant 112 : index
        %swap3A_887 = tpu.vector_load %arg16[%swap3A_885, %swap3A_886] {strides = array<i32>} : memref<32x128xf32, #tpu.memory_space<vmem>>, vector<16xf32>,
        tpu.vector_store %arg16[%swap3A_885, %swap3A_886], %mul3A_884 {strides = array<i32>} : memref<32x128xf32, #tpu.memory_space<vmem>>, vector<16xf32>,
        %scan3A_888 = arith.constant 0 : i32
        scf.yield %scan3A_888 : i32
      }
      %scan3A_779 = arith.constant 32 : i32
      %lt3A_780 = arith.constant 316 : i32
      %lt3A_781 = arith.cmpi slt, %add3A_753, %lt3A_780 : i32
      %convert_element_type3A_782 = arith.extui %lt3A_781 : i1 to i32
      %cond3A_783 = arith.constant 0 : i32
      %cond3A_784 = arith.cmpi ne, %convert_element_type3A_782, %cond3A_783 : i32
      scf.if %cond3A_784 {
        %dma_start3A_831 = arith.constant 14 : i32
        %dma_start3A_832 = arith.constant 0 : i32
        %dma_start3A_833 = tpu.memref_slice %arg13[%dma_start3A_831, %dma_start3A_832] : memref<16x32xi32, #tpu.memory_space<vmem>> -> memref<1x32xi32, #tpu.memory_space<vmem>>
        %dma_start3A_834 = tpu.memref_squeeze %dma_start3A_833 : memref<1x32xi32, #tpu.memory_space<vmem>> -> memref<32xi32, #tpu.memory_space<vmem>>
        %dma_start3A_835 = arith.constant 0 : i32
        %dma_start3A_836 = arith.constant 0 : i32
        %dma_start3A_837 = tpu.memref_slice %arg19[%dma_start3A_835, %dma_start3A_836] : memref<10000x128xf32, #tpu.memory_space<vmem_shared>> -> memref<10000x128xf32, #tpu.memory_space<vmem_shared>>
        tpu.enqueue_indirect_dma source(%arg16 : memref<32x128xf32, #tpu.memory_space<vmem>>) target(%dma_start3A_837 : memref<10000x128xf32, #tpu.memory_space<vmem_shared>>) offsets(%dma_start3A_834 : memref<32xi32, #tpu.memory_space<vmem>>) semaphore(%arg27 : memref<!tpu.dma_semaphore, #tpu.memory_space<semaphore_mem>>) {add = true}
      } else {
      }
      %ge3A_785 = arith.constant 316 : i32
      %ge3A_786 = arith.cmpi sge, %add3A_753, %ge3A_785 : i32
      %convert_element_type3A_787 = arith.extui %ge3A_786 : i1 to i32
      %cond3A_788 = arith.constant 0 : i32
      %cond3A_789 = arith.cmpi ne, %convert_element_type3A_787, %cond3A_788 : i32
      scf.if %cond3A_789 {
        %run_scoped3A = arith.constant 14 : i32
        "tpu.region"() ({
          %run_scoped3A_831 = tpu.sem_alloc : memref<!tpu.dma_semaphore, #tpu.memory_space<semaphore_mem>>
          %dma_start3A_832 = arith.constant 0 : i32
          %dma_start3A_833 = tpu.memref_slice %arg13[%run_scoped3A, %dma_start3A_832] : memref<16x32xi32, #tpu.memory_space<vmem>> -> memref<1x32xi32, #tpu.memory_space<vmem>>
          %dma_start3A_834 = tpu.memref_squeeze %dma_start3A_833 : memref<1x32xi32, #tpu.memory_space<vmem>> -> memref<32xi32, #tpu.memory_space<vmem>>
          %dma_start3A_835 = arith.constant 0 : i32
          %dma_start3A_836 = arith.constant 0 : i32
          %dma_start3A_837 = tpu.memref_slice %arg19[%dma_start3A_835, %dma_start3A_836] : memref<10000x128xf32, #tpu.memory_space<vmem_shared>> -> memref<10000x128xf32, #tpu.memory_space<vmem_shared>>
          tpu.enqueue_indirect_dma source(%arg16 : memref<32x128xf32, #tpu.memory_space<vmem>>) target(%dma_start3A_837 : memref<10000x128xf32, #tpu.memory_space<vmem_shared>>) offsets(%dma_start3A_834 : memref<32xi32, #tpu.memory_space<vmem>>) semaphore(%run_scoped3A_831 : memref<!tpu.dma_semaphore, #tpu.memory_space<semaphore_mem>>) {add = true}
          %dma_wait3A_838 = arith.constant 0 : i32
          %dma_wait3A_839 = tpu.memref_slice %arg13[%run_scoped3A, %dma_wait3A_838] : memref<16x32xi32, #tpu.memory_space<vmem>> -> memref<1x32xi32, #tpu.memory_space<vmem>>
          %dma_wait3A_840 = tpu.memref_squeeze %dma_wait3A_839 : memref<1x32xi32, #tpu.memory_space<vmem>> -> memref<32xi32, #tpu.memory_space<vmem>>
          %dma_wait3A_841 = arith.constant 0 : i32
          %dma_wait3A_842 = arith.constant 0 : i32
          %dma_wait3A_843 = tpu.memref_slice %arg19[%dma_wait3A_841, %dma_wait3A_842] : memref<10000x128xf32, #tpu.memory_space<vmem_shared>> -> memref<10000x128xf32, #tpu.memory_space<vmem_shared>>
          tpu.wait_indirect_dma semaphore(%run_scoped3A_831 : memref<!tpu.dma_semaphore, #tpu.memory_space<semaphore_mem>>) src(%arg16 : memref<32x128xf32, #tpu.memory_space<vmem>>) dst(%dma_wait3A_843 : memref<10000x128xf32, #tpu.memory_space<vmem_shared>>)
          tpu.yield
        }) : () -> ()
      } else {
      }
      %mul3A_790 = arith.constant 16 : i32
      %mul3A_791 = arith.muli %scan3A_130, %mul3A_790 : i32
      %add3A_792 = arith.constant 15 : i32
      %add3A_793 = arith.addi %mul3A_791, %add3A_792 : i32
      %dma_wait3A_794 = arith.constant 480 : i32
      %dma_wait3A_795 = tpu.memref_slice %arg12[%dma_wait3A_794] : memref<512xi32, #tpu.memory_space<vmem>> -> memref<32xi32, #tpu.memory_space<vmem>>
      %dma_wait3A_796 = arith.constant 0 : i32
      %dma_wait3A_797 = arith.constant 0 : i32
      %dma_wait3A_798 = tpu.memref_slice %arg6[%dma_wait3A_796, %dma_wait3A_797] : memref<10000x128xf32, #tpu.memory_space<hbm>> -> memref<10000x128xf32, #tpu.memory_space<hbm>>
      tpu.wait_indirect_dma semaphore(%arg24 : memref<!tpu.dma_semaphore, #tpu.memory_space<semaphore_mem>>) src(%dma_wait3A_798 : memref<10000x128xf32, #tpu.memory_space<hbm>>) dst(%arg17 : memref<32x128xf32, #tpu.memory_space<vmem>>)
      %add3A_799 = arith.constant 2 : i32
      %add3A_800 = arith.addi %add3A_793, %add3A_799 : i32
      %lt3A_801 = arith.constant 320 : i32
      %lt3A_802 = arith.cmpi slt, %add3A_800, %lt3A_801 : i32
      %convert_element_type3A_803 = arith.extui %lt3A_802 : i1 to i32
      %cond3A_804 = arith.constant 0 : i32
      %cond3A_805 = arith.cmpi ne, %convert_element_type3A_803, %cond3A_804 : i32
      scf.if %cond3A_805 {
        %ge3A_831 = arith.constant 2 : i32
        %ge3A_832 = arith.cmpi sge, %add3A_793, %ge3A_831 : i32
        %convert_element_type3A_833 = arith.extui %ge3A_832 : i1 to i32
        %cond3A_834 = arith.constant 0 : i32
        %cond3A_835 = arith.cmpi ne, %convert_element_type3A_833, %cond3A_834 : i32
        scf.if %cond3A_835 {
          %dma_wait3A_841 = arith.constant 0 : i32
          %dma_wait3A_842 = arith.constant 0 : i32
          %dma_wait3A_843 = tpu.memref_slice %arg13[%dma_wait3A_841, %dma_wait3A_842] : memref<16x32xi32, #tpu.memory_space<vmem>> -> memref<1x32xi32, #tpu.memory_space<vmem>>
          %dma_wait3A_844 = tpu.memref_squeeze %dma_wait3A_843 : memref<1x32xi32, #tpu.memory_space<vmem>> -> memref<32xi32, #tpu.memory_space<vmem>>
          %dma_wait3A_845 = arith.constant 0 : i32
          %dma_wait3A_846 = arith.constant 0 : i32
          %dma_wait3A_847 = tpu.memref_slice %arg19[%dma_wait3A_845, %dma_wait3A_846] : memref<10000x128xf32, #tpu.memory_space<vmem_shared>> -> memref<10000x128xf32, #tpu.memory_space<vmem_shared>>
          tpu.wait_indirect_dma semaphore(%arg26 : memref<!tpu.dma_semaphore, #tpu.memory_space<semaphore_mem>>) src(%arg15 : memref<32x128xf32, #tpu.memory_space<vmem>>) dst(%dma_wait3A_847 : memref<10000x128xf32, #tpu.memory_space<vmem_shared>>)
        } else {
        }
        %dma_start3A_836 = arith.constant 32 : i32
        %dma_start3A_837 = tpu.memref_slice %arg12[%dma_start3A_836] : memref<512xi32, #tpu.memory_space<vmem>> -> memref<32xi32, #tpu.memory_space<vmem>>
        %dma_start3A_838 = arith.constant 0 : i32
        %dma_start3A_839 = arith.constant 0 : i32
        %dma_start3A_840 = tpu.memref_slice %arg6[%dma_start3A_838, %dma_start3A_839] : memref<10000x128xf32, #tpu.memory_space<hbm>> -> memref<10000x128xf32, #tpu.memory_space<hbm>>
        tpu.enqueue_indirect_dma source(%dma_start3A_840 : memref<10000x128xf32, #tpu.memory_space<hbm>>) target(%arg15 : memref<32x128xf32, #tpu.memory_space<vmem>>) offsets(%dma_start3A_837 : memref<32xi32, #tpu.memory_space<vmem>>) semaphore(%arg22 : memref<!tpu.dma_semaphore, #tpu.memory_space<semaphore_mem>>)
      } else {
      }
      %scan3A_806 = arith.constant 0 : i32
      %scan3A_807 = arith.constant 0 : i32
      %scan3A_808 = arith.constant 2 : i32
      %scan3A_809 = arith.addi %scan3A_807, %scan3A_808 : i32
      %scan3A_810 = arith.constant 1 : i32
      %scan3A_811 = scf.for %scan3A_831 = %scan3A_807 to %scan3A_809 step %scan3A_810 iter_args(%scan3A_832 = %scan3A_806) -> (i32)  : i32 {
        %mul3A_833 = arith.constant 16 : i32
        %mul3A_834 = arith.muli %scan3A_831, %mul3A_833 : i32
        %add3A_835 = arith.constant 480 : i32
        %add3A_836 = arith.addi %add3A_835, %mul3A_834 : i32
        %get3A = arith.index_cast %add3A_836 : i32 to index
        %get3A_837 = tpu.vector_load %arg12[%get3A] {strides = array<i32>} : memref<512xi32, #tpu.memory_space<vmem>>, vector<16xi32>,
        %mul3A_838 = arith.constant 16 : i32
        %mul3A_839 = arith.muli %scan3A_831, %mul3A_838 : i32
        %get3A_840 = arith.constant 15 : i32
        %get3A_841 = arith.index_cast %get3A_840 : i32 to index
        %get3A_842 = arith.index_cast %mul3A_839 : i32 to index
        %get3A_843 = tpu.vector_load %arg13[%get3A_841, %get3A_842] {strides = array<i32>} : memref<16x32xi32, #tpu.memory_space<vmem>>, vector<16xi32>,
        %gather3A = tpu.vector_load_idx %arg9[%get3A_837] : memref<10000xf32, #tpu.memory_space<vmem>>[vector<16xi32>], vector<16xf32>,
        %gather3A_844 = tpu.vector_load_idx %arg10[%get3A_843] : memref<10000xf32, #tpu.memory_space<vmem>>[vector<16xi32>], vector<16xf32>,
        %add3A_845 = arith.addf %gather3A, %gather3A_844 : vector<16xf32>
        %gt3A = arith.constant 0.000000e+00 : f32
        %gt3A_846 = vector.broadcast %gt3A : f32 to vector<16xf32>
        %gt3A_847 = arith.cmpf ogt, %add3A_845, %gt3A_846 : vector<16xf32>
        %mul3A_848 = arith.constant 0.00999999977 : f32
        %mul3A_849 = vector.broadcast %mul3A_848 : f32 to vector<16xf32>
        %mul3A_850 = arith.mulf %mul3A_849, %add3A_845 : vector<16xf32>
        %select_n3A_851 = arith.select %gt3A_847, %add3A_845, %mul3A_850 : vector<16xi1>, vector<16xf32>
        %exp3A = math.exp %select_n3A_851 : vector<16xf32>
        %mul3A_852 = arith.constant 32 : i32
        %mul3A_853 = arith.muli %add3A_793, %mul3A_852 : i32
        %mul3A_854 = arith.constant 16 : i32
        %mul3A_855 = arith.muli %scan3A_831, %mul3A_854 : i32
        %add3A_856 = arith.addi %mul3A_853, %mul3A_855 : i32
        %add3A_857 = vector.broadcast %add3A_856 : i32 to vector<16xi32>
        %add3A_858 = arith.addi %add3A_857, %iota3A : vector<16xi32>
        %lt3A_859 = vector.broadcast %min3A_32 : i32 to vector<16xi32>
        %lt3A_860 = arith.cmpi slt, %add3A_858, %lt3A_859 : vector<16xi32>
        %jit3A_861 = arith.constant 0.000000e+00 : f32
        %broadcast_in_dim3A_862 = vector.broadcast %jit3A_861 : f32 to vector<16xf32>
        %select_n3A_863 = arith.select %lt3A_860, %exp3A, %broadcast_in_dim3A_862 : vector<16xi1>, vector<16xf32>
        %mul3A_864 = arith.constant 16 : i32
        %mul3A_865 = arith.muli %scan3A_831, %mul3A_864 : i32
        %add3A_866 = vector.broadcast %mul3A_865 : i32 to vector<16xi32>
        %add3A_867 = arith.addi %add3A_866, %iota3A : vector<16xi32>
        tpu.vector_store_idx %arg18[%add3A_867], %select_n3A_863 : memref<32xf32, #tpu.memory_space<vmem>>[vector<16xi32>], vector<16xf32>,
        %shift_right_arithmetic3A = arith.constant 7 : i32
        %shift_right_arithmetic3A_868 = vector.broadcast %shift_right_arithmetic3A : i32 to vector<16xi32>
        %shift_right_arithmetic3A_869 = arith.shrsi %get3A_843, %shift_right_arithmetic3A_868 : vector<16xi32>
        %and3A_870 = arith.constant 127 : i32
        %and3A_871 = vector.broadcast %and3A_870 : i32 to vector<16xi32>
        %and3A_872 = arith.andi %get3A_843, %and3A_871 : vector<16xi32>
        tpu.vector_store_idx %arg11[%shift_right_arithmetic3A_869, %and3A_872], %select_n3A_863 {add = true} : memref<80x128xf32, #tpu.memory_space<vmem>>[vector<16xi32>, vector<16xi32>], vector<16xf32>,
        %scan3A_873 = arith.constant 0 : i32
        scf.yield %scan3A_873 : i32
      }
      %scan3A_812 = arith.constant 2 : i32
      %scan3A_813 = arith.constant 0 : i32
      %scan3A_814 = arith.constant 0 : i32
      %scan3A_815 = arith.constant 32 : i32
      %scan3A_816 = arith.addi %scan3A_814, %scan3A_815 : i32
      %scan3A_817 = arith.constant 1 : i32
      %scan3A_818 = scf.for %scan3A_831 = %scan3A_814 to %scan3A_816 step %scan3A_817 iter_args(%scan3A_832 = %scan3A_813) -> (i32)  : i32 {
        %broadcast_in_dim3A_833 = vector.broadcast %scan3A_831 : i32 to vector<16xi32>
        %gather3A = tpu.vector_load_idx %arg18[%broadcast_in_dim3A_833] : memref<32xf32, #tpu.memory_space<vmem>>[vector<16xi32>], vector<16xf32>,
        %get3A = arith.index_cast %scan3A_831 : i32 to index
        %get3A_834 = arith.constant 0 : index
        %get3A_835 = tpu.vector_load %arg17[%get3A, %get3A_834] {strides = array<i32>} : memref<32x128xf32, #tpu.memory_space<vmem>>, vector<16xf32>,
        %mul3A_836 = arith.mulf %get3A_835, %gather3A : vector<16xf32>
        %swap3A = arith.index_cast %scan3A_831 : i32 to index
        %swap3A_837 = arith.constant 0 : index
        %swap3A_838 = tpu.vector_load %arg17[%swap3A, %swap3A_837] {strides = array<i32>} : memref<32x128xf32, #tpu.memory_space<vmem>>, vector<16xf32>,
        tpu.vector_store %arg17[%swap3A, %swap3A_837], %mul3A_836 {strides = array<i32>} : memref<32x128xf32, #tpu.memory_space<vmem>>, vector<16xf32>,
        %get3A_839 = arith.index_cast %scan3A_831 : i32 to index
        %get3A_840 = arith.constant 16 : index
        %get3A_841 = tpu.vector_load %arg17[%get3A_839, %get3A_840] {strides = array<i32>} : memref<32x128xf32, #tpu.memory_space<vmem>>, vector<16xf32>,
        %mul3A_842 = arith.mulf %get3A_841, %gather3A : vector<16xf32>
        %swap3A_843 = arith.index_cast %scan3A_831 : i32 to index
        %swap3A_844 = arith.constant 16 : index
        %swap3A_845 = tpu.vector_load %arg17[%swap3A_843, %swap3A_844] {strides = array<i32>} : memref<32x128xf32, #tpu.memory_space<vmem>>, vector<16xf32>,
        tpu.vector_store %arg17[%swap3A_843, %swap3A_844], %mul3A_842 {strides = array<i32>} : memref<32x128xf32, #tpu.memory_space<vmem>>, vector<16xf32>,
        %get3A_846 = arith.index_cast %scan3A_831 : i32 to index
        %get3A_847 = arith.constant 32 : index
        %get3A_848 = tpu.vector_load %arg17[%get3A_846, %get3A_847] {strides = array<i32>} : memref<32x128xf32, #tpu.memory_space<vmem>>, vector<16xf32>,
        %mul3A_849 = arith.mulf %get3A_848, %gather3A : vector<16xf32>
        %swap3A_850 = arith.index_cast %scan3A_831 : i32 to index
        %swap3A_851 = arith.constant 32 : index
        %swap3A_852 = tpu.vector_load %arg17[%swap3A_850, %swap3A_851] {strides = array<i32>} : memref<32x128xf32, #tpu.memory_space<vmem>>, vector<16xf32>,
        tpu.vector_store %arg17[%swap3A_850, %swap3A_851], %mul3A_849 {strides = array<i32>} : memref<32x128xf32, #tpu.memory_space<vmem>>, vector<16xf32>,
        %get3A_853 = arith.index_cast %scan3A_831 : i32 to index
        %get3A_854 = arith.constant 48 : index
        %get3A_855 = tpu.vector_load %arg17[%get3A_853, %get3A_854] {strides = array<i32>} : memref<32x128xf32, #tpu.memory_space<vmem>>, vector<16xf32>,
        %mul3A_856 = arith.mulf %get3A_855, %gather3A : vector<16xf32>
        %swap3A_857 = arith.index_cast %scan3A_831 : i32 to index
        %swap3A_858 = arith.constant 48 : index
        %swap3A_859 = tpu.vector_load %arg17[%swap3A_857, %swap3A_858] {strides = array<i32>} : memref<32x128xf32, #tpu.memory_space<vmem>>, vector<16xf32>,
        tpu.vector_store %arg17[%swap3A_857, %swap3A_858], %mul3A_856 {strides = array<i32>} : memref<32x128xf32, #tpu.memory_space<vmem>>, vector<16xf32>,
        %get3A_860 = arith.index_cast %scan3A_831 : i32 to index
        %get3A_861 = arith.constant 64 : index
        %get3A_862 = tpu.vector_load %arg17[%get3A_860, %get3A_861] {strides = array<i32>} : memref<32x128xf32, #tpu.memory_space<vmem>>, vector<16xf32>,
        %mul3A_863 = arith.mulf %get3A_862, %gather3A : vector<16xf32>
        %swap3A_864 = arith.index_cast %scan3A_831 : i32 to index
        %swap3A_865 = arith.constant 64 : index
        %swap3A_866 = tpu.vector_load %arg17[%swap3A_864, %swap3A_865] {strides = array<i32>} : memref<32x128xf32, #tpu.memory_space<vmem>>, vector<16xf32>,
        tpu.vector_store %arg17[%swap3A_864, %swap3A_865], %mul3A_863 {strides = array<i32>} : memref<32x128xf32, #tpu.memory_space<vmem>>, vector<16xf32>,
        %get3A_867 = arith.index_cast %scan3A_831 : i32 to index
        %get3A_868 = arith.constant 80 : index
        %get3A_869 = tpu.vector_load %arg17[%get3A_867, %get3A_868] {strides = array<i32>} : memref<32x128xf32, #tpu.memory_space<vmem>>, vector<16xf32>,
        %mul3A_870 = arith.mulf %get3A_869, %gather3A : vector<16xf32>
        %swap3A_871 = arith.index_cast %scan3A_831 : i32 to index
        %swap3A_872 = arith.constant 80 : index
        %swap3A_873 = tpu.vector_load %arg17[%swap3A_871, %swap3A_872] {strides = array<i32>} : memref<32x128xf32, #tpu.memory_space<vmem>>, vector<16xf32>,
        tpu.vector_store %arg17[%swap3A_871, %swap3A_872], %mul3A_870 {strides = array<i32>} : memref<32x128xf32, #tpu.memory_space<vmem>>, vector<16xf32>,
        %get3A_874 = arith.index_cast %scan3A_831 : i32 to index
        %get3A_875 = arith.constant 96 : index
        %get3A_876 = tpu.vector_load %arg17[%get3A_874, %get3A_875] {strides = array<i32>} : memref<32x128xf32, #tpu.memory_space<vmem>>, vector<16xf32>,
        %mul3A_877 = arith.mulf %get3A_876, %gather3A : vector<16xf32>
        %swap3A_878 = arith.index_cast %scan3A_831 : i32 to index
        %swap3A_879 = arith.constant 96 : index
        %swap3A_880 = tpu.vector_load %arg17[%swap3A_878, %swap3A_879] {strides = array<i32>} : memref<32x128xf32, #tpu.memory_space<vmem>>, vector<16xf32>,
        tpu.vector_store %arg17[%swap3A_878, %swap3A_879], %mul3A_877 {strides = array<i32>} : memref<32x128xf32, #tpu.memory_space<vmem>>, vector<16xf32>,
        %get3A_881 = arith.index_cast %scan3A_831 : i32 to index
        %get3A_882 = arith.constant 112 : index
        %get3A_883 = tpu.vector_load %arg17[%get3A_881, %get3A_882] {strides = array<i32>} : memref<32x128xf32, #tpu.memory_space<vmem>>, vector<16xf32>,
        %mul3A_884 = arith.mulf %get3A_883, %gather3A : vector<16xf32>
        %swap3A_885 = arith.index_cast %scan3A_831 : i32 to index
        %swap3A_886 = arith.constant 112 : index
        %swap3A_887 = tpu.vector_load %arg17[%swap3A_885, %swap3A_886] {strides = array<i32>} : memref<32x128xf32, #tpu.memory_space<vmem>>, vector<16xf32>,
        tpu.vector_store %arg17[%swap3A_885, %swap3A_886], %mul3A_884 {strides = array<i32>} : memref<32x128xf32, #tpu.memory_space<vmem>>, vector<16xf32>,
        %scan3A_888 = arith.constant 0 : i32
        scf.yield %scan3A_888 : i32
      }
      %scan3A_819 = arith.constant 32 : i32
      %lt3A_820 = arith.constant 316 : i32
      %lt3A_821 = arith.cmpi slt, %add3A_793, %lt3A_820 : i32
      %convert_element_type3A_822 = arith.extui %lt3A_821 : i1 to i32
      %cond3A_823 = arith.constant 0 : i32
      %cond3A_824 = arith.cmpi ne, %convert_element_type3A_822, %cond3A_823 : i32
      scf.if %cond3A_824 {
        %dma_start3A_831 = arith.constant 15 : i32
        %dma_start3A_832 = arith.constant 0 : i32
        %dma_start3A_833 = tpu.memref_slice %arg13[%dma_start3A_831, %dma_start3A_832] : memref<16x32xi32, #tpu.memory_space<vmem>> -> memref<1x32xi32, #tpu.memory_space<vmem>>
        %dma_start3A_834 = tpu.memref_squeeze %dma_start3A_833 : memref<1x32xi32, #tpu.memory_space<vmem>> -> memref<32xi32, #tpu.memory_space<vmem>>
        %dma_start3A_835 = arith.constant 0 : i32
        %dma_start3A_836 = arith.constant 0 : i32
        %dma_start3A_837 = tpu.memref_slice %arg19[%dma_start3A_835, %dma_start3A_836] : memref<10000x128xf32, #tpu.memory_space<vmem_shared>> -> memref<10000x128xf32, #tpu.memory_space<vmem_shared>>
        tpu.enqueue_indirect_dma source(%arg17 : memref<32x128xf32, #tpu.memory_space<vmem>>) target(%dma_start3A_837 : memref<10000x128xf32, #tpu.memory_space<vmem_shared>>) offsets(%dma_start3A_834 : memref<32xi32, #tpu.memory_space<vmem>>) semaphore(%arg28 : memref<!tpu.dma_semaphore, #tpu.memory_space<semaphore_mem>>) {add = true}
      } else {
      }
      %ge3A_825 = arith.constant 316 : i32
      %ge3A_826 = arith.cmpi sge, %add3A_793, %ge3A_825 : i32
      %convert_element_type3A_827 = arith.extui %ge3A_826 : i1 to i32
      %cond3A_828 = arith.constant 0 : i32
      %cond3A_829 = arith.cmpi ne, %convert_element_type3A_827, %cond3A_828 : i32
      scf.if %cond3A_829 {
        %run_scoped3A = arith.constant 15 : i32
        "tpu.region"() ({
          %run_scoped3A_831 = tpu.sem_alloc : memref<!tpu.dma_semaphore, #tpu.memory_space<semaphore_mem>>
          %dma_start3A_832 = arith.constant 0 : i32
          %dma_start3A_833 = tpu.memref_slice %arg13[%run_scoped3A, %dma_start3A_832] : memref<16x32xi32, #tpu.memory_space<vmem>> -> memref<1x32xi32, #tpu.memory_space<vmem>>
          %dma_start3A_834 = tpu.memref_squeeze %dma_start3A_833 : memref<1x32xi32, #tpu.memory_space<vmem>> -> memref<32xi32, #tpu.memory_space<vmem>>
          %dma_start3A_835 = arith.constant 0 : i32
          %dma_start3A_836 = arith.constant 0 : i32
          %dma_start3A_837 = tpu.memref_slice %arg19[%dma_start3A_835, %dma_start3A_836] : memref<10000x128xf32, #tpu.memory_space<vmem_shared>> -> memref<10000x128xf32, #tpu.memory_space<vmem_shared>>
          tpu.enqueue_indirect_dma source(%arg17 : memref<32x128xf32, #tpu.memory_space<vmem>>) target(%dma_start3A_837 : memref<10000x128xf32, #tpu.memory_space<vmem_shared>>) offsets(%dma_start3A_834 : memref<32xi32, #tpu.memory_space<vmem>>) semaphore(%run_scoped3A_831 : memref<!tpu.dma_semaphore, #tpu.memory_space<semaphore_mem>>) {add = true}
          %dma_wait3A_838 = arith.constant 0 : i32
          %dma_wait3A_839 = tpu.memref_slice %arg13[%run_scoped3A, %dma_wait3A_838] : memref<16x32xi32, #tpu.memory_space<vmem>> -> memref<1x32xi32, #tpu.memory_space<vmem>>
          %dma_wait3A_840 = tpu.memref_squeeze %dma_wait3A_839 : memref<1x32xi32, #tpu.memory_space<vmem>> -> memref<32xi32, #tpu.memory_space<vmem>>
          %dma_wait3A_841 = arith.constant 0 : i32
          %dma_wait3A_842 = arith.constant 0 : i32
          %dma_wait3A_843 = tpu.memref_slice %arg19[%dma_wait3A_841, %dma_wait3A_842] : memref<10000x128xf32, #tpu.memory_space<vmem_shared>> -> memref<10000x128xf32, #tpu.memory_space<vmem_shared>>
          tpu.wait_indirect_dma semaphore(%run_scoped3A_831 : memref<!tpu.dma_semaphore, #tpu.memory_space<semaphore_mem>>) src(%arg17 : memref<32x128xf32, #tpu.memory_space<vmem>>) dst(%dma_wait3A_843 : memref<10000x128xf32, #tpu.memory_space<vmem_shared>>)
          tpu.yield
        }) : () -> ()
      } else {
      }
      %scan3A_830 = arith.constant 0 : i32
      scf.yield %scan3A_830 : i32
    }
    %scan3A_97 = arith.constant 20 : i32
    %barrier3A_98 = arith.constant 0 : index
    tpu.barrier barrier_id(%barrier3A_98)
    %add3A_99 = arith.constant 0 : i32
    %add3A_100 = vector.broadcast %add3A_99 : i32 to vector<16xi32>
    %add3A_101 = arith.addi %add3A_100, %iota3A : vector<16xi32>
    "tpu.region"() ({
      %run_scoped3A = tpu.sem_alloc : memref<!tpu.dma_semaphore, #tpu.memory_space<semaphore_mem>>
      %dma_start3A_130 = arith.constant 0 : i32
      %dma_start3A_131 = arith.constant 0 : i32
      %dma_start3A_132 = tpu.memref_slice %arg11[%dma_start3A_130, %dma_start3A_131] : memref<80x128xf32, #tpu.memory_space<vmem>> -> memref<16x128xf32, #tpu.memory_space<vmem>>
      %dma_start3A_133 = arith.constant 0 : i32
      %dma_start3A_134 = arith.constant 0 : i32
      %dma_start3A_135 = tpu.memref_slice %arg20[%dma_start3A_133, %dma_start3A_134] : memref<80x128xf32, #tpu.memory_space<vmem_shared>> -> memref<80x128xf32, #tpu.memory_space<vmem_shared>>
      tpu.enqueue_indirect_dma source(%dma_start3A_132 : memref<16x128xf32, #tpu.memory_space<vmem>>) target(%dma_start3A_135 : memref<80x128xf32, #tpu.memory_space<vmem_shared>>) offsets(%add3A_101 : vector<16xi32>) semaphore(%run_scoped3A : memref<!tpu.dma_semaphore, #tpu.memory_space<semaphore_mem>>) {add = true}
      %dma_wait3A_136 = arith.constant 0 : i32
      %dma_wait3A_137 = arith.constant 0 : i32
      %dma_wait3A_138 = tpu.memref_slice %arg11[%dma_wait3A_136, %dma_wait3A_137] : memref<80x128xf32, #tpu.memory_space<vmem>> -> memref<16x128xf32, #tpu.memory_space<vmem>>
      %dma_wait3A_139 = arith.constant 0 : i32
      %dma_wait3A_140 = arith.constant 0 : i32
      %dma_wait3A_141 = tpu.memref_slice %arg20[%dma_wait3A_139, %dma_wait3A_140] : memref<80x128xf32, #tpu.memory_space<vmem_shared>> -> memref<80x128xf32, #tpu.memory_space<vmem_shared>>
      tpu.wait_indirect_dma semaphore(%run_scoped3A : memref<!tpu.dma_semaphore, #tpu.memory_space<semaphore_mem>>) src(%dma_wait3A_138 : memref<16x128xf32, #tpu.memory_space<vmem>>) dst(%dma_wait3A_141 : memref<80x128xf32, #tpu.memory_space<vmem_shared>>)
      tpu.yield
    }) : () -> ()
    %add3A_102 = arith.constant 16 : i32
    %add3A_103 = vector.broadcast %add3A_102 : i32 to vector<16xi32>
    %add3A_104 = arith.addi %add3A_103, %iota3A : vector<16xi32>
    "tpu.region"() ({
      %run_scoped3A = tpu.sem_alloc : memref<!tpu.dma_semaphore, #tpu.memory_space<semaphore_mem>>
      %dma_start3A_130 = arith.constant 16 : i32
      %dma_start3A_131 = arith.constant 0 : i32
      %dma_start3A_132 = tpu.memref_slice %arg11[%dma_start3A_130, %dma_start3A_131] : memref<80x128xf32, #tpu.memory_space<vmem>> -> memref<16x128xf32, #tpu.memory_space<vmem>>
      %dma_start3A_133 = arith.constant 0 : i32
      %dma_start3A_134 = arith.constant 0 : i32
      %dma_start3A_135 = tpu.memref_slice %arg20[%dma_start3A_133, %dma_start3A_134] : memref<80x128xf32, #tpu.memory_space<vmem_shared>> -> memref<80x128xf32, #tpu.memory_space<vmem_shared>>
      tpu.enqueue_indirect_dma source(%dma_start3A_132 : memref<16x128xf32, #tpu.memory_space<vmem>>) target(%dma_start3A_135 : memref<80x128xf32, #tpu.memory_space<vmem_shared>>) offsets(%add3A_104 : vector<16xi32>) semaphore(%run_scoped3A : memref<!tpu.dma_semaphore, #tpu.memory_space<semaphore_mem>>) {add = true}
      %dma_wait3A_136 = arith.constant 16 : i32
      %dma_wait3A_137 = arith.constant 0 : i32
      %dma_wait3A_138 = tpu.memref_slice %arg11[%dma_wait3A_136, %dma_wait3A_137] : memref<80x128xf32, #tpu.memory_space<vmem>> -> memref<16x128xf32, #tpu.memory_space<vmem>>
      %dma_wait3A_139 = arith.constant 0 : i32
      %dma_wait3A_140 = arith.constant 0 : i32
      %dma_wait3A_141 = tpu.memref_slice %arg20[%dma_wait3A_139, %dma_wait3A_140] : memref<80x128xf32, #tpu.memory_space<vmem_shared>> -> memref<80x128xf32, #tpu.memory_space<vmem_shared>>
      tpu.wait_indirect_dma semaphore(%run_scoped3A : memref<!tpu.dma_semaphore, #tpu.memory_space<semaphore_mem>>) src(%dma_wait3A_138 : memref<16x128xf32, #tpu.memory_space<vmem>>) dst(%dma_wait3A_141 : memref<80x128xf32, #tpu.memory_space<vmem_shared>>)
      tpu.yield
    }) : () -> ()
    %add3A_105 = arith.constant 32 : i32
    %add3A_106 = vector.broadcast %add3A_105 : i32 to vector<16xi32>
    %add3A_107 = arith.addi %add3A_106, %iota3A : vector<16xi32>
    "tpu.region"() ({
      %run_scoped3A = tpu.sem_alloc : memref<!tpu.dma_semaphore, #tpu.memory_space<semaphore_mem>>
      %dma_start3A_130 = arith.constant 32 : i32
      %dma_start3A_131 = arith.constant 0 : i32
      %dma_start3A_132 = tpu.memref_slice %arg11[%dma_start3A_130, %dma_start3A_131] : memref<80x128xf32, #tpu.memory_space<vmem>> -> memref<16x128xf32, #tpu.memory_space<vmem>>
      %dma_start3A_133 = arith.constant 0 : i32
      %dma_start3A_134 = arith.constant 0 : i32
      %dma_start3A_135 = tpu.memref_slice %arg20[%dma_start3A_133, %dma_start3A_134] : memref<80x128xf32, #tpu.memory_space<vmem_shared>> -> memref<80x128xf32, #tpu.memory_space<vmem_shared>>
      tpu.enqueue_indirect_dma source(%dma_start3A_132 : memref<16x128xf32, #tpu.memory_space<vmem>>) target(%dma_start3A_135 : memref<80x128xf32, #tpu.memory_space<vmem_shared>>) offsets(%add3A_107 : vector<16xi32>) semaphore(%run_scoped3A : memref<!tpu.dma_semaphore, #tpu.memory_space<semaphore_mem>>) {add = true}
      %dma_wait3A_136 = arith.constant 32 : i32
      %dma_wait3A_137 = arith.constant 0 : i32
      %dma_wait3A_138 = tpu.memref_slice %arg11[%dma_wait3A_136, %dma_wait3A_137] : memref<80x128xf32, #tpu.memory_space<vmem>> -> memref<16x128xf32, #tpu.memory_space<vmem>>
      %dma_wait3A_139 = arith.constant 0 : i32
      %dma_wait3A_140 = arith.constant 0 : i32
      %dma_wait3A_141 = tpu.memref_slice %arg20[%dma_wait3A_139, %dma_wait3A_140] : memref<80x128xf32, #tpu.memory_space<vmem_shared>> -> memref<80x128xf32, #tpu.memory_space<vmem_shared>>
      tpu.wait_indirect_dma semaphore(%run_scoped3A : memref<!tpu.dma_semaphore, #tpu.memory_space<semaphore_mem>>) src(%dma_wait3A_138 : memref<16x128xf32, #tpu.memory_space<vmem>>) dst(%dma_wait3A_141 : memref<80x128xf32, #tpu.memory_space<vmem_shared>>)
      tpu.yield
    }) : () -> ()
    %add3A_108 = arith.constant 48 : i32
    %add3A_109 = vector.broadcast %add3A_108 : i32 to vector<16xi32>
    %add3A_110 = arith.addi %add3A_109, %iota3A : vector<16xi32>
    "tpu.region"() ({
      %run_scoped3A = tpu.sem_alloc : memref<!tpu.dma_semaphore, #tpu.memory_space<semaphore_mem>>
      %dma_start3A_130 = arith.constant 48 : i32
      %dma_start3A_131 = arith.constant 0 : i32
      %dma_start3A_132 = tpu.memref_slice %arg11[%dma_start3A_130, %dma_start3A_131] : memref<80x128xf32, #tpu.memory_space<vmem>> -> memref<16x128xf32, #tpu.memory_space<vmem>>
      %dma_start3A_133 = arith.constant 0 : i32
      %dma_start3A_134 = arith.constant 0 : i32
      %dma_start3A_135 = tpu.memref_slice %arg20[%dma_start3A_133, %dma_start3A_134] : memref<80x128xf32, #tpu.memory_space<vmem_shared>> -> memref<80x128xf32, #tpu.memory_space<vmem_shared>>
      tpu.enqueue_indirect_dma source(%dma_start3A_132 : memref<16x128xf32, #tpu.memory_space<vmem>>) target(%dma_start3A_135 : memref<80x128xf32, #tpu.memory_space<vmem_shared>>) offsets(%add3A_110 : vector<16xi32>) semaphore(%run_scoped3A : memref<!tpu.dma_semaphore, #tpu.memory_space<semaphore_mem>>) {add = true}
      %dma_wait3A_136 = arith.constant 48 : i32
      %dma_wait3A_137 = arith.constant 0 : i32
      %dma_wait3A_138 = tpu.memref_slice %arg11[%dma_wait3A_136, %dma_wait3A_137] : memref<80x128xf32, #tpu.memory_space<vmem>> -> memref<16x128xf32, #tpu.memory_space<vmem>>
      %dma_wait3A_139 = arith.constant 0 : i32
      %dma_wait3A_140 = arith.constant 0 : i32
      %dma_wait3A_141 = tpu.memref_slice %arg20[%dma_wait3A_139, %dma_wait3A_140] : memref<80x128xf32, #tpu.memory_space<vmem_shared>> -> memref<80x128xf32, #tpu.memory_space<vmem_shared>>
      tpu.wait_indirect_dma semaphore(%run_scoped3A : memref<!tpu.dma_semaphore, #tpu.memory_space<semaphore_mem>>) src(%dma_wait3A_138 : memref<16x128xf32, #tpu.memory_space<vmem>>) dst(%dma_wait3A_141 : memref<80x128xf32, #tpu.memory_space<vmem_shared>>)
      tpu.yield
    }) : () -> ()
    %add3A_111 = arith.constant 64 : i32
    %add3A_112 = vector.broadcast %add3A_111 : i32 to vector<16xi32>
    %add3A_113 = arith.addi %add3A_112, %iota3A : vector<16xi32>
    "tpu.region"() ({
      %run_scoped3A = tpu.sem_alloc : memref<!tpu.dma_semaphore, #tpu.memory_space<semaphore_mem>>
      %dma_start3A_130 = arith.constant 64 : i32
      %dma_start3A_131 = arith.constant 0 : i32
      %dma_start3A_132 = tpu.memref_slice %arg11[%dma_start3A_130, %dma_start3A_131] : memref<80x128xf32, #tpu.memory_space<vmem>> -> memref<16x128xf32, #tpu.memory_space<vmem>>
      %dma_start3A_133 = arith.constant 0 : i32
      %dma_start3A_134 = arith.constant 0 : i32
      %dma_start3A_135 = tpu.memref_slice %arg20[%dma_start3A_133, %dma_start3A_134] : memref<80x128xf32, #tpu.memory_space<vmem_shared>> -> memref<80x128xf32, #tpu.memory_space<vmem_shared>>
      tpu.enqueue_indirect_dma source(%dma_start3A_132 : memref<16x128xf32, #tpu.memory_space<vmem>>) target(%dma_start3A_135 : memref<80x128xf32, #tpu.memory_space<vmem_shared>>) offsets(%add3A_113 : vector<16xi32>) semaphore(%run_scoped3A : memref<!tpu.dma_semaphore, #tpu.memory_space<semaphore_mem>>) {add = true}
      %dma_wait3A_136 = arith.constant 64 : i32
      %dma_wait3A_137 = arith.constant 0 : i32
      %dma_wait3A_138 = tpu.memref_slice %arg11[%dma_wait3A_136, %dma_wait3A_137] : memref<80x128xf32, #tpu.memory_space<vmem>> -> memref<16x128xf32, #tpu.memory_space<vmem>>
      %dma_wait3A_139 = arith.constant 0 : i32
      %dma_wait3A_140 = arith.constant 0 : i32
      %dma_wait3A_141 = tpu.memref_slice %arg20[%dma_wait3A_139, %dma_wait3A_140] : memref<80x128xf32, #tpu.memory_space<vmem_shared>> -> memref<80x128xf32, #tpu.memory_space<vmem_shared>>
      tpu.wait_indirect_dma semaphore(%run_scoped3A : memref<!tpu.dma_semaphore, #tpu.memory_space<semaphore_mem>>) src(%dma_wait3A_138 : memref<16x128xf32, #tpu.memory_space<vmem>>) dst(%dma_wait3A_141 : memref<80x128xf32, #tpu.memory_space<vmem_shared>>)
      tpu.yield
    }) : () -> ()
    %barrier3A_114 = arith.constant 0 : index
    tpu.barrier barrier_id(%barrier3A_114)
    %lt3A_115 = arith.constant 10 : i32
    %lt3A_116 = arith.cmpi slt, %arg1, %lt3A_115 : i32
    %convert_element_type3A_117 = arith.extui %lt3A_116 : i1 to i32
    %cond3A_118 = arith.constant 0 : i32
    %cond3A_119 = arith.cmpi ne, %convert_element_type3A_117, %cond3A_118 : i32
    scf.if %cond3A_119 {
      %mul3A_130 = arith.constant 8 : i32
      %mul3A_131 = arith.muli %arg1, %mul3A_130 : i32
      %mul3A_132 = arith.constant 8 : i32
      %mul3A_133 = arith.muli %arg1, %mul3A_132 : i32
      "tpu.region"() ({
        %run_scoped3A = tpu.sem_alloc : memref<!tpu.dma_semaphore, #tpu.memory_space<semaphore_mem>>
        %dma_start3A_134 = arith.constant 0 : i32
        %dma_start3A_135 = tpu.memref_slice %arg8[%arg0, %mul3A_133, %dma_start3A_134] : memref<2x80x128xf32, #tpu.memory_space<hbm>> -> memref<1x8x128xf32, #tpu.memory_space<hbm>>
        %dma_start3A_136 = tpu.memref_squeeze %dma_start3A_135 : memref<1x8x128xf32, #tpu.memory_space<hbm>> -> memref<8x128xf32, #tpu.memory_space<hbm>>
        %dma_start3A_137 = arith.constant 0 : i32
        %dma_start3A_138 = tpu.memref_slice %arg20[%mul3A_131, %dma_start3A_137] : memref<80x128xf32, #tpu.memory_space<vmem_shared>> -> memref<8x128xf32, #tpu.memory_space<vmem_shared>>
        tpu.enqueue_dma source(%dma_start3A_138 : memref<8x128xf32, #tpu.memory_space<vmem_shared>>) target(%dma_start3A_136 : memref<8x128xf32, #tpu.memory_space<hbm>>) target_semaphore(%run_scoped3A : memref<!tpu.dma_semaphore, #tpu.memory_space<semaphore_mem>>)
        %dma_wait3A_139 = arith.constant 0 : i32
        %dma_wait3A_140 = tpu.memref_slice %arg8[%arg0, %mul3A_133, %dma_wait3A_139] : memref<2x80x128xf32, #tpu.memory_space<hbm>> -> memref<1x8x128xf32, #tpu.memory_space<hbm>>
        %dma_wait3A_141 = tpu.memref_squeeze %dma_wait3A_140 : memref<1x8x128xf32, #tpu.memory_space<hbm>> -> memref<8x128xf32, #tpu.memory_space<hbm>>
        %dma_wait3A_142 = arith.constant 0 : i32
        %dma_wait3A_143 = tpu.memref_slice %arg20[%mul3A_131, %dma_wait3A_142] : memref<80x128xf32, #tpu.memory_space<vmem_shared>> -> memref<8x128xf32, #tpu.memory_space<vmem_shared>>
        tpu.wait_dma2 semaphore(%run_scoped3A : memref<!tpu.dma_semaphore, #tpu.memory_space<semaphore_mem>>) src(%dma_wait3A_143 : memref<8x128xf32, #tpu.memory_space<vmem_shared>>) dst(%dma_wait3A_141 : memref<8x128xf32, #tpu.memory_space<hbm>>)
        tpu.yield
      }) : () -> ()
    } else {
    }
    %lt3A_120 = arith.constant 15 : i32
    %lt3A_121 = arith.cmpi slt, %arg1, %lt3A_120 : i32
    %convert_element_type3A_122 = arith.extui %lt3A_121 : i1 to i32
    %cond3A_123 = arith.constant 0 : i32
    %cond3A_124 = arith.cmpi ne, %convert_element_type3A_122, %cond3A_123 : i32
    scf.if %cond3A_124 {
      "tpu.region"() ({
        %run_scoped3A = tpu.sem_alloc : memref<!tpu.dma_semaphore, #tpu.memory_space<semaphore_mem>>
        %dma_start3A_130 = arith.constant 0 : i32
        %dma_start3A_131 = tpu.memref_slice %arg7[%arg0, %mul3A_16, %dma_start3A_130] : memref<2x10000x128xf32, #tpu.memory_space<hbm>> -> memref<1x640x128xf32, #tpu.memory_space<hbm>>
        %dma_start3A_132 = tpu.memref_squeeze %dma_start3A_131 : memref<1x640x128xf32, #tpu.memory_space<hbm>> -> memref<640x128xf32, #tpu.memory_space<hbm>>
        %dma_start3A_133 = arith.constant 0 : i32
        %dma_start3A_134 = tpu.memref_slice %arg19[%mul3A_16, %dma_start3A_133] : memref<10000x128xf32, #tpu.memory_space<vmem_shared>> -> memref<640x128xf32, #tpu.memory_space<vmem_shared>>
        tpu.enqueue_dma source(%dma_start3A_134 : memref<640x128xf32, #tpu.memory_space<vmem_shared>>) target(%dma_start3A_132 : memref<640x128xf32, #tpu.memory_space<hbm>>) target_semaphore(%run_scoped3A : memref<!tpu.dma_semaphore, #tpu.memory_space<semaphore_mem>>)
        %dma_wait3A_135 = arith.constant 0 : i32
        %dma_wait3A_136 = tpu.memref_slice %arg7[%arg0, %mul3A_16, %dma_wait3A_135] : memref<2x10000x128xf32, #tpu.memory_space<hbm>> -> memref<1x640x128xf32, #tpu.memory_space<hbm>>
        %dma_wait3A_137 = tpu.memref_squeeze %dma_wait3A_136 : memref<1x640x128xf32, #tpu.memory_space<hbm>> -> memref<640x128xf32, #tpu.memory_space<hbm>>
        %dma_wait3A_138 = arith.constant 0 : i32
        %dma_wait3A_139 = tpu.memref_slice %arg19[%mul3A_16, %dma_wait3A_138] : memref<10000x128xf32, #tpu.memory_space<vmem_shared>> -> memref<640x128xf32, #tpu.memory_space<vmem_shared>>
        tpu.wait_dma2 semaphore(%run_scoped3A : memref<!tpu.dma_semaphore, #tpu.memory_space<semaphore_mem>>) src(%dma_wait3A_139 : memref<640x128xf32, #tpu.memory_space<vmem_shared>>) dst(%dma_wait3A_137 : memref<640x128xf32, #tpu.memory_space<hbm>>)
        tpu.yield
      }) : () -> ()
    } else {
    }
    %eq3A_125 = arith.constant 15 : i32
    %eq3A_126 = arith.cmpi eq, %arg1, %eq3A_125 : i32
    %convert_element_type3A_127 = arith.extui %eq3A_126 : i1 to i32
    %cond3A_128 = arith.constant 0 : i32
    %cond3A_129 = arith.cmpi ne, %convert_element_type3A_127, %cond3A_128 : i32
    scf.if %cond3A_129 {
      "tpu.region"() ({
        %run_scoped3A = tpu.sem_alloc : memref<!tpu.dma_semaphore, #tpu.memory_space<semaphore_mem>>
        %dma_start3A_130 = arith.constant 0 : i32
        %dma_start3A_131 = tpu.memref_slice %arg7[%arg0, %mul3A_16, %dma_start3A_130] : memref<2x10000x128xf32, #tpu.memory_space<hbm>> -> memref<1x400x128xf32, #tpu.memory_space<hbm>>
        %dma_start3A_132 = tpu.memref_squeeze %dma_start3A_131 : memref<1x400x128xf32, #tpu.memory_space<hbm>> -> memref<400x128xf32, #tpu.memory_space<hbm>>
        %dma_start3A_133 = arith.constant 0 : i32
        %dma_start3A_134 = tpu.memref_slice %arg19[%mul3A_16, %dma_start3A_133] : memref<10000x128xf32, #tpu.memory_space<vmem_shared>> -> memref<400x128xf32, #tpu.memory_space<vmem_shared>>
        tpu.enqueue_dma source(%dma_start3A_134 : memref<400x128xf32, #tpu.memory_space<vmem_shared>>) target(%dma_start3A_132 : memref<400x128xf32, #tpu.memory_space<hbm>>) target_semaphore(%run_scoped3A : memref<!tpu.dma_semaphore, #tpu.memory_space<semaphore_mem>>)
        %dma_wait3A_135 = arith.constant 0 : i32
        %dma_wait3A_136 = tpu.memref_slice %arg7[%arg0, %mul3A_16, %dma_wait3A_135] : memref<2x10000x128xf32, #tpu.memory_space<hbm>> -> memref<1x400x128xf32, #tpu.memory_space<hbm>>
        %dma_wait3A_137 = tpu.memref_squeeze %dma_wait3A_136 : memref<1x400x128xf32, #tpu.memory_space<hbm>> -> memref<400x128xf32, #tpu.memory_space<hbm>>
        %dma_wait3A_138 = arith.constant 0 : i32
        %dma_wait3A_139 = tpu.memref_slice %arg19[%mul3A_16, %dma_wait3A_138] : memref<10000x128xf32, #tpu.memory_space<vmem_shared>> -> memref<400x128xf32, #tpu.memory_space<vmem_shared>>
        tpu.wait_dma2 semaphore(%run_scoped3A : memref<!tpu.dma_semaphore, #tpu.memory_space<semaphore_mem>>) src(%dma_wait3A_139 : memref<400x128xf32, #tpu.memory_space<vmem_shared>>) dst(%dma_wait3A_137 : memref<400x128xf32, #tpu.memory_space<hbm>>)
        tpu.yield
      }) : () -> ()
    } else {
    }
    return
  }
}

module attributes {stable_mosaic.version = 14 : i64} {
  func.func @_lin_body(%arg0: memref<10000x128xf32, #tpu.memory_space<vmem>>, %arg1: memref<10000x128xf32, #tpu.memory_space<vmem>>, %arg2: memref<1x128xf32, #tpu.memory_space<vmem>>, %arg3: memref<1x128xf32, #tpu.memory_space<vmem>>, %arg4: memref<10000xf32, #tpu.memory_space<vmem>>, %arg5: memref<10000xf32, #tpu.memory_space<vmem>>) attributes {dimension_semantics = [], scalar_prefetch = 0 : i64, scratch_operands = 0 : i64, tpu.core_type = #tpu.core_type<tc>} {
    %get3A = arith.constant 0 : index
    %get3A_0 = arith.constant 0 : index
    %get3A_1 = vector.load %arg0[%get3A, %get3A_0] : memref<10000x128xf32, #tpu.memory_space<vmem>>, vector<10000x128xf32>
    %get3A_2 = arith.constant 0 : index
    %get3A_3 = arith.constant 0 : index
    %get3A_4 = vector.load %arg2[%get3A_2, %get3A_3] : memref<1x128xf32, #tpu.memory_space<vmem>>, vector<1x128xf32>
    %mul3A = vector.broadcast %get3A_4 : vector<1x128xf32> to vector<10000x128xf32>
    %mul3A_5 = arith.mulf %get3A_1, %mul3A : vector<10000x128xf32>
    %reduce_sum3A = arith.constant dense<0.000000e+00> : vector<10000xf32>
    %reduce_sum3A_6 = vector.multi_reduction <add>, %mul3A_5, %reduce_sum3A [1] : vector<10000x128xf32> to vector<10000xf32>
    %swap3A = arith.constant 0 : index
    %swap3A_7 = vector.load %arg4[%swap3A] : memref<10000xf32, #tpu.memory_space<vmem>>, vector<10000xf32>
    tpu.vector_store %arg4[%swap3A], %reduce_sum3A_6 {strides = array<i32>} : memref<10000xf32, #tpu.memory_space<vmem>>, vector<10000xf32>,
    %get3A_8 = arith.constant 0 : index
    %get3A_9 = arith.constant 0 : index
    %get3A_10 = vector.load %arg1[%get3A_8, %get3A_9] : memref<10000x128xf32, #tpu.memory_space<vmem>>, vector<10000x128xf32>
    %get3A_11 = arith.constant 0 : index
    %get3A_12 = arith.constant 0 : index
    %get3A_13 = vector.load %arg3[%get3A_11, %get3A_12] : memref<1x128xf32, #tpu.memory_space<vmem>>, vector<1x128xf32>
    %mul3A_14 = vector.broadcast %get3A_13 : vector<1x128xf32> to vector<10000x128xf32>
    %mul3A_15 = arith.mulf %get3A_10, %mul3A_14 : vector<10000x128xf32>
    %reduce_sum3A_16 = arith.constant dense<0.000000e+00> : vector<10000xf32>
    %reduce_sum3A_17 = vector.multi_reduction <add>, %mul3A_15, %reduce_sum3A_16 [1] : vector<10000x128xf32> to vector<10000xf32>
    %swap3A_18 = arith.constant 0 : index
    %swap3A_19 = vector.load %arg5[%swap3A_18] : memref<10000xf32, #tpu.memory_space<vmem>>, vector<10000xf32>
    tpu.vector_store %arg5[%swap3A_18], %reduce_sum3A_17 {strides = array<i32>} : memref<10000xf32, #tpu.memory_space<vmem>>, vector<10000xf32>,
    return
  }
}

module attributes {stable_mosaic.version = 14 : i64} {
  func.func @_comb_body(%arg0: memref<2x10000x128xf32, #tpu.memory_space<vmem>>, %arg1: memref<2x10000xf32, #tpu.memory_space<vmem>>, %arg2: memref<10000x128xf32, #tpu.memory_space<vmem>>) attributes {dimension_semantics = [], scalar_prefetch = 0 : i64, scratch_operands = 0 : i64, tpu.core_type = #tpu.core_type<tc>} {
    %get3A = arith.constant 0 : index
    %get3A_0 = arith.constant 0 : index
    %get3A_1 = arith.constant 0 : index
    %get3A_2 = vector.load %arg0[%get3A, %get3A_0, %get3A_1] : memref<2x10000x128xf32, #tpu.memory_space<vmem>>, vector<1x10000x128xf32>
    %get3A_3 = vector.shape_cast %get3A_2 : vector<1x10000x128xf32> to vector<10000x128xf32>
    %get3A_4 = arith.constant 1 : index
    %get3A_5 = arith.constant 0 : index
    %get3A_6 = arith.constant 0 : index
    %get3A_7 = vector.load %arg0[%get3A_4, %get3A_5, %get3A_6] : memref<2x10000x128xf32, #tpu.memory_space<vmem>>, vector<1x10000x128xf32>
    %get3A_8 = vector.shape_cast %get3A_7 : vector<1x10000x128xf32> to vector<10000x128xf32>
    %add3A = arith.addf %get3A_3, %get3A_8 : vector<10000x128xf32>
    %get3A_9 = arith.constant 0 : index
    %get3A_10 = arith.constant 0 : index
    %get3A_11 = vector.load %arg1[%get3A_9, %get3A_10] : memref<2x10000xf32, #tpu.memory_space<vmem>>, vector<1x10000xf32>
    %get3A_12 = vector.shape_cast %get3A_11 : vector<1x10000xf32> to vector<10000xf32>
    %get3A_13 = arith.constant 1 : index
    %get3A_14 = arith.constant 0 : index
    %get3A_15 = vector.load %arg1[%get3A_13, %get3A_14] : memref<2x10000xf32, #tpu.memory_space<vmem>>, vector<1x10000xf32>
    %get3A_16 = vector.shape_cast %get3A_15 : vector<1x10000xf32> to vector<10000xf32>
    %add3A_17 = arith.addf %get3A_12, %get3A_16 : vector<10000xf32>
    %add3A_18 = arith.constant 1.000000e-16 : f32
    %add3A_19 = vector.broadcast %add3A_18 : f32 to vector<10000xf32>
    %add3A_20 = arith.addf %add3A_17, %add3A_19 : vector<10000xf32>
    %broadcast_in_dim3A = vector.shape_cast %add3A_20 : vector<10000xf32> to vector<10000x1xf32>
    %div3A = vector.broadcast %broadcast_in_dim3A : vector<10000x1xf32> to vector<10000x128xf32>
    %div3A_21 = arith.divf %add3A, %div3A : vector<10000x128xf32>
    %gt3A = arith.constant 0.000000e+00 : f32
    %gt3A_22 = vector.broadcast %gt3A : f32 to vector<10000x128xf32>
    %gt3A_23 = arith.cmpf ogt, %div3A_21, %gt3A_22 : vector<10000x128xf32>
    %exp3A = math.exp %div3A_21 : vector<10000x128xf32>
    %sub3A = arith.constant 1.000000e+00 : f32
    %sub3A_24 = vector.broadcast %sub3A : f32 to vector<10000x128xf32>
    %sub3A_25 = arith.subf %exp3A, %sub3A_24 : vector<10000x128xf32>
    %select_n3A = arith.select %gt3A_23, %div3A_21, %sub3A_25 : vector<10000x128xi1>, vector<10000x128xf32>
    %swap3A = arith.constant 0 : index
    %swap3A_26 = arith.constant 0 : index
    %swap3A_27 = vector.load %arg2[%swap3A, %swap3A_26] : memref<10000x128xf32, #tpu.memory_space<vmem>>, vector<10000x128xf32>
    tpu.vector_store %arg2[%swap3A, %swap3A_26], %select_n3A {strides = array<i32>} : memref<10000x128xf32, #tpu.memory_space<vmem>>, vector<10000x128xf32>,
    return
  }
}

</mosaic_0001>

<sc_bundles>
// kernel: kernel.5.cloned.1.call-start
scs
__scs_entry_jumppad:
0x0: {  	(pc) =	sbr.rel $0x88, $3  }
0x1: {  	(tag) =	ssettag $0x0;
	lr =	simm.s32 $0x1  }
0x2: {  	[smem:$0x3F9C] =	sst lr;
	_ =	strace $0xD0000000  }
0x3: {  	_ = 	snop  }
0x4: {  	_ = 	snop  }
0x5: {  	_ = 	snop  }
0x6: {  	_ = 	snop  }
0x7: {  	_ = 	snop  }
__scs_overlays_trampoline_lowered:
0x8: {  	[smem:$0x3FAB] =	sst s0  }
0x9: {  	[smem:$0x3FAC] =	sst s1  }
0xa: {  	[smem:$0x3FAD] =	sst s2  }
0xb: {  	[smem:$0x3FAE] =	sst s3  }
0xc: {  	[smem:$0x3FAF] =	sst s4  }
0xd: {  	[smem:$0x3FB0] =	sst s5  }
0xe: {  	[smem:$0x3FB1] =	sst s6  }
0xf: {  	[smem:$0x3FB2] =	sst s7  }
0x10: {  	[smem:$0x3FB3] =	sst s8  }
0x11: {  	[smem:$0x3FB4] =	sst s9;
	s0 =	simm.s32 @!p0 $0x0  }
0x12: {  	s1 =	sld [smem:$0x3F9A];
	s0 =	simm.s32 @p0 $0x1  }
0x13: {  	[smem:$0x3FB5] =	sst s0;
	s0 =	simm.s32 @!p1 $0x0  }
0x14: {  	s2 =	sld [smem:$0x3F99];
	s0 =	simm.s32 @p1 $0x1  }
0x15: {  	[smem:$0x3FB6] =	sst s0;
	s0 =	simm.s32 @!p2 $0x0  }
0x16: {  	s3 =	sld [smem:$0x3FDB];
	s0 =	simm.s32 @p2 $0x1  }
0x17: {  	s4 =	simm.s32 $0x1BF5;
	[smem:$0x3FB8] =	sst s0  }
0x18: {  	s0 =	sld [smem:$0x3F9B];
	_ =	swait.ge [sflag:s4], $0x0  }
0x19: {  	s7 =	sld [smem:$0x3F9C]  }
0x1a: {  	s8 =	sadd.s32 $0xFFFFE003, lr  }
0x1b: {  	s9 =	sadd.s32 $0xFFFFFEF7, lr;
	s5 =	simm.s32 $0xFFFFFFFF;
	p2 =	slt.u32 s8, $0xFFFFF086  }
0x1c: {  	p1 =	slt.u32 s9, $0xF7A;
	s5 =	simm.s32 @!p2 $0x0  }
0x1d: {  	s5 =	simm.s32 @p1 $0x1;
	p0 =	seq.s32 s7, s2  }
0x1e: {  	s7 =	smul.u32 @!p0 $0xF7A, s2;
	p2 =	seq.s32 @!p0 s5, $0x0  }
0x1f: {  	s9 =	smul.u32 $0xF7A, s1;
	s8 =	simm.s32 @!p0 $0x1BF5;
	p2 =	por !p2, p0  }
0x20: {  	[sflag:s8] =	ssyncset.s32 @!p0 $0xFFFFF086;
	s6 =	sadd.s32 @!p0 s3, s7;
	s7 =	simm.s32 @!p0 $0x108  }
0x21: {  	s3 =	sadd.s32 s3, s9;
	s6 =	sadd.s32 @!p0 $0x88, s6;
	s7 =	simm.s32 @p2 $0x1082  }
0x22: {  	[simem:s7], [sflag:s8] =	dma.local @!p0 [hbm:s6], $0xF7A  }
0x23: {  	s9 =	sor.u32 $0xD0000000, s2;
	s6 =	simm.s32 $0x108;
	_ =	swait.ge @!p0 [sflag:s8], $0x0  }
0x24: {  	s3 =	sadd.s32 $0x88, s3;
	s6 =	simm.s32 @!p1 $0x1082;
	[sflag:s4] =	ssyncset.s32 $0xFFFFF086  }
0x25: {  	[simem:s6], [sflag:s4] =	dma.local [hbm:s3], $0xF7A  }
0x26: {  	[smem:$0x3F9C] =	sst s1;
	(tag) =	ssettag s2;
	_ =	strace s9  }
0x27: {  	s1 =	sld [smem:$0x3FAC]  }
0x28: {  	s2 =	sld [smem:$0x3FAD]  }
0x29: {  	s4 =	sld [smem:$0x3FAF]  }
0x2a: {  	p0 =	seq.s32 s5, $0x0;
	s5 =	sld [smem:$0x3FB0]  }
0x2b: {  	s6 =	sld [smem:$0x3FB1]  }
0x2c: {  	s7 =	sld [smem:$0x3FB2]  }
0x2d: {  	s3 =	simm.s32 $0x108;
	s8 =	sld [smem:$0x3FB3]  }
0x2e: {  	s3 =	simm.s32 @!p0 $0x1082;
	s9 =	sld [smem:$0x3FB4]  }
0x2f: {  	lr =	sadd.s32 s0, s3;
	s0 =	sld [smem:$0x3FAB]  }
0x30: {  	s3 =	sld [smem:$0x3FAE]  }
0x31: {  	[smem:$0x3FB7] =	sst s10  }
0x32: {  	s10 =	sld [smem:$0x3FB5];
	_ =	sdelay $0x3  }
0x33: {  	p0 =	seq.s32 s10, $0x1;
	s10 =	sld [smem:$0x3FB7];
	_ =	sdelay $0x3  }
0x34: {  	[smem:$0x3FB7] =	sst s10  }
0x35: {  	s10 =	sld [smem:$0x3FB6];
	_ =	sdelay $0x3  }
0x36: {  	p1 =	seq.s32 s10, $0x1;
	s10 =	sld [smem:$0x3FB7];
	_ =	sdelay $0x3  }
0x37: {  	[smem:$0x3FB7] =	sst s10  }
0x38: {  	s10 =	sld [smem:$0x3FB8]  }
0x39: {  	_ = 	snop;
	(pc) =	sbr.ind lr, $3  }
0x3a: {  	_ = 	snop  }
0x3b: {  	_ = 	snop  }
0x3c: {  	p2 =	seq.s32 s10, $0x1;
	s10 =	sld [smem:$0x3FB7]  }
0x3d: {  	_ =	shalt  }
0x3e: {  	_ =	shalt  }
0x3f: {  	_ =	shalt  }
0x40: {  	_ =	shalt  }
0x41: {  	_ =	shalt  }
0x42: {  	_ =	shalt  }
0x43: {  	_ =	shalt  }
0x44: {  	_ =	shalt  }
0x45: {  	_ =	shalt  }
0x46: {  	_ =	shalt  }
0x47: {  	_ =	shalt  }
0x48: {  	_ =	shalt  }
0x49: {  	_ =	shalt  }
0x4a: {  	_ =	shalt  }
0x4b: {  	_ =	shalt  }
0x4c: {  	_ =	shalt  }
0x4d: {  	_ =	shalt  }
0x4e: {  	_ =	shalt  }
0x4f: {  	_ =	shalt  }
0x50: {  	_ =	shalt  }
0x51: {  	_ =	shalt  }
0x52: {  	_ =	shalt  }
0x53: {  	_ =	shalt  }
0x54: {  	_ =	shalt  }
0x55: {  	_ =	shalt  }
0x56: {  	_ =	shalt  }
0x57: {  	_ =	shalt  }
0x58: {  	_ =	shalt  }
0x59: {  	_ =	shalt  }
0x5a: {  	_ =	shalt  }
0x5b: {  	_ =	shalt  }
0x5c: {  	_ =	shalt  }
0x5d: {  	_ =	shalt  }
0x5e: {  	_ =	shalt  }
0x5f: {  	_ =	shalt  }
0x60: {  	_ =	shalt  }
0x61: {  	_ =	shalt  }
0x62: {  	_ =	shalt  }
0x63: {  	_ =	shalt  }
0x64: {  	_ =	shalt  }
0x65: {  	_ =	shalt  }
0x66: {  	_ =	shalt  }
0x67: {  	_ =	shalt  }
0x68: {  	_ =	shalt  }
0x69: {  	_ =	shalt  }
0x6a: {  	_ =	shalt  }
0x6b: {  	_ =	shalt  }
0x6c: {  	_ =	shalt  }
0x6d: {  	_ =	shalt  }
0x6e: {  	_ =	shalt  }
0x6f: {  	_ =	shalt  }
0x70: {  	_ =	shalt  }
0x71: {  	_ =	shalt  }
0x72: {  	_ =	shalt  }
0x73: {  	_ =	shalt  }
0x74: {  	_ =	shalt  }
0x75: {  	_ =	shalt  }
0x76: {  	_ =	shalt  }
0x77: {  	_ =	shalt  }
0x78: {  	_ =	shalt  }
0x79: {  	_ =	shalt  }
0x7a: {  	_ =	shalt  }
0x7b: {  	_ =	shalt  }
0x7c: {  	_ =	shalt  }
0x7d: {  	_ =	shalt  }
0x7e: {  	_ =	shalt  }
0x7f: {  	_ =	shalt  }
0x80: {  	_ =	shalt  }
0x81: {  	_ =	shalt  }
0x82: {  	_ =	shalt  }
0x83: {  	_ =	shalt  }
0x84: {  	_ =	shalt  }
0x85: {  	_ =	shalt  }
0x86: {  	_ =	shalt  }
0x87: {  	_ =	shalt  }
.Lfunc_end0:
.L_simem_size_0:
called_computation_lowered:
.L_overlay_start_0:
0x88: {  	s2 =	sld [smem:$0x3FD9]  }
0x89: {  	s3 =	sld [smem:$0x3FFE];
	_ =	sdelay $0x1  }
0x8a: {  	s1 =	srdreg.scid  }
0x8b: {  	s0 =	sand.u32 $0x1, s1  }
0x8c: {  	s17 =	sshll.u32 s0, $0xA;
	s2 =	sadd.s32 s3, s2  }
0x8d: {  	s2 =	sadd.s32 s2, s17  }
0x8e: {  	[smem:$0x3FC3] =	sst s2  }
0x8f: {  	_ = 	snop  }
0x90: {  	s2 =	sld [smem:$0x3FC9]  }
0x91: {  	s18 =	sld [smem:$0x3FD0];
	(tm) =	ssettm $0x1  }
0x92: {  	s4 =	sld [smem:$0x3FFB];
	_ =	sdelay $0x3  }
0x93: {  	_ =	strace s4  }
0x94: {  	s4 =	sld [smem:$0x3FFC];
	_ =	sdelay $0x3  }
0x95: {  	_ =	strace s4  }
0x96: {  	s4 =	sld [smem:$0x3FFD];
	_ =	sdelay $0x3  }
0x97: {  	_ =	strace s4  }
0x98: {  	_ =	strace $0x8FFFFFFF  }
0x99: {  	s19 =	sld [smem:$0x3FDB];
	_ =	sdelay $0x1  }
0x9a: {  	s5 =	simm.s32 $_scs_section_size  }
0x9b: {  	s6 =	simm.s32 $_size__tile_overlayer_lowered;
	s7 =	simm.s32 $_tile_overlayer_lowered  }
0x9c: {  	s22 =	simm.s32 $0x1BFF;
	s21 =	sshll.u32 s7, $0x1;
	s4 =	sadd.s32 s5, s19  }
0x9d: {  	s8 =	simm.s32 $0x0;
	s20 =	sshll.u32 s6, $0x1;
	s6 =	sadd.s32 s21, s4  }
0x9e: {  	[timem:s8], [sflag:s22] =	dma.local [hbm:s6], s20  }
0x9f: {  	_ =	swait.ge [sflag:s22], s20  }
0xa0: {  	s5 =	ssub.s32 $0x0, s20;
	[sflag:s22] =	ssyncset.done $0x0  }
0xa1: {  	[sflag:s22] =	ssyncadd.s32 s5;
	_ =	sdelay $0x1  }
0xa2: {  	s23 =	simm.s32 $0x1B8B  }
0xa3: {  	_ =	swait.ge [sflag:s23], $0x1  }
0xa4: {  	[sflag:s23] =	ssyncset.done $0x0  }
0xa5: {  	s25 =	simm.s32 $0x1B8E;
	s24 =	sld [smem:$0x3FFE];
	[sflag:s23] =	ssyncadd.s32 $0xFFFFFFFF  }
0xa6: {  	s26 =	simm.s32 $execute0_lowered;
	[smem:$0x3FD2] =	sst s25  }
0xa7: {  	s6 =	sshll.u32 s26, $0x1;
	_ =	strace $0x80000046;
	[dreg:$0x1] =	wrdreg $0xFFFFFFFF  }
0xa8: {  	s28 =	simm.s32 $_size_execute0_lowered;
	s4 =	sadd.s32 s4, s6;
	[dreg:$0x0] =	wrdreg $0x0  }
0xa9: {  	s6 =	sshll.u32 s28, $0x1;
	[dreg:$0x2] =	wrdreg s4  }
0xaa: {  	[dreg:$0x3] =	wrdreg s6  }
0xab: {  	[dreg:$0x4] =	wrdreg $0xC0  }
0xac: {  	_ =	task [dreg:s8], $0x5FFFF  }
0xad: {  	[dreg:$0x1] =	wrdreg $0xFFFFFFFF  }
0xae: {  	[dreg:$0x0] =	wrdreg $0x60  }
0xaf: {  	[dreg:$0x2] =	wrdreg s24  }
0xb0: {  	[dreg:$0x3] =	wrdreg s18  }
0xb1: {  	[dreg:$0x4] =	wrdreg s2  }
0xb2: {  	[dreg:$0x5] =	wrdreg $0xC1800  }
0xb3: {  	[dreg:$0x6] =	wrdreg $0x1FA000  }
0xb4: {  	[dreg:$0x7] =	wrdreg $0x9  }
0xb5: {  	_ =	task.clear_ibuf [dreg:s8], $0x8FFFF;
	_ =	strace $0x90000046  }
0xb6: {  	s29 =	simm.s32 $0x9;
	_ =	strace $0x80000048  }
0xb7: {  	_ =	swait.ge [sflag:s29], $0x1  }
0xb8: {  	[sflag:s29] =	ssyncadd.s32 $0xFFFFFFFF  }
0xb9: {  	_ =	strace $0x90000048  }
0xba: {  	_ =	sfence  }
0xbb: {  	s30 =	sld [smem:$0x0];
	_ =	sdelay $0x2  }
0xbc: {  	s31 =	sshll.u32 s1, $0xD;
	s1 =	sshrl.u32 s1, $0x2  }
0xbd: {  	s3 =	sand.u32 $0x4000, s31;
	s1 =	sadd.s32 s1, s30  }
0xbe: {  	s0 =	sor.u32 s3, s0;
	s1 =	sshll.u32 s1, $0x11  }
0xbf: {  	s0 =	sor.u32 s1, s0  }
0xc0: {  	s0 =	sadd.s32 $0x8F2B, s0  }
0xc1: {  	[sflag:s0] =	ssyncadd.remote.s32 $0x1  }
0xc2: {  	_ =	sfence.sel $0xFFFF  }
0xc3: {  	[dreg:$0x0] =	wrdreg $0xFFFFFFFF;
	(pc) =	sbr.abs _section_cstart, $3  }
0xc4: {  	[dreg:$0x1] =	wrdreg $0xFFFFFFFF  }
0xc5: {  	_ =	task.clear_ibuf [dreg:s8], $0x2FFFF;
	_ =	strace $0x9FFFFFFF  }
0xc6: {  	(tm) =	ssettm $0x7FFFFFFF  }
0xc7: {  	_ =	shalt  }
tec
execute0_lowered:
.L_overlay_start_1:
0x0: {  	(tag) =	ssettag $0x1  }
0x1: {  	s0 =	rddreg [dreg:$0x0]  }
0x2: {  	s13 =	rddreg [dreg:$0x1]  }
0x3: {  	s2 =	rddreg [dreg:$0x2]  }
0x4: {  	s3 =	rddreg [dreg:$0x3]  }
0x5: {  	s14 =	rddreg [dreg:$0x4];
	s4 =	simm.s32 $0x0;
	s1 =	srdreg.scid  }
0x6: {  	s15 =	stileid.u32;
	[smem:$0x7FF] =	sst s4;
	s1 =	sand.u32 $0x1, s1  }
0x7: {  	s5 =	sadd.s32 $0x29C00, s0;
	s17 =	sshll.u32 s15, $0xA;
	s7 =	smul.u32 $0x50000, s15  }
0x8: {  	s6 =	sadd.s32 $0x2A200, s0;
	s9 =	sadd.s32 $0x1C00, s0;
	s21 =	smul.u32 $0x14000, s15  }
0x9: {  	p0 =	sne.s32 s15, $0xF;
	p1 =	seq.s32 s15, $0xF;
	p2 =	sgt.u32 s15, $0x9  }
0xa: {  	s16 =	smul.u32 $0x2800, s1;
	_ =	strace $0x80000047;
	[dreg:$0x6] =	wrdreg s5  }
0xb: {  	[dreg:$0x7] =	wrdreg s6;
	s18 =	sshll.u32 s1, $0x4;
	s14 =	sadd.s32 s17, s14  }
0xc: {  	s6 =	sor.u32 s15, s18;
	[dreg:$0xf] =	wrdreg s14;
	s14 =	sadd.s32 $0x12C000, s3  }
0xd: {  	s7 =	sshrl.u32 s7, $0x2;
	s15 =	sadd.s32 $0x12D000, s3;
	[smem:$0x7F1] =	sst s14  }
0xe: {  	s4 =	sadd.s32 s17, s16;
	s16 =	sadd.s32 s7, s3;
	[smem:$0x7F2] =	sst s15  }
0xf: {  	s8 =	sadd.s32 $0x2B200, s0;
	s20 =	sadd.s32 $0x1000, s16;
	[dreg:$0x8] =	wrdreg s16  }
0x10: {  	s19 =	ssub.s32 $0x2, s1;
	s22 =	sadd.s32 $0x2000, s16;
	[dreg:$0x9] =	wrdreg s20  }
0x11: {  	s1 =	smul.u32 $0x138800, s1;
	s23 =	sadd.s32 $0x3000, s16;
	[dreg:$0xa] =	wrdreg s22  }
0x12: {  	s11 =	sshrl.u32 s19, $0x1;
	s24 =	sadd.s32 $0x4000, s16;
	[dreg:$0xb] =	wrdreg s23  }
0x13: {  	s7 =	ssub.s32 s19, s11;
	s25 =	sadd.s32 $0x5000, s16;
	[dreg:$0xc] =	wrdreg s24  }
0x14: {  	s30 =	smul.u32 $0x1400, s6;
	s5 =	sadd.s32 $0xD000, s16;
	[dreg:$0xd] =	wrdreg s25  }
0x15: {  	s4 =	sshrl.u32 s4, $0x3;
	s11 =	sadd.s32 $0x11000, s16;
	[dreg:$0x1c] =	wrdreg s5  }
0x16: {  	s0 =	sadd.s32 s4, s0;
	s18 =	sadd.s32 s9, s30;
	[smem:$0x7EE] =	sst s11  }
0x17: {  	s4 =	sadd.s32 s21, s1;
	s21 =	smax.u32 s7, $0x1;
	[dreg:$0x11] =	wrdreg s18  }
0x18: {  	s22 =	sadd.s32 $0x6000, s16;
	[dreg:$0x14] =	wrdreg s21  }
0x19: {  	s23 =	sadd.s32 $0x7000, s16;
	[dreg:$0x15] =	wrdreg s22  }
0x1a: {  	s31 =	simm.s32 $0x2780;
	s24 =	sadd.s32 $0x8000, s16;
	[dreg:$0x16] =	wrdreg s23  }
0x1b: {  	s29 =	simm.s32 $0xA100;
	s25 =	sadd.s32 $0x9000, s16;
	[dreg:$0x17] =	wrdreg s24  }
0x1c: {  	s10 =	smul.u32 $0x2800, s6;
	s30 =	sadd.s32 $0xB000, s16;
	[dreg:$0x18] =	wrdreg s25  }
0x1d: {  	s20 =	smul.u32 $0x140, s6;
	s6 =	sadd.s32 $0xE000, s16;
	[dreg:$0x1a] =	wrdreg s30  }
0x1e: {  	s12 =	sshrl.u32 s10, $0x3;
	s7 =	sadd.s32 $0xF000, s16;
	[dreg:$0x1d] =	wrdreg s6  }
0x1f: {  	s28 =	simm.s32 $0x4;
	s17 =	sadd.s32 s13, s12;
	[dreg:$0x1e] =	wrdreg s7  }
0x20: {  	s15 =	simm.s32 $0x20;
	s0 =	sadd.s32 $0x2A800, s0;
	[dreg:$0x10] =	wrdreg s17  }
0x21: {  	s14 =	simm.s32 $0xA;
	s12 =	sadd.s32 $0x12000, s16;
	[dreg:$0x12] =	wrdreg s0  }
0x22: {  	s26 =	ssub.s32 $0x4E200, s10;
	s13 =	sadd.s32 $0x13000, s16;
	[smem:$0x7EF] =	sst s12  }
0x23: {  	s1 =	sshrl.u32 s1, $0x3;
	s18 =	sadd.s32 $0x130000, s3;
	[smem:$0x7F0] =	sst s13  }
0x24: {  	s11 =	simm.s32 $0x6;
	s21 =	sadd.s32 $0x132000, s3;
	[smem:$0x7F5] =	sst s18  }
0x25: {  	s5 =	simm.s32 $0x8;
	s22 =	sadd.s32 $0x133000, s3;
	[smem:$0x7F7] =	sst s21  }
0x26: {  	s4 =	sshrl.u32 s4, $0x3;
	s23 =	sadd.s32 $0x134000, s3;
	[smem:$0x7F8] =	sst s22  }
0x27: {  	s1 =	sadd.s32 s8, s1;
	s24 =	sadd.s32 $0x135000, s3;
	[smem:$0x7F9] =	sst s23  }
0x28: {  	s25 =	sadd.s32 $0x136000, s3;
	s30 =	sadd.s32 $0x138000, s3;
	[smem:$0x7FA] =	sst s24  }
0x29: {  	s6 =	simm.s32 $0xC100;
	s7 =	simm.s32 $0x4F00;
	[smem:$0x7FB] =	sst s25  }
0x2a: {  	s4 =	sadd.s32 s8, s4;
	s19 =	sadd.s32 $0x25800, s1;
	[smem:$0x7FD] =	sst s30  }
0x2b: {  	s1 =	sadd.s32 $0xC000, s16;
	s8 =	sadd.s32 $0x10000, s16;
	[dreg:$0xe] =	wrdreg s4  }
0x2c: {  	s17 =	sadd.s32 $0x12F000, s3;
	s0 =	simm.s32 $0x8100;
	[dreg:$0x13] =	wrdreg s19  }
0x2d: {  	s25 =	simm.s32 $0x1;
	s21 =	simm.s32 $0x3;
	[dreg:$0x1b] =	wrdreg s1  }
0x2e: {  	s24 =	simm.s32 $0x5;
	s13 =	simm.s32 $0x0;
	[dreg:$0x1f] =	wrdreg s8  }
0x2f: {  	s4 =	smin.u32 s26, $0x2800;
	s26 =	sadd.s32 $0xA000, s16;
	[smem:$0x7F4] =	sst s17  }
0x30: {  	s16 =	sadd.s32 $0x12E000, s3;
	s19 =	sadd.s32 $0x131000, s3;
	[dreg:$0x19] =	wrdreg s26  }
0x31: {  	s17 =	simm.s32 $0xB;
	s8 =	simm.s32 $0x2;
	[smem:$0x7F3] =	sst s16  }
0x32: {  	v0 =	vlaneseq.u32;
	[smem:$0x7F6] =	sst s19;
	s26 =	sadd.s32 $0x137000, s3;
	s16 =	simm.s32 $0x9100  }
0x33: {  	v2 =	vimm.f32 $0.0e+00;
	v3 =	vor.u32 $0x10, v0;
	s19 =	simm.s32 $0xB100;
	v1 =	vmov s4;
	[smem:$0x7FC] =	sst s26;
	s26 =	simm.s32 $0x7  }
.LBB2_1:
0x34: {  	[smem:$0x7ED] =	sst s13  }
0x35: {  	s1 =	simm.s32 $0x0;
	s4 =	rddreg [dreg:$0x6]  }
0x36: {  	[tilespmem:s1], [sflag:$0xB] =	stream.linear.gather [hbm4b:s4+s1], $0x2780, $0x38;
	[tilespmem:$0x1FC80] =	vst v63  }
0x37: {  	_ =	swait.ge [sflag:s17], $0x2780  }
0x38: {  	[sflag:s17] =	ssyncset.done $0x0  }
0x39: {  	s30 =	rddreg [dreg:$0x7];
	[sflag:s17] =	ssyncadd.s32 $0xFFFFD880  }
0x3a: {  	[tilespmem:s31], [sflag:$0xB] =	stream.linear.gather [hbm4b:s30+s1], $0x2780, $0x38;
	[tilespmem:$0x1FC80] =	vst v63  }
0x3b: {  	_ =	swait.ge [sflag:s17], $0x2780  }
0x3c: {  	[sflag:s17] =	ssyncset.done $0x0  }
0x3d: {  	s4 =	simm.s32 $0x0;
	s1 =	simm.s32 $0x0;
	[sflag:s17] =	ssyncadd.s32 $0xFFFFD880  }
.LBB2_2:
0x3e: {  	p3 =	sne.s32 s4, $0x9FC0  }
.Ltmp0:
0x3f: {  	_ = 	snop;
	(pc) =	sbr.rel @p3 .LBB2_2-.Ltmp0, $4  }
0x40: {  	s12 =	sand.u32 $0xFE00, s4  }
0x41: {  	s13 =	sand.u32 $0x70, s1;
	s12 =	sshrl.u32 s12, $0x2  }
0x42: {  	s12 =	sor.u32 s13, s12  }
0x43: {  	s1 =	sadd.s32 $0x10, s1;
	s4 =	sadd.s32 $0x40, s4;
	[tilespmem:s12+$0x4F00] =	vst v2  }
0x44: {  	s1 =	simm.s32 $0x0;
	s4 =	simm.s32 $0x0  }
0x45: {  	s1 =	sand.u32 $0x70, s1;
	s4 =	sand.u32 $0xFFFFFF80, s4  }
0x46: {  	s4 =	sor.u32 s1, s4  }
0x47: {  	v4 =	vor.u32 s4, v0;
	_ =	sdelay $0x1  }
0x48: {  	s1 =	simm.s32 $0x1;
	s4 =	simm.s32 $0x10  }
.LBB2_4:
0x49: {  	s12 =	sshll.u32 s1, $0x4;
	p3 =	sne.s32 s1, $0xFF;
	s1 =	sadd.s32 $0x1, s1  }
.Ltmp1:
0x4a: {  	s13 =	sand.u32 $0x70, s4;
	s12 =	sand.u32 $0xFFFFFF80, s12;
	(pc) =	sbr.rel @p3 .LBB2_4-.Ltmp1, $3  }
0x4b: {  	s12 =	sor.u32 s13, s12;
	[tilespmem:v4+s0+$0x0] =	vst.idx.msk $0xffff, v2  }
0x4c: {  	v4 =	vor.u32 s12, v0;
	_ =	sdelay $0x1  }
0x4d: {  	s4 =	sadd.s32 $0x10, s4  }
.Ltmp2:
0x4e: {  	_ = 	snop;
	(pc) =	sbr.rel @p0 .LBB2_7-.Ltmp2, $2  }
0x4f: {  	_ =	sdelay $0x2  }
0x50: {  	[tilespmem:v4+s0+$0x0] =	vst.idx.msk $0xffff, v2  }
0x51: {  	s1 =	sld [smem:$0x7F1];
	_ =	sdelay $0x2  }
0x52: {  	[spmem:s1] =	stream.linear.scatter [tilespmem:s0], [sflag:$0xB], $0x1000, $0x38;
	[tilespmem:$0x1FC80] =	vst v63  }
0x53: {  	_ =	swait.ge [sflag:s17], $0x1000  }
0x54: {  	s13 =	sld [smem:$0x7F2]  }
0x55: {  	[sflag:s17] =	ssyncset.done $0x0  }
0x56: {  	[sflag:s17] =	ssyncadd.s32 $0xFFFFF000  }
0x57: {  	[spmem:s13] =	stream.linear.scatter [tilespmem:s0], [sflag:$0xB], $0x1000, $0x38;
	[tilespmem:$0x1FC80] =	vst v63  }
0x58: {  	_ =	swait.ge [sflag:s17], $0x1000  }
0x59: {  	s18 =	sld [smem:$0x7F3]  }
0x5a: {  	[sflag:s17] =	ssyncset.done $0x0  }
0x5b: {  	[sflag:s17] =	ssyncadd.s32 $0xFFFFF000  }
0x5c: {  	[spmem:s18] =	stream.linear.scatter [tilespmem:s0], [sflag:$0xB], $0x1000, $0x38;
	[tilespmem:$0x1FC80] =	vst v63  }
0x5d: {  	_ =	swait.ge [sflag:s17], $0x1000  }
0x5e: {  	s22 =	sld [smem:$0x7F4]  }
0x5f: {  	[sflag:s17] =	ssyncset.done $0x0  }
0x60: {  	[sflag:s17] =	ssyncadd.s32 $0xFFFFF000  }
0x61: {  	[spmem:s22] =	stream.linear.scatter [tilespmem:s0], [sflag:$0xB], $0x1000, $0x38;
	[tilespmem:$0x1FC80] =	vst v63  }
0x62: {  	_ =	swait.ge [sflag:s17], $0x1000  }
0x63: {  	s23 =	sld [smem:$0x7F5]  }
0x64: {  	[sflag:s17] =	ssyncset.done $0x0  }
0x65: {  	[sflag:s17] =	ssyncadd.s32 $0xFFFFF000  }
0x66: {  	[spmem:s23] =	stream.linear.scatter [tilespmem:s0], [sflag:$0xB], $0x1000, $0x38;
	[tilespmem:$0x1FC80] =	vst v63  }
0x67: {  	_ =	swait.ge [sflag:s17], $0x1000  }
0x68: {  	s30 =	sld [smem:$0x7F6]  }
0x69: {  	[sflag:s17] =	ssyncset.done $0x0  }
0x6a: {  	[sflag:s17] =	ssyncadd.s32 $0xFFFFF000  }
0x6b: {  	[spmem:s30] =	stream.linear.scatter [tilespmem:s0], [sflag:$0xB], $0x1000, $0x38;
	[tilespmem:$0x1FC80] =	vst v63  }
0x6c: {  	_ =	swait.ge [sflag:s17], $0x1000  }
0x6d: {  	s4 =	sld [smem:$0x7F7]  }
0x6e: {  	[sflag:s17] =	ssyncset.done $0x0  }
0x6f: {  	[sflag:s17] =	ssyncadd.s32 $0xFFFFF000  }
0x70: {  	[spmem:s4] =	stream.linear.scatter [tilespmem:s0], [sflag:$0xB], $0x1000, $0x38;
	[tilespmem:$0x1FC80] =	vst v63  }
0x71: {  	_ =	swait.ge [sflag:s17], $0x1000  }
0x72: {  	s12 =	sld [smem:$0x7F8]  }
0x73: {  	[sflag:s17] =	ssyncset.done $0x0  }
0x74: {  	[sflag:s17] =	ssyncadd.s32 $0xFFFFF000  }
0x75: {  	[spmem:s12] =	stream.linear.scatter [tilespmem:s0], [sflag:$0xB], $0x1000, $0x38;
	[tilespmem:$0x1FC80] =	vst v63  }
0x76: {  	_ =	swait.ge [sflag:s17], $0x1000  }
0x77: {  	s13 =	sld [smem:$0x7F9]  }
0x78: {  	[sflag:s17] =	ssyncset.done $0x0  }
0x79: {  	[sflag:s17] =	ssyncadd.s32 $0xFFFFF000  }
0x7a: {  	[spmem:s13] =	stream.linear.scatter [tilespmem:s0], [sflag:$0xB], $0x1000, $0x38;
	[tilespmem:$0x1FC80] =	vst v63  }
0x7b: {  	_ =	swait.ge [sflag:s17], $0x1000  }
0x7c: {  	s18 =	sld [smem:$0x7FA]  }
0x7d: {  	[sflag:s17] =	ssyncset.done $0x0  }
0x7e: {  	[sflag:s17] =	ssyncadd.s32 $0xFFFFF000  }
0x7f: {  	[spmem:s18] =	stream.linear.scatter [tilespmem:s0], [sflag:$0xB], $0x1000, $0x38;
	[tilespmem:$0x1FC80] =	vst v63  }
0x80: {  	_ =	swait.ge [sflag:s17], $0x1000  }
0x81: {  	s22 =	sld [smem:$0x7FB]  }
0x82: {  	[sflag:s17] =	ssyncset.done $0x0  }
0x83: {  	[sflag:s17] =	ssyncadd.s32 $0xFFFFF000  }
0x84: {  	[spmem:s22] =	stream.linear.scatter [tilespmem:s0], [sflag:$0xB], $0x1000, $0x38;
	[tilespmem:$0x1FC80] =	vst v63  }
0x85: {  	_ =	swait.ge [sflag:s17], $0x1000  }
0x86: {  	s23 =	sld [smem:$0x7FC]  }
0x87: {  	[sflag:s17] =	ssyncset.done $0x0  }
0x88: {  	[sflag:s17] =	ssyncadd.s32 $0xFFFFF000  }
0x89: {  	[spmem:s23] =	stream.linear.scatter [tilespmem:s0], [sflag:$0xB], $0x1000, $0x38;
	[tilespmem:$0x1FC80] =	vst v63  }
0x8a: {  	_ =	swait.ge [sflag:s17], $0x1000  }
0x8b: {  	s30 =	sld [smem:$0x7FD]  }
0x8c: {  	[sflag:s17] =	ssyncset.done $0x0  }
.Ltmp3:
0x8d: {  	[sflag:s17] =	ssyncadd.s32 $0xFFFFF000;
	(pc) =	sbr.rel .LBB2_8-.Ltmp3, $4  }
0x8e: {  	[spmem:s30] =	stream.linear.scatter [tilespmem:s0], [sflag:$0xB], $0x800, $0x38;
	[tilespmem:$0x1FC80] =	vst v63  }
0x8f: {  	_ =	swait.ge [sflag:s17], $0x800  }
0x90: {  	[sflag:s17] =	ssyncset.done $0x0  }
0x91: {  	p3 =	por $0x0, $0x0;
	[sflag:s17] =	ssyncadd.s32 $0xFFFFF800  }
.LBB2_7:
0x92: {  	s1 =	rddreg [dreg:$0x8]  }
0x93: {  	[spmem:s1] =	stream.linear.scatter [tilespmem:s0], [sflag:$0xB], $0x1000, $0x38;
	[tilespmem:$0x1FC80] =	vst v63  }
0x94: {  	_ =	swait.ge [sflag:s17], $0x1000  }
0x95: {  	[sflag:s17] =	ssyncset.done $0x0  }
0x96: {  	s13 =	rddreg [dreg:$0x9];
	[sflag:s17] =	ssyncadd.s32 $0xFFFFF000  }
0x97: {  	[spmem:s13] =	stream.linear.scatter [tilespmem:s0], [sflag:$0xB], $0x1000, $0x38;
	[tilespmem:$0x1FC80] =	vst v63  }
0x98: {  	_ =	swait.ge [sflag:s17], $0x1000  }
0x99: {  	[sflag:s17] =	ssyncset.done $0x0  }
0x9a: {  	s18 =	rddreg [dreg:$0xa];
	[sflag:s17] =	ssyncadd.s32 $0xFFFFF000  }
0x9b: {  	[spmem:s18] =	stream.linear.scatter [tilespmem:s0], [sflag:$0xB], $0x1000, $0x38;
	[tilespmem:$0x1FC80] =	vst v63  }
0x9c: {  	_ =	swait.ge [sflag:s17], $0x1000  }
0x9d: {  	[sflag:s17] =	ssyncset.done $0x0  }
0x9e: {  	s22 =	rddreg [dreg:$0xb];
	[sflag:s17] =	ssyncadd.s32 $0xFFFFF000  }
0x9f: {  	[spmem:s22] =	stream.linear.scatter [tilespmem:s0], [sflag:$0xB], $0x1000, $0x38;
	[tilespmem:$0x1FC80] =	vst v63  }
0xa0: {  	_ =	swait.ge [sflag:s17], $0x1000  }
0xa1: {  	[sflag:s17] =	ssyncset.done $0x0  }
0xa2: {  	s23 =	rddreg [dreg:$0xc];
	[sflag:s17] =	ssyncadd.s32 $0xFFFFF000  }
0xa3: {  	[spmem:s23] =	stream.linear.scatter [tilespmem:s0], [sflag:$0xB], $0x1000, $0x38;
	[tilespmem:$0x1FC80] =	vst v63  }
0xa4: {  	_ =	swait.ge [sflag:s17], $0x1000  }
0xa5: {  	[sflag:s17] =	ssyncset.done $0x0  }
0xa6: {  	s30 =	rddreg [dreg:$0xd];
	[sflag:s17] =	ssyncadd.s32 $0xFFFFF000  }
0xa7: {  	[spmem:s30] =	stream.linear.scatter [tilespmem:s0], [sflag:$0xB], $0x1000, $0x38;
	[tilespmem:$0x1FC80] =	vst v63  }
0xa8: {  	_ =	swait.ge [sflag:s17], $0x1000  }
0xa9: {  	[sflag:s17] =	ssyncset.done $0x0  }
0xaa: {  	s4 =	rddreg [dreg:$0x15];
	[sflag:s17] =	ssyncadd.s32 $0xFFFFF000  }
0xab: {  	[spmem:s4] =	stream.linear.scatter [tilespmem:s0], [sflag:$0xB], $0x1000, $0x38;
	[tilespmem:$0x1FC80] =	vst v63  }
0xac: {  	_ =	swait.ge [sflag:s17], $0x1000  }
0xad: {  	[sflag:s17] =	ssyncset.done $0x0  }
0xae: {  	s12 =	rddreg [dreg:$0x16];
	[sflag:s17] =	ssyncadd.s32 $0xFFFFF000  }
0xaf: {  	[spmem:s12] =	stream.linear.scatter [tilespmem:s0], [sflag:$0xB], $0x1000, $0x38;
	[tilespmem:$0x1FC80] =	vst v63  }
0xb0: {  	_ =	swait.ge [sflag:s17], $0x1000  }
0xb1: {  	[sflag:s17] =	ssyncset.done $0x0  }
0xb2: {  	s13 =	rddreg [dreg:$0x17];
	[sflag:s17] =	ssyncadd.s32 $0xFFFFF000  }
0xb3: {  	[spmem:s13] =	stream.linear.scatter [tilespmem:s0], [sflag:$0xB], $0x1000, $0x38;
	[tilespmem:$0x1FC80] =	vst v63  }
0xb4: {  	_ =	swait.ge [sflag:s17], $0x1000  }
0xb5: {  	[sflag:s17] =	ssyncset.done $0x0  }
0xb6: {  	s18 =	rddreg [dreg:$0x18];
	[sflag:s17] =	ssyncadd.s32 $0xFFFFF000  }
0xb7: {  	[spmem:s18] =	stream.linear.scatter [tilespmem:s0], [sflag:$0xB], $0x1000, $0x38;
	[tilespmem:$0x1FC80] =	vst v63  }
0xb8: {  	_ =	swait.ge [sflag:s17], $0x1000  }
0xb9: {  	[sflag:s17] =	ssyncset.done $0x0  }
0xba: {  	s22 =	rddreg [dreg:$0x19];
	[sflag:s17] =	ssyncadd.s32 $0xFFFFF000  }
0xbb: {  	[spmem:s22] =	stream.linear.scatter [tilespmem:s0], [sflag:$0xB], $0x1000, $0x38;
	[tilespmem:$0x1FC80] =	vst v63  }
0xbc: {  	_ =	swait.ge [sflag:s17], $0x1000  }
0xbd: {  	[sflag:s17] =	ssyncset.done $0x0  }
0xbe: {  	s23 =	rddreg [dreg:$0x1a];
	[sflag:s17] =	ssyncadd.s32 $0xFFFFF000  }
0xbf: {  	[spmem:s23] =	stream.linear.scatter [tilespmem:s0], [sflag:$0xB], $0x1000, $0x38;
	[tilespmem:$0x1FC80] =	vst v63  }
0xc0: {  	_ =	swait.ge [sflag:s17], $0x1000  }
0xc1: {  	[sflag:s17] =	ssyncset.done $0x0  }
0xc2: {  	s30 =	rddreg [dreg:$0x1b];
	[sflag:s17] =	ssyncadd.s32 $0xFFFFF000  }
0xc3: {  	[spmem:s30] =	stream.linear.scatter [tilespmem:s0], [sflag:$0xB], $0x1000, $0x38;
	[tilespmem:$0x1FC80] =	vst v63  }
0xc4: {  	_ =	swait.ge [sflag:s17], $0x1000  }
0xc5: {  	[sflag:s17] =	ssyncset.done $0x0  }
0xc6: {  	s4 =	rddreg [dreg:$0x1c];
	[sflag:s17] =	ssyncadd.s32 $0xFFFFF000  }
0xc7: {  	[spmem:s4] =	stream.linear.scatter [tilespmem:s0], [sflag:$0xB], $0x1000, $0x38;
	[tilespmem:$0x1FC80] =	vst v63  }
0xc8: {  	_ =	swait.ge [sflag:s17], $0x1000  }
0xc9: {  	[sflag:s17] =	ssyncset.done $0x0  }
0xca: {  	s12 =	rddreg [dreg:$0x1d];
	[sflag:s17] =	ssyncadd.s32 $0xFFFFF000  }
0xcb: {  	[spmem:s12] =	stream.linear.scatter [tilespmem:s0], [sflag:$0xB], $0x1000, $0x38;
	[tilespmem:$0x1FC80] =	vst v63  }
0xcc: {  	_ =	swait.ge [sflag:s17], $0x1000  }
0xcd: {  	[sflag:s17] =	ssyncset.done $0x0  }
0xce: {  	s13 =	rddreg [dreg:$0x1e];
	[sflag:s17] =	ssyncadd.s32 $0xFFFFF000  }
0xcf: {  	[spmem:s13] =	stream.linear.scatter [tilespmem:s0], [sflag:$0xB], $0x1000, $0x38;
	[tilespmem:$0x1FC80] =	vst v63  }
0xd0: {  	_ =	swait.ge [sflag:s17], $0x1000  }
0xd1: {  	[sflag:s17] =	ssyncset.done $0x0  }
0xd2: {  	s18 =	rddreg [dreg:$0x1f];
	[sflag:s17] =	ssyncadd.s32 $0xFFFFF000  }
0xd3: {  	[spmem:s18] =	stream.linear.scatter [tilespmem:s0], [sflag:$0xB], $0x1000, $0x38;
	[tilespmem:$0x1FC80] =	vst v63  }
0xd4: {  	_ =	swait.ge [sflag:s17], $0x1000  }
0xd5: {  	s22 =	sld [smem:$0x7EE]  }
0xd6: {  	[sflag:s17] =	ssyncset.done $0x0  }
0xd7: {  	[sflag:s17] =	ssyncadd.s32 $0xFFFFF000  }
0xd8: {  	[spmem:s22] =	stream.linear.scatter [tilespmem:s0], [sflag:$0xB], $0x1000, $0x38;
	[tilespmem:$0x1FC80] =	vst v63  }
0xd9: {  	_ =	swait.ge [sflag:s17], $0x1000  }
0xda: {  	s23 =	sld [smem:$0x7EF]  }
0xdb: {  	[sflag:s17] =	ssyncset.done $0x0  }
0xdc: {  	[sflag:s17] =	ssyncadd.s32 $0xFFFFF000  }
0xdd: {  	[spmem:s23] =	stream.linear.scatter [tilespmem:s0], [sflag:$0xB], $0x1000, $0x38;
	[tilespmem:$0x1FC80] =	vst v63  }
0xde: {  	_ =	swait.ge [sflag:s17], $0x1000  }
0xdf: {  	s30 =	sld [smem:$0x7F0]  }
0xe0: {  	[sflag:s17] =	ssyncset.done $0x0  }
0xe1: {  	[sflag:s17] =	ssyncadd.s32 $0xFFFFF000  }
0xe2: {  	[spmem:s30] =	stream.linear.scatter [tilespmem:s0], [sflag:$0xB], $0x1000, $0x38;
	[tilespmem:$0x1FC80] =	vst v63  }
0xe3: {  	_ =	swait.ge [sflag:s17], $0x1000  }
0xe4: {  	[sflag:s17] =	ssyncset.done $0x0  }
0xe5: {  	s1 =	simm.s32 @!p2 $0x4F00;
	s4 =	rddreg [dreg:$0xf];
	[sflag:s17] =	ssyncadd.s32 $0xFFFFF000  }
0xe6: {  	[spmem:s4] =	stream.linear.scatter @!p2 [tilespmem:s1], [sflag:$0xB], $0x400, $0x38;
	[tilespmem:$0x1FC80] =	vst v63  }
0xe7: {  	s1 =	simm.s32 @!p2 $0xB  }
0xe8: {  	_ =	swait.ge @!p2 [sflag:s1], $0x400  }
0xe9: {  	p4 =	por @!p2 $0x1, $0x1;
	p3 =	por $0x0, $0x0;
	[sflag:s1] =	ssyncset.done @!p2 $0x0  }
0xea: {  	p3 =	por @!p2 p4, p4;
	[sflag:s1] =	ssyncadd.s32 @!p2 $0xFFFFFC00  }
.LBB2_8:
0xeb: {  	[bflag:$0x0] =	sbarrier.arrive $0xFFFF  }
0xec: {  	s17 =	simm.s32 $0x0;
	s4 =	simm.s32 $0x7700;
	s1 =	rddreg [dreg:$0x10]  }
0xed: {  	[tilespmem:s4], [sflag:$0x9] =	stream.linear.gather [hbm4b:s1+s17], $0x100, $0x38;
	[tilespmem:$0x1FC80] =	vst v63  }
0xee: {  	s12 =	simm.s32 $0x7900;
	s23 =	simm.s32 $0x9;
	s22 =	rddreg [dreg:$0x11]  }
0xef: {  	[tilespmem:s12], [sflag:$0x9] =	stream.linear.gather [hbm4b:s22+s17], $0x400, $0x38;
	[tilespmem:$0x1FC80] =	vst v63  }
0xf0: {  	_ =	swait.ge [sflag:s23], $0x100  }
0xf1: {  	[sflag:s23] =	ssyncset.done $0x0  }
0xf2: {  	[sflag:s23] =	ssyncadd.s32 $0xFFFFFF00  }
0xf3: {  	_ =	swait.ge [sflag:s23], $0x400  }
0xf4: {  	[sflag:s23] =	ssyncset.done $0x0  }
0xf5: {  	[sflag:s23] =	ssyncadd.s32 $0xFFFFFC00  }
0xf6: {  	[tilespmem:s0], [sflag:$0x1] =	stream.indirect.gather [hbm4b:s2+s15], $0x80, s4, s15, $0xb8;
	[tilespmem:$0x1FC80] =	vst v63  }
0xf7: {  	s30 =	simm.s32 $0x7720;
	s12 =	simm.s32 $0x0  }
0xf8: {  	[tilespmem:s16], [sflag:$0x2] =	stream.indirect.gather [hbm4b:s2+s15], $0x80, s30, s15, $0xb8;
	[tilespmem:$0x1FC80] =	vst v63  }
.LBB2_9:
0xf9: {  	_ =	swait.ge [sflag:s25], $0x1000  }
0xfa: {  	p4 =	seq.s32 s12, $0x0;
	[sflag:s25] =	ssyncset.done $0x0  }
0xfb: {  	s1 =	simm.s32 @!p4 $0x7;
	[sflag:s25] =	ssyncadd.s32 $0xFFFFF000  }
0xfc: {  	_ =	swait.ge @!p4 [sflag:s1], $0x1000  }
0xfd: {  	[sflag:s1] =	ssyncset.done @!p4 $0x0  }
0xfe: {  	s23 =	simm.s32 $0x7740;
	[sflag:s1] =	ssyncadd.s32 @!p4 $0xFFFFF000  }
0xff: {  	[tilespmem:s29], [sflag:$0x3] =	stream.indirect.gather [hbm4b:s2+s15], $0x80, s23, s15, $0xb8;
	[tilespmem:$0x1FC80] =	vst v63  }
0x100: {  	v4 =	vld [tilespmem:$0x7700]  }
0x101: {  	v5 =	vld [tilespmem:$0x7900];
	_ =	sdelay $0x6  }
0x102: {  	v4 =	vld.idx.msk [tilespmem:v4+s17+$0x0], $0xffff  }
0x103: {  	v6 =	vld.idx.msk [tilespmem:v5+s31+$0x0], $0xffff;
	_ =	sdelay $0x4  }
0x104: {  	v4 =	vadd.f32 v6, v4;
	_ =	sdelay $0x1  }
0x105: {  	v6 =	vmul.f32 $9.999999770e-03, v4  }
0x106: {  	vm0 =	vgt.f32 v4, $0.0e+00  }
0x107: {  	v4 =	vsel vm0, v4, v6  }
0x108: {  	v4 =	vmul.f32 $1.442695020e+00, v4;
	_ =	sdelay $0x1  }
0x109: {  	(erf) = vpow2.f32 v4;
	_ =	sdelay $0x6  }
0x10a: {  	s4 =	sshll.u32 s12, $0x9  }
0x10b: {  	v4 =	vor.u32 s4, v0  }
0x10c: {  	vm13 =	vlt.u32 v4, v1;
	v6 =	vpop (erf)  }
0x10d: {  	v4 =	vnsel vm13, $0x0, v6  }
0x10e: {  	[tilespmem:v0+s6+$0x0] =	vst.idx.msk $0xffff, v4  }
0x10f: {  	[tilespmem:v5+s7+$0x0] =	vst.idx.add.f32.msk $0xffff, v4  }
0x110: {  	v4 =	vld [tilespmem:$0x7710]  }
0x111: {  	v5 =	vld [tilespmem:$0x7910];
	_ =	sdelay $0x6  }
0x112: {  	v4 =	vld.idx.msk [tilespmem:v4+s17+$0x0], $0xffff  }
0x113: {  	v6 =	vld.idx.msk [tilespmem:v5+s31+$0x0], $0xffff;
	_ =	sdelay $0x4  }
0x114: {  	v4 =	vadd.f32 v6, v4;
	_ =	sdelay $0x1  }
0x115: {  	v6 =	vmul.f32 $9.999999770e-03, v4  }
0x116: {  	vm14 =	vgt.f32 v4, $0.0e+00  }
0x117: {  	v4 =	vsel vm14, v4, v6  }
0x118: {  	v4 =	vmul.f32 $1.442695020e+00, v4;
	_ =	sdelay $0x1  }
0x119: {  	(erf) = vpow2.f32 v4;
	_ =	sdelay $0x6  }
0x11a: {  	s30 =	sor.u32 $0x10, s4  }
0x11b: {  	v4 =	vor.u32 s30, v0  }
0x11c: {  	vm15 =	vlt.u32 v4, v1;
	v6 =	vpop (erf)  }
0x11d: {  	v4 =	vnsel vm15, $0x0, v6  }
0x11e: {  	v6 =	vmov s17;
	[tilespmem:v3+s6+$0x0] =	vst.idx.msk $0xffff, v4  }
0x11f: {  	s1 =	simm.s32 $0x8140;
	[tilespmem:v5+s7+$0x0] =	vst.idx.add.f32.msk $0xffff, v4  }
0x120: {  	v8 =	vld [tilespmem:s1+$0x30]  }
0x121: {  	v11 =	vld [tilespmem:s1+$0x10]  }
0x122: {  	v9 =	vld [tilespmem:s1+$0xFFFFFFC0]  }
0x123: {  	v5 =	vld.idx.msk [tilespmem:v6+s6+$0x0], $0xffff  }
0x124: {  	v13 =	vld [tilespmem:s1+$0xFFFFFFE0]  }
0x125: {  	v4 =	vld [tilespmem:s1+$0xFFFFFFF0]  }
0x126: {  	v7 =	vld [tilespmem:s1+$0xFFFFFFD0]  }
0x127: {  	v6 =	vld [tilespmem:s1+$0x20]  }
0x128: {  	v12 =	vmul.f32 v8, v5;
	v8 =	vld [tilespmem:s1+$0x0]  }
0x129: {  	v10 =	vmul.f32 v9, v5  }
0x12a: {  	s18 =	sshll.u32 s12, $0x4;
	s13 =	simm.s32 $0x1;
	s22 =	simm.s32 $0x8140;
	v9 =	vmul.f32 v13, v5;
	v11 =	vmul.f32 v11, v5  }
.LBB2_10:
0x12b: {  	p5 =	sne.s32 s13, $0x1F  }
0x12c: {  	v7 =	vmul.f32 v7, v5;
	v6 =	vmul.f32 v6, v5;
	[tilespmem:s1+$0x30] =	vst v12;
	s22 =	sadd.s32 $0x80, s22;
	s23 =	smov.u32 s13;
	s13 =	sadd.s32 $0x1, s13  }
0x12d: {  	[tilespmem:s1+$0xFFFFFFC0] =	vst v10;
	v10 =	vmul.f32 v4, v5;
	v5 =	vmul.f32 v8, v5  }
0x12e: {  	[tilespmem:s1+$0x10] =	vst v11  }
0x12f: {  	v8 =	vmov s23;
	[tilespmem:s1+$0xFFFFFFE0] =	vst v9  }
0x130: {  	v4 =	vld [tilespmem:s22+$0xFFFFFFF0];
	[tilespmem:s1+$0xFFFFFFF0] =	vst v10  }
0x131: {  	v9 =	vld [tilespmem:s22+$0x30];
	[tilespmem:s1+$0x0] =	vst v5  }
0x132: {  	v11 =	vld [tilespmem:s22+$0x10];
	[tilespmem:s1+$0x20] =	vst v6  }
0x133: {  	v10 =	vld [tilespmem:s22+$0xFFFFFFC0];
	[tilespmem:s1+$0xFFFFFFD0] =	vst v7;
	s1 =	smov.u32 s22  }
0x134: {  	v5 =	vld.idx.msk [tilespmem:v8+s6+$0x0], $0xffff  }
0x135: {  	v13 =	vld [tilespmem:s22+$0xFFFFFFE0]  }
0x136: {  	v6 =	vld [tilespmem:s22+$0x20]  }
.Ltmp4:
0x137: {  	v7 =	vld [tilespmem:s22+$0xFFFFFFD0];
	(pc) =	sbr.rel @p5 .LBB2_10-.Ltmp4, $3  }
0x138: {  	v8 =	vld [tilespmem:s22+$0x0];
	_ =	sdelay $0x1  }
0x139: {  	v10 =	vmul.f32 v10, v5;
	v12 =	vmul.f32 v9, v5  }
0x13a: {  	v11 =	vmul.f32 v11, v5;
	v9 =	vmul.f32 v13, v5  }
0x13b: {  	[tilespmem:s1+$0x30] =	vst v12  }
0x13c: {  	[tilespmem:s1+$0xFFFFFFC0] =	vst v10  }
0x13d: {  	v4 =	vmul.f32 v4, v5;
	[tilespmem:s1+$0x10] =	vst v11  }
0x13e: {  	v6 =	vmul.f32 v6, v5;
	[tilespmem:s1+$0xFFFFFFE0] =	vst v9  }
0x13f: {  	v8 =	vmul.f32 v8, v5;
	[tilespmem:s1+$0xFFFFFFF0] =	vst v4  }
0x140: {  	v4 =	vmul.f32 v7, v5;
	[tilespmem:s1+$0x20] =	vst v6  }
0x141: {  	[tilespmem:s1+$0x0] =	vst v8  }
0x142: {  	s13 =	simm.s32 $0x7900;
	[tilespmem:s1+$0xFFFFFFD0] =	vst v4  }
0x143: {  	[spmem:s3] =	stream.indirect.scatter.add.f32 [tilespmem:s0], [sflag:$0x5], $0x80, s13, s15, $0xb8;
	[tilespmem:$0x1FC80] =	vst v63  }
0x144: {  	_ =	swait.ge [sflag:s8], $0x1000  }
0x145: {  	[sflag:s8] =	ssyncset.done $0x0  }
0x146: {  	s1 =	simm.s32 @!p4 $0x8;
	[sflag:s8] =	ssyncadd.s32 $0xFFFFF000  }
0x147: {  	_ =	swait.ge @!p4 [sflag:s1], $0x1000  }
0x148: {  	[sflag:s1] =	ssyncset.done @!p4 $0x0  }
0x149: {  	s22 =	simm.s32 $0x7760;
	[sflag:s1] =	ssyncadd.s32 @!p4 $0xFFFFF000  }
0x14a: {  	[tilespmem:s19], [sflag:$0x4] =	stream.indirect.gather [hbm4b:s2+s15], $0x80, s22, s15, $0xb8;
	[tilespmem:$0x1FC80] =	vst v63  }
0x14b: {  	v4 =	vld [tilespmem:$0x7720]  }
0x14c: {  	v5 =	vld [tilespmem:$0x7980];
	_ =	sdelay $0x5  }
0x14d: {  	s23 =	simm.s32 $0x0  }
0x14e: {  	v4 =	vld.idx.msk [tilespmem:v4+s23+$0x0], $0xffff  }
0x14f: {  	v6 =	vld.idx.msk [tilespmem:v5+s31+$0x0], $0xffff;
	_ =	sdelay $0x4  }
0x150: {  	v4 =	vadd.f32 v6, v4;
	_ =	sdelay $0x1  }
0x151: {  	v6 =	vmul.f32 $9.999999770e-03, v4  }
0x152: {  	vm0 =	vgt.f32 v4, $0.0e+00  }
0x153: {  	v4 =	vsel vm0, v4, v6  }
0x154: {  	v4 =	vmul.f32 $1.442695020e+00, v4;
	_ =	sdelay $0x1  }
0x155: {  	(erf) = vpow2.f32 v4;
	_ =	sdelay $0x6  }
0x156: {  	s13 =	sor.u32 $0x20, s4  }
0x157: {  	v4 =	vor.u32 s13, v0  }
0x158: {  	vm13 =	vlt.u32 v4, v1;
	v6 =	vpop (erf)  }
0x159: {  	v4 =	vnsel vm13, $0x0, v6  }
0x15a: {  	[tilespmem:v0+s6+$0x0] =	vst.idx.msk $0xffff, v4  }
0x15b: {  	[tilespmem:v5+s7+$0x0] =	vst.idx.add.f32.msk $0xffff, v4  }
0x15c: {  	v4 =	vld [tilespmem:$0x7730]  }
0x15d: {  	v5 =	vld [tilespmem:$0x7990];
	_ =	sdelay $0x6  }
0x15e: {  	v4 =	vld.idx.msk [tilespmem:v4+s23+$0x0], $0xffff  }
0x15f: {  	v6 =	vld.idx.msk [tilespmem:v5+s31+$0x0], $0xffff;
	_ =	sdelay $0x4  }
0x160: {  	v4 =	vadd.f32 v6, v4;
	_ =	sdelay $0x1  }
0x161: {  	v6 =	vmul.f32 $9.999999770e-03, v4  }
0x162: {  	vm14 =	vgt.f32 v4, $0.0e+00  }
0x163: {  	v4 =	vsel vm14, v4, v6  }
0x164: {  	v4 =	vmul.f32 $1.442695020e+00, v4;
	_ =	sdelay $0x1  }
0x165: {  	(erf) = vpow2.f32 v4;
	_ =	sdelay $0x6  }
0x166: {  	s30 =	sor.u32 $0x30, s4  }
0x167: {  	v4 =	vor.u32 s30, v0  }
0x168: {  	vm15 =	vlt.u32 v4, v1;
	v6 =	vpop (erf)  }
0x169: {  	v4 =	vnsel vm15, $0x0, v6  }
0x16a: {  	v6 =	vmov s23;
	[tilespmem:v3+s6+$0x0] =	vst.idx.msk $0xffff, v4  }
0x16b: {  	s1 =	simm.s32 $0x9140;
	[tilespmem:v5+s7+$0x0] =	vst.idx.add.f32.msk $0xffff, v4  }
0x16c: {  	v8 =	vld [tilespmem:s1+$0x30]  }
0x16d: {  	v11 =	vld [tilespmem:s1+$0x10]  }
0x16e: {  	v9 =	vld [tilespmem:s1+$0xFFFFFFC0]  }
0x16f: {  	v5 =	vld.idx.msk [tilespmem:v6+s6+$0x0], $0xffff  }
0x170: {  	v13 =	vld [tilespmem:s1+$0xFFFFFFE0]  }
0x171: {  	v4 =	vld [tilespmem:s1+$0xFFFFFFF0]  }
0x172: {  	v7 =	vld [tilespmem:s1+$0xFFFFFFD0]  }
0x173: {  	v6 =	vld [tilespmem:s1+$0x20]  }
0x174: {  	v12 =	vmul.f32 v8, v5;
	v8 =	vld [tilespmem:s1+$0x0]  }
0x175: {  	v10 =	vmul.f32 v9, v5  }
0x176: {  	s22 =	simm.s32 $0x9140;
	s13 =	simm.s32 $0x1;
	v9 =	vmul.f32 v13, v5;
	v11 =	vmul.f32 v11, v5  }
.LBB2_12:
0x177: {  	p4 =	sne.s32 s13, $0x1F  }
0x178: {  	v7 =	vmul.f32 v7, v5;
	v6 =	vmul.f32 v6, v5;
	[tilespmem:s1+$0x30] =	vst v12;
	s22 =	sadd.s32 $0x80, s22;
	s23 =	smov.u32 s13;
	s13 =	sadd.s32 $0x1, s13  }
0x179: {  	[tilespmem:s1+$0xFFFFFFC0] =	vst v10;
	v10 =	vmul.f32 v4, v5;
	v5 =	vmul.f32 v8, v5  }
0x17a: {  	[tilespmem:s1+$0x10] =	vst v11  }
0x17b: {  	v8 =	vmov s23;
	[tilespmem:s1+$0xFFFFFFE0] =	vst v9  }
0x17c: {  	v4 =	vld [tilespmem:s22+$0xFFFFFFF0];
	[tilespmem:s1+$0xFFFFFFF0] =	vst v10  }
0x17d: {  	v9 =	vld [tilespmem:s22+$0x30];
	[tilespmem:s1+$0x0] =	vst v5  }
0x17e: {  	v11 =	vld [tilespmem:s22+$0x10];
	[tilespmem:s1+$0x20] =	vst v6  }
0x17f: {  	v10 =	vld [tilespmem:s22+$0xFFFFFFC0];
	[tilespmem:s1+$0xFFFFFFD0] =	vst v7;
	s1 =	smov.u32 s22  }
0x180: {  	v5 =	vld.idx.msk [tilespmem:v8+s6+$0x0], $0xffff  }
0x181: {  	v13 =	vld [tilespmem:s22+$0xFFFFFFE0]  }
0x182: {  	v6 =	vld [tilespmem:s22+$0x20]  }
.Ltmp5:
0x183: {  	v7 =	vld [tilespmem:s22+$0xFFFFFFD0];
	(pc) =	sbr.rel @p4 .LBB2_12-.Ltmp5, $3  }
0x184: {  	v8 =	vld [tilespmem:s22+$0x0];
	_ =	sdelay $0x1  }
0x185: {  	v10 =	vmul.f32 v10, v5;
	v12 =	vmul.f32 v9, v5  }
0x186: {  	v11 =	vmul.f32 v11, v5;
	v9 =	vmul.f32 v13, v5  }
0x187: {  	[tilespmem:s1+$0x30] =	vst v12  }
0x188: {  	[tilespmem:s1+$0xFFFFFFC0] =	vst v10  }
0x189: {  	v4 =	vmul.f32 v4, v5;
	[tilespmem:s1+$0x10] =	vst v11  }
0x18a: {  	v6 =	vmul.f32 v6, v5;
	[tilespmem:s1+$0xFFFFFFE0] =	vst v9  }
0x18b: {  	v8 =	vmul.f32 v8, v5;
	[tilespmem:s1+$0xFFFFFFF0] =	vst v4  }
0x18c: {  	v4 =	vmul.f32 v7, v5;
	[tilespmem:s1+$0x20] =	vst v6  }
0x18d: {  	[tilespmem:s1+$0x0] =	vst v8  }
0x18e: {  	s23 =	simm.s32 $0x7980;
	[tilespmem:s1+$0xFFFFFFD0] =	vst v4  }
0x18f: {  	[spmem:s3] =	stream.indirect.scatter.add.f32 [tilespmem:s16], [sflag:$0x6], $0x80, s23, s15, $0xb8;
	[tilespmem:$0x1FC80] =	vst v63  }
0x190: {  	s1 =	sor.u32 $0x8, s18;
	_ =	swait.ge [sflag:s21], $0x1000  }
0x191: {  	s13 =	sshll.u32 s1, $0x5;
	[sflag:s21] =	ssyncset.done $0x0  }
0x192: {  	s30 =	simm.s32 $0x7800;
	s22 =	sadd.s32 s10, s13;
	[sflag:s21] =	ssyncadd.s32 $0xFFFFF000  }
0x193: {  	s1 =	sadd.s32 s20, s1;
	s22 =	sshrl.u32 s22, $0x3;
	s23 =	rddreg [dreg:$0x1]  }
0x194: {  	s1 =	sshll.u32 s1, $0x4;
	s22 =	sadd.s32 s23, s22;
	s23 =	simm.s32 $0x0  }
0x195: {  	[tilespmem:s30], [sflag:$0xA] =	stream.linear.gather [hbm4b:s22+s23], $0x100, $0x38;
	[tilespmem:$0x1FC80] =	vst v63  }
0x196: {  	s1 =	sadd.s32 s9, s1;
	s30 =	simm.s32 $0x7D00  }
0x197: {  	[tilespmem:s30], [sflag:$0xA] =	stream.linear.gather [hbm4b:s1+s23], $0x400, $0x38;
	[tilespmem:$0x1FC80] =	vst v63  }
0x198: {  	_ =	swait.ge [sflag:s24], $0x1000  }
0x199: {  	[sflag:s24] =	ssyncset.done $0x0  }
0x19a: {  	s30 =	simm.s32 $0x7780;
	[sflag:s24] =	ssyncadd.s32 $0xFFFFF000  }
0x19b: {  	[tilespmem:s0], [sflag:$0x1] =	stream.indirect.gather [hbm4b:s2+s15], $0x80, s30, s15, $0xb8;
	[tilespmem:$0x1FC80] =	vst v63  }
0x19c: {  	v4 =	vld [tilespmem:$0x7740]  }
0x19d: {  	v5 =	vld [tilespmem:$0x7A00];
	_ =	sdelay $0x6  }
0x19e: {  	v4 =	vld.idx.msk [tilespmem:v4+s23+$0x0], $0xffff  }
0x19f: {  	v6 =	vld.idx.msk [tilespmem:v5+s31+$0x0], $0xffff;
	_ =	sdelay $0x4  }
0x1a0: {  	v4 =	vadd.f32 v6, v4;
	_ =	sdelay $0x1  }
0x1a1: {  	v6 =	vmul.f32 $9.999999770e-03, v4  }
0x1a2: {  	vm0 =	vgt.f32 v4, $0.0e+00  }
0x1a3: {  	v4 =	vsel vm0, v4, v6  }
0x1a4: {  	v4 =	vmul.f32 $1.442695020e+00, v4;
	_ =	sdelay $0x1  }
0x1a5: {  	(erf) = vpow2.f32 v4;
	_ =	sdelay $0x6  }
0x1a6: {  	s22 =	sor.u32 $0x40, s4  }
0x1a7: {  	v4 =	vor.u32 s22, v0  }
0x1a8: {  	vm13 =	vlt.u32 v4, v1;
	v6 =	vpop (erf)  }
0x1a9: {  	v4 =	vnsel vm13, $0x0, v6  }
0x1aa: {  	[tilespmem:v0+s6+$0x0] =	vst.idx.msk $0xffff, v4  }
0x1ab: {  	[tilespmem:v5+s7+$0x0] =	vst.idx.add.f32.msk $0xffff, v4  }
0x1ac: {  	v4 =	vld [tilespmem:$0x7750]  }
0x1ad: {  	v5 =	vld [tilespmem:$0x7A10];
	_ =	sdelay $0x6  }
0x1ae: {  	v4 =	vld.idx.msk [tilespmem:v4+s23+$0x0], $0xffff  }
0x1af: {  	v6 =	vld.idx.msk [tilespmem:v5+s31+$0x0], $0xffff;
	_ =	sdelay $0x4  }
0x1b0: {  	v4 =	vadd.f32 v6, v4;
	_ =	sdelay $0x1  }
0x1b1: {  	v6 =	vmul.f32 $9.999999770e-03, v4  }
0x1b2: {  	vm14 =	vgt.f32 v4, $0.0e+00  }
0x1b3: {  	v4 =	vsel vm14, v4, v6  }
0x1b4: {  	v4 =	vmul.f32 $1.442695020e+00, v4;
	_ =	sdelay $0x1  }
0x1b5: {  	(erf) = vpow2.f32 v4;
	_ =	sdelay $0x6  }
0x1b6: {  	s30 =	sor.u32 $0x50, s4  }
0x1b7: {  	v4 =	vor.u32 s30, v0  }
0x1b8: {  	vm15 =	vlt.u32 v4, v1;
	v6 =	vpop (erf)  }
0x1b9: {  	v4 =	vnsel vm15, $0x0, v6  }
0x1ba: {  	v6 =	vmov s23;
	[tilespmem:v3+s6+$0x0] =	vst.idx.msk $0xffff, v4  }
0x1bb: {  	s1 =	simm.s32 $0xA140;
	[tilespmem:v5+s7+$0x0] =	vst.idx.add.f32.msk $0xffff, v4  }
0x1bc: {  	v8 =	vld [tilespmem:s1+$0x30]  }
0x1bd: {  	v11 =	vld [tilespmem:s1+$0x10]  }
0x1be: {  	v9 =	vld [tilespmem:s1+$0xFFFFFFC0]  }
0x1bf: {  	v5 =	vld.idx.msk [tilespmem:v6+s6+$0x0], $0xffff  }
0x1c0: {  	v13 =	vld [tilespmem:s1+$0xFFFFFFE0]  }
0x1c1: {  	v4 =	vld [tilespmem:s1+$0xFFFFFFF0]  }
0x1c2: {  	v7 =	vld [tilespmem:s1+$0xFFFFFFD0]  }
0x1c3: {  	v6 =	vld [tilespmem:s1+$0x20]  }
0x1c4: {  	v12 =	vmul.f32 v8, v5;
	v8 =	vld [tilespmem:s1+$0x0]  }
0x1c5: {  	v10 =	vmul.f32 v9, v5  }
0x1c6: {  	s22 =	simm.s32 $0x1;
	s23 =	simm.s32 $0xA140;
	v9 =	vmul.f32 v13, v5;
	v11 =	vmul.f32 v11, v5  }
.LBB2_14:
0x1c7: {  	p4 =	sne.s32 s22, $0x1F  }
0x1c8: {  	v7 =	vmul.f32 v7, v5;
	v6 =	vmul.f32 v6, v5;
	[tilespmem:s1+$0x30] =	vst v12;
	s23 =	sadd.s32 $0x80, s23;
	s30 =	smov.u32 s22;
	s22 =	sadd.s32 $0x1, s22  }
0x1c9: {  	[tilespmem:s1+$0xFFFFFFC0] =	vst v10;
	v10 =	vmul.f32 v4, v5;
	v5 =	vmul.f32 v8, v5  }
0x1ca: {  	[tilespmem:s1+$0x10] =	vst v11  }
0x1cb: {  	v8 =	vmov s30;
	[tilespmem:s1+$0xFFFFFFE0] =	vst v9  }
0x1cc: {  	v4 =	vld [tilespmem:s23+$0xFFFFFFF0];
	[tilespmem:s1+$0xFFFFFFF0] =	vst v10  }
0x1cd: {  	v9 =	vld [tilespmem:s23+$0x30];
	[tilespmem:s1+$0x0] =	vst v5  }
0x1ce: {  	v11 =	vld [tilespmem:s23+$0x10];
	[tilespmem:s1+$0x20] =	vst v6  }
0x1cf: {  	v10 =	vld [tilespmem:s23+$0xFFFFFFC0];
	[tilespmem:s1+$0xFFFFFFD0] =	vst v7;
	s1 =	smov.u32 s23  }
0x1d0: {  	v5 =	vld.idx.msk [tilespmem:v8+s6+$0x0], $0xffff  }
0x1d1: {  	v13 =	vld [tilespmem:s23+$0xFFFFFFE0]  }
0x1d2: {  	v6 =	vld [tilespmem:s23+$0x20]  }
.Ltmp6:
0x1d3: {  	v7 =	vld [tilespmem:s23+$0xFFFFFFD0];
	(pc) =	sbr.rel @p4 .LBB2_14-.Ltmp6, $3  }
0x1d4: {  	v8 =	vld [tilespmem:s23+$0x0];
	_ =	sdelay $0x1  }
0x1d5: {  	v10 =	vmul.f32 v10, v5;
	v12 =	vmul.f32 v9, v5  }
0x1d6: {  	v11 =	vmul.f32 v11, v5;
	v9 =	vmul.f32 v13, v5  }
0x1d7: {  	[tilespmem:s1+$0x30] =	vst v12  }
0x1d8: {  	[tilespmem:s1+$0xFFFFFFC0] =	vst v10  }
0x1d9: {  	v4 =	vmul.f32 v4, v5;
	[tilespmem:s1+$0x10] =	vst v11  }
0x1da: {  	v6 =	vmul.f32 v6, v5;
	[tilespmem:s1+$0xFFFFFFE0] =	vst v9  }
0x1db: {  	v8 =	vmul.f32 v8, v5;
	[tilespmem:s1+$0xFFFFFFF0] =	vst v4  }
0x1dc: {  	v4 =	vmul.f32 v7, v5;
	[tilespmem:s1+$0x20] =	vst v6  }
0x1dd: {  	[tilespmem:s1+$0x0] =	vst v8  }
0x1de: {  	s30 =	simm.s32 $0x7A00;
	[tilespmem:s1+$0xFFFFFFD0] =	vst v4  }
0x1df: {  	[spmem:s3] =	stream.indirect.scatter.add.f32 [tilespmem:s29], [sflag:$0x7], $0x80, s30, s15, $0xb8;
	[tilespmem:$0x1FC80] =	vst v63  }
0x1e0: {  	_ =	swait.ge [sflag:s28], $0x1000  }
0x1e1: {  	[sflag:s28] =	ssyncset.done $0x0  }
0x1e2: {  	[sflag:s28] =	ssyncadd.s32 $0xFFFFF000  }
0x1e3: {  	_ =	swait.ge [sflag:s11], $0x1000  }
0x1e4: {  	[sflag:s11] =	ssyncset.done $0x0  }
0x1e5: {  	s22 =	simm.s32 $0x77A0;
	[sflag:s11] =	ssyncadd.s32 $0xFFFFF000  }
0x1e6: {  	[tilespmem:s16], [sflag:$0x2] =	stream.indirect.gather [hbm4b:s2+s15], $0x80, s22, s15, $0xb8;
	[tilespmem:$0x1FC80] =	vst v63  }
0x1e7: {  	v4 =	vld [tilespmem:$0x7760]  }
0x1e8: {  	v5 =	vld [tilespmem:$0x7A80];
	_ =	sdelay $0x5  }
0x1e9: {  	s23 =	simm.s32 $0x0  }
0x1ea: {  	v4 =	vld.idx.msk [tilespmem:v4+s23+$0x0], $0xffff  }
0x1eb: {  	v6 =	vld.idx.msk [tilespmem:v5+s31+$0x0], $0xffff;
	_ =	sdelay $0x4  }
0x1ec: {  	v4 =	vadd.f32 v6, v4;
	_ =	sdelay $0x1  }
0x1ed: {  	v6 =	vmul.f32 $9.999999770e-03, v4  }
0x1ee: {  	vm0 =	vgt.f32 v4, $0.0e+00  }
0x1ef: {  	v4 =	vsel vm0, v4, v6  }
0x1f0: {  	v4 =	vmul.f32 $1.442695020e+00, v4;
	_ =	sdelay $0x1  }
0x1f1: {  	(erf) = vpow2.f32 v4;
	_ =	sdelay $0x6  }
0x1f2: {  	s22 =	sor.u32 $0x60, s4  }
0x1f3: {  	v4 =	vor.u32 s22, v0  }
0x1f4: {  	vm13 =	vlt.u32 v4, v1;
	v6 =	vpop (erf)  }
0x1f5: {  	v4 =	vnsel vm13, $0x0, v6  }
0x1f6: {  	[tilespmem:v0+s6+$0x0] =	vst.idx.msk $0xffff, v4  }
0x1f7: {  	[tilespmem:v5+s7+$0x0] =	vst.idx.add.f32.msk $0xffff, v4  }
0x1f8: {  	v4 =	vld [tilespmem:$0x7770]  }
0x1f9: {  	v5 =	vld [tilespmem:$0x7A90];
	_ =	sdelay $0x6  }
0x1fa: {  	v4 =	vld.idx.msk [tilespmem:v4+s23+$0x0], $0xffff  }
0x1fb: {  	v6 =	vld.idx.msk [tilespmem:v5+s31+$0x0], $0xffff;
	_ =	sdelay $0x4  }
0x1fc: {  	v4 =	vadd.f32 v6, v4;
	_ =	sdelay $0x1  }
0x1fd: {  	v6 =	vmul.f32 $9.999999770e-03, v4  }
0x1fe: {  	vm14 =	vgt.f32 v4, $0.0e+00  }
0x1ff: {  	v4 =	vsel vm14, v4, v6  }
0x200: {  	v4 =	vmul.f32 $1.442695020e+00, v4;
	_ =	sdelay $0x1  }
0x201: {  	(erf) = vpow2.f32 v4;
	_ =	sdelay $0x6  }
0x202: {  	s30 =	sor.u32 $0x70, s4  }
0x203: {  	v4 =	vor.u32 s30, v0  }
0x204: {  	vm15 =	vlt.u32 v4, v1;
	v6 =	vpop (erf)  }
0x205: {  	v4 =	vnsel vm15, $0x0, v6  }
0x206: {  	v6 =	vmov s23;
	[tilespmem:v3+s6+$0x0] =	vst.idx.msk $0xffff, v4  }
0x207: {  	s1 =	simm.s32 $0xB140;
	[tilespmem:v5+s7+$0x0] =	vst.idx.add.f32.msk $0xffff, v4  }
0x208: {  	v8 =	vld [tilespmem:s1+$0x30]  }
0x209: {  	v11 =	vld [tilespmem:s1+$0x10]  }
0x20a: {  	v9 =	vld [tilespmem:s1+$0xFFFFFFC0]  }
0x20b: {  	v5 =	vld.idx.msk [tilespmem:v6+s6+$0x0], $0xffff  }
0x20c: {  	v13 =	vld [tilespmem:s1+$0xFFFFFFE0]  }
0x20d: {  	v4 =	vld [tilespmem:s1+$0xFFFFFFF0]  }
0x20e: {  	v7 =	vld [tilespmem:s1+$0xFFFFFFD0]  }
0x20f: {  	v6 =	vld [tilespmem:s1+$0x20]  }
0x210: {  	v12 =	vmul.f32 v8, v5;
	v8 =	vld [tilespmem:s1+$0x0]  }
0x211: {  	v10 =	vmul.f32 v9, v5  }
0x212: {  	s22 =	simm.s32 $0x1;
	s23 =	simm.s32 $0xB140;
	v9 =	vmul.f32 v13, v5;
	v11 =	vmul.f32 v11, v5  }
.LBB2_16:
0x213: {  	p4 =	sne.s32 s22, $0x1F  }
0x214: {  	v7 =	vmul.f32 v7, v5;
	v6 =	vmul.f32 v6, v5;
	[tilespmem:s1+$0x30] =	vst v12;
	s23 =	sadd.s32 $0x80, s23;
	s30 =	smov.u32 s22;
	s22 =	sadd.s32 $0x1, s22  }
0x215: {  	[tilespmem:s1+$0xFFFFFFC0] =	vst v10;
	v10 =	vmul.f32 v4, v5;
	v5 =	vmul.f32 v8, v5  }
0x216: {  	[tilespmem:s1+$0x10] =	vst v11  }
0x217: {  	v8 =	vmov s30;
	[tilespmem:s1+$0xFFFFFFE0] =	vst v9  }
0x218: {  	v4 =	vld [tilespmem:s23+$0xFFFFFFF0];
	[tilespmem:s1+$0xFFFFFFF0] =	vst v10  }
0x219: {  	v9 =	vld [tilespmem:s23+$0x30];
	[tilespmem:s1+$0x0] =	vst v5  }
0x21a: {  	v11 =	vld [tilespmem:s23+$0x10];
	[tilespmem:s1+$0x20] =	vst v6  }
0x21b: {  	v10 =	vld [tilespmem:s23+$0xFFFFFFC0];
	[tilespmem:s1+$0xFFFFFFD0] =	vst v7;
	s1 =	smov.u32 s23  }
0x21c: {  	v5 =	vld.idx.msk [tilespmem:v8+s6+$0x0], $0xffff  }
0x21d: {  	v13 =	vld [tilespmem:s23+$0xFFFFFFE0]  }
0x21e: {  	v6 =	vld [tilespmem:s23+$0x20]  }
.Ltmp7:
0x21f: {  	v7 =	vld [tilespmem:s23+$0xFFFFFFD0];
	(pc) =	sbr.rel @p4 .LBB2_16-.Ltmp7, $3  }
0x220: {  	v8 =	vld [tilespmem:s23+$0x0];
	_ =	sdelay $0x1  }
0x221: {  	v10 =	vmul.f32 v10, v5;
	v12 =	vmul.f32 v9, v5  }
0x222: {  	v11 =	vmul.f32 v11, v5;
	v9 =	vmul.f32 v13, v5  }
0x223: {  	[tilespmem:s1+$0x30] =	vst v12  }
0x224: {  	[tilespmem:s1+$0xFFFFFFC0] =	vst v10  }
0x225: {  	v4 =	vmul.f32 v4, v5;
	[tilespmem:s1+$0x10] =	vst v11  }
0x226: {  	v6 =	vmul.f32 v6, v5;
	[tilespmem:s1+$0xFFFFFFE0] =	vst v9  }
0x227: {  	v8 =	vmul.f32 v8, v5;
	[tilespmem:s1+$0xFFFFFFF0] =	vst v4  }
0x228: {  	v4 =	vmul.f32 v7, v5;
	[tilespmem:s1+$0x20] =	vst v6  }
0x229: {  	[tilespmem:s1+$0x0] =	vst v8  }
0x22a: {  	s30 =	simm.s32 $0x7A80;
	[tilespmem:s1+$0xFFFFFFD0] =	vst v4  }
0x22b: {  	[spmem:s3] =	stream.indirect.scatter.add.f32 [tilespmem:s19], [sflag:$0x8], $0x80, s30, s15, $0xb8;
	[tilespmem:$0x1FC80] =	vst v63  }
0x22c: {  	_ =	swait.ge [sflag:s25], $0x1000  }
0x22d: {  	[sflag:s25] =	ssyncset.done $0x0  }
0x22e: {  	[sflag:s25] =	ssyncadd.s32 $0xFFFFF000  }
0x22f: {  	_ =	swait.ge [sflag:s26], $0x1000  }
0x230: {  	[sflag:s26] =	ssyncset.done $0x0  }
0x231: {  	s22 =	simm.s32 $0x77C0;
	[sflag:s26] =	ssyncadd.s32 $0xFFFFF000  }
0x232: {  	[tilespmem:s29], [sflag:$0x3] =	stream.indirect.gather [hbm4b:s2+s15], $0x80, s22, s15, $0xb8;
	[tilespmem:$0x1FC80] =	vst v63  }
0x233: {  	v4 =	vld [tilespmem:$0x7780]  }
0x234: {  	v5 =	vld [tilespmem:$0x7B00];
	_ =	sdelay $0x5  }
0x235: {  	s23 =	simm.s32 $0x0  }
0x236: {  	v4 =	vld.idx.msk [tilespmem:v4+s23+$0x0], $0xffff  }
0x237: {  	v6 =	vld.idx.msk [tilespmem:v5+s31+$0x0], $0xffff;
	_ =	sdelay $0x4  }
0x238: {  	v4 =	vadd.f32 v6, v4;
	_ =	sdelay $0x1  }
0x239: {  	v6 =	vmul.f32 $9.999999770e-03, v4  }
0x23a: {  	vm0 =	vgt.f32 v4, $0.0e+00  }
0x23b: {  	v4 =	vsel vm0, v4, v6  }
0x23c: {  	v4 =	vmul.f32 $1.442695020e+00, v4;
	_ =	sdelay $0x1  }
0x23d: {  	(erf) = vpow2.f32 v4;
	_ =	sdelay $0x6  }
0x23e: {  	s22 =	sor.u32 $0x80, s4  }
0x23f: {  	v4 =	vor.u32 s22, v0  }
0x240: {  	vm13 =	vlt.u32 v4, v1;
	v6 =	vpop (erf)  }
0x241: {  	v4 =	vnsel vm13, $0x0, v6  }
0x242: {  	[tilespmem:v0+s6+$0x0] =	vst.idx.msk $0xffff, v4  }
0x243: {  	[tilespmem:v5+s7+$0x0] =	vst.idx.add.f32.msk $0xffff, v4  }
0x244: {  	v4 =	vld [tilespmem:$0x7790]  }
0x245: {  	v5 =	vld [tilespmem:$0x7B10];
	_ =	sdelay $0x6  }
0x246: {  	v4 =	vld.idx.msk [tilespmem:v4+s23+$0x0], $0xffff  }
0x247: {  	v6 =	vld.idx.msk [tilespmem:v5+s31+$0x0], $0xffff;
	_ =	sdelay $0x4  }
0x248: {  	v4 =	vadd.f32 v6, v4;
	_ =	sdelay $0x1  }
0x249: {  	v6 =	vmul.f32 $9.999999770e-03, v4  }
0x24a: {  	vm14 =	vgt.f32 v4, $0.0e+00  }
0x24b: {  	v4 =	vsel vm14, v4, v6  }
0x24c: {  	v4 =	vmul.f32 $1.442695020e+00, v4;
	_ =	sdelay $0x1  }
0x24d: {  	(erf) = vpow2.f32 v4;
	_ =	sdelay $0x6  }
0x24e: {  	s30 =	sor.u32 $0x90, s4  }
0x24f: {  	v4 =	vor.u32 s30, v0  }
0x250: {  	vm15 =	vlt.u32 v4, v1;
	v6 =	vpop (erf)  }
0x251: {  	v4 =	vnsel vm15, $0x0, v6  }
0x252: {  	v6 =	vmov s23;
	[tilespmem:v3+s6+$0x0] =	vst.idx.msk $0xffff, v4  }
0x253: {  	s1 =	simm.s32 $0x8140;
	[tilespmem:v5+s7+$0x0] =	vst.idx.add.f32.msk $0xffff, v4  }
0x254: {  	v8 =	vld [tilespmem:s1+$0x30]  }
0x255: {  	v11 =	vld [tilespmem:s1+$0x10]  }
0x256: {  	v9 =	vld [tilespmem:s1+$0xFFFFFFC0]  }
0x257: {  	v5 =	vld.idx.msk [tilespmem:v6+s6+$0x0], $0xffff  }
0x258: {  	v13 =	vld [tilespmem:s1+$0xFFFFFFE0]  }
0x259: {  	v4 =	vld [tilespmem:s1+$0xFFFFFFF0]  }
0x25a: {  	v7 =	vld [tilespmem:s1+$0xFFFFFFD0]  }
0x25b: {  	v6 =	vld [tilespmem:s1+$0x20]  }
0x25c: {  	v12 =	vmul.f32 v8, v5;
	v8 =	vld [tilespmem:s1+$0x0]  }
0x25d: {  	v10 =	vmul.f32 v9, v5  }
0x25e: {  	s22 =	simm.s32 $0x1;
	s23 =	simm.s32 $0x8140;
	v9 =	vmul.f32 v13, v5;
	v11 =	vmul.f32 v11, v5  }
.LBB2_18:
0x25f: {  	p4 =	sne.s32 s22, $0x1F  }
0x260: {  	v7 =	vmul.f32 v7, v5;
	v6 =	vmul.f32 v6, v5;
	[tilespmem:s1+$0x30] =	vst v12;
	s23 =	sadd.s32 $0x80, s23;
	s30 =	smov.u32 s22;
	s22 =	sadd.s32 $0x1, s22  }
0x261: {  	[tilespmem:s1+$0xFFFFFFC0] =	vst v10;
	v10 =	vmul.f32 v4, v5;
	v5 =	vmul.f32 v8, v5  }
0x262: {  	[tilespmem:s1+$0x10] =	vst v11  }
0x263: {  	v8 =	vmov s30;
	[tilespmem:s1+$0xFFFFFFE0] =	vst v9  }
0x264: {  	v4 =	vld [tilespmem:s23+$0xFFFFFFF0];
	[tilespmem:s1+$0xFFFFFFF0] =	vst v10  }
0x265: {  	v9 =	vld [tilespmem:s23+$0x30];
	[tilespmem:s1+$0x0] =	vst v5  }
0x266: {  	v11 =	vld [tilespmem:s23+$0x10];
	[tilespmem:s1+$0x20] =	vst v6  }
0x267: {  	v10 =	vld [tilespmem:s23+$0xFFFFFFC0];
	[tilespmem:s1+$0xFFFFFFD0] =	vst v7;
	s1 =	smov.u32 s23  }
0x268: {  	v5 =	vld.idx.msk [tilespmem:v8+s6+$0x0], $0xffff  }
0x269: {  	v13 =	vld [tilespmem:s23+$0xFFFFFFE0]  }
0x26a: {  	v6 =	vld [tilespmem:s23+$0x20]  }
.Ltmp8:
0x26b: {  	v7 =	vld [tilespmem:s23+$0xFFFFFFD0];
	(pc) =	sbr.rel @p4 .LBB2_18-.Ltmp8, $3  }
0x26c: {  	v8 =	vld [tilespmem:s23+$0x0];
	_ =	sdelay $0x1  }
0x26d: {  	v10 =	vmul.f32 v10, v5;
	v12 =	vmul.f32 v9, v5  }
0x26e: {  	v11 =	vmul.f32 v11, v5;
	v9 =	vmul.f32 v13, v5  }
0x26f: {  	[tilespmem:s1+$0x30] =	vst v12  }
0x270: {  	[tilespmem:s1+$0xFFFFFFC0] =	vst v10  }
0x271: {  	v4 =	vmul.f32 v4, v5;
	[tilespmem:s1+$0x10] =	vst v11  }
0x272: {  	v6 =	vmul.f32 v6, v5;
	[tilespmem:s1+$0xFFFFFFE0] =	vst v9  }
0x273: {  	v8 =	vmul.f32 v8, v5;
	[tilespmem:s1+$0xFFFFFFF0] =	vst v4  }
0x274: {  	v4 =	vmul.f32 v7, v5;
	[tilespmem:s1+$0x20] =	vst v6  }
0x275: {  	[tilespmem:s1+$0x0] =	vst v8  }
0x276: {  	s30 =	simm.s32 $0x7B00;
	[tilespmem:s1+$0xFFFFFFD0] =	vst v4  }
0x277: {  	[spmem:s3] =	stream.indirect.scatter.add.f32 [tilespmem:s0], [sflag:$0x5], $0x80, s30, s15, $0xb8;
	[tilespmem:$0x1FC80] =	vst v63  }
0x278: {  	_ =	swait.ge [sflag:s8], $0x1000  }
0x279: {  	[sflag:s8] =	ssyncset.done $0x0  }
0x27a: {  	[sflag:s8] =	ssyncadd.s32 $0xFFFFF000  }
0x27b: {  	_ =	swait.ge [sflag:s5], $0x1000  }
0x27c: {  	[sflag:s5] =	ssyncset.done $0x0  }
0x27d: {  	s22 =	simm.s32 $0x77E0;
	[sflag:s5] =	ssyncadd.s32 $0xFFFFF000  }
0x27e: {  	[tilespmem:s19], [sflag:$0x4] =	stream.indirect.gather [hbm4b:s2+s15], $0x80, s22, s15, $0xb8;
	[tilespmem:$0x1FC80] =	vst v63  }
0x27f: {  	v4 =	vld [tilespmem:$0x77A0]  }
0x280: {  	v5 =	vld [tilespmem:$0x7B80];
	_ =	sdelay $0x5  }
0x281: {  	s23 =	simm.s32 $0x0  }
0x282: {  	v4 =	vld.idx.msk [tilespmem:v4+s23+$0x0], $0xffff  }
0x283: {  	v6 =	vld.idx.msk [tilespmem:v5+s31+$0x0], $0xffff;
	_ =	sdelay $0x4  }
0x284: {  	v4 =	vadd.f32 v6, v4;
	_ =	sdelay $0x1  }
0x285: {  	v6 =	vmul.f32 $9.999999770e-03, v4  }
0x286: {  	vm0 =	vgt.f32 v4, $0.0e+00  }
0x287: {  	v4 =	vsel vm0, v4, v6  }
0x288: {  	v4 =	vmul.f32 $1.442695020e+00, v4;
	_ =	sdelay $0x1  }
0x289: {  	(erf) = vpow2.f32 v4;
	_ =	sdelay $0x6  }
0x28a: {  	s22 =	sor.u32 $0xA0, s4  }
0x28b: {  	v4 =	vor.u32 s22, v0  }
0x28c: {  	vm13 =	vlt.u32 v4, v1;
	v6 =	vpop (erf)  }
0x28d: {  	v4 =	vnsel vm13, $0x0, v6  }
0x28e: {  	[tilespmem:v0+s6+$0x0] =	vst.idx.msk $0xffff, v4  }
0x28f: {  	[tilespmem:v5+s7+$0x0] =	vst.idx.add.f32.msk $0xffff, v4  }
0x290: {  	v4 =	vld [tilespmem:$0x77B0]  }
0x291: {  	v5 =	vld [tilespmem:$0x7B90];
	_ =	sdelay $0x6  }
0x292: {  	v4 =	vld.idx.msk [tilespmem:v4+s23+$0x0], $0xffff  }
0x293: {  	v6 =	vld.idx.msk [tilespmem:v5+s31+$0x0], $0xffff;
	_ =	sdelay $0x4  }
0x294: {  	v4 =	vadd.f32 v6, v4;
	_ =	sdelay $0x1  }
0x295: {  	v6 =	vmul.f32 $9.999999770e-03, v4  }
0x296: {  	vm14 =	vgt.f32 v4, $0.0e+00  }
0x297: {  	v4 =	vsel vm14, v4, v6  }
0x298: {  	v4 =	vmul.f32 $1.442695020e+00, v4;
	_ =	sdelay $0x1  }
0x299: {  	(erf) = vpow2.f32 v4;
	_ =	sdelay $0x6  }
0x29a: {  	s30 =	sor.u32 $0xB0, s4  }
0x29b: {  	v4 =	vor.u32 s30, v0  }
0x29c: {  	vm15 =	vlt.u32 v4, v1;
	v6 =	vpop (erf)  }
0x29d: {  	v4 =	vnsel vm15, $0x0, v6  }
0x29e: {  	v6 =	vmov s23;
	[tilespmem:v3+s6+$0x0] =	vst.idx.msk $0xffff, v4  }
0x29f: {  	s1 =	simm.s32 $0x9140;
	[tilespmem:v5+s7+$0x0] =	vst.idx.add.f32.msk $0xffff, v4  }
0x2a0: {  	v8 =	vld [tilespmem:s1+$0x30]  }
0x2a1: {  	v11 =	vld [tilespmem:s1+$0x10]  }
0x2a2: {  	v9 =	vld [tilespmem:s1+$0xFFFFFFC0]  }
0x2a3: {  	v5 =	vld.idx.msk [tilespmem:v6+s6+$0x0], $0xffff  }
0x2a4: {  	v13 =	vld [tilespmem:s1+$0xFFFFFFE0]  }
0x2a5: {  	v4 =	vld [tilespmem:s1+$0xFFFFFFF0]  }
0x2a6: {  	v7 =	vld [tilespmem:s1+$0xFFFFFFD0]  }
0x2a7: {  	v6 =	vld [tilespmem:s1+$0x20]  }
0x2a8: {  	v12 =	vmul.f32 v8, v5;
	v8 =	vld [tilespmem:s1+$0x0]  }
0x2a9: {  	v10 =	vmul.f32 v9, v5  }
0x2aa: {  	s22 =	simm.s32 $0x1;
	s23 =	simm.s32 $0x9140;
	v9 =	vmul.f32 v13, v5;
	v11 =	vmul.f32 v11, v5  }
.LBB2_20:
0x2ab: {  	p4 =	sne.s32 s22, $0x1F  }
0x2ac: {  	v7 =	vmul.f32 v7, v5;
	v6 =	vmul.f32 v6, v5;
	[tilespmem:s1+$0x30] =	vst v12;
	s23 =	sadd.s32 $0x80, s23;
	s30 =	smov.u32 s22;
	s22 =	sadd.s32 $0x1, s22  }
0x2ad: {  	[tilespmem:s1+$0xFFFFFFC0] =	vst v10;
	v10 =	vmul.f32 v4, v5;
	v5 =	vmul.f32 v8, v5  }
0x2ae: {  	[tilespmem:s1+$0x10] =	vst v11  }
0x2af: {  	v8 =	vmov s30;
	[tilespmem:s1+$0xFFFFFFE0] =	vst v9  }
0x2b0: {  	v4 =	vld [tilespmem:s23+$0xFFFFFFF0];
	[tilespmem:s1+$0xFFFFFFF0] =	vst v10  }
0x2b1: {  	v9 =	vld [tilespmem:s23+$0x30];
	[tilespmem:s1+$0x0] =	vst v5  }
0x2b2: {  	v11 =	vld [tilespmem:s23+$0x10];
	[tilespmem:s1+$0x20] =	vst v6  }
0x2b3: {  	v10 =	vld [tilespmem:s23+$0xFFFFFFC0];
	[tilespmem:s1+$0xFFFFFFD0] =	vst v7;
	s1 =	smov.u32 s23  }
0x2b4: {  	v5 =	vld.idx.msk [tilespmem:v8+s6+$0x0], $0xffff  }
0x2b5: {  	v13 =	vld [tilespmem:s23+$0xFFFFFFE0]  }
0x2b6: {  	v6 =	vld [tilespmem:s23+$0x20]  }
.Ltmp9:
0x2b7: {  	v7 =	vld [tilespmem:s23+$0xFFFFFFD0];
	(pc) =	sbr.rel @p4 .LBB2_20-.Ltmp9, $3  }
0x2b8: {  	v8 =	vld [tilespmem:s23+$0x0];
	_ =	sdelay $0x1  }
0x2b9: {  	v10 =	vmul.f32 v10, v5;
	v12 =	vmul.f32 v9, v5  }
0x2ba: {  	v11 =	vmul.f32 v11, v5;
	v9 =	vmul.f32 v13, v5  }
0x2bb: {  	[tilespmem:s1+$0x30] =	vst v12  }
0x2bc: {  	[tilespmem:s1+$0xFFFFFFC0] =	vst v10  }
0x2bd: {  	v4 =	vmul.f32 v4, v5;
	[tilespmem:s1+$0x10] =	vst v11  }
0x2be: {  	v6 =	vmul.f32 v6, v5;
	[tilespmem:s1+$0xFFFFFFE0] =	vst v9  }
0x2bf: {  	v8 =	vmul.f32 v8, v5;
	[tilespmem:s1+$0xFFFFFFF0] =	vst v4  }
0x2c0: {  	v4 =	vmul.f32 v7, v5;
	[tilespmem:s1+$0x20] =	vst v6  }
0x2c1: {  	[tilespmem:s1+$0x0] =	vst v8  }
0x2c2: {  	s30 =	simm.s32 $0x7B80;
	[tilespmem:s1+$0xFFFFFFD0] =	vst v4  }
0x2c3: {  	[spmem:s3] =	stream.indirect.scatter.add.f32 [tilespmem:s16], [sflag:$0x6], $0x80, s30, s15, $0xb8;
	[tilespmem:$0x1FC80] =	vst v63  }
0x2c4: {  	_ =	swait.ge [sflag:s21], $0x1000  }
0x2c5: {  	[sflag:s21] =	ssyncset.done $0x0  }
0x2c6: {  	[sflag:s21] =	ssyncadd.s32 $0xFFFFF000  }
0x2c7: {  	_ =	swait.ge [sflag:s14], $0x100  }
0x2c8: {  	[sflag:s14] =	ssyncset.done $0x0  }
0x2c9: {  	[sflag:s14] =	ssyncadd.s32 $0xFFFFFF00  }
0x2ca: {  	_ =	swait.ge [sflag:s14], $0x400  }
0x2cb: {  	[sflag:s14] =	ssyncset.done $0x0  }
0x2cc: {  	[sflag:s14] =	ssyncadd.s32 $0xFFFFFC00  }
0x2cd: {  	_ =	swait.ge [sflag:s24], $0x1000  }
0x2ce: {  	[sflag:s24] =	ssyncset.done $0x0  }
0x2cf: {  	s22 =	simm.s32 $0x7800;
	[sflag:s24] =	ssyncadd.s32 $0xFFFFF000  }
0x2d0: {  	[tilespmem:s0], [sflag:$0x1] =	stream.indirect.gather [hbm4b:s2+s15], $0x80, s22, s15, $0xb8;
	[tilespmem:$0x1FC80] =	vst v63  }
0x2d1: {  	v4 =	vld [tilespmem:$0x77C0]  }
0x2d2: {  	v5 =	vld [tilespmem:$0x7C00];
	_ =	sdelay $0x5  }
0x2d3: {  	s23 =	simm.s32 $0x0  }
0x2d4: {  	v4 =	vld.idx.msk [tilespmem:v4+s23+$0x0], $0xffff  }
0x2d5: {  	v6 =	vld.idx.msk [tilespmem:v5+s31+$0x0], $0xffff;
	_ =	sdelay $0x4  }
0x2d6: {  	v4 =	vadd.f32 v6, v4;
	_ =	sdelay $0x1  }
0x2d7: {  	v6 =	vmul.f32 $9.999999770e-03, v4  }
0x2d8: {  	vm0 =	vgt.f32 v4, $0.0e+00  }
0x2d9: {  	v4 =	vsel vm0, v4, v6  }
0x2da: {  	v4 =	vmul.f32 $1.442695020e+00, v4;
	_ =	sdelay $0x1  }
0x2db: {  	(erf) = vpow2.f32 v4;
	_ =	sdelay $0x6  }
0x2dc: {  	s22 =	sor.u32 $0xC0, s4  }
0x2dd: {  	v4 =	vor.u32 s22, v0  }
0x2de: {  	vm13 =	vlt.u32 v4, v1;
	v6 =	vpop (erf)  }
0x2df: {  	v4 =	vnsel vm13, $0x0, v6  }
0x2e0: {  	[tilespmem:v0+s6+$0x0] =	vst.idx.msk $0xffff, v4  }
0x2e1: {  	[tilespmem:v5+s7+$0x0] =	vst.idx.add.f32.msk $0xffff, v4  }
0x2e2: {  	v4 =	vld [tilespmem:$0x77D0]  }
0x2e3: {  	v5 =	vld [tilespmem:$0x7C10];
	_ =	sdelay $0x6  }
0x2e4: {  	v4 =	vld.idx.msk [tilespmem:v4+s23+$0x0], $0xffff  }
0x2e5: {  	v6 =	vld.idx.msk [tilespmem:v5+s31+$0x0], $0xffff;
	_ =	sdelay $0x4  }
0x2e6: {  	v4 =	vadd.f32 v6, v4;
	_ =	sdelay $0x1  }
0x2e7: {  	v6 =	vmul.f32 $9.999999770e-03, v4  }
0x2e8: {  	vm14 =	vgt.f32 v4, $0.0e+00  }
0x2e9: {  	v4 =	vsel vm14, v4, v6  }
0x2ea: {  	v4 =	vmul.f32 $1.442695020e+00, v4;
	_ =	sdelay $0x1  }
0x2eb: {  	(erf) = vpow2.f32 v4;
	_ =	sdelay $0x6  }
0x2ec: {  	s30 =	sor.u32 $0xD0, s4  }
0x2ed: {  	v4 =	vor.u32 s30, v0  }
0x2ee: {  	vm15 =	vlt.u32 v4, v1;
	v6 =	vpop (erf)  }
0x2ef: {  	v4 =	vnsel vm15, $0x0, v6  }
0x2f0: {  	v6 =	vmov s23;
	[tilespmem:v3+s6+$0x0] =	vst.idx.msk $0xffff, v4  }
0x2f1: {  	s1 =	simm.s32 $0xA140;
	[tilespmem:v5+s7+$0x0] =	vst.idx.add.f32.msk $0xffff, v4  }
0x2f2: {  	v8 =	vld [tilespmem:s1+$0x30]  }
0x2f3: {  	v11 =	vld [tilespmem:s1+$0x10]  }
0x2f4: {  	v9 =	vld [tilespmem:s1+$0xFFFFFFC0]  }
0x2f5: {  	v5 =	vld.idx.msk [tilespmem:v6+s6+$0x0], $0xffff  }
0x2f6: {  	v13 =	vld [tilespmem:s1+$0xFFFFFFE0]  }
0x2f7: {  	v4 =	vld [tilespmem:s1+$0xFFFFFFF0]  }
0x2f8: {  	v7 =	vld [tilespmem:s1+$0xFFFFFFD0]  }
0x2f9: {  	v6 =	vld [tilespmem:s1+$0x20]  }
0x2fa: {  	v12 =	vmul.f32 v8, v5;
	v8 =	vld [tilespmem:s1+$0x0]  }
0x2fb: {  	v10 =	vmul.f32 v9, v5  }
0x2fc: {  	s22 =	simm.s32 $0x1;
	s23 =	simm.s32 $0xA140;
	v9 =	vmul.f32 v13, v5;
	v11 =	vmul.f32 v11, v5  }
.LBB2_22:
0x2fd: {  	p4 =	sne.s32 s22, $0x1F  }
0x2fe: {  	v7 =	vmul.f32 v7, v5;
	v6 =	vmul.f32 v6, v5;
	[tilespmem:s1+$0x30] =	vst v12;
	s23 =	sadd.s32 $0x80, s23;
	s30 =	smov.u32 s22;
	s22 =	sadd.s32 $0x1, s22  }
0x2ff: {  	[tilespmem:s1+$0xFFFFFFC0] =	vst v10;
	v10 =	vmul.f32 v4, v5;
	v5 =	vmul.f32 v8, v5  }
0x300: {  	[tilespmem:s1+$0x10] =	vst v11  }
0x301: {  	v8 =	vmov s30;
	[tilespmem:s1+$0xFFFFFFE0] =	vst v9  }
0x302: {  	v4 =	vld [tilespmem:s23+$0xFFFFFFF0];
	[tilespmem:s1+$0xFFFFFFF0] =	vst v10  }
0x303: {  	v9 =	vld [tilespmem:s23+$0x30];
	[tilespmem:s1+$0x0] =	vst v5  }
0x304: {  	v11 =	vld [tilespmem:s23+$0x10];
	[tilespmem:s1+$0x20] =	vst v6  }
0x305: {  	v10 =	vld [tilespmem:s23+$0xFFFFFFC0];
	[tilespmem:s1+$0xFFFFFFD0] =	vst v7;
	s1 =	smov.u32 s23  }
0x306: {  	v5 =	vld.idx.msk [tilespmem:v8+s6+$0x0], $0xffff  }
0x307: {  	v13 =	vld [tilespmem:s23+$0xFFFFFFE0]  }
0x308: {  	v6 =	vld [tilespmem:s23+$0x20]  }
.Ltmp10:
0x309: {  	v7 =	vld [tilespmem:s23+$0xFFFFFFD0];
	(pc) =	sbr.rel @p4 .LBB2_22-.Ltmp10, $3  }
0x30a: {  	v8 =	vld [tilespmem:s23+$0x0];
	_ =	sdelay $0x1  }
0x30b: {  	v10 =	vmul.f32 v10, v5;
	v12 =	vmul.f32 v9, v5  }
0x30c: {  	v11 =	vmul.f32 v11, v5;
	v9 =	vmul.f32 v13, v5  }
0x30d: {  	[tilespmem:s1+$0x30] =	vst v12  }
0x30e: {  	[tilespmem:s1+$0xFFFFFFC0] =	vst v10  }
0x30f: {  	v4 =	vmul.f32 v4, v5;
	[tilespmem:s1+$0x10] =	vst v11  }
0x310: {  	v6 =	vmul.f32 v6, v5;
	[tilespmem:s1+$0xFFFFFFE0] =	vst v9  }
0x311: {  	v8 =	vmul.f32 v8, v5;
	[tilespmem:s1+$0xFFFFFFF0] =	vst v4  }
0x312: {  	v4 =	vmul.f32 v7, v5;
	[tilespmem:s1+$0x20] =	vst v6  }
0x313: {  	[tilespmem:s1+$0x0] =	vst v8  }
0x314: {  	s30 =	simm.s32 $0x7C00;
	[tilespmem:s1+$0xFFFFFFD0] =	vst v4  }
0x315: {  	[spmem:s3] =	stream.indirect.scatter.add.f32 [tilespmem:s29], [sflag:$0x7], $0x80, s30, s15, $0xb8;
	[tilespmem:$0x1FC80] =	vst v63  }
0x316: {  	_ =	swait.ge [sflag:s28], $0x1000  }
0x317: {  	[sflag:s28] =	ssyncset.done $0x0  }
0x318: {  	[sflag:s28] =	ssyncadd.s32 $0xFFFFF000  }
0x319: {  	_ =	swait.ge [sflag:s11], $0x1000  }
0x31a: {  	[sflag:s11] =	ssyncset.done $0x0  }
0x31b: {  	s22 =	simm.s32 $0x7820;
	[sflag:s11] =	ssyncadd.s32 $0xFFFFF000  }
0x31c: {  	[tilespmem:s16], [sflag:$0x2] =	stream.indirect.gather [hbm4b:s2+s15], $0x80, s22, s15, $0xb8;
	[tilespmem:$0x1FC80] =	vst v63  }
0x31d: {  	v4 =	vld [tilespmem:$0x77E0]  }
0x31e: {  	v5 =	vld [tilespmem:$0x7C80];
	_ =	sdelay $0x5  }
0x31f: {  	s23 =	simm.s32 $0x0  }
0x320: {  	v4 =	vld.idx.msk [tilespmem:v4+s23+$0x0], $0xffff  }
0x321: {  	v6 =	vld.idx.msk [tilespmem:v5+s31+$0x0], $0xffff;
	_ =	sdelay $0x4  }
0x322: {  	v4 =	vadd.f32 v6, v4;
	_ =	sdelay $0x1  }
0x323: {  	v6 =	vmul.f32 $9.999999770e-03, v4  }
0x324: {  	vm0 =	vgt.f32 v4, $0.0e+00  }
0x325: {  	v4 =	vsel vm0, v4, v6  }
0x326: {  	v4 =	vmul.f32 $1.442695020e+00, v4;
	_ =	sdelay $0x1  }
0x327: {  	(erf) = vpow2.f32 v4;
	_ =	sdelay $0x6  }
0x328: {  	s22 =	sor.u32 $0xE0, s4  }
0x329: {  	v4 =	vor.u32 s22, v0  }
0x32a: {  	vm13 =	vlt.u32 v4, v1;
	v6 =	vpop (erf)  }
0x32b: {  	v4 =	vnsel vm13, $0x0, v6  }
0x32c: {  	[tilespmem:v0+s6+$0x0] =	vst.idx.msk $0xffff, v4  }
0x32d: {  	[tilespmem:v5+s7+$0x0] =	vst.idx.add.f32.msk $0xffff, v4  }
0x32e: {  	v4 =	vld [tilespmem:$0x77F0]  }
0x32f: {  	v5 =	vld [tilespmem:$0x7C90];
	_ =	sdelay $0x6  }
0x330: {  	v4 =	vld.idx.msk [tilespmem:v4+s23+$0x0], $0xffff  }
0x331: {  	v6 =	vld.idx.msk [tilespmem:v5+s31+$0x0], $0xffff;
	_ =	sdelay $0x4  }
0x332: {  	v4 =	vadd.f32 v6, v4;
	_ =	sdelay $0x1  }
0x333: {  	v6 =	vmul.f32 $9.999999770e-03, v4  }
0x334: {  	vm14 =	vgt.f32 v4, $0.0e+00  }
0x335: {  	v4 =	vsel vm14, v4, v6  }
0x336: {  	v4 =	vmul.f32 $1.442695020e+00, v4;
	_ =	sdelay $0x1  }
0x337: {  	(erf) = vpow2.f32 v4;
	_ =	sdelay $0x6  }
0x338: {  	s30 =	sor.u32 $0xF0, s4  }
0x339: {  	v4 =	vor.u32 s30, v0  }
0x33a: {  	vm15 =	vlt.u32 v4, v1;
	v6 =	vpop (erf)  }
0x33b: {  	v4 =	vnsel vm15, $0x0, v6  }
0x33c: {  	v6 =	vmov s23;
	[tilespmem:v3+s6+$0x0] =	vst.idx.msk $0xffff, v4  }
0x33d: {  	s1 =	simm.s32 $0xB140;
	[tilespmem:v5+s7+$0x0] =	vst.idx.add.f32.msk $0xffff, v4  }
0x33e: {  	v8 =	vld [tilespmem:s1+$0x30]  }
0x33f: {  	v11 =	vld [tilespmem:s1+$0x10]  }
0x340: {  	v9 =	vld [tilespmem:s1+$0xFFFFFFC0]  }
0x341: {  	v5 =	vld.idx.msk [tilespmem:v6+s6+$0x0], $0xffff  }
0x342: {  	v13 =	vld [tilespmem:s1+$0xFFFFFFE0]  }
0x343: {  	v4 =	vld [tilespmem:s1+$0xFFFFFFF0]  }
0x344: {  	v7 =	vld [tilespmem:s1+$0xFFFFFFD0]  }
0x345: {  	v6 =	vld [tilespmem:s1+$0x20]  }
0x346: {  	v12 =	vmul.f32 v8, v5;
	v8 =	vld [tilespmem:s1+$0x0]  }
0x347: {  	v10 =	vmul.f32 v9, v5  }
0x348: {  	s22 =	simm.s32 $0x1;
	s23 =	simm.s32 $0xB140;
	v9 =	vmul.f32 v13, v5;
	v11 =	vmul.f32 v11, v5  }
.LBB2_24:
0x349: {  	p4 =	sne.s32 s22, $0x1F  }
0x34a: {  	v7 =	vmul.f32 v7, v5;
	v6 =	vmul.f32 v6, v5;
	[tilespmem:s1+$0x30] =	vst v12;
	s23 =	sadd.s32 $0x80, s23;
	s30 =	smov.u32 s22;
	s22 =	sadd.s32 $0x1, s22  }
0x34b: {  	[tilespmem:s1+$0xFFFFFFC0] =	vst v10;
	v10 =	vmul.f32 v4, v5;
	v5 =	vmul.f32 v8, v5  }
0x34c: {  	[tilespmem:s1+$0x10] =	vst v11  }
0x34d: {  	v8 =	vmov s30;
	[tilespmem:s1+$0xFFFFFFE0] =	vst v9  }
0x34e: {  	v4 =	vld [tilespmem:s23+$0xFFFFFFF0];
	[tilespmem:s1+$0xFFFFFFF0] =	vst v10  }
0x34f: {  	v9 =	vld [tilespmem:s23+$0x30];
	[tilespmem:s1+$0x0] =	vst v5  }
0x350: {  	v11 =	vld [tilespmem:s23+$0x10];
	[tilespmem:s1+$0x20] =	vst v6  }
0x351: {  	v10 =	vld [tilespmem:s23+$0xFFFFFFC0];
	[tilespmem:s1+$0xFFFFFFD0] =	vst v7;
	s1 =	smov.u32 s23  }
0x352: {  	v5 =	vld.idx.msk [tilespmem:v8+s6+$0x0], $0xffff  }
0x353: {  	v13 =	vld [tilespmem:s23+$0xFFFFFFE0]  }
0x354: {  	v6 =	vld [tilespmem:s23+$0x20]  }
.Ltmp11:
0x355: {  	v7 =	vld [tilespmem:s23+$0xFFFFFFD0];
	(pc) =	sbr.rel @p4 .LBB2_24-.Ltmp11, $3  }
0x356: {  	v8 =	vld [tilespmem:s23+$0x0];
	_ =	sdelay $0x1  }
0x357: {  	v10 =	vmul.f32 v10, v5;
	v12 =	vmul.f32 v9, v5  }
0x358: {  	v11 =	vmul.f32 v11, v5;
	v9 =	vmul.f32 v13, v5  }
0x359: {  	[tilespmem:s1+$0x30] =	vst v12  }
0x35a: {  	[tilespmem:s1+$0xFFFFFFC0] =	vst v10  }
0x35b: {  	v4 =	vmul.f32 v4, v5;
	[tilespmem:s1+$0x10] =	vst v11  }
0x35c: {  	v6 =	vmul.f32 v6, v5;
	[tilespmem:s1+$0xFFFFFFE0] =	vst v9  }
0x35d: {  	v8 =	vmul.f32 v8, v5;
	[tilespmem:s1+$0xFFFFFFF0] =	vst v4  }
0x35e: {  	v4 =	vmul.f32 v7, v5;
	[tilespmem:s1+$0x20] =	vst v6  }
0x35f: {  	[tilespmem:s1+$0x0] =	vst v8  }
0x360: {  	s30 =	simm.s32 $0x7C80;
	[tilespmem:s1+$0xFFFFFFD0] =	vst v4  }
0x361: {  	[spmem:s3] =	stream.indirect.scatter.add.f32 [tilespmem:s19], [sflag:$0x8], $0x80, s30, s15, $0xb8;
	[tilespmem:$0x1FC80] =	vst v63  }
0x362: {  	_ =	swait.ge [sflag:s25], $0x1000  }
0x363: {  	[sflag:s25] =	ssyncset.done $0x0  }
0x364: {  	[sflag:s25] =	ssyncadd.s32 $0xFFFFF000  }
0x365: {  	_ =	swait.ge [sflag:s26], $0x1000  }
0x366: {  	[sflag:s26] =	ssyncset.done $0x0  }
0x367: {  	s22 =	simm.s32 $0x7840;
	[sflag:s26] =	ssyncadd.s32 $0xFFFFF000  }
0x368: {  	[tilespmem:s29], [sflag:$0x3] =	stream.indirect.gather [hbm4b:s2+s15], $0x80, s22, s15, $0xb8;
	[tilespmem:$0x1FC80] =	vst v63  }
0x369: {  	v4 =	vld [tilespmem:$0x7800]  }
0x36a: {  	v5 =	vld [tilespmem:$0x7D00];
	_ =	sdelay $0x5  }
0x36b: {  	s23 =	simm.s32 $0x0  }
0x36c: {  	v4 =	vld.idx.msk [tilespmem:v4+s23+$0x0], $0xffff  }
0x36d: {  	v6 =	vld.idx.msk [tilespmem:v5+s31+$0x0], $0xffff;
	_ =	sdelay $0x4  }
0x36e: {  	v4 =	vadd.f32 v6, v4;
	_ =	sdelay $0x1  }
0x36f: {  	v6 =	vmul.f32 $9.999999770e-03, v4  }
0x370: {  	vm0 =	vgt.f32 v4, $0.0e+00  }
0x371: {  	v4 =	vsel vm0, v4, v6  }
0x372: {  	v4 =	vmul.f32 $1.442695020e+00, v4;
	_ =	sdelay $0x1  }
0x373: {  	(erf) = vpow2.f32 v4;
	_ =	sdelay $0x7  }
0x374: {  	v4 =	vor.u32 s13, v0  }
0x375: {  	vm13 =	vlt.u32 v4, v1;
	v6 =	vpop (erf)  }
0x376: {  	v4 =	vnsel vm13, $0x0, v6  }
0x377: {  	[tilespmem:v0+s6+$0x0] =	vst.idx.msk $0xffff, v4  }
0x378: {  	[tilespmem:v5+s7+$0x0] =	vst.idx.add.f32.msk $0xffff, v4  }
0x379: {  	v4 =	vld [tilespmem:$0x7810]  }
0x37a: {  	v5 =	vld [tilespmem:$0x7D10];
	_ =	sdelay $0x6  }
0x37b: {  	v4 =	vld.idx.msk [tilespmem:v4+s23+$0x0], $0xffff  }
0x37c: {  	v6 =	vld.idx.msk [tilespmem:v5+s31+$0x0], $0xffff;
	_ =	sdelay $0x4  }
0x37d: {  	v4 =	vadd.f32 v6, v4;
	_ =	sdelay $0x1  }
0x37e: {  	v6 =	vmul.f32 $9.999999770e-03, v4  }
0x37f: {  	vm14 =	vgt.f32 v4, $0.0e+00  }
0x380: {  	v4 =	vsel vm14, v4, v6  }
0x381: {  	v4 =	vmul.f32 $1.442695020e+00, v4;
	_ =	sdelay $0x1  }
0x382: {  	(erf) = vpow2.f32 v4;
	_ =	sdelay $0x6  }
0x383: {  	s30 =	sor.u32 $0x10, s13  }
0x384: {  	v4 =	vor.u32 s30, v0  }
0x385: {  	vm15 =	vlt.u32 v4, v1;
	v6 =	vpop (erf)  }
0x386: {  	v4 =	vnsel vm15, $0x0, v6  }
0x387: {  	v6 =	vmov s23;
	[tilespmem:v3+s6+$0x0] =	vst.idx.msk $0xffff, v4  }
0x388: {  	s1 =	simm.s32 $0x8140;
	[tilespmem:v5+s7+$0x0] =	vst.idx.add.f32.msk $0xffff, v4  }
0x389: {  	v8 =	vld [tilespmem:s1+$0x30]  }
0x38a: {  	v11 =	vld [tilespmem:s1+$0x10]  }
0x38b: {  	v9 =	vld [tilespmem:s1+$0xFFFFFFC0]  }
0x38c: {  	v5 =	vld.idx.msk [tilespmem:v6+s6+$0x0], $0xffff  }
0x38d: {  	v13 =	vld [tilespmem:s1+$0xFFFFFFE0]  }
0x38e: {  	v4 =	vld [tilespmem:s1+$0xFFFFFFF0]  }
0x38f: {  	v7 =	vld [tilespmem:s1+$0xFFFFFFD0]  }
0x390: {  	v6 =	vld [tilespmem:s1+$0x20]  }
0x391: {  	v12 =	vmul.f32 v8, v5;
	v8 =	vld [tilespmem:s1+$0x0]  }
0x392: {  	v10 =	vmul.f32 v9, v5  }
0x393: {  	s22 =	simm.s32 $0x8140;
	s13 =	simm.s32 $0x1;
	v9 =	vmul.f32 v13, v5;
	v11 =	vmul.f32 v11, v5  }
.LBB2_26:
0x394: {  	p4 =	sne.s32 s13, $0x1F  }
0x395: {  	v7 =	vmul.f32 v7, v5;
	v6 =	vmul.f32 v6, v5;
	[tilespmem:s1+$0x30] =	vst v12;
	s22 =	sadd.s32 $0x80, s22;
	s23 =	smov.u32 s13;
	s13 =	sadd.s32 $0x1, s13  }
0x396: {  	[tilespmem:s1+$0xFFFFFFC0] =	vst v10;
	v10 =	vmul.f32 v4, v5;
	v5 =	vmul.f32 v8, v5  }
0x397: {  	[tilespmem:s1+$0x10] =	vst v11  }
0x398: {  	v8 =	vmov s23;
	[tilespmem:s1+$0xFFFFFFE0] =	vst v9  }
0x399: {  	v4 =	vld [tilespmem:s22+$0xFFFFFFF0];
	[tilespmem:s1+$0xFFFFFFF0] =	vst v10  }
0x39a: {  	v9 =	vld [tilespmem:s22+$0x30];
	[tilespmem:s1+$0x0] =	vst v5  }
0x39b: {  	v11 =	vld [tilespmem:s22+$0x10];
	[tilespmem:s1+$0x20] =	vst v6  }
0x39c: {  	v10 =	vld [tilespmem:s22+$0xFFFFFFC0];
	[tilespmem:s1+$0xFFFFFFD0] =	vst v7;
	s1 =	smov.u32 s22  }
0x39d: {  	v5 =	vld.idx.msk [tilespmem:v8+s6+$0x0], $0xffff  }
0x39e: {  	v13 =	vld [tilespmem:s22+$0xFFFFFFE0]  }
0x39f: {  	v6 =	vld [tilespmem:s22+$0x20]  }
.Ltmp12:
0x3a0: {  	v7 =	vld [tilespmem:s22+$0xFFFFFFD0];
	(pc) =	sbr.rel @p4 .LBB2_26-.Ltmp12, $3  }
0x3a1: {  	v8 =	vld [tilespmem:s22+$0x0];
	_ =	sdelay $0x1  }
0x3a2: {  	v10 =	vmul.f32 v10, v5;
	v12 =	vmul.f32 v9, v5  }
0x3a3: {  	v11 =	vmul.f32 v11, v5;
	v9 =	vmul.f32 v13, v5  }
0x3a4: {  	[tilespmem:s1+$0x30] =	vst v12  }
0x3a5: {  	[tilespmem:s1+$0xFFFFFFC0] =	vst v10  }
0x3a6: {  	v4 =	vmul.f32 v4, v5;
	[tilespmem:s1+$0x10] =	vst v11  }
0x3a7: {  	v6 =	vmul.f32 v6, v5;
	[tilespmem:s1+$0xFFFFFFE0] =	vst v9  }
0x3a8: {  	v8 =	vmul.f32 v8, v5;
	[tilespmem:s1+$0xFFFFFFF0] =	vst v4  }
0x3a9: {  	v4 =	vmul.f32 v7, v5;
	[tilespmem:s1+$0x20] =	vst v6  }
0x3aa: {  	[tilespmem:s1+$0x0] =	vst v8  }
0x3ab: {  	s13 =	simm.s32 $0x7D00;
	[tilespmem:s1+$0xFFFFFFD0] =	vst v4  }
0x3ac: {  	[spmem:s3] =	stream.indirect.scatter.add.f32 [tilespmem:s0], [sflag:$0x5], $0x80, s13, s15, $0xb8;
	[tilespmem:$0x1FC80] =	vst v63  }
0x3ad: {  	_ =	swait.ge [sflag:s8], $0x1000  }
0x3ae: {  	[sflag:s8] =	ssyncset.done $0x0  }
0x3af: {  	[sflag:s8] =	ssyncadd.s32 $0xFFFFF000  }
0x3b0: {  	_ =	swait.ge [sflag:s5], $0x1000  }
0x3b1: {  	[sflag:s5] =	ssyncset.done $0x0  }
0x3b2: {  	s22 =	simm.s32 $0x7860;
	[sflag:s5] =	ssyncadd.s32 $0xFFFFF000  }
0x3b3: {  	[tilespmem:s19], [sflag:$0x4] =	stream.indirect.gather [hbm4b:s2+s15], $0x80, s22, s15, $0xb8;
	[tilespmem:$0x1FC80] =	vst v63  }
0x3b4: {  	v4 =	vld [tilespmem:$0x7820]  }
0x3b5: {  	v5 =	vld [tilespmem:$0x7D80];
	_ =	sdelay $0x5  }
0x3b6: {  	s23 =	simm.s32 $0x0  }
0x3b7: {  	v4 =	vld.idx.msk [tilespmem:v4+s23+$0x0], $0xffff  }
0x3b8: {  	v6 =	vld.idx.msk [tilespmem:v5+s31+$0x0], $0xffff;
	_ =	sdelay $0x4  }
0x3b9: {  	v4 =	vadd.f32 v6, v4;
	_ =	sdelay $0x1  }
0x3ba: {  	v6 =	vmul.f32 $9.999999770e-03, v4  }
0x3bb: {  	vm0 =	vgt.f32 v4, $0.0e+00  }
0x3bc: {  	v4 =	vsel vm0, v4, v6  }
0x3bd: {  	v4 =	vmul.f32 $1.442695020e+00, v4;
	_ =	sdelay $0x1  }
0x3be: {  	(erf) = vpow2.f32 v4;
	_ =	sdelay $0x6  }
0x3bf: {  	s13 =	sor.u32 $0x120, s4  }
0x3c0: {  	v4 =	vor.u32 s13, v0  }
0x3c1: {  	vm13 =	vlt.u32 v4, v1;
	v6 =	vpop (erf)  }
0x3c2: {  	v4 =	vnsel vm13, $0x0, v6  }
0x3c3: {  	[tilespmem:v0+s6+$0x0] =	vst.idx.msk $0xffff, v4  }
0x3c4: {  	[tilespmem:v5+s7+$0x0] =	vst.idx.add.f32.msk $0xffff, v4  }
0x3c5: {  	v4 =	vld [tilespmem:$0x7830]  }
0x3c6: {  	v5 =	vld [tilespmem:$0x7D90];
	_ =	sdelay $0x6  }
0x3c7: {  	v4 =	vld.idx.msk [tilespmem:v4+s23+$0x0], $0xffff  }
0x3c8: {  	v6 =	vld.idx.msk [tilespmem:v5+s31+$0x0], $0xffff;
	_ =	sdelay $0x4  }
0x3c9: {  	v4 =	vadd.f32 v6, v4;
	_ =	sdelay $0x1  }
0x3ca: {  	v6 =	vmul.f32 $9.999999770e-03, v4  }
0x3cb: {  	vm14 =	vgt.f32 v4, $0.0e+00  }
0x3cc: {  	v4 =	vsel vm14, v4, v6  }
0x3cd: {  	v4 =	vmul.f32 $1.442695020e+00, v4;
	_ =	sdelay $0x1  }
0x3ce: {  	(erf) = vpow2.f32 v4;
	_ =	sdelay $0x6  }
0x3cf: {  	s30 =	sor.u32 $0x130, s4  }
0x3d0: {  	v4 =	vor.u32 s30, v0  }
0x3d1: {  	vm15 =	vlt.u32 v4, v1;
	v6 =	vpop (erf)  }
0x3d2: {  	v4 =	vnsel vm15, $0x0, v6  }
0x3d3: {  	v6 =	vmov s23;
	[tilespmem:v3+s6+$0x0] =	vst.idx.msk $0xffff, v4  }
0x3d4: {  	s1 =	simm.s32 $0x9140;
	[tilespmem:v5+s7+$0x0] =	vst.idx.add.f32.msk $0xffff, v4  }
0x3d5: {  	v8 =	vld [tilespmem:s1+$0x30]  }
0x3d6: {  	v11 =	vld [tilespmem:s1+$0x10]  }
0x3d7: {  	v9 =	vld [tilespmem:s1+$0xFFFFFFC0]  }
0x3d8: {  	v5 =	vld.idx.msk [tilespmem:v6+s6+$0x0], $0xffff  }
0x3d9: {  	v13 =	vld [tilespmem:s1+$0xFFFFFFE0]  }
0x3da: {  	v4 =	vld [tilespmem:s1+$0xFFFFFFF0]  }
0x3db: {  	v7 =	vld [tilespmem:s1+$0xFFFFFFD0]  }
0x3dc: {  	v6 =	vld [tilespmem:s1+$0x20]  }
0x3dd: {  	v12 =	vmul.f32 v8, v5;
	v8 =	vld [tilespmem:s1+$0x0]  }
0x3de: {  	v10 =	vmul.f32 v9, v5  }
0x3df: {  	s22 =	simm.s32 $0x9140;
	s13 =	simm.s32 $0x1;
	v9 =	vmul.f32 v13, v5;
	v11 =	vmul.f32 v11, v5  }
.LBB2_28:
0x3e0: {  	p4 =	sne.s32 s13, $0x1F  }
0x3e1: {  	v7 =	vmul.f32 v7, v5;
	v6 =	vmul.f32 v6, v5;
	[tilespmem:s1+$0x30] =	vst v12;
	s22 =	sadd.s32 $0x80, s22;
	s23 =	smov.u32 s13;
	s13 =	sadd.s32 $0x1, s13  }
0x3e2: {  	[tilespmem:s1+$0xFFFFFFC0] =	vst v10;
	v10 =	vmul.f32 v4, v5;
	v5 =	vmul.f32 v8, v5  }
0x3e3: {  	[tilespmem:s1+$0x10] =	vst v11  }
0x3e4: {  	v8 =	vmov s23;
	[tilespmem:s1+$0xFFFFFFE0] =	vst v9  }
0x3e5: {  	v4 =	vld [tilespmem:s22+$0xFFFFFFF0];
	[tilespmem:s1+$0xFFFFFFF0] =	vst v10  }
0x3e6: {  	v9 =	vld [tilespmem:s22+$0x30];
	[tilespmem:s1+$0x0] =	vst v5  }
0x3e7: {  	v11 =	vld [tilespmem:s22+$0x10];
	[tilespmem:s1+$0x20] =	vst v6  }
0x3e8: {  	v10 =	vld [tilespmem:s22+$0xFFFFFFC0];
	[tilespmem:s1+$0xFFFFFFD0] =	vst v7;
	s1 =	smov.u32 s22  }
0x3e9: {  	v5 =	vld.idx.msk [tilespmem:v8+s6+$0x0], $0xffff  }
0x3ea: {  	v13 =	vld [tilespmem:s22+$0xFFFFFFE0]  }
0x3eb: {  	v6 =	vld [tilespmem:s22+$0x20]  }
.Ltmp13:
0x3ec: {  	v7 =	vld [tilespmem:s22+$0xFFFFFFD0];
	(pc) =	sbr.rel @p4 .LBB2_28-.Ltmp13, $3  }
0x3ed: {  	v8 =	vld [tilespmem:s22+$0x0];
	_ =	sdelay $0x1  }
0x3ee: {  	v10 =	vmul.f32 v10, v5;
	v12 =	vmul.f32 v9, v5  }
0x3ef: {  	v11 =	vmul.f32 v11, v5;
	v9 =	vmul.f32 v13, v5  }
0x3f0: {  	[tilespmem:s1+$0x30] =	vst v12  }
0x3f1: {  	[tilespmem:s1+$0xFFFFFFC0] =	vst v10  }
0x3f2: {  	v4 =	vmul.f32 v4, v5;
	[tilespmem:s1+$0x10] =	vst v11  }
0x3f3: {  	v6 =	vmul.f32 v6, v5;
	[tilespmem:s1+$0xFFFFFFE0] =	vst v9  }
0x3f4: {  	v8 =	vmul.f32 v8, v5;
	[tilespmem:s1+$0xFFFFFFF0] =	vst v4  }
0x3f5: {  	v4 =	vmul.f32 v7, v5;
	[tilespmem:s1+$0x20] =	vst v6  }
0x3f6: {  	[tilespmem:s1+$0x0] =	vst v8  }
0x3f7: {  	s30 =	simm.s32 $0x7D80;
	p4 =	seq.s32 s12, $0x13;
	[tilespmem:s1+$0xFFFFFFD0] =	vst v4  }
0x3f8: {  	[spmem:s3] =	stream.indirect.scatter.add.f32 [tilespmem:s16], [sflag:$0x6], $0x80, s30, s15, $0xb8;
	[tilespmem:$0x1FC80] =	vst v63  }
0x3f9: {  	s1 =	sadd.s32 @!p4 $0x10, s18;
	_ =	swait.ge [sflag:s21], $0x1000  }
0x3fa: {  	s13 =	sshll.u32 @!p4 s1, $0x5;
	[sflag:s21] =	ssyncset.done $0x0  }
0x3fb: {  	s23 =	simm.s32 @!p4 $0x7700;
	s13 =	sadd.s32 @!p4 s10, s13;
	[sflag:s21] =	ssyncadd.s32 $0xFFFFF000  }
0x3fc: {  	s1 =	sadd.s32 @!p4 s20, s1;
	s13 =	sshrl.u32 @!p4 s13, $0x3;
	s22 =	rddreg [dreg:$0x1]  }
0x3fd: {  	s1 =	sshll.u32 @!p4 s1, $0x4;
	s13 =	sadd.s32 @!p4 s22, s13;
	s22 =	simm.s32 @!p4 $0x0  }
0x3fe: {  	[tilespmem:s23], [sflag:$0x9] =	stream.linear.gather @!p4 [hbm4b:s13+s22], $0x100, $0x38;
	[tilespmem:$0x1FC80] =	vst v63  }
0x3ff: {  	s1 =	sadd.s32 @!p4 s9, s1;
	s13 =	simm.s32 @!p4 $0x7900  }
0x400: {  	[tilespmem:s13], [sflag:$0x9] =	stream.linear.gather @!p4 [hbm4b:s1+s22], $0x400, $0x38;
	[tilespmem:$0x1FC80] =	vst v63  }
0x401: {  	_ =	swait.ge [sflag:s24], $0x1000  }
0x402: {  	[sflag:s24] =	ssyncset.done $0x0  }
0x403: {  	s13 =	simm.s32 $0x7880;
	[sflag:s24] =	ssyncadd.s32 $0xFFFFF000  }
0x404: {  	[tilespmem:s0], [sflag:$0x1] =	stream.indirect.gather [hbm4b:s2+s15], $0x80, s13, s15, $0xb8;
	[tilespmem:$0x1FC80] =	vst v63  }
0x405: {  	v4 =	vld [tilespmem:$0x7840]  }
0x406: {  	v5 =	vld [tilespmem:$0x7E00];
	_ =	sdelay $0x5  }
0x407: {  	s22 =	simm.s32 $0x0  }
0x408: {  	v4 =	vld.idx.msk [tilespmem:v4+s22+$0x0], $0xffff  }
0x409: {  	v6 =	vld.idx.msk [tilespmem:v5+s31+$0x0], $0xffff;
	_ =	sdelay $0x4  }
0x40a: {  	v4 =	vadd.f32 v6, v4;
	_ =	sdelay $0x1  }
0x40b: {  	v6 =	vmul.f32 $9.999999770e-03, v4  }
0x40c: {  	vm0 =	vgt.f32 v4, $0.0e+00  }
0x40d: {  	v4 =	vsel vm0, v4, v6  }
0x40e: {  	v4 =	vmul.f32 $1.442695020e+00, v4;
	_ =	sdelay $0x1  }
0x40f: {  	(erf) = vpow2.f32 v4;
	_ =	sdelay $0x6  }
0x410: {  	s23 =	sor.u32 $0x140, s4  }
0x411: {  	v4 =	vor.u32 s23, v0  }
0x412: {  	vm13 =	vlt.u32 v4, v1;
	v6 =	vpop (erf)  }
0x413: {  	v4 =	vnsel vm13, $0x0, v6  }
0x414: {  	[tilespmem:v0+s6+$0x0] =	vst.idx.msk $0xffff, v4  }
0x415: {  	[tilespmem:v5+s7+$0x0] =	vst.idx.add.f32.msk $0xffff, v4  }
0x416: {  	v4 =	vld [tilespmem:$0x7850]  }
0x417: {  	v5 =	vld [tilespmem:$0x7E10];
	_ =	sdelay $0x6  }
0x418: {  	v4 =	vld.idx.msk [tilespmem:v4+s22+$0x0], $0xffff  }
0x419: {  	v6 =	vld.idx.msk [tilespmem:v5+s31+$0x0], $0xffff;
	_ =	sdelay $0x4  }
0x41a: {  	v4 =	vadd.f32 v6, v4;
	_ =	sdelay $0x1  }
0x41b: {  	v6 =	vmul.f32 $9.999999770e-03, v4  }
0x41c: {  	vm14 =	vgt.f32 v4, $0.0e+00  }
0x41d: {  	v4 =	vsel vm14, v4, v6  }
0x41e: {  	v4 =	vmul.f32 $1.442695020e+00, v4;
	_ =	sdelay $0x1  }
0x41f: {  	(erf) = vpow2.f32 v4;
	_ =	sdelay $0x6  }
0x420: {  	s30 =	sor.u32 $0x150, s4  }
0x421: {  	v4 =	vor.u32 s30, v0  }
0x422: {  	vm15 =	vlt.u32 v4, v1;
	v6 =	vpop (erf)  }
0x423: {  	v4 =	vnsel vm15, $0x0, v6  }
0x424: {  	v6 =	vmov s22;
	[tilespmem:v3+s6+$0x0] =	vst.idx.msk $0xffff, v4  }
0x425: {  	s1 =	simm.s32 $0xA140;
	[tilespmem:v5+s7+$0x0] =	vst.idx.add.f32.msk $0xffff, v4  }
0x426: {  	v8 =	vld [tilespmem:s1+$0x30]  }
0x427: {  	v11 =	vld [tilespmem:s1+$0x10]  }
0x428: {  	v9 =	vld [tilespmem:s1+$0xFFFFFFC0]  }
0x429: {  	v5 =	vld.idx.msk [tilespmem:v6+s6+$0x0], $0xffff  }
0x42a: {  	v13 =	vld [tilespmem:s1+$0xFFFFFFE0]  }
0x42b: {  	v4 =	vld [tilespmem:s1+$0xFFFFFFF0]  }
0x42c: {  	v7 =	vld [tilespmem:s1+$0xFFFFFFD0]  }
0x42d: {  	v6 =	vld [tilespmem:s1+$0x20]  }
0x42e: {  	v12 =	vmul.f32 v8, v5;
	v8 =	vld [tilespmem:s1+$0x0]  }
0x42f: {  	v10 =	vmul.f32 v9, v5  }
0x430: {  	s13 =	simm.s32 $0x1;
	s22 =	simm.s32 $0xA140;
	v9 =	vmul.f32 v13, v5;
	v11 =	vmul.f32 v11, v5  }
.LBB2_30:
0x431: {  	p5 =	sne.s32 s13, $0x1F  }
0x432: {  	v7 =	vmul.f32 v7, v5;
	v6 =	vmul.f32 v6, v5;
	[tilespmem:s1+$0x30] =	vst v12;
	s22 =	sadd.s32 $0x80, s22;
	s23 =	smov.u32 s13;
	s13 =	sadd.s32 $0x1, s13  }
0x433: {  	[tilespmem:s1+$0xFFFFFFC0] =	vst v10;
	v10 =	vmul.f32 v4, v5;
	v5 =	vmul.f32 v8, v5  }
0x434: {  	[tilespmem:s1+$0x10] =	vst v11  }
0x435: {  	v8 =	vmov s23;
	[tilespmem:s1+$0xFFFFFFE0] =	vst v9  }
0x436: {  	v4 =	vld [tilespmem:s22+$0xFFFFFFF0];
	[tilespmem:s1+$0xFFFFFFF0] =	vst v10  }
0x437: {  	v9 =	vld [tilespmem:s22+$0x30];
	[tilespmem:s1+$0x0] =	vst v5  }
0x438: {  	v11 =	vld [tilespmem:s22+$0x10];
	[tilespmem:s1+$0x20] =	vst v6  }
0x439: {  	v10 =	vld [tilespmem:s22+$0xFFFFFFC0];
	[tilespmem:s1+$0xFFFFFFD0] =	vst v7;
	s1 =	smov.u32 s22  }
0x43a: {  	v5 =	vld.idx.msk [tilespmem:v8+s6+$0x0], $0xffff  }
0x43b: {  	v13 =	vld [tilespmem:s22+$0xFFFFFFE0]  }
0x43c: {  	v6 =	vld [tilespmem:s22+$0x20]  }
.Ltmp14:
0x43d: {  	v7 =	vld [tilespmem:s22+$0xFFFFFFD0];
	(pc) =	sbr.rel @p5 .LBB2_30-.Ltmp14, $3  }
0x43e: {  	v8 =	vld [tilespmem:s22+$0x0];
	_ =	sdelay $0x1  }
0x43f: {  	v10 =	vmul.f32 v10, v5;
	v12 =	vmul.f32 v9, v5  }
0x440: {  	v11 =	vmul.f32 v11, v5;
	v9 =	vmul.f32 v13, v5  }
0x441: {  	[tilespmem:s1+$0x30] =	vst v12  }
0x442: {  	[tilespmem:s1+$0xFFFFFFC0] =	vst v10  }
0x443: {  	v4 =	vmul.f32 v4, v5;
	[tilespmem:s1+$0x10] =	vst v11  }
0x444: {  	v6 =	vmul.f32 v6, v5;
	[tilespmem:s1+$0xFFFFFFE0] =	vst v9  }
0x445: {  	v8 =	vmul.f32 v8, v5;
	[tilespmem:s1+$0xFFFFFFF0] =	vst v4  }
0x446: {  	v4 =	vmul.f32 v7, v5;
	[tilespmem:s1+$0x20] =	vst v6  }
0x447: {  	[tilespmem:s1+$0x0] =	vst v8  }
0x448: {  	s13 =	simm.s32 $0x7E00;
	[tilespmem:s1+$0xFFFFFFD0] =	vst v4  }
0x449: {  	[spmem:s3] =	stream.indirect.scatter.add.f32 [tilespmem:s29], [sflag:$0x7], $0x80, s13, s15, $0xb8;
	[tilespmem:$0x1FC80] =	vst v63  }
0x44a: {  	_ =	swait.ge [sflag:s28], $0x1000  }
0x44b: {  	[sflag:s28] =	ssyncset.done $0x0  }
0x44c: {  	[sflag:s28] =	ssyncadd.s32 $0xFFFFF000  }
0x44d: {  	_ =	swait.ge [sflag:s11], $0x1000  }
0x44e: {  	[sflag:s11] =	ssyncset.done $0x0  }
0x44f: {  	s22 =	simm.s32 $0x78A0;
	[sflag:s11] =	ssyncadd.s32 $0xFFFFF000  }
0x450: {  	[tilespmem:s16], [sflag:$0x2] =	stream.indirect.gather [hbm4b:s2+s15], $0x80, s22, s15, $0xb8;
	[tilespmem:$0x1FC80] =	vst v63  }
0x451: {  	v4 =	vld [tilespmem:$0x7860]  }
0x452: {  	v5 =	vld [tilespmem:$0x7E80];
	_ =	sdelay $0x5  }
0x453: {  	s23 =	simm.s32 $0x0  }
0x454: {  	v4 =	vld.idx.msk [tilespmem:v4+s23+$0x0], $0xffff  }
0x455: {  	v6 =	vld.idx.msk [tilespmem:v5+s31+$0x0], $0xffff;
	_ =	sdelay $0x4  }
0x456: {  	v4 =	vadd.f32 v6, v4;
	_ =	sdelay $0x1  }
0x457: {  	v6 =	vmul.f32 $9.999999770e-03, v4  }
0x458: {  	vm0 =	vgt.f32 v4, $0.0e+00  }
0x459: {  	v4 =	vsel vm0, v4, v6  }
0x45a: {  	v4 =	vmul.f32 $1.442695020e+00, v4;
	_ =	sdelay $0x1  }
0x45b: {  	(erf) = vpow2.f32 v4;
	_ =	sdelay $0x6  }
0x45c: {  	s13 =	sor.u32 $0x160, s4  }
0x45d: {  	v4 =	vor.u32 s13, v0  }
0x45e: {  	vm13 =	vlt.u32 v4, v1;
	v6 =	vpop (erf)  }
0x45f: {  	v4 =	vnsel vm13, $0x0, v6  }
0x460: {  	[tilespmem:v0+s6+$0x0] =	vst.idx.msk $0xffff, v4  }
0x461: {  	[tilespmem:v5+s7+$0x0] =	vst.idx.add.f32.msk $0xffff, v4  }
0x462: {  	v4 =	vld [tilespmem:$0x7870]  }
0x463: {  	v5 =	vld [tilespmem:$0x7E90];
	_ =	sdelay $0x6  }
0x464: {  	v4 =	vld.idx.msk [tilespmem:v4+s23+$0x0], $0xffff  }
0x465: {  	v6 =	vld.idx.msk [tilespmem:v5+s31+$0x0], $0xffff;
	_ =	sdelay $0x4  }
0x466: {  	v4 =	vadd.f32 v6, v4;
	_ =	sdelay $0x1  }
0x467: {  	v6 =	vmul.f32 $9.999999770e-03, v4  }
0x468: {  	vm14 =	vgt.f32 v4, $0.0e+00  }
0x469: {  	v4 =	vsel vm14, v4, v6  }
0x46a: {  	v4 =	vmul.f32 $1.442695020e+00, v4;
	_ =	sdelay $0x1  }
0x46b: {  	(erf) = vpow2.f32 v4;
	_ =	sdelay $0x6  }
0x46c: {  	s30 =	sor.u32 $0x170, s4  }
0x46d: {  	v4 =	vor.u32 s30, v0  }
0x46e: {  	vm15 =	vlt.u32 v4, v1;
	v6 =	vpop (erf)  }
0x46f: {  	v4 =	vnsel vm15, $0x0, v6  }
0x470: {  	v6 =	vmov s23;
	[tilespmem:v3+s6+$0x0] =	vst.idx.msk $0xffff, v4  }
0x471: {  	s1 =	simm.s32 $0xB140;
	[tilespmem:v5+s7+$0x0] =	vst.idx.add.f32.msk $0xffff, v4  }
0x472: {  	v8 =	vld [tilespmem:s1+$0x30]  }
0x473: {  	v11 =	vld [tilespmem:s1+$0x10]  }
0x474: {  	v9 =	vld [tilespmem:s1+$0xFFFFFFC0]  }
0x475: {  	v5 =	vld.idx.msk [tilespmem:v6+s6+$0x0], $0xffff  }
0x476: {  	v13 =	vld [tilespmem:s1+$0xFFFFFFE0]  }
0x477: {  	v4 =	vld [tilespmem:s1+$0xFFFFFFF0]  }
0x478: {  	v7 =	vld [tilespmem:s1+$0xFFFFFFD0]  }
0x479: {  	v6 =	vld [tilespmem:s1+$0x20]  }
0x47a: {  	v12 =	vmul.f32 v8, v5;
	v8 =	vld [tilespmem:s1+$0x0]  }
0x47b: {  	v10 =	vmul.f32 v9, v5  }
0x47c: {  	s4 =	simm.s32 $0x1;
	s13 =	simm.s32 $0xB140;
	v9 =	vmul.f32 v13, v5;
	v11 =	vmul.f32 v11, v5  }
.LBB2_32:
0x47d: {  	p5 =	sne.s32 s4, $0x1F  }
0x47e: {  	v7 =	vmul.f32 v7, v5;
	v6 =	vmul.f32 v6, v5;
	[tilespmem:s1+$0x30] =	vst v12;
	s13 =	sadd.s32 $0x80, s13;
	s22 =	smov.u32 s4;
	s4 =	sadd.s32 $0x1, s4  }
0x47f: {  	[tilespmem:s1+$0xFFFFFFC0] =	vst v10;
	v10 =	vmul.f32 v4, v5;
	v5 =	vmul.f32 v8, v5  }
0x480: {  	[tilespmem:s1+$0x10] =	vst v11  }
0x481: {  	v8 =	vmov s22;
	[tilespmem:s1+$0xFFFFFFE0] =	vst v9  }
0x482: {  	v4 =	vld [tilespmem:s13+$0xFFFFFFF0];
	[tilespmem:s1+$0xFFFFFFF0] =	vst v10  }
0x483: {  	v9 =	vld [tilespmem:s13+$0x30];
	[tilespmem:s1+$0x0] =	vst v5  }
0x484: {  	v11 =	vld [tilespmem:s13+$0x10];
	[tilespmem:s1+$0x20] =	vst v6  }
0x485: {  	v10 =	vld [tilespmem:s13+$0xFFFFFFC0];
	[tilespmem:s1+$0xFFFFFFD0] =	vst v7;
	s1 =	smov.u32 s13  }
0x486: {  	v5 =	vld.idx.msk [tilespmem:v8+s6+$0x0], $0xffff  }
0x487: {  	v13 =	vld [tilespmem:s13+$0xFFFFFFE0]  }
0x488: {  	v6 =	vld [tilespmem:s13+$0x20]  }
.Ltmp15:
0x489: {  	v7 =	vld [tilespmem:s13+$0xFFFFFFD0];
	(pc) =	sbr.rel @p5 .LBB2_32-.Ltmp15, $3  }
0x48a: {  	v8 =	vld [tilespmem:s13+$0x0];
	_ =	sdelay $0x1  }
0x48b: {  	v10 =	vmul.f32 v10, v5;
	v12 =	vmul.f32 v9, v5  }
0x48c: {  	v11 =	vmul.f32 v11, v5;
	v9 =	vmul.f32 v13, v5  }
0x48d: {  	[tilespmem:s1+$0x30] =	vst v12  }
0x48e: {  	[tilespmem:s1+$0xFFFFFFC0] =	vst v10  }
0x48f: {  	v4 =	vmul.f32 v4, v5;
	[tilespmem:s1+$0x10] =	vst v11  }
0x490: {  	v6 =	vmul.f32 v6, v5;
	[tilespmem:s1+$0xFFFFFFE0] =	vst v9  }
0x491: {  	v8 =	vmul.f32 v8, v5;
	[tilespmem:s1+$0xFFFFFFF0] =	vst v4  }
0x492: {  	v4 =	vmul.f32 v7, v5;
	[tilespmem:s1+$0x20] =	vst v6  }
0x493: {  	[tilespmem:s1+$0x0] =	vst v8  }
0x494: {  	s22 =	simm.s32 $0x7E80;
	[tilespmem:s1+$0xFFFFFFD0] =	vst v4  }
0x495: {  	[spmem:s3] =	stream.indirect.scatter.add.f32 [tilespmem:s19], [sflag:$0x8], $0x80, s22, s15, $0xb8;
	[tilespmem:$0x1FC80] =	vst v63  }
0x496: {  	_ =	swait.ge [sflag:s25], $0x1000  }
0x497: {  	[sflag:s25] =	ssyncset.done $0x0  }
0x498: {  	[sflag:s25] =	ssyncadd.s32 $0xFFFFF000  }
0x499: {  	_ =	swait.ge [sflag:s26], $0x1000  }
0x49a: {  	[sflag:s26] =	ssyncset.done $0x0  }
0x49b: {  	s23 =	simm.s32 $0x78C0;
	[sflag:s26] =	ssyncadd.s32 $0xFFFFF000  }
0x49c: {  	[tilespmem:s29], [sflag:$0x3] =	stream.indirect.gather [hbm4b:s2+s15], $0x80, s23, s15, $0xb8;
	[tilespmem:$0x1FC80] =	vst v63  }
0x49d: {  	v4 =	vld [tilespmem:$0x7880]  }
0x49e: {  	v5 =	vld [tilespmem:$0x7F00];
	_ =	sdelay $0x5  }
0x49f: {  	s30 =	simm.s32 $0x0  }
0x4a0: {  	v4 =	vld.idx.msk [tilespmem:v4+s30+$0x0], $0xffff  }
0x4a1: {  	v6 =	vld.idx.msk [tilespmem:v5+s31+$0x0], $0xffff;
	_ =	sdelay $0x4  }
0x4a2: {  	v4 =	vadd.f32 v6, v4;
	_ =	sdelay $0x1  }
0x4a3: {  	v6 =	vmul.f32 $9.999999770e-03, v4  }
0x4a4: {  	vm0 =	vgt.f32 v4, $0.0e+00  }
0x4a5: {  	v4 =	vsel vm0, v4, v6  }
0x4a6: {  	v4 =	vmul.f32 $1.442695020e+00, v4;
	_ =	sdelay $0x1  }
0x4a7: {  	(erf) = vpow2.f32 v4;
	_ =	sdelay $0x5  }
0x4a8: {  	s4 =	sor.u32 $0xC, s18  }
0x4a9: {  	s13 =	sshll.u32 s4, $0x5  }
0x4aa: {  	v4 =	vor.u32 s13, v0  }
0x4ab: {  	vm13 =	vlt.u32 v4, v1;
	v6 =	vpop (erf)  }
0x4ac: {  	v4 =	vnsel vm13, $0x0, v6  }
0x4ad: {  	[tilespmem:v0+s6+$0x0] =	vst.idx.msk $0xffff, v4  }
0x4ae: {  	[tilespmem:v5+s7+$0x0] =	vst.idx.add.f32.msk $0xffff, v4  }
0x4af: {  	v4 =	vld [tilespmem:$0x7890]  }
0x4b0: {  	v5 =	vld [tilespmem:$0x7F10];
	_ =	sdelay $0x6  }
0x4b1: {  	v4 =	vld.idx.msk [tilespmem:v4+s30+$0x0], $0xffff  }
0x4b2: {  	v6 =	vld.idx.msk [tilespmem:v5+s31+$0x0], $0xffff;
	_ =	sdelay $0x4  }
0x4b3: {  	v4 =	vadd.f32 v6, v4;
	_ =	sdelay $0x1  }
0x4b4: {  	v6 =	vmul.f32 $9.999999770e-03, v4  }
0x4b5: {  	vm14 =	vgt.f32 v4, $0.0e+00  }
0x4b6: {  	v4 =	vsel vm14, v4, v6  }
0x4b7: {  	v4 =	vmul.f32 $1.442695020e+00, v4;
	_ =	sdelay $0x1  }
0x4b8: {  	(erf) = vpow2.f32 v4;
	_ =	sdelay $0x6  }
0x4b9: {  	s13 =	sor.u32 $0x10, s13  }
0x4ba: {  	v4 =	vor.u32 s13, v0  }
0x4bb: {  	vm15 =	vlt.u32 v4, v1;
	v6 =	vpop (erf)  }
0x4bc: {  	v4 =	vnsel vm15, $0x0, v6  }
0x4bd: {  	v6 =	vmov s30;
	[tilespmem:v3+s6+$0x0] =	vst.idx.msk $0xffff, v4  }
0x4be: {  	s1 =	simm.s32 $0x8140;
	[tilespmem:v5+s7+$0x0] =	vst.idx.add.f32.msk $0xffff, v4  }
0x4bf: {  	v8 =	vld [tilespmem:s1+$0x30]  }
0x4c0: {  	v11 =	vld [tilespmem:s1+$0x10]  }
0x4c1: {  	v9 =	vld [tilespmem:s1+$0xFFFFFFC0]  }
0x4c2: {  	v5 =	vld.idx.msk [tilespmem:v6+s6+$0x0], $0xffff  }
0x4c3: {  	v13 =	vld [tilespmem:s1+$0xFFFFFFE0]  }
0x4c4: {  	v4 =	vld [tilespmem:s1+$0xFFFFFFF0]  }
0x4c5: {  	v7 =	vld [tilespmem:s1+$0xFFFFFFD0]  }
0x4c6: {  	v6 =	vld [tilespmem:s1+$0x20]  }
0x4c7: {  	v12 =	vmul.f32 v8, v5;
	v8 =	vld [tilespmem:s1+$0x0]  }
0x4c8: {  	v10 =	vmul.f32 v9, v5  }
0x4c9: {  	s22 =	simm.s32 $0x8140;
	s13 =	simm.s32 $0x1;
	v9 =	vmul.f32 v13, v5;
	v11 =	vmul.f32 v11, v5  }
.LBB2_34:
0x4ca: {  	p5 =	sne.s32 s13, $0x1F  }
0x4cb: {  	v7 =	vmul.f32 v7, v5;
	v6 =	vmul.f32 v6, v5;
	[tilespmem:s1+$0x30] =	vst v12;
	s22 =	sadd.s32 $0x80, s22;
	s23 =	smov.u32 s13;
	s13 =	sadd.s32 $0x1, s13  }
0x4cc: {  	[tilespmem:s1+$0xFFFFFFC0] =	vst v10;
	v10 =	vmul.f32 v4, v5;
	v5 =	vmul.f32 v8, v5  }
0x4cd: {  	[tilespmem:s1+$0x10] =	vst v11  }
0x4ce: {  	v8 =	vmov s23;
	[tilespmem:s1+$0xFFFFFFE0] =	vst v9  }
0x4cf: {  	v4 =	vld [tilespmem:s22+$0xFFFFFFF0];
	[tilespmem:s1+$0xFFFFFFF0] =	vst v10  }
0x4d0: {  	v9 =	vld [tilespmem:s22+$0x30];
	[tilespmem:s1+$0x0] =	vst v5  }
0x4d1: {  	v11 =	vld [tilespmem:s22+$0x10];
	[tilespmem:s1+$0x20] =	vst v6  }
0x4d2: {  	v10 =	vld [tilespmem:s22+$0xFFFFFFC0];
	[tilespmem:s1+$0xFFFFFFD0] =	vst v7;
	s1 =	smov.u32 s22  }
0x4d3: {  	v5 =	vld.idx.msk [tilespmem:v8+s6+$0x0], $0xffff  }
0x4d4: {  	v13 =	vld [tilespmem:s22+$0xFFFFFFE0]  }
0x4d5: {  	v6 =	vld [tilespmem:s22+$0x20]  }
.Ltmp16:
0x4d6: {  	v7 =	vld [tilespmem:s22+$0xFFFFFFD0];
	(pc) =	sbr.rel @p5 .LBB2_34-.Ltmp16, $3  }
0x4d7: {  	v8 =	vld [tilespmem:s22+$0x0];
	_ =	sdelay $0x1  }
0x4d8: {  	v10 =	vmul.f32 v10, v5;
	v12 =	vmul.f32 v9, v5  }
0x4d9: {  	v11 =	vmul.f32 v11, v5;
	v9 =	vmul.f32 v13, v5  }
0x4da: {  	[tilespmem:s1+$0x30] =	vst v12  }
0x4db: {  	[tilespmem:s1+$0xFFFFFFC0] =	vst v10  }
0x4dc: {  	v4 =	vmul.f32 v4, v5;
	[tilespmem:s1+$0x10] =	vst v11  }
0x4dd: {  	v6 =	vmul.f32 v6, v5;
	[tilespmem:s1+$0xFFFFFFE0] =	vst v9  }
0x4de: {  	v8 =	vmul.f32 v8, v5;
	[tilespmem:s1+$0xFFFFFFF0] =	vst v4  }
0x4df: {  	v4 =	vmul.f32 v7, v5;
	[tilespmem:s1+$0x20] =	vst v6  }
0x4e0: {  	p5 =	sgt.u32 s4, $0x13B;
	[tilespmem:s1+$0x0] =	vst v8  }
0x4e1: {  	s4 =	simm.s32 @p5 $0x7F00;
	s13 =	simm.s32 @p5 $0x8100;
	[tilespmem:s1+$0xFFFFFFD0] =	vst v4;
	s1 =	simm.s32 @p5 $0x20  }
0x4e2: {  	[spmem:s3] =	stream.indirect.scatter.add.f32 @p5 [tilespmem:s13], [sflag:$0xC], $0x80, s4, s1, $0xb8;
	[tilespmem:$0x1FC80] =	vst v63  }
0x4e3: {  	s1 =	simm.s32 @p5 $0xC  }
0x4e4: {  	_ =	swait.ge @p5 [sflag:s1], $0x1000  }
0x4e5: {  	s4 =	simm.s32 @!p5 $0x7F00;
	[sflag:s1] =	ssyncset.done @p5 $0x0  }
0x4e6: {  	s13 =	simm.s32 @!p5 $0x8100;
	[sflag:s1] =	ssyncadd.s32 @p5 $0xFFFFF000;
	s1 =	simm.s32 @!p5 $0x20  }
0x4e7: {  	[spmem:s3] =	stream.indirect.scatter.add.f32 @!p5 [tilespmem:s13], [sflag:$0x5], $0x80, s4, s1, $0xb8;
	[tilespmem:$0x1FC80] =	vst v63  }
0x4e8: {  	_ =	swait.ge [sflag:s8], $0x1000  }
0x4e9: {  	[sflag:s8] =	ssyncset.done $0x0  }
0x4ea: {  	[sflag:s8] =	ssyncadd.s32 $0xFFFFF000  }
0x4eb: {  	_ =	swait.ge [sflag:s5], $0x1000  }
0x4ec: {  	[sflag:s5] =	ssyncset.done $0x0  }
0x4ed: {  	s22 =	simm.s32 $0x78E0;
	[sflag:s5] =	ssyncadd.s32 $0xFFFFF000  }
0x4ee: {  	[tilespmem:s19], [sflag:$0x4] =	stream.indirect.gather [hbm4b:s2+s15], $0x80, s22, s15, $0xb8;
	[tilespmem:$0x1FC80] =	vst v63  }
0x4ef: {  	v4 =	vld [tilespmem:$0x78A0]  }
0x4f0: {  	v5 =	vld [tilespmem:$0x7F80];
	_ =	sdelay $0x5  }
0x4f1: {  	s23 =	simm.s32 $0x0  }
0x4f2: {  	v4 =	vld.idx.msk [tilespmem:v4+s23+$0x0], $0xffff  }
0x4f3: {  	v6 =	vld.idx.msk [tilespmem:v5+s31+$0x0], $0xffff;
	_ =	sdelay $0x4  }
0x4f4: {  	v4 =	vadd.f32 v6, v4;
	_ =	sdelay $0x1  }
0x4f5: {  	v6 =	vmul.f32 $9.999999770e-03, v4  }
0x4f6: {  	vm0 =	vgt.f32 v4, $0.0e+00  }
0x4f7: {  	v4 =	vsel vm0, v4, v6  }
0x4f8: {  	v4 =	vmul.f32 $1.442695020e+00, v4;
	_ =	sdelay $0x1  }
0x4f9: {  	(erf) = vpow2.f32 v4;
	_ =	sdelay $0x5  }
0x4fa: {  	s13 =	sor.u32 $0xD, s18  }
0x4fb: {  	s30 =	sshll.u32 s13, $0x5  }
0x4fc: {  	v4 =	vor.u32 s30, v0  }
0x4fd: {  	vm13 =	vlt.u32 v4, v1;
	v6 =	vpop (erf)  }
0x4fe: {  	v4 =	vnsel vm13, $0x0, v6  }
0x4ff: {  	[tilespmem:v0+s6+$0x0] =	vst.idx.msk $0xffff, v4  }
0x500: {  	[tilespmem:v5+s7+$0x0] =	vst.idx.add.f32.msk $0xffff, v4  }
0x501: {  	v4 =	vld [tilespmem:$0x78B0]  }
0x502: {  	v5 =	vld [tilespmem:$0x7F90];
	_ =	sdelay $0x6  }
0x503: {  	v4 =	vld.idx.msk [tilespmem:v4+s23+$0x0], $0xffff  }
0x504: {  	v6 =	vld.idx.msk [tilespmem:v5+s31+$0x0], $0xffff;
	_ =	sdelay $0x4  }
0x505: {  	v4 =	vadd.f32 v6, v4;
	_ =	sdelay $0x1  }
0x506: {  	v6 =	vmul.f32 $9.999999770e-03, v4  }
0x507: {  	vm14 =	vgt.f32 v4, $0.0e+00  }
0x508: {  	v4 =	vsel vm14, v4, v6  }
0x509: {  	v4 =	vmul.f32 $1.442695020e+00, v4;
	_ =	sdelay $0x1  }
0x50a: {  	(erf) = vpow2.f32 v4;
	_ =	sdelay $0x6  }
0x50b: {  	s4 =	sor.u32 $0x10, s30  }
0x50c: {  	v4 =	vor.u32 s4, v0  }
0x50d: {  	vm15 =	vlt.u32 v4, v1;
	v6 =	vpop (erf)  }
0x50e: {  	v4 =	vnsel vm15, $0x0, v6  }
0x50f: {  	v6 =	vmov s23;
	[tilespmem:v3+s6+$0x0] =	vst.idx.msk $0xffff, v4  }
0x510: {  	s1 =	simm.s32 $0x9140;
	[tilespmem:v5+s7+$0x0] =	vst.idx.add.f32.msk $0xffff, v4  }
0x511: {  	v8 =	vld [tilespmem:s1+$0x30]  }
0x512: {  	v11 =	vld [tilespmem:s1+$0x10]  }
0x513: {  	v9 =	vld [tilespmem:s1+$0xFFFFFFC0]  }
0x514: {  	v5 =	vld.idx.msk [tilespmem:v6+s6+$0x0], $0xffff  }
0x515: {  	v13 =	vld [tilespmem:s1+$0xFFFFFFE0]  }
0x516: {  	v4 =	vld [tilespmem:s1+$0xFFFFFFF0]  }
0x517: {  	v7 =	vld [tilespmem:s1+$0xFFFFFFD0]  }
0x518: {  	v6 =	vld [tilespmem:s1+$0x20]  }
0x519: {  	v12 =	vmul.f32 v8, v5;
	v8 =	vld [tilespmem:s1+$0x0]  }
0x51a: {  	v10 =	vmul.f32 v9, v5  }
0x51b: {  	s22 =	simm.s32 $0x1;
	s4 =	sor.u32 $0xE, s18;
	s23 =	simm.s32 $0x9140;
	v9 =	vmul.f32 v13, v5;
	v11 =	vmul.f32 v11, v5  }
.LBB2_36:
0x51c: {  	p5 =	sne.s32 s22, $0x1F  }
0x51d: {  	v7 =	vmul.f32 v7, v5;
	v6 =	vmul.f32 v6, v5;
	[tilespmem:s1+$0x30] =	vst v12;
	s23 =	sadd.s32 $0x80, s23;
	s30 =	smov.u32 s22;
	s22 =	sadd.s32 $0x1, s22  }
0x51e: {  	[tilespmem:s1+$0xFFFFFFC0] =	vst v10;
	v10 =	vmul.f32 v4, v5;
	v5 =	vmul.f32 v8, v5  }
0x51f: {  	[tilespmem:s1+$0x10] =	vst v11  }
0x520: {  	v8 =	vmov s30;
	[tilespmem:s1+$0xFFFFFFE0] =	vst v9  }
0x521: {  	v4 =	vld [tilespmem:s23+$0xFFFFFFF0];
	[tilespmem:s1+$0xFFFFFFF0] =	vst v10  }
0x522: {  	v9 =	vld [tilespmem:s23+$0x30];
	[tilespmem:s1+$0x0] =	vst v5  }
0x523: {  	v11 =	vld [tilespmem:s23+$0x10];
	[tilespmem:s1+$0x20] =	vst v6  }
0x524: {  	v10 =	vld [tilespmem:s23+$0xFFFFFFC0];
	[tilespmem:s1+$0xFFFFFFD0] =	vst v7;
	s1 =	smov.u32 s23  }
0x525: {  	v5 =	vld.idx.msk [tilespmem:v8+s6+$0x0], $0xffff  }
0x526: {  	v13 =	vld [tilespmem:s23+$0xFFFFFFE0]  }
0x527: {  	v6 =	vld [tilespmem:s23+$0x20]  }
.Ltmp17:
0x528: {  	v7 =	vld [tilespmem:s23+$0xFFFFFFD0];
	(pc) =	sbr.rel @p5 .LBB2_36-.Ltmp17, $3  }
0x529: {  	v8 =	vld [tilespmem:s23+$0x0];
	_ =	sdelay $0x1  }
0x52a: {  	v10 =	vmul.f32 v10, v5;
	v12 =	vmul.f32 v9, v5  }
0x52b: {  	v11 =	vmul.f32 v11, v5;
	v9 =	vmul.f32 v13, v5  }
0x52c: {  	[tilespmem:s1+$0x30] =	vst v12  }
0x52d: {  	[tilespmem:s1+$0xFFFFFFC0] =	vst v10  }
0x52e: {  	v4 =	vmul.f32 v4, v5;
	[tilespmem:s1+$0x10] =	vst v11  }
0x52f: {  	v6 =	vmul.f32 v6, v5;
	[tilespmem:s1+$0xFFFFFFE0] =	vst v9  }
0x530: {  	v8 =	vmul.f32 v8, v5;
	[tilespmem:s1+$0xFFFFFFF0] =	vst v4  }
0x531: {  	v4 =	vmul.f32 v7, v5;
	[tilespmem:s1+$0x20] =	vst v6  }
0x532: {  	p5 =	sgt.u32 s13, $0x13B;
	[tilespmem:s1+$0x0] =	vst v8  }
0x533: {  	s13 =	simm.s32 @p5 $0x7F80;
	s22 =	simm.s32 @p5 $0x9100;
	[tilespmem:s1+$0xFFFFFFD0] =	vst v4;
	s1 =	simm.s32 @p5 $0x20  }
0x534: {  	[spmem:s3] =	stream.indirect.scatter.add.f32 @p5 [tilespmem:s22], [sflag:$0xC], $0x80, s13, s1, $0xb8;
	[tilespmem:$0x1FC80] =	vst v63  }
0x535: {  	s1 =	simm.s32 @p5 $0xC  }
0x536: {  	_ =	swait.ge @p5 [sflag:s1], $0x1000  }
0x537: {  	s13 =	simm.s32 @!p5 $0x7F80;
	[sflag:s1] =	ssyncset.done @p5 $0x0  }
0x538: {  	s22 =	simm.s32 @!p5 $0x9100;
	[sflag:s1] =	ssyncadd.s32 @p5 $0xFFFFF000;
	s1 =	simm.s32 @!p5 $0x20  }
0x539: {  	[spmem:s3] =	stream.indirect.scatter.add.f32 @!p5 [tilespmem:s22], [sflag:$0x6], $0x80, s13, s1, $0xb8;
	[tilespmem:$0x1FC80] =	vst v63  }
0x53a: {  	_ =	swait.ge [sflag:s21], $0x1000  }
0x53b: {  	[sflag:s21] =	ssyncset.done $0x0  }
0x53c: {  	s1 =	simm.s32 @!p4 $0x9;
	[sflag:s21] =	ssyncadd.s32 $0xFFFFF000  }
0x53d: {  	_ =	swait.ge @!p4 [sflag:s1], $0x100  }
0x53e: {  	[sflag:s1] =	ssyncset.done @!p4 $0x0  }
0x53f: {  	[sflag:s1] =	ssyncadd.s32 @!p4 $0xFFFFFF00  }
0x540: {  	_ =	swait.ge @!p4 [sflag:s1], $0x400  }
0x541: {  	[sflag:s1] =	ssyncset.done @!p4 $0x0  }
0x542: {  	[sflag:s1] =	ssyncadd.s32 @!p4 $0xFFFFFC00;
	s1 =	simm.s32 @!p4 $0x5  }
0x543: {  	_ =	swait.ge @!p4 [sflag:s1], $0x1000  }
0x544: {  	s13 =	simm.s32 @!p4 $0x7700;
	[sflag:s1] =	ssyncset.done @!p4 $0x0  }
0x545: {  	s22 =	simm.s32 @!p4 $0x8100;
	[sflag:s1] =	ssyncadd.s32 @!p4 $0xFFFFF000;
	s1 =	simm.s32 @!p4 $0x20  }
0x546: {  	[tilespmem:s22], [sflag:$0x1] =	stream.indirect.gather @!p4 [hbm4b:s2+s1], $0x80, s13, s1, $0xb8;
	[tilespmem:$0x1FC80] =	vst v63  }
0x547: {  	v4 =	vld [tilespmem:$0x78C0]  }
0x548: {  	v5 =	vld [tilespmem:$0x8000];
	_ =	sdelay $0x5  }
0x549: {  	s23 =	simm.s32 $0x0  }
0x54a: {  	v4 =	vld.idx.msk [tilespmem:v4+s23+$0x0], $0xffff  }
0x54b: {  	v6 =	vld.idx.msk [tilespmem:v5+s31+$0x0], $0xffff;
	_ =	sdelay $0x4  }
0x54c: {  	v4 =	vadd.f32 v6, v4;
	_ =	sdelay $0x1  }
0x54d: {  	v6 =	vmul.f32 $9.999999770e-03, v4  }
0x54e: {  	vm0 =	vgt.f32 v4, $0.0e+00  }
0x54f: {  	v4 =	vsel vm0, v4, v6  }
0x550: {  	v4 =	vmul.f32 $1.442695020e+00, v4;
	_ =	sdelay $0x1  }
0x551: {  	(erf) = vpow2.f32 v4;
	_ =	sdelay $0x6  }
0x552: {  	s30 =	sshll.u32 s4, $0x5  }
0x553: {  	v4 =	vor.u32 s30, v0  }
0x554: {  	vm13 =	vlt.u32 v4, v1;
	v6 =	vpop (erf)  }
0x555: {  	v4 =	vnsel vm13, $0x0, v6  }
0x556: {  	[tilespmem:v0+s6+$0x0] =	vst.idx.msk $0xffff, v4  }
0x557: {  	[tilespmem:v5+s7+$0x0] =	vst.idx.add.f32.msk $0xffff, v4  }
0x558: {  	v4 =	vld [tilespmem:$0x78D0]  }
0x559: {  	v5 =	vld [tilespmem:$0x8010];
	_ =	sdelay $0x6  }
0x55a: {  	v4 =	vld.idx.msk [tilespmem:v4+s23+$0x0], $0xffff  }
0x55b: {  	v6 =	vld.idx.msk [tilespmem:v5+s31+$0x0], $0xffff;
	_ =	sdelay $0x4  }
0x55c: {  	v4 =	vadd.f32 v6, v4;
	_ =	sdelay $0x1  }
0x55d: {  	v6 =	vmul.f32 $9.999999770e-03, v4  }
0x55e: {  	vm14 =	vgt.f32 v4, $0.0e+00  }
0x55f: {  	v4 =	vsel vm14, v4, v6  }
0x560: {  	v4 =	vmul.f32 $1.442695020e+00, v4;
	_ =	sdelay $0x1  }
0x561: {  	(erf) = vpow2.f32 v4;
	_ =	sdelay $0x6  }
0x562: {  	s13 =	sor.u32 $0x10, s30  }
0x563: {  	v4 =	vor.u32 s13, v0  }
0x564: {  	vm15 =	vlt.u32 v4, v1;
	v6 =	vpop (erf)  }
0x565: {  	v4 =	vnsel vm15, $0x0, v6  }
0x566: {  	v6 =	vmov s23;
	[tilespmem:v3+s6+$0x0] =	vst.idx.msk $0xffff, v4  }
0x567: {  	s1 =	simm.s32 $0xA140;
	[tilespmem:v5+s7+$0x0] =	vst.idx.add.f32.msk $0xffff, v4  }
0x568: {  	v8 =	vld [tilespmem:s1+$0x30]  }
0x569: {  	v11 =	vld [tilespmem:s1+$0x10]  }
0x56a: {  	v9 =	vld [tilespmem:s1+$0xFFFFFFC0]  }
0x56b: {  	v5 =	vld.idx.msk [tilespmem:v6+s6+$0x0], $0xffff  }
0x56c: {  	v13 =	vld [tilespmem:s1+$0xFFFFFFE0]  }
0x56d: {  	v4 =	vld [tilespmem:s1+$0xFFFFFFF0]  }
0x56e: {  	v7 =	vld [tilespmem:s1+$0xFFFFFFD0]  }
0x56f: {  	v6 =	vld [tilespmem:s1+$0x20]  }
0x570: {  	v12 =	vmul.f32 v8, v5;
	v8 =	vld [tilespmem:s1+$0x0]  }
0x571: {  	v10 =	vmul.f32 v9, v5  }
0x572: {  	s22 =	simm.s32 $0xA140;
	s13 =	sor.u32 $0xF, s18;
	s18 =	simm.s32 $0x1;
	v9 =	vmul.f32 v13, v5;
	v11 =	vmul.f32 v11, v5  }
.LBB2_38:
0x573: {  	p5 =	sne.s32 s18, $0x1F  }
0x574: {  	v7 =	vmul.f32 v7, v5;
	v6 =	vmul.f32 v6, v5;
	[tilespmem:s1+$0x30] =	vst v12;
	s22 =	sadd.s32 $0x80, s22;
	s23 =	smov.u32 s18;
	s18 =	sadd.s32 $0x1, s18  }
0x575: {  	[tilespmem:s1+$0xFFFFFFC0] =	vst v10;
	v10 =	vmul.f32 v4, v5;
	v5 =	vmul.f32 v8, v5  }
0x576: {  	[tilespmem:s1+$0x10] =	vst v11  }
0x577: {  	v8 =	vmov s23;
	[tilespmem:s1+$0xFFFFFFE0] =	vst v9  }
0x578: {  	v4 =	vld [tilespmem:s22+$0xFFFFFFF0];
	[tilespmem:s1+$0xFFFFFFF0] =	vst v10  }
0x579: {  	v9 =	vld [tilespmem:s22+$0x30];
	[tilespmem:s1+$0x0] =	vst v5  }
0x57a: {  	v11 =	vld [tilespmem:s22+$0x10];
	[tilespmem:s1+$0x20] =	vst v6  }
0x57b: {  	v10 =	vld [tilespmem:s22+$0xFFFFFFC0];
	[tilespmem:s1+$0xFFFFFFD0] =	vst v7;
	s1 =	smov.u32 s22  }
0x57c: {  	v5 =	vld.idx.msk [tilespmem:v8+s6+$0x0], $0xffff  }
0x57d: {  	v13 =	vld [tilespmem:s22+$0xFFFFFFE0]  }
0x57e: {  	v6 =	vld [tilespmem:s22+$0x20]  }
.Ltmp18:
0x57f: {  	v7 =	vld [tilespmem:s22+$0xFFFFFFD0];
	(pc) =	sbr.rel @p5 .LBB2_38-.Ltmp18, $3  }
0x580: {  	v8 =	vld [tilespmem:s22+$0x0];
	_ =	sdelay $0x1  }
0x581: {  	v10 =	vmul.f32 v10, v5;
	v12 =	vmul.f32 v9, v5  }
0x582: {  	v11 =	vmul.f32 v11, v5;
	v9 =	vmul.f32 v13, v5  }
0x583: {  	[tilespmem:s1+$0x30] =	vst v12  }
0x584: {  	[tilespmem:s1+$0xFFFFFFC0] =	vst v10  }
0x585: {  	v4 =	vmul.f32 v4, v5;
	[tilespmem:s1+$0x10] =	vst v11  }
0x586: {  	v6 =	vmul.f32 v6, v5;
	[tilespmem:s1+$0xFFFFFFE0] =	vst v9  }
0x587: {  	v8 =	vmul.f32 v8, v5;
	[tilespmem:s1+$0xFFFFFFF0] =	vst v4  }
0x588: {  	v4 =	vmul.f32 v7, v5;
	[tilespmem:s1+$0x20] =	vst v6  }
0x589: {  	p5 =	sgt.u32 s4, $0x13B;
	[tilespmem:s1+$0x0] =	vst v8  }
0x58a: {  	s4 =	simm.s32 @p5 $0x8000;
	s18 =	simm.s32 @p5 $0xA100;
	[tilespmem:s1+$0xFFFFFFD0] =	vst v4;
	s1 =	simm.s32 @p5 $0x20  }
0x58b: {  	[spmem:s3] =	stream.indirect.scatter.add.f32 @p5 [tilespmem:s18], [sflag:$0xC], $0x80, s4, s1, $0xb8;
	[tilespmem:$0x1FC80] =	vst v63  }
0x58c: {  	s1 =	simm.s32 @p5 $0xC  }
0x58d: {  	_ =	swait.ge @p5 [sflag:s1], $0x1000  }
0x58e: {  	s4 =	simm.s32 @!p5 $0x8000;
	[sflag:s1] =	ssyncset.done @p5 $0x0  }
0x58f: {  	s18 =	simm.s32 @!p5 $0xA100;
	[sflag:s1] =	ssyncadd.s32 @p5 $0xFFFFF000;
	s1 =	simm.s32 @!p5 $0x20  }
0x590: {  	[spmem:s3] =	stream.indirect.scatter.add.f32 @!p5 [tilespmem:s18], [sflag:$0x7], $0x80, s4, s1, $0xb8;
	[tilespmem:$0x1FC80] =	vst v63  }
0x591: {  	_ =	swait.ge [sflag:s28], $0x1000  }
0x592: {  	[sflag:s28] =	ssyncset.done $0x0  }
0x593: {  	s1 =	simm.s32 @!p4 $0x6;
	[sflag:s28] =	ssyncadd.s32 $0xFFFFF000  }
0x594: {  	_ =	swait.ge @!p4 [sflag:s1], $0x1000  }
0x595: {  	s4 =	simm.s32 @!p4 $0x7720;
	[sflag:s1] =	ssyncset.done @!p4 $0x0  }
0x596: {  	s18 =	simm.s32 @!p4 $0x9100;
	[sflag:s1] =	ssyncadd.s32 @!p4 $0xFFFFF000;
	s1 =	simm.s32 @!p4 $0x20  }
0x597: {  	[tilespmem:s18], [sflag:$0x2] =	stream.indirect.gather @!p4 [hbm4b:s2+s1], $0x80, s4, s1, $0xb8;
	[tilespmem:$0x1FC80] =	vst v63  }
0x598: {  	v4 =	vld [tilespmem:$0x78E0]  }
0x599: {  	v5 =	vld [tilespmem:$0x8080];
	_ =	sdelay $0x5  }
0x59a: {  	s23 =	simm.s32 $0x0  }
0x59b: {  	v4 =	vld.idx.msk [tilespmem:v4+s23+$0x0], $0xffff  }
0x59c: {  	v6 =	vld.idx.msk [tilespmem:v5+s31+$0x0], $0xffff;
	_ =	sdelay $0x4  }
0x59d: {  	v4 =	vadd.f32 v6, v4;
	_ =	sdelay $0x1  }
0x59e: {  	v6 =	vmul.f32 $9.999999770e-03, v4  }
0x59f: {  	vm0 =	vgt.f32 v4, $0.0e+00  }
0x5a0: {  	v4 =	vsel vm0, v4, v6  }
0x5a1: {  	v4 =	vmul.f32 $1.442695020e+00, v4;
	_ =	sdelay $0x1  }
0x5a2: {  	(erf) = vpow2.f32 v4;
	_ =	sdelay $0x6  }
0x5a3: {  	s30 =	sshll.u32 s13, $0x5  }
0x5a4: {  	v4 =	vor.u32 s30, v0  }
0x5a5: {  	vm13 =	vlt.u32 v4, v1;
	v6 =	vpop (erf)  }
0x5a6: {  	v4 =	vnsel vm13, $0x0, v6  }
0x5a7: {  	[tilespmem:v0+s6+$0x0] =	vst.idx.msk $0xffff, v4  }
0x5a8: {  	[tilespmem:v5+s7+$0x0] =	vst.idx.add.f32.msk $0xffff, v4  }
0x5a9: {  	v4 =	vld [tilespmem:$0x78F0]  }
0x5aa: {  	v5 =	vld [tilespmem:$0x8090];
	_ =	sdelay $0x6  }
0x5ab: {  	v4 =	vld.idx.msk [tilespmem:v4+s23+$0x0], $0xffff  }
0x5ac: {  	v6 =	vld.idx.msk [tilespmem:v5+s31+$0x0], $0xffff;
	_ =	sdelay $0x4  }
0x5ad: {  	v4 =	vadd.f32 v6, v4;
	_ =	sdelay $0x1  }
0x5ae: {  	v6 =	vmul.f32 $9.999999770e-03, v4  }
0x5af: {  	vm14 =	vgt.f32 v4, $0.0e+00  }
0x5b0: {  	v4 =	vsel vm14, v4, v6  }
0x5b1: {  	v4 =	vmul.f32 $1.442695020e+00, v4;
	_ =	sdelay $0x1  }
0x5b2: {  	(erf) = vpow2.f32 v4;
	_ =	sdelay $0x6  }
0x5b3: {  	s4 =	sor.u32 $0x10, s30  }
0x5b4: {  	v4 =	vor.u32 s4, v0  }
0x5b5: {  	vm15 =	vlt.u32 v4, v1;
	v6 =	vpop (erf)  }
0x5b6: {  	v4 =	vnsel vm15, $0x0, v6  }
0x5b7: {  	v6 =	vmov s23;
	[tilespmem:v3+s6+$0x0] =	vst.idx.msk $0xffff, v4  }
0x5b8: {  	s1 =	simm.s32 $0xB140;
	[tilespmem:v5+s7+$0x0] =	vst.idx.add.f32.msk $0xffff, v4  }
0x5b9: {  	v8 =	vld [tilespmem:s1+$0x30]  }
0x5ba: {  	v11 =	vld [tilespmem:s1+$0x10]  }
0x5bb: {  	v9 =	vld [tilespmem:s1+$0xFFFFFFC0]  }
0x5bc: {  	v5 =	vld.idx.msk [tilespmem:v6+s6+$0x0], $0xffff  }
0x5bd: {  	v13 =	vld [tilespmem:s1+$0xFFFFFFE0]  }
0x5be: {  	v4 =	vld [tilespmem:s1+$0xFFFFFFF0]  }
0x5bf: {  	v7 =	vld [tilespmem:s1+$0xFFFFFFD0]  }
0x5c0: {  	v6 =	vld [tilespmem:s1+$0x20]  }
0x5c1: {  	v12 =	vmul.f32 v8, v5;
	v8 =	vld [tilespmem:s1+$0x0]  }
0x5c2: {  	v10 =	vmul.f32 v9, v5  }
0x5c3: {  	s18 =	simm.s32 $0xB140;
	s4 =	simm.s32 $0x1;
	v9 =	vmul.f32 v13, v5;
	v11 =	vmul.f32 v11, v5  }
.LBB2_40:
0x5c4: {  	p4 =	sne.s32 s4, $0x1F  }
0x5c5: {  	v7 =	vmul.f32 v7, v5;
	v6 =	vmul.f32 v6, v5;
	[tilespmem:s1+$0x30] =	vst v12;
	s18 =	sadd.s32 $0x80, s18;
	s22 =	smov.u32 s4;
	s4 =	sadd.s32 $0x1, s4  }
0x5c6: {  	[tilespmem:s1+$0xFFFFFFC0] =	vst v10;
	v10 =	vmul.f32 v4, v5;
	v5 =	vmul.f32 v8, v5  }
0x5c7: {  	[tilespmem:s1+$0x10] =	vst v11  }
0x5c8: {  	v8 =	vmov s22;
	[tilespmem:s1+$0xFFFFFFE0] =	vst v9  }
0x5c9: {  	v4 =	vld [tilespmem:s18+$0xFFFFFFF0];
	[tilespmem:s1+$0xFFFFFFF0] =	vst v10  }
0x5ca: {  	v9 =	vld [tilespmem:s18+$0x30];
	[tilespmem:s1+$0x0] =	vst v5  }
0x5cb: {  	v11 =	vld [tilespmem:s18+$0x10];
	[tilespmem:s1+$0x20] =	vst v6  }
0x5cc: {  	v10 =	vld [tilespmem:s18+$0xFFFFFFC0];
	[tilespmem:s1+$0xFFFFFFD0] =	vst v7;
	s1 =	smov.u32 s18  }
0x5cd: {  	v5 =	vld.idx.msk [tilespmem:v8+s6+$0x0], $0xffff  }
0x5ce: {  	v13 =	vld [tilespmem:s18+$0xFFFFFFE0]  }
0x5cf: {  	v6 =	vld [tilespmem:s18+$0x20]  }
.Ltmp19:
0x5d0: {  	v7 =	vld [tilespmem:s18+$0xFFFFFFD0];
	(pc) =	sbr.rel @p4 .LBB2_40-.Ltmp19, $3  }
0x5d1: {  	v8 =	vld [tilespmem:s18+$0x0];
	_ =	sdelay $0x1  }
0x5d2: {  	v10 =	vmul.f32 v10, v5;
	v12 =	vmul.f32 v9, v5  }
0x5d3: {  	v11 =	vmul.f32 v11, v5;
	v9 =	vmul.f32 v13, v5  }
0x5d4: {  	[tilespmem:s1+$0x30] =	vst v12  }
0x5d5: {  	[tilespmem:s1+$0xFFFFFFC0] =	vst v10  }
0x5d6: {  	v4 =	vmul.f32 v4, v5;
	[tilespmem:s1+$0x10] =	vst v11  }
0x5d7: {  	v6 =	vmul.f32 v6, v5;
	[tilespmem:s1+$0xFFFFFFE0] =	vst v9  }
0x5d8: {  	v8 =	vmul.f32 v8, v5;
	[tilespmem:s1+$0xFFFFFFF0] =	vst v4  }
0x5d9: {  	v4 =	vmul.f32 v7, v5;
	[tilespmem:s1+$0x20] =	vst v6  }
0x5da: {  	p4 =	sgt.u32 s13, $0x13B;
	[tilespmem:s1+$0x0] =	vst v8  }
0x5db: {  	s4 =	simm.s32 @p4 $0x8080;
	s13 =	simm.s32 @p4 $0xB100;
	[tilespmem:s1+$0xFFFFFFD0] =	vst v4;
	s1 =	simm.s32 @p4 $0x20  }
0x5dc: {  	[spmem:s3] =	stream.indirect.scatter.add.f32 @p4 [tilespmem:s13], [sflag:$0xB], $0x80, s4, s1, $0xb8;
	[tilespmem:$0x1FC80] =	vst v63  }
0x5dd: {  	s1 =	simm.s32 @p4 $0xB  }
0x5de: {  	_ =	swait.ge @p4 [sflag:s1], $0x1000  }
0x5df: {  	s12 =	sadd.s32 $0x1, s12;
	s4 =	simm.s32 @!p4 $0x8080;
	[sflag:s1] =	ssyncset.done @p4 $0x0  }
0x5e0: {  	s13 =	simm.s32 @!p4 $0xB100;
	[sflag:s1] =	ssyncadd.s32 @p4 $0xFFFFF000;
	s1 =	simm.s32 @!p4 $0x20  }
0x5e1: {  	[spmem:s3] =	stream.indirect.scatter.add.f32 @!p4 [tilespmem:s13], [sflag:$0x8], $0x80, s4, s1, $0xb8;
	[tilespmem:$0x1FC80] =	vst v63  }
0x5e2: {  	p4 =	sne.s32 s12, $0x14  }
.Ltmp20:
0x5e3: {  	_ = 	snop;
	(pc) =	sbr.rel @p4 .LBB2_9-.Ltmp20, $1  }
0x5e4: {  	_ =	sdelay $0x3  }
0x5e5: {  	_ =	sdelay $0x1  }
0x5e6: {  	[bflag:$0x0] =	sbarrier.arrive $0xFFFF  }
0x5e7: {  	vm0 =	vmmov $0xffff;
	s17 =	simm.s32 $0xB;
	s1 =	rddreg [dreg:$0x4]  }
0x5e8: {  	[spmem:s1] =	stream.indirect_vreg.scatter.add.f32 [tilespmem:s7], [sflag:$0xB], $0x80, v0, vm0, $0xb8;
	[tilespmem:$0x1FC80] =	vst v63  }
0x5e9: {  	_ =	swait.ge [sflag:s17], $0x800  }
0x5ea: {  	[sflag:s17] =	ssyncset.done $0x0  }
0x5eb: {  	v4 =	vor.u32 $0x20, v0;
	s4 =	simm.s32 $0x5700;
	[sflag:s17] =	ssyncadd.s32 $0xFFFFF800  }
0x5ec: {  	[spmem:s1] =	stream.indirect_vreg.scatter.add.f32 [tilespmem:s4], [sflag:$0xB], $0x80, v3, vm0, $0xb8;
	[tilespmem:$0x1FC80] =	vst v63  }
0x5ed: {  	_ =	swait.ge [sflag:s17], $0x800  }
0x5ee: {  	[sflag:s17] =	ssyncset.done $0x0  }
0x5ef: {  	v5 =	vor.u32 $0x30, v0;
	s13 =	simm.s32 $0x5F00;
	[sflag:s17] =	ssyncadd.s32 $0xFFFFF800  }
0x5f0: {  	[spmem:s1] =	stream.indirect_vreg.scatter.add.f32 [tilespmem:s13], [sflag:$0xB], $0x80, v4, vm0, $0xb8;
	[tilespmem:$0x1FC80] =	vst v63  }
0x5f1: {  	_ =	swait.ge [sflag:s17], $0x800  }
0x5f2: {  	[sflag:s17] =	ssyncset.done $0x0  }
0x5f3: {  	s18 =	simm.s32 $0x6700;
	v4 =	vor.u32 $0x40, v0;
	[sflag:s17] =	ssyncadd.s32 $0xFFFFF800  }
0x5f4: {  	[spmem:s1] =	stream.indirect_vreg.scatter.add.f32 [tilespmem:s18], [sflag:$0xB], $0x80, v5, vm0, $0xb8;
	[tilespmem:$0x1FC80] =	vst v63  }
0x5f5: {  	_ =	swait.ge [sflag:s17], $0x800  }
0x5f6: {  	[sflag:s17] =	ssyncset.done $0x0  }
0x5f7: {  	s22 =	simm.s32 $0x6F00;
	[sflag:s17] =	ssyncadd.s32 $0xFFFFF800  }
0x5f8: {  	[spmem:s1] =	stream.indirect_vreg.scatter.add.f32 [tilespmem:s22], [sflag:$0xB], $0x80, v4, vm0, $0xb8;
	[tilespmem:$0x1FC80] =	vst v63  }
0x5f9: {  	_ =	swait.ge [sflag:s17], $0x800  }
0x5fa: {  	[sflag:s17] =	ssyncset.done $0x0  }
0x5fb: {  	[sflag:s17] =	ssyncadd.s32 $0xFFFFF800  }
0x5fc: {  	s13 =	stileid.u32;
	[bflag:$0x0] =	sbarrier.arrive $0xFFFF  }
0x5fd: {  	s1 =	sshll.u32 @p3 s13, $0x6;
	s4 =	rddreg [dreg:$0xf]  }
0x5fe: {  	s1 =	sor.u32 @p3 $0x1C0B, s1;
	s12 =	rddreg [dreg:$0x12];
	s4 =	sshrl.u32 @p3 s4, $0x3  }
0x5ff: {  	[hbm:s12], [sflag:s1] =	dma.local @p3 [spmem:s4], $0x80  }
0x600: {  	s1 =	simm.s32 @p3 $0xB  }
0x601: {  	_ =	swait.ge @p3 [sflag:s1], $0x80  }
0x602: {  	[sflag:s1] =	ssyncset.done @p3 $0x0  }
0x603: {  	[sflag:s1] =	ssyncadd.s32 @p3 $0xFFFFFF80;
	s1 =	sld [smem:$0x7F1];
	_ =	sdelay $0x2  }
0x604: {  	s4 =	simm.s32 @p1 $0x1FCB;
	s12 =	rddreg [dreg:$0x13];
	s1 =	sshrl.u32 @p1 s1, $0x3  }
0x605: {  	[hbm:s12], [sflag:s4] =	dma.local @p1 [spmem:s1], $0x1900  }
0x606: {  	s1 =	simm.s32 @p1 $0xB  }
0x607: {  	_ =	swait.ge @p1 [sflag:s1], $0x1900  }
0x608: {  	s4 =	sshll.u32 @!p1 s13, $0x6;
	[sflag:s1] =	ssyncset.done @p1 $0x0  }
0x609: {  	[sflag:s1] =	ssyncadd.s32 @p1 $0xFFFFE700;
	s1 =	sor.u32 @!p1 $0x1C0B, s4;
	s4 =	rddreg [dreg:$0x8]  }
0x60a: {  	s13 =	rddreg [dreg:$0xe];
	s4 =	sshrl.u32 @!p1 s4, $0x3  }
0x60b: {  	[hbm:s13], [sflag:s1] =	dma.local @!p1 [spmem:s4], $0x2800  }
0x60c: {  	s1 =	simm.s32 @!p1 $0xB  }
0x60d: {  	_ =	swait.ge @!p1 [sflag:s1], $0x2800  }
0x60e: {  	s23 =	sld [smem:$0x7ED];
	_ =	sdelay $0x2  }
0x60f: {  	s30 =	rddreg [dreg:$0x14];
	s13 =	sadd.s32 $0x1, s23  }
0x610: {  	p3 =	sne.s32 s13, s30  }
.Ltmp21:
0x611: {  	_ = 	snop;
	(pc) =	sbr.rel @p3 .LBB2_1-.Ltmp21, $3  }
0x612: {  	_ =	sdelay $0x1  }
0x613: {  	[sflag:s1] =	ssyncset.done @!p1 $0x0  }
0x614: {  	s12 =	stileid.u32;
	[sflag:s1] =	ssyncadd.s32 @!p1 $0xFFFFD800  }
0x615: {  	_ =	sfence.sel $0x180000  }
0x616: {  	[bflag:$0x0] =	sbarrier.arrive $0xFFFF  }
0x617: {  	_ =	strace $0x90000047  }
0x618: {  	[bflag:$0x2] =	sbarrier.arrive $0xFFFF  }
0x619: {  	p0 =	sne.s32 s12, $0x0;
	s0 =	rddreg [dreg:$0x5]  }
0x61a: {  	s0 =	sadd.s32 @!p0 $0x100000, s0  }
0x61b: {  	[sflag:s0] =	ssyncadd.tile.s32 @!p0 $0x1;
	_ =	shalt  }
.Lfunc_end2:
_tile_overlayer_lowered:
.L_overlay_start_2:
0x61c: {  	(tag) =	ssettag $0x2  }
0x61d: {  	s0 =	rddreg [dreg:$0x0];
	s2 =	stileid.u32  }
0x61e: {  	s1 =	rddreg [dreg:$0x1];
	p0 =	sne.s32 s2, $0x0  }
0x61f: {  	s3 =	rddreg [dreg:$0x2];
	[bflag:$0x3] =	sbarrier.arrive $0xFFFF;
	s2 =	simm.s32 @!p0 $0x1C0B  }
0x620: {  	[timem:s3], [sflag:s2] =	dma.local @!p0 [hbm:s0], s1  }
0x621: {  	s0 =	simm.s32 @!p0 $0xB  }
0x622: {  	_ =	swait.ge @!p0 [sflag:s0], s1  }
0x623: {  	s1 =	ssub.s32 @!p0 $0x0, s1;
	[sflag:s0] =	ssyncset.done @!p0 $0x0  }
0x624: {  	[sflag:s0] =	ssyncadd.s32 @!p0 s1  }
0x625: {  	[bflag:$0x3] =	sbarrier.arrive $0xFFFF  }
0x626: {  	_ =	shalt  }

</sc_bundles>
